<compile_context>
chip_gen: v7x
topology: tpu7x:2x2x1
jax: 0.10.2.dev20260603
libtpu: 0.0.44.dev20260713+nightly
codegen_flags: <defaults>
</compile_context>

<pallas_src>
import functools

import jax
import jax.numpy as jnp
from jax import lax
from jax.experimental import pallas as pl
from jax.experimental.pallas import tpu as pltpu
from jax.experimental.pallas import tpu_sc as plsc

MAX_DEGREE = 512
HIDDEN_DIM = 128
N_NODES = 100000
N_EDGES = 1600000

NC = 2
NS = 16
NW = NC * NS
L = 16

EROWS = N_EDGES // 128
BR = 32
BW = BR * 128
NBLK = EROWS // BR
REM_ROWS = EROWS - NBLK * BR
NBLK_MAX = -(-NBLK // NW) + 1
HIST_PAD = 100352
HSLICE = HIST_PAD // NS
C = 64
D = 6
NPT = HIST_PAD // NW
CPT = NPT // C
TAIL_BASE = (N_NODES // C) * C
TAIL_N = N_NODES - TAIL_BASE
TAIL_LOCAL = (TAIL_BASE - (NW - 1) * NPT) // C
TAIL_PARITY = TAIL_LOCAL % D
NV = CPT + D - 1
NSPLIT = 2
HS = C // NSPLIT

TAB_ROWS = MAX_DEGREE + 1
OUT_TAB = 520
SH_TAB_ROWS = OUT_TAB + TAB_ROWS

_mesh = functools.partial(
    plsc.VectorSubcoreMesh,
    core_axis_name="c", subcore_axis_name="s",
    num_cores=NC, num_subcores=NS,
)


def _hist_body(edges_hbm, hist_hbm, zbuf, eb0, eb1, ones_v, rbuf,
               sh_src, sh_tgt, dsem, ssem):
    cid = lax.axis_index("c")
    sid = lax.axis_index("s")
    wid = sid * NC + cid

    @pl.loop(0, HSLICE // L)
    def _(i):
        zbuf[pl.ds(i * L, L)] = jnp.zeros((L,), jnp.int32)

    for j in range(512 // L):
        ones_v[pl.ds(j * L, L)] = jnp.ones((L,), jnp.int32)

    pltpu.sync_copy(zbuf, sh_src.at[pl.ds(sid * HSLICE, HSLICE)])
    pltpu.sync_copy(zbuf, sh_tgt.at[pl.ds(sid * HSLICE, HSLICE)])
    plsc.subcore_barrier()

    nfull = NBLK // NW
    n = jnp.where(wid < NBLK - nfull * NW, nfull + 1, nfull)
    ebufs = (eb0, eb1)

    for kind, sh in ((0, sh_src), (1, sh_tgt)):
        @pl.when(n > 0)
        def _():
            off0 = pl.multiple_of(wid * BW, BW)
            pltpu.async_copy(edges_hbm.at[kind, pl.ds(off0, BW)],
                             ebufs[0], dsem)

        @pl.loop(0, NBLK_MAX, step=2)
        def _(i):
            for p in range(2):
                iv = i + p

                @pl.when(iv < n)
                def _():
                    ebuf = ebufs[p]
                    pltpu.make_async_copy(
                        edges_hbm.at[kind, pl.ds(0, BW)], ebuf, dsem).wait()

                    @pl.when(iv + 1 < n)
                    def _():
                        off = pl.multiple_of((wid + (iv + 1) * NW) * BW, BW)
                        pltpu.async_copy(
                            edges_hbm.at[kind, pl.ds(off, BW)],
                            ebufs[1 - p], dsem)

                    for j in range(BW // 512):
                        pltpu.async_copy(
                            ones_v, sh.at[ebuf.at[pl.ds(j * 512, 512)]],
                            ssem, add=True)
                    for j in range(BW // 512):
                        pltpu.make_async_copy(
                            ones_v, sh.at[ebuf.at[pl.ds(0, 512)]],
                            ssem).wait()

        @pl.when(wid < REM_ROWS)
        def _():
            roff = pl.multiple_of((NBLK * BR + wid) * 128, 128)
            pltpu.sync_copy(edges_hbm.at[kind, pl.ds(roff, 128)], rbuf)
            pltpu.sync_copy(ones_v.at[pl.ds(0, 128)], sh.at[rbuf], add=True)

    plsc.subcore_barrier()

    for kind, sh in ((0, sh_src), (1, sh_tgt)):
        src_sl = pl.ds(sid * HSLICE, HSLICE)
        doff = pl.multiple_of((2 * cid + kind) * HIST_PAD + sid * HSLICE,
                              HSLICE)
        pltpu.sync_copy(sh.at[src_sl], hist_hbm.at[pl.ds(doff, HSLICE)])


_hist_call = pl.kernel(
    _hist_body,
    out_type=jax.ShapeDtypeStruct((2 * NC * HIST_PAD,), jnp.int32),
    mesh=_mesh(),
    scratch_types=[
        pltpu.VMEM((HSLICE,), jnp.int32),
        pltpu.VMEM((BW,), jnp.int32),
        pltpu.VMEM((BW,), jnp.int32),
        pltpu.VMEM((512,), jnp.int32),
        pltpu.VMEM((128,), jnp.int32),
        pltpu.VMEM_SHARED((HIST_PAD,), jnp.int32),
        pltpu.VMEM_SHARED((HIST_PAD,), jnp.int32),
        pltpu.SemaphoreType.DMA,
        pltpu.SemaphoreType.DMA,
    ],
)


def _lookup_body(in_emb, out_emb, hist_hbm, off_hbm, out_hbm,
                 hstage, idx_all, rows, offv, sh_tab,
                 hsem, gsem, osem):
    cid = lax.axis_index("c")
    sid = lax.axis_index("s")
    wid = sid * NC + cid

    pltpu.sync_copy(off_hbm, offv)
    off_vec = offv[...]

    nbase = pl.multiple_of(wid * NPT, NPT)
    for j in range(4):
        pltpu.async_copy(hist_hbm.at[pl.ds(j * HIST_PAD + nbase, NPT)],
                         hstage.at[pl.ds(j * NPT, NPT)], hsem)

    for base, tab in ((0, in_emb), (OUT_TAB, out_emb)):
        @pl.when(sid < 12)
        def _():
            r0 = pl.multiple_of(sid * 40, 8)
            pltpu.sync_copy(tab.at[pl.ds(r0, 40)],
                            sh_tab.at[pl.ds(base + r0, 40)])

        @pl.when(sid == 12)
        def _():
            pltpu.sync_copy(tab.at[pl.ds(480, TAB_ROWS - 480)],
                            sh_tab.at[pl.ds(base + 480, TAB_ROWS - 480)])

    for j in range(4):
        pltpu.make_async_copy(hist_hbm.at[pl.ds(0, NPT)],
                              hstage.at[pl.ds(0, NPT)], hsem).wait()

    @pl.loop(0, CPT)
    def _(i):
        for j in range(C // L):
            pos = i * C + j * L
            v = hstage[pl.ds(1 * NPT + pos, L)] + \
                hstage[pl.ds(3 * NPT + pos, L)] + off_vec
            idx_all[pl.ds(i * 2 * C + j * L, L)] = (
                jnp.minimum(jnp.maximum(v, 0), MAX_DEGREE))
            w = hstage[pl.ds(0 * NPT + pos, L)] + \
                hstage[pl.ds(2 * NPT + pos, L)] + off_vec
            idx_all[pl.ds(i * 2 * C + C + j * L, L)] = (
                jnp.minimum(jnp.maximum(w, 0), MAX_DEGREE) + OUT_TAB)

    plsc.subcore_barrier()

    @pl.loop(0, NV, step=D)
    def _(i):
        for p in range(D):
            iv = i + p

            @pl.when(iv < CPT)
            def _():
                @pl.when(iv >= D)
                def _():
                    for _h in range(NSPLIT):
                        pltpu.make_async_copy(
                            rows[p].at[pl.ds(0, HS)],
                            out_hbm.at[pl.ds(0, HS)], osem[p]).wait()

                ioff = pl.multiple_of(iv * 2 * C, 2 * C)
                pltpu.async_copy(
                    sh_tab.at[idx_all.at[pl.ds(ioff, 2 * C)]],
                    rows[p], gsem[p])

            ivm = iv - (D - 1)
            q = (p + 1) % D

            @pl.when((ivm >= 0) & (ivm < CPT))
            def _():
                base = wid * NPT + ivm * C
                pltpu.make_async_copy(
                    sh_tab.at[idx_all.at[pl.ds(0, 2 * C)]],
                    rows[q], gsem[q]).wait()

                for h in range(NSPLIT):
                    @pl.loop(h * HS, (h + 1) * HS)
                    def _(r):
                        for j in range(HIDDEN_DIM // L):
                            sl = pl.ds(j * L, L)
                            rows[q][r, sl] = (rows[q][r, sl]
                                              + rows[q][C + r, sl])

                    @pl.when(base + (h + 1) * HS <= N_NODES)
                    def _():
                        ob = pl.multiple_of(base + h * HS, HS)
                        pltpu.async_copy(rows[q].at[pl.ds(h * HS, HS)],
                                         out_hbm.at[pl.ds(ob, HS)], osem[q])

    for p in range(D):
        nst_last = TAIL_N // HS if p == TAIL_PARITY else 0

        @pl.when(wid == NW - 1)
        def _():
            for _h in range(nst_last):
                pltpu.make_async_copy(
                    rows[p].at[pl.ds(0, HS)],
                    out_hbm.at[pl.ds(0, HS)], osem[p]).wait()

        @pl.when(wid != NW - 1)
        def _():
            for _h in range(NSPLIT):
                pltpu.make_async_copy(
                    rows[p].at[pl.ds(0, HS)],
                    out_hbm.at[pl.ds(0, HS)], osem[p]).wait()


_lookup_call = pl.kernel(
    _lookup_body,
    out_type=jax.ShapeDtypeStruct((N_NODES, HIDDEN_DIM), jnp.float32),
    mesh=_mesh(),
    scratch_types=[
        pltpu.VMEM((4 * NPT,), jnp.int32),
        pltpu.VMEM((2 * NPT,), jnp.int32),
        [pltpu.VMEM((2 * C, HIDDEN_DIM), jnp.float32) for _ in range(D)],
        pltpu.VMEM((L,), jnp.int32),
        pltpu.VMEM_SHARED((SH_TAB_ROWS + 7, HIDDEN_DIM), jnp.float32),
        pltpu.SemaphoreType.DMA,
        [pltpu.SemaphoreType.DMA for _ in range(D)],
        [pltpu.SemaphoreType.DMA for _ in range(D)],
    ],
)


def kernel(edge_index, n_nodes, in_embed, out_embed):
    off = (jnp.asarray(n_nodes) - N_NODES).astype(jnp.int32)
    off_v = jnp.full((L,), off, jnp.int32)
    hist = _hist_call(edge_index)
    return _lookup_call(in_embed, out_embed, hist, off_v)

# --- scband reference (transcript-rebuilt; emitter-appended) ---
"""Pipeline reference for scband-centrality-encoding-48455821033928 (READ-ONLY COPY).

The authoritative reference and input builder live on the scoring server;
editing this copy changes nothing except your own understanding.
"""

import jax, jax.numpy as jnp
import numpy as np

MAX_DEGREE = 512
HIDDEN_DIM = 128
N_NODES = 100000
N_EDGES = 1600000


def setup_inputs(seed: int = 0) -> dict:
    key = jax.random.key(seed)
    k1, k2, k3 = jax.random.split(key, 3)
    edge_index = jax.random.randint(k1, (2, N_EDGES), 0, N_NODES, dtype=jnp.int32)
    in_embed = jax.random.normal(k2, (MAX_DEGREE + 1, HIDDEN_DIM), dtype=jnp.float32)
    out_embed = jax.random.normal(k3, (MAX_DEGREE + 1, HIDDEN_DIM), dtype=jnp.float32)
    return {
        "edge_index": edge_index,
        "n_nodes": N_NODES,
        "in_embed": in_embed,
        "out_embed": out_embed,
    }


def reference(edge_index, n_nodes, in_embed, out_embed):
    src = edge_index[0]
    tgt = edge_index[1]
    # degree(tgt, num_nodes=n_nodes) == scatter-add of ones == bincount
    zero_offset = (jnp.asarray(n_nodes) - N_NODES).astype(jnp.int32)
    in_deg = jnp.bincount(tgt, length=N_NODES) + zero_offset
    out_deg = jnp.bincount(src, length=N_NODES) + zero_offset
    in_deg = jnp.clip(in_deg, 0, MAX_DEGREE).astype(jnp.int32)
    out_deg = jnp.clip(out_deg, 0, MAX_DEGREE).astype(jnp.int32)
    # embedding lookups (gather rows by degree bucket)
    return jnp.take(in_embed, in_deg, axis=0) + jnp.take(out_embed, out_deg, axis=0)

if __name__ == "__main__":
    import jax
    _d = setup_inputs()
    print(jax.jit(kernel)(*tuple(_d.values())))

</pallas_src>

<mosaic_0001>
#map = affine_map<(d0, d1) -> (0, 0)>
#map1 = affine_map<(d0, d1) -> (0)>
module attributes {stable_mosaic.version = 14 : i64} {
  func.func @_lookup_body(%arg0: i32, %arg1: i32, %arg2: memref<513x128xf32, #tpu.memory_space<hbm>>, %arg3: memref<513x128xf32, #tpu.memory_space<hbm>>, %arg4: memref<401408xi32, #tpu.memory_space<hbm>>, %arg5: memref<16xi32, #tpu.memory_space<hbm>>, %arg6: memref<100000x128xf32, #tpu.memory_space<hbm>>, %arg7: memref<12544xi32, #tpu.memory_space<vmem>>, %arg8: memref<6272xi32, #tpu.memory_space<vmem>>, %arg9: memref<128x128xf32, #tpu.memory_space<vmem>>, %arg10: memref<128x128xf32, #tpu.memory_space<vmem>>, %arg11: memref<128x128xf32, #tpu.memory_space<vmem>>, %arg12: memref<128x128xf32, #tpu.memory_space<vmem>>, %arg13: memref<128x128xf32, #tpu.memory_space<vmem>>, %arg14: memref<128x128xf32, #tpu.memory_space<vmem>>, %arg15: memref<16xi32, #tpu.memory_space<vmem>>, %arg16: memref<1040x128xf32, #tpu.memory_space<vmem_shared>>, %arg17: memref<!tpu.dma_semaphore, #tpu.memory_space<semaphore_mem>>, %arg18: memref<!tpu.dma_semaphore, #tpu.memory_space<semaphore_mem>>, %arg19: memref<!tpu.dma_semaphore, #tpu.memory_space<semaphore_mem>>, %arg20: memref<!tpu.dma_semaphore, #tpu.memory_space<semaphore_mem>>, %arg21: memref<!tpu.dma_semaphore, #tpu.memory_space<semaphore_mem>>, %arg22: memref<!tpu.dma_semaphore, #tpu.memory_space<semaphore_mem>>, %arg23: memref<!tpu.dma_semaphore, #tpu.memory_space<semaphore_mem>>, %arg24: memref<!tpu.dma_semaphore, #tpu.memory_space<semaphore_mem>>, %arg25: memref<!tpu.dma_semaphore, #tpu.memory_space<semaphore_mem>>, %arg26: memref<!tpu.dma_semaphore, #tpu.memory_space<semaphore_mem>>, %arg27: memref<!tpu.dma_semaphore, #tpu.memory_space<semaphore_mem>>, %arg28: memref<!tpu.dma_semaphore, #tpu.memory_space<semaphore_mem>>, %arg29: memref<!tpu.dma_semaphore, #tpu.memory_space<semaphore_mem>>) attributes {dimension_semantics = [#tpu.dimension_semantics<core_parallel>, #tpu.dimension_semantics<subcore_parallel>], iteration_bounds = array<i64: 2, 16>, scalar_prefetch = 0 : i64, scratch_operands = 23 : i64, tpu.core_type = #tpu.core_type<sc_vector_subcore>, window_params = [{transform_indices = #map}, {transform_indices = #map}, {transform_indices = #map1}, {transform_indices = #map1}, {transform_indices = #map}]} {
    %mul3A = arith.constant 2 : i32
    %mul3A_0 = arith.muli %arg1, %mul3A : i32
    %add3A = arith.addi %mul3A_0, %arg0 : i32
    "tpu.region"() ({
      %run_scoped3A = tpu.sem_alloc : memref<!tpu.dma_semaphore, #tpu.memory_space<semaphore_mem>>
      tpu.enqueue_dma source(%arg5 : memref<16xi32, #tpu.memory_space<hbm>>) target(%arg15 : memref<16xi32, #tpu.memory_space<vmem>>) target_semaphore(%run_scoped3A : memref<!tpu.dma_semaphore, #tpu.memory_space<semaphore_mem>>)
      tpu.wait_dma2 semaphore(%run_scoped3A : memref<!tpu.dma_semaphore, #tpu.memory_space<semaphore_mem>>) src(%arg5 : memref<16xi32, #tpu.memory_space<hbm>>) dst(%arg15 : memref<16xi32, #tpu.memory_space<vmem>>)
      tpu.yield
    }) : () -> ()
    %get3A = arith.constant 0 : index
    %get3A_1 = tpu.vector_load %arg15[%get3A] {strides = array<i32>} : memref<16xi32, #tpu.memory_space<vmem>>, vector<16xi32>,
    %get3A_2 = vector.shape_cast %get3A_1 : vector<16xi32> to vector<16xi32>
    %mul3A_3 = arith.constant 3136 : i32
    %mul3A_4 = arith.muli %add3A, %mul3A_3 : i32
    %multiple_of3A = tpu.assume_multiple %mul3A_4, 3136 : i32
    %add3A_5 = arith.constant 0 : i32
    %add3A_6 = arith.addi %add3A_5, %multiple_of3A : i32
    %dma_start3A = arith.constant 0 : i32
    %dma_start3A_7 = tpu.memref_slice %arg7[%dma_start3A] : memref<12544xi32, #tpu.memory_space<vmem>> -> memref<3136xi32, #tpu.memory_space<vmem>>
    %dma_start3A_8 = tpu.memref_slice %arg4[%add3A_6] : memref<401408xi32, #tpu.memory_space<hbm>> -> memref<3136xi32, #tpu.memory_space<hbm>>
    %dma_start3A_9 = arith.constant 0 : i32
    %dma_start3A_10 = tpu.memref_slice %arg7[%dma_start3A_9] : memref<12544xi32, #tpu.memory_space<vmem>> -> memref<3136xi32, #tpu.memory_space<vmem>>
    %dma_start3A_11 = tpu.memref_slice %arg4[%add3A_6] : memref<401408xi32, #tpu.memory_space<hbm>> -> memref<3136xi32, #tpu.memory_space<hbm>>
    tpu.enqueue_dma source(%dma_start3A_11 : memref<3136xi32, #tpu.memory_space<hbm>>) target(%dma_start3A_10 : memref<3136xi32, #tpu.memory_space<vmem>>) target_semaphore(%arg17 : memref<!tpu.dma_semaphore, #tpu.memory_space<semaphore_mem>>)
    %add3A_12 = arith.constant 100352 : i32
    %add3A_13 = arith.addi %add3A_12, %multiple_of3A : i32
    %dma_start3A_14 = arith.constant 3136 : i32
    %dma_start3A_15 = tpu.memref_slice %arg7[%dma_start3A_14] : memref<12544xi32, #tpu.memory_space<vmem>> -> memref<3136xi32, #tpu.memory_space<vmem>>
    %dma_start3A_16 = tpu.memref_slice %arg4[%add3A_13] : memref<401408xi32, #tpu.memory_space<hbm>> -> memref<3136xi32, #tpu.memory_space<hbm>>
    %dma_start3A_17 = arith.constant 3136 : i32
    %dma_start3A_18 = tpu.memref_slice %arg7[%dma_start3A_17] : memref<12544xi32, #tpu.memory_space<vmem>> -> memref<3136xi32, #tpu.memory_space<vmem>>
    %dma_start3A_19 = tpu.memref_slice %arg4[%add3A_13] : memref<401408xi32, #tpu.memory_space<hbm>> -> memref<3136xi32, #tpu.memory_space<hbm>>
    tpu.enqueue_dma source(%dma_start3A_19 : memref<3136xi32, #tpu.memory_space<hbm>>) target(%dma_start3A_18 : memref<3136xi32, #tpu.memory_space<vmem>>) target_semaphore(%arg17 : memref<!tpu.dma_semaphore, #tpu.memory_space<semaphore_mem>>)
    %add3A_20 = arith.constant 200704 : i32
    %add3A_21 = arith.addi %add3A_20, %multiple_of3A : i32
    %dma_start3A_22 = arith.constant 6272 : i32
    %dma_start3A_23 = tpu.memref_slice %arg7[%dma_start3A_22] : memref<12544xi32, #tpu.memory_space<vmem>> -> memref<3136xi32, #tpu.memory_space<vmem>>
    %dma_start3A_24 = tpu.memref_slice %arg4[%add3A_21] : memref<401408xi32, #tpu.memory_space<hbm>> -> memref<3136xi32, #tpu.memory_space<hbm>>
    %dma_start3A_25 = arith.constant 6272 : i32
    %dma_start3A_26 = tpu.memref_slice %arg7[%dma_start3A_25] : memref<12544xi32, #tpu.memory_space<vmem>> -> memref<3136xi32, #tpu.memory_space<vmem>>
    %dma_start3A_27 = tpu.memref_slice %arg4[%add3A_21] : memref<401408xi32, #tpu.memory_space<hbm>> -> memref<3136xi32, #tpu.memory_space<hbm>>
    tpu.enqueue_dma source(%dma_start3A_27 : memref<3136xi32, #tpu.memory_space<hbm>>) target(%dma_start3A_26 : memref<3136xi32, #tpu.memory_space<vmem>>) target_semaphore(%arg17 : memref<!tpu.dma_semaphore, #tpu.memory_space<semaphore_mem>>)
    %add3A_28 = arith.constant 301056 : i32
    %add3A_29 = arith.addi %add3A_28, %multiple_of3A : i32
    %dma_start3A_30 = arith.constant 9408 : i32
    %dma_start3A_31 = tpu.memref_slice %arg7[%dma_start3A_30] : memref<12544xi32, #tpu.memory_space<vmem>> -> memref<3136xi32, #tpu.memory_space<vmem>>
    %dma_start3A_32 = tpu.memref_slice %arg4[%add3A_29] : memref<401408xi32, #tpu.memory_space<hbm>> -> memref<3136xi32, #tpu.memory_space<hbm>>
    %dma_start3A_33 = arith.constant 9408 : i32
    %dma_start3A_34 = tpu.memref_slice %arg7[%dma_start3A_33] : memref<12544xi32, #tpu.memory_space<vmem>> -> memref<3136xi32, #tpu.memory_space<vmem>>
    %dma_start3A_35 = tpu.memref_slice %arg4[%add3A_29] : memref<401408xi32, #tpu.memory_space<hbm>> -> memref<3136xi32, #tpu.memory_space<hbm>>
    tpu.enqueue_dma source(%dma_start3A_35 : memref<3136xi32, #tpu.memory_space<hbm>>) target(%dma_start3A_34 : memref<3136xi32, #tpu.memory_space<vmem>>) target_semaphore(%arg17 : memref<!tpu.dma_semaphore, #tpu.memory_space<semaphore_mem>>)
    %lt3A = arith.constant 12 : i32
    %lt3A_36 = arith.cmpi slt, %arg1, %lt3A : i32
    %convert_element_type3A = arith.extui %lt3A_36 : i1 to i32
    %cond3A = arith.constant 0 : i32
    %cond3A_37 = arith.cmpi ne, %convert_element_type3A, %cond3A : i32
    scf.if %cond3A_37 {
      %mul3A_151 = arith.constant 40 : i32
      %mul3A_152 = arith.muli %arg1, %mul3A_151 : i32
      %multiple_of3A_153 = tpu.assume_multiple %mul3A_152, 8 : i32
      %add3A_154 = arith.constant 0 : i32
      %add3A_155 = arith.addi %add3A_154, %multiple_of3A_153 : i32
      "tpu.region"() ({
        %run_scoped3A = tpu.sem_alloc : memref<!tpu.dma_semaphore, #tpu.memory_space<semaphore_mem>>
        %dma_start3A_156 = arith.constant 0 : i32
        %dma_start3A_157 = tpu.memref_slice %arg16[%add3A_155, %dma_start3A_156] : memref<1040x128xf32, #tpu.memory_space<vmem_shared>> -> memref<40x128xf32, #tpu.memory_space<vmem_shared>>
        %dma_start3A_158 = arith.constant 0 : i32
        %dma_start3A_159 = tpu.memref_slice %arg2[%multiple_of3A_153, %dma_start3A_158] : memref<513x128xf32, #tpu.memory_space<hbm>> -> memref<40x128xf32, #tpu.memory_space<hbm>>
        tpu.enqueue_dma source(%dma_start3A_159 : memref<40x128xf32, #tpu.memory_space<hbm>>) target(%dma_start3A_157 : memref<40x128xf32, #tpu.memory_space<vmem_shared>>) target_semaphore(%run_scoped3A : memref<!tpu.dma_semaphore, #tpu.memory_space<semaphore_mem>>)
        %dma_wait3A_160 = arith.constant 0 : i32
        %dma_wait3A_161 = tpu.memref_slice %arg16[%add3A_155, %dma_wait3A_160] : memref<1040x128xf32, #tpu.memory_space<vmem_shared>> -> memref<40x128xf32, #tpu.memory_space<vmem_shared>>
        %dma_wait3A_162 = arith.constant 0 : i32
        %dma_wait3A_163 = tpu.memref_slice %arg2[%multiple_of3A_153, %dma_wait3A_162] : memref<513x128xf32, #tpu.memory_space<hbm>> -> memref<40x128xf32, #tpu.memory_space<hbm>>
        tpu.wait_dma2 semaphore(%run_scoped3A : memref<!tpu.dma_semaphore, #tpu.memory_space<semaphore_mem>>) src(%dma_wait3A_163 : memref<40x128xf32, #tpu.memory_space<hbm>>) dst(%dma_wait3A_161 : memref<40x128xf32, #tpu.memory_space<vmem_shared>>)
        tpu.yield
      }) : () -> ()
    } else {
    }
    %eq3A = arith.constant 12 : i32
    %eq3A_38 = arith.cmpi eq, %arg1, %eq3A : i32
    %convert_element_type3A_39 = arith.extui %eq3A_38 : i1 to i32
    %cond3A_40 = arith.constant 0 : i32
    %cond3A_41 = arith.cmpi ne, %convert_element_type3A_39, %cond3A_40 : i32
    scf.if %cond3A_41 {
      "tpu.region"() ({
        %run_scoped3A = tpu.sem_alloc : memref<!tpu.dma_semaphore, #tpu.memory_space<semaphore_mem>>
        %dma_start3A_151 = arith.constant 480 : i32
        %dma_start3A_152 = arith.constant 0 : i32
        %dma_start3A_153 = tpu.memref_slice %arg16[%dma_start3A_151, %dma_start3A_152] : memref<1040x128xf32, #tpu.memory_space<vmem_shared>> -> memref<33x128xf32, #tpu.memory_space<vmem_shared>>
        %dma_start3A_154 = arith.constant 480 : i32
        %dma_start3A_155 = arith.constant 0 : i32
        %dma_start3A_156 = tpu.memref_slice %arg2[%dma_start3A_154, %dma_start3A_155] : memref<513x128xf32, #tpu.memory_space<hbm>> -> memref<33x128xf32, #tpu.memory_space<hbm>>
        tpu.enqueue_dma source(%dma_start3A_156 : memref<33x128xf32, #tpu.memory_space<hbm>>) target(%dma_start3A_153 : memref<33x128xf32, #tpu.memory_space<vmem_shared>>) target_semaphore(%run_scoped3A : memref<!tpu.dma_semaphore, #tpu.memory_space<semaphore_mem>>)
        %dma_wait3A_157 = arith.constant 480 : i32
        %dma_wait3A_158 = arith.constant 0 : i32
        %dma_wait3A_159 = tpu.memref_slice %arg16[%dma_wait3A_157, %dma_wait3A_158] : memref<1040x128xf32, #tpu.memory_space<vmem_shared>> -> memref<33x128xf32, #tpu.memory_space<vmem_shared>>
        %dma_wait3A_160 = arith.constant 480 : i32
        %dma_wait3A_161 = arith.constant 0 : i32
        %dma_wait3A_162 = tpu.memref_slice %arg2[%dma_wait3A_160, %dma_wait3A_161] : memref<513x128xf32, #tpu.memory_space<hbm>> -> memref<33x128xf32, #tpu.memory_space<hbm>>
        tpu.wait_dma2 semaphore(%run_scoped3A : memref<!tpu.dma_semaphore, #tpu.memory_space<semaphore_mem>>) src(%dma_wait3A_162 : memref<33x128xf32, #tpu.memory_space<hbm>>) dst(%dma_wait3A_159 : memref<33x128xf32, #tpu.memory_space<vmem_shared>>)
        tpu.yield
      }) : () -> ()
    } else {
    }
    %lt3A_42 = arith.constant 12 : i32
    %lt3A_43 = arith.cmpi slt, %arg1, %lt3A_42 : i32
    %convert_element_type3A_44 = arith.extui %lt3A_43 : i1 to i32
    %cond3A_45 = arith.constant 0 : i32
    %cond3A_46 = arith.cmpi ne, %convert_element_type3A_44, %cond3A_45 : i32
    scf.if %cond3A_46 {
      %mul3A_151 = arith.constant 40 : i32
      %mul3A_152 = arith.muli %arg1, %mul3A_151 : i32
      %multiple_of3A_153 = tpu.assume_multiple %mul3A_152, 8 : i32
      %add3A_154 = arith.constant 520 : i32
      %add3A_155 = arith.addi %add3A_154, %multiple_of3A_153 : i32
      "tpu.region"() ({
        %run_scoped3A = tpu.sem_alloc : memref<!tpu.dma_semaphore, #tpu.memory_space<semaphore_mem>>
        %dma_start3A_156 = arith.constant 0 : i32
        %dma_start3A_157 = tpu.memref_slice %arg16[%add3A_155, %dma_start3A_156] : memref<1040x128xf32, #tpu.memory_space<vmem_shared>> -> memref<40x128xf32, #tpu.memory_space<vmem_shared>>
        %dma_start3A_158 = arith.constant 0 : i32
        %dma_start3A_159 = tpu.memref_slice %arg3[%multiple_of3A_153, %dma_start3A_158] : memref<513x128xf32, #tpu.memory_space<hbm>> -> memref<40x128xf32, #tpu.memory_space<hbm>>
        tpu.enqueue_dma source(%dma_start3A_159 : memref<40x128xf32, #tpu.memory_space<hbm>>) target(%dma_start3A_157 : memref<40x128xf32, #tpu.memory_space<vmem_shared>>) target_semaphore(%run_scoped3A : memref<!tpu.dma_semaphore, #tpu.memory_space<semaphore_mem>>)
        %dma_wait3A_160 = arith.constant 0 : i32
        %dma_wait3A_161 = tpu.memref_slice %arg16[%add3A_155, %dma_wait3A_160] : memref<1040x128xf32, #tpu.memory_space<vmem_shared>> -> memref<40x128xf32, #tpu.memory_space<vmem_shared>>
        %dma_wait3A_162 = arith.constant 0 : i32
        %dma_wait3A_163 = tpu.memref_slice %arg3[%multiple_of3A_153, %dma_wait3A_162] : memref<513x128xf32, #tpu.memory_space<hbm>> -> memref<40x128xf32, #tpu.memory_space<hbm>>
        tpu.wait_dma2 semaphore(%run_scoped3A : memref<!tpu.dma_semaphore, #tpu.memory_space<semaphore_mem>>) src(%dma_wait3A_163 : memref<40x128xf32, #tpu.memory_space<hbm>>) dst(%dma_wait3A_161 : memref<40x128xf32, #tpu.memory_space<vmem_shared>>)
        tpu.yield
      }) : () -> ()
    } else {
    }
    %eq3A_47 = arith.constant 12 : i32
    %eq3A_48 = arith.cmpi eq, %arg1, %eq3A_47 : i32
    %convert_element_type3A_49 = arith.extui %eq3A_48 : i1 to i32
    %cond3A_50 = arith.constant 0 : i32
    %cond3A_51 = arith.cmpi ne, %convert_element_type3A_49, %cond3A_50 : i32
    scf.if %cond3A_51 {
      "tpu.region"() ({
        %run_scoped3A = tpu.sem_alloc : memref<!tpu.dma_semaphore, #tpu.memory_space<semaphore_mem>>
        %dma_start3A_151 = arith.constant 1000 : i32
        %dma_start3A_152 = arith.constant 0 : i32
        %dma_start3A_153 = tpu.memref_slice %arg16[%dma_start3A_151, %dma_start3A_152] : memref<1040x128xf32, #tpu.memory_space<vmem_shared>> -> memref<33x128xf32, #tpu.memory_space<vmem_shared>>
        %dma_start3A_154 = arith.constant 480 : i32
        %dma_start3A_155 = arith.constant 0 : i32
        %dma_start3A_156 = tpu.memref_slice %arg3[%dma_start3A_154, %dma_start3A_155] : memref<513x128xf32, #tpu.memory_space<hbm>> -> memref<33x128xf32, #tpu.memory_space<hbm>>
        tpu.enqueue_dma source(%dma_start3A_156 : memref<33x128xf32, #tpu.memory_space<hbm>>) target(%dma_start3A_153 : memref<33x128xf32, #tpu.memory_space<vmem_shared>>) target_semaphore(%run_scoped3A : memref<!tpu.dma_semaphore, #tpu.memory_space<semaphore_mem>>)
        %dma_wait3A_157 = arith.constant 1000 : i32
        %dma_wait3A_158 = arith.constant 0 : i32
        %dma_wait3A_159 = tpu.memref_slice %arg16[%dma_wait3A_157, %dma_wait3A_158] : memref<1040x128xf32, #tpu.memory_space<vmem_shared>> -> memref<33x128xf32, #tpu.memory_space<vmem_shared>>
        %dma_wait3A_160 = arith.constant 480 : i32
        %dma_wait3A_161 = arith.constant 0 : i32
        %dma_wait3A_162 = tpu.memref_slice %arg3[%dma_wait3A_160, %dma_wait3A_161] : memref<513x128xf32, #tpu.memory_space<hbm>> -> memref<33x128xf32, #tpu.memory_space<hbm>>
        tpu.wait_dma2 semaphore(%run_scoped3A : memref<!tpu.dma_semaphore, #tpu.memory_space<semaphore_mem>>) src(%dma_wait3A_162 : memref<33x128xf32, #tpu.memory_space<hbm>>) dst(%dma_wait3A_159 : memref<33x128xf32, #tpu.memory_space<vmem_shared>>)
        tpu.yield
      }) : () -> ()
    } else {
    }
    %dma_wait3A = arith.constant 0 : i32
    %dma_wait3A_52 = tpu.memref_slice %arg7[%dma_wait3A] : memref<12544xi32, #tpu.memory_space<vmem>> -> memref<3136xi32, #tpu.memory_space<vmem>>
    %dma_wait3A_53 = arith.constant 0 : i32
    %dma_wait3A_54 = tpu.memref_slice %arg4[%dma_wait3A_53] : memref<401408xi32, #tpu.memory_space<hbm>> -> memref<3136xi32, #tpu.memory_space<hbm>>
    %dma_wait3A_55 = arith.constant 0 : i32
    %dma_wait3A_56 = tpu.memref_slice %arg7[%dma_wait3A_55] : memref<12544xi32, #tpu.memory_space<vmem>> -> memref<3136xi32, #tpu.memory_space<vmem>>
    %dma_wait3A_57 = arith.constant 0 : i32
    %dma_wait3A_58 = tpu.memref_slice %arg4[%dma_wait3A_57] : memref<401408xi32, #tpu.memory_space<hbm>> -> memref<3136xi32, #tpu.memory_space<hbm>>
    tpu.wait_dma2 semaphore(%arg17 : memref<!tpu.dma_semaphore, #tpu.memory_space<semaphore_mem>>) src(%dma_wait3A_58 : memref<3136xi32, #tpu.memory_space<hbm>>) dst(%dma_wait3A_56 : memref<3136xi32, #tpu.memory_space<vmem>>)
    %dma_wait3A_59 = arith.constant 0 : i32
    %dma_wait3A_60 = tpu.memref_slice %arg7[%dma_wait3A_59] : memref<12544xi32, #tpu.memory_space<vmem>> -> memref<3136xi32, #tpu.memory_space<vmem>>
    %dma_wait3A_61 = arith.constant 0 : i32
    %dma_wait3A_62 = tpu.memref_slice %arg4[%dma_wait3A_61] : memref<401408xi32, #tpu.memory_space<hbm>> -> memref<3136xi32, #tpu.memory_space<hbm>>
    %dma_wait3A_63 = arith.constant 0 : i32
    %dma_wait3A_64 = tpu.memref_slice %arg7[%dma_wait3A_63] : memref<12544xi32, #tpu.memory_space<vmem>> -> memref<3136xi32, #tpu.memory_space<vmem>>
    %dma_wait3A_65 = arith.constant 0 : i32
    %dma_wait3A_66 = tpu.memref_slice %arg4[%dma_wait3A_65] : memref<401408xi32, #tpu.memory_space<hbm>> -> memref<3136xi32, #tpu.memory_space<hbm>>
    tpu.wait_dma2 semaphore(%arg17 : memref<!tpu.dma_semaphore, #tpu.memory_space<semaphore_mem>>) src(%dma_wait3A_66 : memref<3136xi32, #tpu.memory_space<hbm>>) dst(%dma_wait3A_64 : memref<3136xi32, #tpu.memory_space<vmem>>)
    %dma_wait3A_67 = arith.constant 0 : i32
    %dma_wait3A_68 = tpu.memref_slice %arg7[%dma_wait3A_67] : memref<12544xi32, #tpu.memory_space<vmem>> -> memref<3136xi32, #tpu.memory_space<vmem>>
    %dma_wait3A_69 = arith.constant 0 : i32
    %dma_wait3A_70 = tpu.memref_slice %arg4[%dma_wait3A_69] : memref<401408xi32, #tpu.memory_space<hbm>> -> memref<3136xi32, #tpu.memory_space<hbm>>
    %dma_wait3A_71 = arith.constant 0 : i32
    %dma_wait3A_72 = tpu.memref_slice %arg7[%dma_wait3A_71] : memref<12544xi32, #tpu.memory_space<vmem>> -> memref<3136xi32, #tpu.memory_space<vmem>>
    %dma_wait3A_73 = arith.constant 0 : i32
    %dma_wait3A_74 = tpu.memref_slice %arg4[%dma_wait3A_73] : memref<401408xi32, #tpu.memory_space<hbm>> -> memref<3136xi32, #tpu.memory_space<hbm>>
    tpu.wait_dma2 semaphore(%arg17 : memref<!tpu.dma_semaphore, #tpu.memory_space<semaphore_mem>>) src(%dma_wait3A_74 : memref<3136xi32, #tpu.memory_space<hbm>>) dst(%dma_wait3A_72 : memref<3136xi32, #tpu.memory_space<vmem>>)
    %dma_wait3A_75 = arith.constant 0 : i32
    %dma_wait3A_76 = tpu.memref_slice %arg7[%dma_wait3A_75] : memref<12544xi32, #tpu.memory_space<vmem>> -> memref<3136xi32, #tpu.memory_space<vmem>>
    %dma_wait3A_77 = arith.constant 0 : i32
    %dma_wait3A_78 = tpu.memref_slice %arg4[%dma_wait3A_77] : memref<401408xi32, #tpu.memory_space<hbm>> -> memref<3136xi32, #tpu.memory_space<hbm>>
    %dma_wait3A_79 = arith.constant 0 : i32
    %dma_wait3A_80 = tpu.memref_slice %arg7[%dma_wait3A_79] : memref<12544xi32, #tpu.memory_space<vmem>> -> memref<3136xi32, #tpu.memory_space<vmem>>
    %dma_wait3A_81 = arith.constant 0 : i32
    %dma_wait3A_82 = tpu.memref_slice %arg4[%dma_wait3A_81] : memref<401408xi32, #tpu.memory_space<hbm>> -> memref<3136xi32, #tpu.memory_space<hbm>>
    tpu.wait_dma2 semaphore(%arg17 : memref<!tpu.dma_semaphore, #tpu.memory_space<semaphore_mem>>) src(%dma_wait3A_82 : memref<3136xi32, #tpu.memory_space<hbm>>) dst(%dma_wait3A_80 : memref<3136xi32, #tpu.memory_space<vmem>>)
    %scan3A = arith.constant 0 : i32
    %scan3A_83 = arith.constant 49 : i32
    %scan3A_84 = arith.addi %scan3A, %scan3A_83 : i32
    %scan3A_85 = arith.constant 1 : i32
    scf.for %scan3A_151 = %scan3A to %scan3A_84 step %scan3A_85  : i32 {
      %mul3A_152 = arith.constant 1 : i32
      %mul3A_153 = arith.muli %scan3A_151, %mul3A_152 : i32
      %add3A_154 = arith.constant 0 : i32
      %add3A_155 = arith.addi %add3A_154, %mul3A_153 : i32
      %mul3A_156 = arith.constant 64 : i32
      %mul3A_157 = arith.muli %add3A_155, %mul3A_156 : i32
      %add3A_158 = arith.constant 0 : i32
      %add3A_159 = arith.addi %mul3A_157, %add3A_158 : i32
      %add3A_160 = arith.constant 3136 : i32
      %add3A_161 = arith.addi %add3A_160, %add3A_159 : i32
      %get3A_162 = arith.index_cast %add3A_161 : i32 to index
      %get3A_163 = tpu.vector_load %arg7[%get3A_162] {strides = array<i32>} : memref<12544xi32, #tpu.memory_space<vmem>>, vector<16xi32>,
      %get3A_164 = vector.shape_cast %get3A_163 : vector<16xi32> to vector<16xi32>
      %add3A_165 = arith.constant 9408 : i32
      %add3A_166 = arith.addi %add3A_165, %add3A_159 : i32
      %get3A_167 = arith.index_cast %add3A_166 : i32 to index
      %get3A_168 = tpu.vector_load %arg7[%get3A_167] {strides = array<i32>} : memref<12544xi32, #tpu.memory_space<vmem>>, vector<16xi32>,
      %get3A_169 = vector.shape_cast %get3A_168 : vector<16xi32> to vector<16xi32>
      %add3A_170 = arith.addi %get3A_164, %get3A_169 : vector<16xi32>
      %add3A_171 = arith.addi %add3A_170, %get3A_2 : vector<16xi32>
      %max3A = arith.constant 0 : i32
      %max3A_172 = vector.broadcast %max3A : i32 to vector<16xi32>
      %max3A_173 = arith.maxsi %add3A_171, %max3A_172 : vector<16xi32>
      %min3A = arith.constant 512 : i32
      %min3A_174 = vector.broadcast %min3A : i32 to vector<16xi32>
      %min3A_175 = arith.minsi %max3A_173, %min3A_174 : vector<16xi32>
      %mul3A_176 = arith.constant 2 : i32
      %mul3A_177 = arith.muli %add3A_155, %mul3A_176 : i32
      %mul3A_178 = arith.constant 64 : i32
      %mul3A_179 = arith.muli %mul3A_177, %mul3A_178 : i32
      %add3A_180 = arith.constant 0 : i32
      %add3A_181 = arith.addi %mul3A_179, %add3A_180 : i32
      %swap3A = arith.index_cast %add3A_181 : i32 to index
      %swap3A_182 = tpu.vector_load %arg8[%swap3A] {strides = array<i32>} : memref<6272xi32, #tpu.memory_space<vmem>>, vector<16xi32>,
      %swap3A_183 = vector.shape_cast %swap3A_182 : vector<16xi32> to vector<16xi32>
      %swap3A_184 = vector.shape_cast %min3A_175 : vector<16xi32> to vector<16xi32>
      tpu.vector_store %arg8[%swap3A], %swap3A_184 {strides = array<i32>} : memref<6272xi32, #tpu.memory_space<vmem>>, vector<16xi32>,
      %add3A_185 = arith.constant 0 : i32
      %add3A_186 = arith.addi %add3A_185, %add3A_159 : i32
      %get3A_187 = arith.index_cast %add3A_186 : i32 to index
      %get3A_188 = tpu.vector_load %arg7[%get3A_187] {strides = array<i32>} : memref<12544xi32, #tpu.memory_space<vmem>>, vector<16xi32>,
      %get3A_189 = vector.shape_cast %get3A_188 : vector<16xi32> to vector<16xi32>
      %add3A_190 = arith.constant 6272 : i32
      %add3A_191 = arith.addi %add3A_190, %add3A_159 : i32
      %get3A_192 = arith.index_cast %add3A_191 : i32 to index
      %get3A_193 = tpu.vector_load %arg7[%get3A_192] {strides = array<i32>} : memref<12544xi32, #tpu.memory_space<vmem>>, vector<16xi32>,
      %get3A_194 = vector.shape_cast %get3A_193 : vector<16xi32> to vector<16xi32>
      %add3A_195 = arith.addi %get3A_189, %get3A_194 : vector<16xi32>
      %add3A_196 = arith.addi %add3A_195, %get3A_2 : vector<16xi32>
      %max3A_197 = arith.constant 0 : i32
      %max3A_198 = vector.broadcast %max3A_197 : i32 to vector<16xi32>
      %max3A_199 = arith.maxsi %add3A_196, %max3A_198 : vector<16xi32>
      %min3A_200 = arith.constant 512 : i32
      %min3A_201 = vector.broadcast %min3A_200 : i32 to vector<16xi32>
      %min3A_202 = arith.minsi %max3A_199, %min3A_201 : vector<16xi32>
      %add3A_203 = arith.constant 520 : i32
      %add3A_204 = vector.broadcast %add3A_203 : i32 to vector<16xi32>
      %add3A_205 = arith.addi %min3A_202, %add3A_204 : vector<16xi32>
      %mul3A_206 = arith.constant 2 : i32
      %mul3A_207 = arith.muli %add3A_155, %mul3A_206 : i32
      %mul3A_208 = arith.constant 64 : i32
      %mul3A_209 = arith.muli %mul3A_207, %mul3A_208 : i32
      %add3A_210 = arith.constant 64 : i32
      %add3A_211 = arith.addi %mul3A_209, %add3A_210 : i32
      %add3A_212 = arith.constant 0 : i32
      %add3A_213 = arith.addi %add3A_211, %add3A_212 : i32
      %swap3A_214 = arith.index_cast %add3A_213 : i32 to index
      %swap3A_215 = tpu.vector_load %arg8[%swap3A_214] {strides = array<i32>} : memref<6272xi32, #tpu.memory_space<vmem>>, vector<16xi32>,
      %swap3A_216 = vector.shape_cast %swap3A_215 : vector<16xi32> to vector<16xi32>
      %swap3A_217 = vector.shape_cast %add3A_205 : vector<16xi32> to vector<16xi32>
      tpu.vector_store %arg8[%swap3A_214], %swap3A_217 {strides = array<i32>} : memref<6272xi32, #tpu.memory_space<vmem>>, vector<16xi32>,
      %mul3A_218 = arith.constant 64 : i32
      %mul3A_219 = arith.muli %add3A_155, %mul3A_218 : i32
      %add3A_220 = arith.constant 16 : i32
      %add3A_221 = arith.addi %mul3A_219, %add3A_220 : i32
      %add3A_222 = arith.constant 3136 : i32
      %add3A_223 = arith.addi %add3A_222, %add3A_221 : i32
      %get3A_224 = arith.index_cast %add3A_223 : i32 to index
      %get3A_225 = tpu.vector_load %arg7[%get3A_224] {strides = array<i32>} : memref<12544xi32, #tpu.memory_space<vmem>>, vector<16xi32>,
      %get3A_226 = vector.shape_cast %get3A_225 : vector<16xi32> to vector<16xi32>
      %add3A_227 = arith.constant 9408 : i32
      %add3A_228 = arith.addi %add3A_227, %add3A_221 : i32
      %get3A_229 = arith.index_cast %add3A_228 : i32 to index
      %get3A_230 = tpu.vector_load %arg7[%get3A_229] {strides = array<i32>} : memref<12544xi32, #tpu.memory_space<vmem>>, vector<16xi32>,
      %get3A_231 = vector.shape_cast %get3A_230 : vector<16xi32> to vector<16xi32>
      %add3A_232 = arith.addi %get3A_226, %get3A_231 : vector<16xi32>
      %add3A_233 = arith.addi %add3A_232, %get3A_2 : vector<16xi32>
      %max3A_234 = arith.constant 0 : i32
      %max3A_235 = vector.broadcast %max3A_234 : i32 to vector<16xi32>
      %max3A_236 = arith.maxsi %add3A_233, %max3A_235 : vector<16xi32>
      %min3A_237 = arith.constant 512 : i32
      %min3A_238 = vector.broadcast %min3A_237 : i32 to vector<16xi32>
      %min3A_239 = arith.minsi %max3A_236, %min3A_238 : vector<16xi32>
      %mul3A_240 = arith.constant 2 : i32
      %mul3A_241 = arith.muli %add3A_155, %mul3A_240 : i32
      %mul3A_242 = arith.constant 64 : i32
      %mul3A_243 = arith.muli %mul3A_241, %mul3A_242 : i32
      %add3A_244 = arith.constant 16 : i32
      %add3A_245 = arith.addi %mul3A_243, %add3A_244 : i32
      %swap3A_246 = arith.index_cast %add3A_245 : i32 to index
      %swap3A_247 = tpu.vector_load %arg8[%swap3A_246] {strides = array<i32>} : memref<6272xi32, #tpu.memory_space<vmem>>, vector<16xi32>,
      %swap3A_248 = vector.shape_cast %swap3A_247 : vector<16xi32> to vector<16xi32>
      %swap3A_249 = vector.shape_cast %min3A_239 : vector<16xi32> to vector<16xi32>
      tpu.vector_store %arg8[%swap3A_246], %swap3A_249 {strides = array<i32>} : memref<6272xi32, #tpu.memory_space<vmem>>, vector<16xi32>,
      %add3A_250 = arith.constant 0 : i32
      %add3A_251 = arith.addi %add3A_250, %add3A_221 : i32
      %get3A_252 = arith.index_cast %add3A_251 : i32 to index
      %get3A_253 = tpu.vector_load %arg7[%get3A_252] {strides = array<i32>} : memref<12544xi32, #tpu.memory_space<vmem>>, vector<16xi32>,
      %get3A_254 = vector.shape_cast %get3A_253 : vector<16xi32> to vector<16xi32>
      %add3A_255 = arith.constant 6272 : i32
      %add3A_256 = arith.addi %add3A_255, %add3A_221 : i32
      %get3A_257 = arith.index_cast %add3A_256 : i32 to index
      %get3A_258 = tpu.vector_load %arg7[%get3A_257] {strides = array<i32>} : memref<12544xi32, #tpu.memory_space<vmem>>, vector<16xi32>,
      %get3A_259 = vector.shape_cast %get3A_258 : vector<16xi32> to vector<16xi32>
      %add3A_260 = arith.addi %get3A_254, %get3A_259 : vector<16xi32>
      %add3A_261 = arith.addi %add3A_260, %get3A_2 : vector<16xi32>
      %max3A_262 = arith.constant 0 : i32
      %max3A_263 = vector.broadcast %max3A_262 : i32 to vector<16xi32>
      %max3A_264 = arith.maxsi %add3A_261, %max3A_263 : vector<16xi32>
      %min3A_265 = arith.constant 512 : i32
      %min3A_266 = vector.broadcast %min3A_265 : i32 to vector<16xi32>
      %min3A_267 = arith.minsi %max3A_264, %min3A_266 : vector<16xi32>
      %add3A_268 = arith.constant 520 : i32
      %add3A_269 = vector.broadcast %add3A_268 : i32 to vector<16xi32>
      %add3A_270 = arith.addi %min3A_267, %add3A_269 : vector<16xi32>
      %mul3A_271 = arith.constant 2 : i32
      %mul3A_272 = arith.muli %add3A_155, %mul3A_271 : i32
      %mul3A_273 = arith.constant 64 : i32
      %mul3A_274 = arith.muli %mul3A_272, %mul3A_273 : i32
      %add3A_275 = arith.constant 64 : i32
      %add3A_276 = arith.addi %mul3A_274, %add3A_275 : i32
      %add3A_277 = arith.constant 16 : i32
      %add3A_278 = arith.addi %add3A_276, %add3A_277 : i32
      %swap3A_279 = arith.index_cast %add3A_278 : i32 to index
      %swap3A_280 = tpu.vector_load %arg8[%swap3A_279] {strides = array<i32>} : memref<6272xi32, #tpu.memory_space<vmem>>, vector<16xi32>,
      %swap3A_281 = vector.shape_cast %swap3A_280 : vector<16xi32> to vector<16xi32>
      %swap3A_282 = vector.shape_cast %add3A_270 : vector<16xi32> to vector<16xi32>
      tpu.vector_store %arg8[%swap3A_279], %swap3A_282 {strides = array<i32>} : memref<6272xi32, #tpu.memory_space<vmem>>, vector<16xi32>,
      %mul3A_283 = arith.constant 64 : i32
      %mul3A_284 = arith.muli %add3A_155, %mul3A_283 : i32
      %add3A_285 = arith.constant 32 : i32
      %add3A_286 = arith.addi %mul3A_284, %add3A_285 : i32
      %add3A_287 = arith.constant 3136 : i32
      %add3A_288 = arith.addi %add3A_287, %add3A_286 : i32
      %get3A_289 = arith.index_cast %add3A_288 : i32 to index
      %get3A_290 = tpu.vector_load %arg7[%get3A_289] {strides = array<i32>} : memref<12544xi32, #tpu.memory_space<vmem>>, vector<16xi32>,
      %get3A_291 = vector.shape_cast %get3A_290 : vector<16xi32> to vector<16xi32>
      %add3A_292 = arith.constant 9408 : i32
      %add3A_293 = arith.addi %add3A_292, %add3A_286 : i32
      %get3A_294 = arith.index_cast %add3A_293 : i32 to index
      %get3A_295 = tpu.vector_load %arg7[%get3A_294] {strides = array<i32>} : memref<12544xi32, #tpu.memory_space<vmem>>, vector<16xi32>,
      %get3A_296 = vector.shape_cast %get3A_295 : vector<16xi32> to vector<16xi32>
      %add3A_297 = arith.addi %get3A_291, %get3A_296 : vector<16xi32>
      %add3A_298 = arith.addi %add3A_297, %get3A_2 : vector<16xi32>
      %max3A_299 = arith.constant 0 : i32
      %max3A_300 = vector.broadcast %max3A_299 : i32 to vector<16xi32>
      %max3A_301 = arith.maxsi %add3A_298, %max3A_300 : vector<16xi32>
      %min3A_302 = arith.constant 512 : i32
      %min3A_303 = vector.broadcast %min3A_302 : i32 to vector<16xi32>
      %min3A_304 = arith.minsi %max3A_301, %min3A_303 : vector<16xi32>
      %mul3A_305 = arith.constant 2 : i32
      %mul3A_306 = arith.muli %add3A_155, %mul3A_305 : i32
      %mul3A_307 = arith.constant 64 : i32
      %mul3A_308 = arith.muli %mul3A_306, %mul3A_307 : i32
      %add3A_309 = arith.constant 32 : i32
      %add3A_310 = arith.addi %mul3A_308, %add3A_309 : i32
      %swap3A_311 = arith.index_cast %add3A_310 : i32 to index
      %swap3A_312 = tpu.vector_load %arg8[%swap3A_311] {strides = array<i32>} : memref<6272xi32, #tpu.memory_space<vmem>>, vector<16xi32>,
      %swap3A_313 = vector.shape_cast %swap3A_312 : vector<16xi32> to vector<16xi32>
      %swap3A_314 = vector.shape_cast %min3A_304 : vector<16xi32> to vector<16xi32>
      tpu.vector_store %arg8[%swap3A_311], %swap3A_314 {strides = array<i32>} : memref<6272xi32, #tpu.memory_space<vmem>>, vector<16xi32>,
      %add3A_315 = arith.constant 0 : i32
      %add3A_316 = arith.addi %add3A_315, %add3A_286 : i32
      %get3A_317 = arith.index_cast %add3A_316 : i32 to index
      %get3A_318 = tpu.vector_load %arg7[%get3A_317] {strides = array<i32>} : memref<12544xi32, #tpu.memory_space<vmem>>, vector<16xi32>,
      %get3A_319 = vector.shape_cast %get3A_318 : vector<16xi32> to vector<16xi32>
      %add3A_320 = arith.constant 6272 : i32
      %add3A_321 = arith.addi %add3A_320, %add3A_286 : i32
      %get3A_322 = arith.index_cast %add3A_321 : i32 to index
      %get3A_323 = tpu.vector_load %arg7[%get3A_322] {strides = array<i32>} : memref<12544xi32, #tpu.memory_space<vmem>>, vector<16xi32>,
      %get3A_324 = vector.shape_cast %get3A_323 : vector<16xi32> to vector<16xi32>
      %add3A_325 = arith.addi %get3A_319, %get3A_324 : vector<16xi32>
      %add3A_326 = arith.addi %add3A_325, %get3A_2 : vector<16xi32>
      %max3A_327 = arith.constant 0 : i32
      %max3A_328 = vector.broadcast %max3A_327 : i32 to vector<16xi32>
      %max3A_329 = arith.maxsi %add3A_326, %max3A_328 : vector<16xi32>
      %min3A_330 = arith.constant 512 : i32
      %min3A_331 = vector.broadcast %min3A_330 : i32 to vector<16xi32>
      %min3A_332 = arith.minsi %max3A_329, %min3A_331 : vector<16xi32>
      %add3A_333 = arith.constant 520 : i32
      %add3A_334 = vector.broadcast %add3A_333 : i32 to vector<16xi32>
      %add3A_335 = arith.addi %min3A_332, %add3A_334 : vector<16xi32>
      %mul3A_336 = arith.constant 2 : i32
      %mul3A_337 = arith.muli %add3A_155, %mul3A_336 : i32
      %mul3A_338 = arith.constant 64 : i32
      %mul3A_339 = arith.muli %mul3A_337, %mul3A_338 : i32
      %add3A_340 = arith.constant 64 : i32
      %add3A_341 = arith.addi %mul3A_339, %add3A_340 : i32
      %add3A_342 = arith.constant 32 : i32
      %add3A_343 = arith.addi %add3A_341, %add3A_342 : i32
      %swap3A_344 = arith.index_cast %add3A_343 : i32 to index
      %swap3A_345 = tpu.vector_load %arg8[%swap3A_344] {strides = array<i32>} : memref<6272xi32, #tpu.memory_space<vmem>>, vector<16xi32>,
      %swap3A_346 = vector.shape_cast %swap3A_345 : vector<16xi32> to vector<16xi32>
      %swap3A_347 = vector.shape_cast %add3A_335 : vector<16xi32> to vector<16xi32>
      tpu.vector_store %arg8[%swap3A_344], %swap3A_347 {strides = array<i32>} : memref<6272xi32, #tpu.memory_space<vmem>>, vector<16xi32>,
      %mul3A_348 = arith.constant 64 : i32
      %mul3A_349 = arith.muli %add3A_155, %mul3A_348 : i32
      %add3A_350 = arith.constant 48 : i32
      %add3A_351 = arith.addi %mul3A_349, %add3A_350 : i32
      %add3A_352 = arith.constant 3136 : i32
      %add3A_353 = arith.addi %add3A_352, %add3A_351 : i32
      %get3A_354 = arith.index_cast %add3A_353 : i32 to index
      %get3A_355 = tpu.vector_load %arg7[%get3A_354] {strides = array<i32>} : memref<12544xi32, #tpu.memory_space<vmem>>, vector<16xi32>,
      %get3A_356 = vector.shape_cast %get3A_355 : vector<16xi32> to vector<16xi32>
      %add3A_357 = arith.constant 9408 : i32
      %add3A_358 = arith.addi %add3A_357, %add3A_351 : i32
      %get3A_359 = arith.index_cast %add3A_358 : i32 to index
      %get3A_360 = tpu.vector_load %arg7[%get3A_359] {strides = array<i32>} : memref<12544xi32, #tpu.memory_space<vmem>>, vector<16xi32>,
      %get3A_361 = vector.shape_cast %get3A_360 : vector<16xi32> to vector<16xi32>
      %add3A_362 = arith.addi %get3A_356, %get3A_361 : vector<16xi32>
      %add3A_363 = arith.addi %add3A_362, %get3A_2 : vector<16xi32>
      %max3A_364 = arith.constant 0 : i32
      %max3A_365 = vector.broadcast %max3A_364 : i32 to vector<16xi32>
      %max3A_366 = arith.maxsi %add3A_363, %max3A_365 : vector<16xi32>
      %min3A_367 = arith.constant 512 : i32
      %min3A_368 = vector.broadcast %min3A_367 : i32 to vector<16xi32>
      %min3A_369 = arith.minsi %max3A_366, %min3A_368 : vector<16xi32>
      %mul3A_370 = arith.constant 2 : i32
      %mul3A_371 = arith.muli %add3A_155, %mul3A_370 : i32
      %mul3A_372 = arith.constant 64 : i32
      %mul3A_373 = arith.muli %mul3A_371, %mul3A_372 : i32
      %add3A_374 = arith.constant 48 : i32
      %add3A_375 = arith.addi %mul3A_373, %add3A_374 : i32
      %swap3A_376 = arith.index_cast %add3A_375 : i32 to index
      %swap3A_377 = tpu.vector_load %arg8[%swap3A_376] {strides = array<i32>} : memref<6272xi32, #tpu.memory_space<vmem>>, vector<16xi32>,
      %swap3A_378 = vector.shape_cast %swap3A_377 : vector<16xi32> to vector<16xi32>
      %swap3A_379 = vector.shape_cast %min3A_369 : vector<16xi32> to vector<16xi32>
      tpu.vector_store %arg8[%swap3A_376], %swap3A_379 {strides = array<i32>} : memref<6272xi32, #tpu.memory_space<vmem>>, vector<16xi32>,
      %add3A_380 = arith.constant 0 : i32
      %add3A_381 = arith.addi %add3A_380, %add3A_351 : i32
      %get3A_382 = arith.index_cast %add3A_381 : i32 to index
      %get3A_383 = tpu.vector_load %arg7[%get3A_382] {strides = array<i32>} : memref<12544xi32, #tpu.memory_space<vmem>>, vector<16xi32>,
      %get3A_384 = vector.shape_cast %get3A_383 : vector<16xi32> to vector<16xi32>
      %add3A_385 = arith.constant 6272 : i32
      %add3A_386 = arith.addi %add3A_385, %add3A_351 : i32
      %get3A_387 = arith.index_cast %add3A_386 : i32 to index
      %get3A_388 = tpu.vector_load %arg7[%get3A_387] {strides = array<i32>} : memref<12544xi32, #tpu.memory_space<vmem>>, vector<16xi32>,
      %get3A_389 = vector.shape_cast %get3A_388 : vector<16xi32> to vector<16xi32>
      %add3A_390 = arith.addi %get3A_384, %get3A_389 : vector<16xi32>
      %add3A_391 = arith.addi %add3A_390, %get3A_2 : vector<16xi32>
      %max3A_392 = arith.constant 0 : i32
      %max3A_393 = vector.broadcast %max3A_392 : i32 to vector<16xi32>
      %max3A_394 = arith.maxsi %add3A_391, %max3A_393 : vector<16xi32>
      %min3A_395 = arith.constant 512 : i32
      %min3A_396 = vector.broadcast %min3A_395 : i32 to vector<16xi32>
      %min3A_397 = arith.minsi %max3A_394, %min3A_396 : vector<16xi32>
      %add3A_398 = arith.constant 520 : i32
      %add3A_399 = vector.broadcast %add3A_398 : i32 to vector<16xi32>
      %add3A_400 = arith.addi %min3A_397, %add3A_399 : vector<16xi32>
      %mul3A_401 = arith.constant 2 : i32
      %mul3A_402 = arith.muli %add3A_155, %mul3A_401 : i32
      %mul3A_403 = arith.constant 64 : i32
      %mul3A_404 = arith.muli %mul3A_402, %mul3A_403 : i32
      %add3A_405 = arith.constant 64 : i32
      %add3A_406 = arith.addi %mul3A_404, %add3A_405 : i32
      %add3A_407 = arith.constant 48 : i32
      %add3A_408 = arith.addi %add3A_406, %add3A_407 : i32
      %swap3A_409 = arith.index_cast %add3A_408 : i32 to index
      %swap3A_410 = tpu.vector_load %arg8[%swap3A_409] {strides = array<i32>} : memref<6272xi32, #tpu.memory_space<vmem>>, vector<16xi32>,
      %swap3A_411 = vector.shape_cast %swap3A_410 : vector<16xi32> to vector<16xi32>
      %swap3A_412 = vector.shape_cast %add3A_400 : vector<16xi32> to vector<16xi32>
      tpu.vector_store %arg8[%swap3A_409], %swap3A_412 {strides = array<i32>} : memref<6272xi32, #tpu.memory_space<vmem>>, vector<16xi32>,
    }
    %scan3A_86 = arith.constant 49 : i32
    %barrier3A = arith.constant 0 : index
    tpu.barrier barrier_id(%barrier3A)
    %scan3A_87 = arith.constant 0 : i32
    %scan3A_88 = arith.constant 9 : i32
    %scan3A_89 = arith.addi %scan3A_87, %scan3A_88 : i32
    %scan3A_90 = arith.constant 1 : i32
    scf.for %scan3A_151 = %scan3A_87 to %scan3A_89 step %scan3A_90  : i32 {
      %mul3A_152 = arith.constant 6 : i32
      %mul3A_153 = arith.muli %scan3A_151, %mul3A_152 : i32
      %add3A_154 = arith.constant 0 : i32
      %add3A_155 = arith.addi %add3A_154, %mul3A_153 : i32
      %add3A_156 = arith.constant 0 : i32
      %add3A_157 = arith.addi %add3A_155, %add3A_156 : i32
      %lt3A_158 = arith.constant 49 : i32
      %lt3A_159 = arith.cmpi slt, %add3A_157, %lt3A_158 : i32
      %convert_element_type3A_160 = arith.extui %lt3A_159 : i1 to i32
      %cond3A_161 = arith.constant 0 : i32
      %cond3A_162 = arith.cmpi ne, %convert_element_type3A_160, %cond3A_161 : i32
      scf.if %cond3A_162 {
        %ge3A_255 = arith.constant 6 : i32
        %ge3A_256 = arith.cmpi sge, %add3A_157, %ge3A_255 : i32
        %convert_element_type3A_257 = arith.extui %ge3A_256 : i1 to i32
        %cond3A_258 = arith.constant 0 : i32
        %cond3A_259 = arith.cmpi ne, %convert_element_type3A_257, %cond3A_258 : i32
        scf.if %cond3A_259 {
          %dma_wait3A_269 = arith.constant 0 : i32
          %dma_wait3A_270 = arith.constant 0 : i32
          %dma_wait3A_271 = tpu.memref_slice %arg9[%dma_wait3A_269, %dma_wait3A_270] : memref<128x128xf32, #tpu.memory_space<vmem>> -> memref<32x128xf32, #tpu.memory_space<vmem>>
          %dma_wait3A_272 = arith.constant 0 : i32
          %dma_wait3A_273 = arith.constant 0 : i32
          %dma_wait3A_274 = tpu.memref_slice %arg6[%dma_wait3A_272, %dma_wait3A_273] : memref<100000x128xf32, #tpu.memory_space<hbm>> -> memref<32x128xf32, #tpu.memory_space<hbm>>
          %dma_wait3A_275 = arith.constant 0 : i32
          %dma_wait3A_276 = arith.constant 0 : i32
          %dma_wait3A_277 = tpu.memref_slice %arg6[%dma_wait3A_275, %dma_wait3A_276] : memref<100000x128xf32, #tpu.memory_space<hbm>> -> memref<32x128xf32, #tpu.memory_space<hbm>>
          %dma_wait3A_278 = arith.constant 0 : i32
          %dma_wait3A_279 = arith.constant 0 : i32
          %dma_wait3A_280 = tpu.memref_slice %arg9[%dma_wait3A_278, %dma_wait3A_279] : memref<128x128xf32, #tpu.memory_space<vmem>> -> memref<32x128xf32, #tpu.memory_space<vmem>>
          tpu.wait_dma2 semaphore(%arg24 : memref<!tpu.dma_semaphore, #tpu.memory_space<semaphore_mem>>) src(%dma_wait3A_280 : memref<32x128xf32, #tpu.memory_space<vmem>>) dst(%dma_wait3A_277 : memref<32x128xf32, #tpu.memory_space<hbm>>)
          %dma_wait3A_281 = arith.constant 0 : i32
          %dma_wait3A_282 = arith.constant 0 : i32
          %dma_wait3A_283 = tpu.memref_slice %arg9[%dma_wait3A_281, %dma_wait3A_282] : memref<128x128xf32, #tpu.memory_space<vmem>> -> memref<32x128xf32, #tpu.memory_space<vmem>>
          %dma_wait3A_284 = arith.constant 0 : i32
          %dma_wait3A_285 = arith.constant 0 : i32
          %dma_wait3A_286 = tpu.memref_slice %arg6[%dma_wait3A_284, %dma_wait3A_285] : memref<100000x128xf32, #tpu.memory_space<hbm>> -> memref<32x128xf32, #tpu.memory_space<hbm>>
          %dma_wait3A_287 = arith.constant 0 : i32
          %dma_wait3A_288 = arith.constant 0 : i32
          %dma_wait3A_289 = tpu.memref_slice %arg6[%dma_wait3A_287, %dma_wait3A_288] : memref<100000x128xf32, #tpu.memory_space<hbm>> -> memref<32x128xf32, #tpu.memory_space<hbm>>
          %dma_wait3A_290 = arith.constant 0 : i32
          %dma_wait3A_291 = arith.constant 0 : i32
          %dma_wait3A_292 = tpu.memref_slice %arg9[%dma_wait3A_290, %dma_wait3A_291] : memref<128x128xf32, #tpu.memory_space<vmem>> -> memref<32x128xf32, #tpu.memory_space<vmem>>
          tpu.wait_dma2 semaphore(%arg24 : memref<!tpu.dma_semaphore, #tpu.memory_space<semaphore_mem>>) src(%dma_wait3A_292 : memref<32x128xf32, #tpu.memory_space<vmem>>) dst(%dma_wait3A_289 : memref<32x128xf32, #tpu.memory_space<hbm>>)
        } else {
        }
        %mul3A_260 = arith.constant 2 : i32
        %mul3A_261 = arith.muli %add3A_157, %mul3A_260 : i32
        %mul3A_262 = arith.constant 64 : i32
        %mul3A_263 = arith.muli %mul3A_261, %mul3A_262 : i32
        %multiple_of3A_264 = tpu.assume_multiple %mul3A_263, 128 : i32
        %dma_start3A_265 = tpu.memref_slice %arg8[%multiple_of3A_264] : memref<6272xi32, #tpu.memory_space<vmem>> -> memref<128xi32, #tpu.memory_space<vmem>>
        %dma_start3A_266 = arith.constant 0 : i32
        %dma_start3A_267 = arith.constant 0 : i32
        %dma_start3A_268 = tpu.memref_slice %arg16[%dma_start3A_266, %dma_start3A_267] : memref<1040x128xf32, #tpu.memory_space<vmem_shared>> -> memref<1040x128xf32, #tpu.memory_space<vmem_shared>>
        tpu.enqueue_indirect_dma source(%dma_start3A_268 : memref<1040x128xf32, #tpu.memory_space<vmem_shared>>) target(%arg9 : memref<128x128xf32, #tpu.memory_space<vmem>>) offsets(%dma_start3A_265 : memref<128xi32, #tpu.memory_space<vmem>>) semaphore(%arg18 : memref<!tpu.dma_semaphore, #tpu.memory_space<semaphore_mem>>)
      } else {
      }
      %sub3A = arith.constant 5 : i32
      %sub3A_163 = arith.subi %add3A_157, %sub3A : i32
      %ge3A = arith.constant 0 : i32
      %ge3A_164 = arith.cmpi sge, %sub3A_163, %ge3A : i32
      %lt3A_165 = arith.constant 49 : i32
      %lt3A_166 = arith.cmpi slt, %sub3A_163, %lt3A_165 : i32
      %and3A = arith.andi %ge3A_164, %lt3A_166 : i1
      %convert_element_type3A_167 = arith.extui %and3A : i1 to i32
      %cond3A_168 = arith.constant 0 : i32
      %cond3A_169 = arith.cmpi ne, %convert_element_type3A_167, %cond3A_168 : i32
      scf.if %cond3A_169 {
        %mul3A_255 = arith.constant 3136 : i32
        %mul3A_256 = arith.muli %add3A, %mul3A_255 : i32
        %mul3A_257 = arith.constant 64 : i32
        %mul3A_258 = arith.muli %sub3A_163, %mul3A_257 : i32
        %add3A_259 = arith.addi %mul3A_256, %mul3A_258 : i32
        %dma_wait3A_260 = arith.constant 0 : i32
        %dma_wait3A_261 = tpu.memref_slice %arg8[%dma_wait3A_260] : memref<6272xi32, #tpu.memory_space<vmem>> -> memref<128xi32, #tpu.memory_space<vmem>>
        %dma_wait3A_262 = arith.constant 0 : i32
        %dma_wait3A_263 = arith.constant 0 : i32
        %dma_wait3A_264 = tpu.memref_slice %arg16[%dma_wait3A_262, %dma_wait3A_263] : memref<1040x128xf32, #tpu.memory_space<vmem_shared>> -> memref<1040x128xf32, #tpu.memory_space<vmem_shared>>
        tpu.wait_indirect_dma semaphore(%arg19 : memref<!tpu.dma_semaphore, #tpu.memory_space<semaphore_mem>>) src(%dma_wait3A_264 : memref<1040x128xf32, #tpu.memory_space<vmem_shared>>) dst(%arg10 : memref<128x128xf32, #tpu.memory_space<vmem>>)
        %scan3A_265 = arith.constant 0 : i32
        %scan3A_266 = arith.constant 32 : i32
        %scan3A_267 = arith.addi %scan3A_265, %scan3A_266 : i32
        %scan3A_268 = arith.constant 1 : i32
        scf.for %scan3A_288 = %scan3A_265 to %scan3A_267 step %scan3A_268  : i32 {
          %mul3A_289 = arith.constant 1 : i32
          %mul3A_290 = arith.muli %scan3A_288, %mul3A_289 : i32
          %add3A_291 = arith.constant 0 : i32
          %add3A_292 = arith.addi %add3A_291, %mul3A_290 : i32
          %get3A_293 = arith.index_cast %add3A_292 : i32 to index
          %get3A_294 = arith.constant 0 : index
          %get3A_295 = tpu.vector_load %arg10[%get3A_293, %get3A_294] {strides = array<i32>} : memref<128x128xf32, #tpu.memory_space<vmem>>, vector<1x16xf32>,
          %get3A_296 = vector.shape_cast %get3A_295 : vector<1x16xf32> to vector<16xf32>
          %add3A_297 = arith.constant 64 : i32
          %add3A_298 = arith.addi %add3A_297, %add3A_292 : i32
          %get3A_299 = arith.index_cast %add3A_298 : i32 to index
          %get3A_300 = arith.constant 0 : index
          %get3A_301 = tpu.vector_load %arg10[%get3A_299, %get3A_300] {strides = array<i32>} : memref<128x128xf32, #tpu.memory_space<vmem>>, vector<1x16xf32>,
          %get3A_302 = vector.shape_cast %get3A_301 : vector<1x16xf32> to vector<16xf32>
          %add3A_303 = arith.addf %get3A_296, %get3A_302 : vector<16xf32>
          %swap3A = arith.index_cast %add3A_292 : i32 to index
          %swap3A_304 = arith.constant 0 : index
          %swap3A_305 = tpu.vector_load %arg10[%swap3A, %swap3A_304] {strides = array<i32>} : memref<128x128xf32, #tpu.memory_space<vmem>>, vector<1x16xf32>,
          %swap3A_306 = vector.shape_cast %swap3A_305 : vector<1x16xf32> to vector<16xf32>
          %swap3A_307 = vector.shape_cast %add3A_303 : vector<16xf32> to vector<1x16xf32>
          tpu.vector_store %arg10[%swap3A, %swap3A_304], %swap3A_307 {strides = array<i32>} : memref<128x128xf32, #tpu.memory_space<vmem>>, vector<1x16xf32>,
          %get3A_308 = arith.index_cast %add3A_292 : i32 to index
          %get3A_309 = arith.constant 16 : index
          %get3A_310 = tpu.vector_load %arg10[%get3A_308, %get3A_309] {strides = array<i32>} : memref<128x128xf32, #tpu.memory_space<vmem>>, vector<1x16xf32>,
          %get3A_311 = vector.shape_cast %get3A_310 : vector<1x16xf32> to vector<16xf32>
          %add3A_312 = arith.constant 64 : i32
          %add3A_313 = arith.addi %add3A_312, %add3A_292 : i32
          %get3A_314 = arith.index_cast %add3A_313 : i32 to index
          %get3A_315 = arith.constant 16 : index
          %get3A_316 = tpu.vector_load %arg10[%get3A_314, %get3A_315] {strides = array<i32>} : memref<128x128xf32, #tpu.memory_space<vmem>>, vector<1x16xf32>,
          %get3A_317 = vector.shape_cast %get3A_316 : vector<1x16xf32> to vector<16xf32>
          %add3A_318 = arith.addf %get3A_311, %get3A_317 : vector<16xf32>
          %swap3A_319 = arith.index_cast %add3A_292 : i32 to index
          %swap3A_320 = arith.constant 16 : index
          %swap3A_321 = tpu.vector_load %arg10[%swap3A_319, %swap3A_320] {strides = array<i32>} : memref<128x128xf32, #tpu.memory_space<vmem>>, vector<1x16xf32>,
          %swap3A_322 = vector.shape_cast %swap3A_321 : vector<1x16xf32> to vector<16xf32>
          %swap3A_323 = vector.shape_cast %add3A_318 : vector<16xf32> to vector<1x16xf32>
          tpu.vector_store %arg10[%swap3A_319, %swap3A_320], %swap3A_323 {strides = array<i32>} : memref<128x128xf32, #tpu.memory_space<vmem>>, vector<1x16xf32>,
          %get3A_324 = arith.index_cast %add3A_292 : i32 to index
          %get3A_325 = arith.constant 32 : index
          %get3A_326 = tpu.vector_load %arg10[%get3A_324, %get3A_325] {strides = array<i32>} : memref<128x128xf32, #tpu.memory_space<vmem>>, vector<1x16xf32>,
          %get3A_327 = vector.shape_cast %get3A_326 : vector<1x16xf32> to vector<16xf32>
          %add3A_328 = arith.constant 64 : i32
          %add3A_329 = arith.addi %add3A_328, %add3A_292 : i32
          %get3A_330 = arith.index_cast %add3A_329 : i32 to index
          %get3A_331 = arith.constant 32 : index
          %get3A_332 = tpu.vector_load %arg10[%get3A_330, %get3A_331] {strides = array<i32>} : memref<128x128xf32, #tpu.memory_space<vmem>>, vector<1x16xf32>,
          %get3A_333 = vector.shape_cast %get3A_332 : vector<1x16xf32> to vector<16xf32>
          %add3A_334 = arith.addf %get3A_327, %get3A_333 : vector<16xf32>
          %swap3A_335 = arith.index_cast %add3A_292 : i32 to index
          %swap3A_336 = arith.constant 32 : index
          %swap3A_337 = tpu.vector_load %arg10[%swap3A_335, %swap3A_336] {strides = array<i32>} : memref<128x128xf32, #tpu.memory_space<vmem>>, vector<1x16xf32>,
          %swap3A_338 = vector.shape_cast %swap3A_337 : vector<1x16xf32> to vector<16xf32>
          %swap3A_339 = vector.shape_cast %add3A_334 : vector<16xf32> to vector<1x16xf32>
          tpu.vector_store %arg10[%swap3A_335, %swap3A_336], %swap3A_339 {strides = array<i32>} : memref<128x128xf32, #tpu.memory_space<vmem>>, vector<1x16xf32>,
          %get3A_340 = arith.index_cast %add3A_292 : i32 to index
          %get3A_341 = arith.constant 48 : index
          %get3A_342 = tpu.vector_load %arg10[%get3A_340, %get3A_341] {strides = array<i32>} : memref<128x128xf32, #tpu.memory_space<vmem>>, vector<1x16xf32>,
          %get3A_343 = vector.shape_cast %get3A_342 : vector<1x16xf32> to vector<16xf32>
          %add3A_344 = arith.constant 64 : i32
          %add3A_345 = arith.addi %add3A_344, %add3A_292 : i32
          %get3A_346 = arith.index_cast %add3A_345 : i32 to index
          %get3A_347 = arith.constant 48 : index
          %get3A_348 = tpu.vector_load %arg10[%get3A_346, %get3A_347] {strides = array<i32>} : memref<128x128xf32, #tpu.memory_space<vmem>>, vector<1x16xf32>,
          %get3A_349 = vector.shape_cast %get3A_348 : vector<1x16xf32> to vector<16xf32>
          %add3A_350 = arith.addf %get3A_343, %get3A_349 : vector<16xf32>
          %swap3A_351 = arith.index_cast %add3A_292 : i32 to index
          %swap3A_352 = arith.constant 48 : index
          %swap3A_353 = tpu.vector_load %arg10[%swap3A_351, %swap3A_352] {strides = array<i32>} : memref<128x128xf32, #tpu.memory_space<vmem>>, vector<1x16xf32>,
          %swap3A_354 = vector.shape_cast %swap3A_353 : vector<1x16xf32> to vector<16xf32>
          %swap3A_355 = vector.shape_cast %add3A_350 : vector<16xf32> to vector<1x16xf32>
          tpu.vector_store %arg10[%swap3A_351, %swap3A_352], %swap3A_355 {strides = array<i32>} : memref<128x128xf32, #tpu.memory_space<vmem>>, vector<1x16xf32>,
          %get3A_356 = arith.index_cast %add3A_292 : i32 to index
          %get3A_357 = arith.constant 64 : index
          %get3A_358 = tpu.vector_load %arg10[%get3A_356, %get3A_357] {strides = array<i32>} : memref<128x128xf32, #tpu.memory_space<vmem>>, vector<1x16xf32>,
          %get3A_359 = vector.shape_cast %get3A_358 : vector<1x16xf32> to vector<16xf32>
          %add3A_360 = arith.constant 64 : i32
          %add3A_361 = arith.addi %add3A_360, %add3A_292 : i32
          %get3A_362 = arith.index_cast %add3A_361 : i32 to index
          %get3A_363 = arith.constant 64 : index
          %get3A_364 = tpu.vector_load %arg10[%get3A_362, %get3A_363] {strides = array<i32>} : memref<128x128xf32, #tpu.memory_space<vmem>>, vector<1x16xf32>,
          %get3A_365 = vector.shape_cast %get3A_364 : vector<1x16xf32> to vector<16xf32>
          %add3A_366 = arith.addf %get3A_359, %get3A_365 : vector<16xf32>
          %swap3A_367 = arith.index_cast %add3A_292 : i32 to index
          %swap3A_368 = arith.constant 64 : index
          %swap3A_369 = tpu.vector_load %arg10[%swap3A_367, %swap3A_368] {strides = array<i32>} : memref<128x128xf32, #tpu.memory_space<vmem>>, vector<1x16xf32>,
          %swap3A_370 = vector.shape_cast %swap3A_369 : vector<1x16xf32> to vector<16xf32>
          %swap3A_371 = vector.shape_cast %add3A_366 : vector<16xf32> to vector<1x16xf32>
          tpu.vector_store %arg10[%swap3A_367, %swap3A_368], %swap3A_371 {strides = array<i32>} : memref<128x128xf32, #tpu.memory_space<vmem>>, vector<1x16xf32>,
          %get3A_372 = arith.index_cast %add3A_292 : i32 to index
          %get3A_373 = arith.constant 80 : index
          %get3A_374 = tpu.vector_load %arg10[%get3A_372, %get3A_373] {strides = array<i32>} : memref<128x128xf32, #tpu.memory_space<vmem>>, vector<1x16xf32>,
          %get3A_375 = vector.shape_cast %get3A_374 : vector<1x16xf32> to vector<16xf32>
          %add3A_376 = arith.constant 64 : i32
          %add3A_377 = arith.addi %add3A_376, %add3A_292 : i32
          %get3A_378 = arith.index_cast %add3A_377 : i32 to index
          %get3A_379 = arith.constant 80 : index
          %get3A_380 = tpu.vector_load %arg10[%get3A_378, %get3A_379] {strides = array<i32>} : memref<128x128xf32, #tpu.memory_space<vmem>>, vector<1x16xf32>,
          %get3A_381 = vector.shape_cast %get3A_380 : vector<1x16xf32> to vector<16xf32>
          %add3A_382 = arith.addf %get3A_375, %get3A_381 : vector<16xf32>
          %swap3A_383 = arith.index_cast %add3A_292 : i32 to index
          %swap3A_384 = arith.constant 80 : index
          %swap3A_385 = tpu.vector_load %arg10[%swap3A_383, %swap3A_384] {strides = array<i32>} : memref<128x128xf32, #tpu.memory_space<vmem>>, vector<1x16xf32>,
          %swap3A_386 = vector.shape_cast %swap3A_385 : vector<1x16xf32> to vector<16xf32>
          %swap3A_387 = vector.shape_cast %add3A_382 : vector<16xf32> to vector<1x16xf32>
          tpu.vector_store %arg10[%swap3A_383, %swap3A_384], %swap3A_387 {strides = array<i32>} : memref<128x128xf32, #tpu.memory_space<vmem>>, vector<1x16xf32>,
          %get3A_388 = arith.index_cast %add3A_292 : i32 to index
          %get3A_389 = arith.constant 96 : index
          %get3A_390 = tpu.vector_load %arg10[%get3A_388, %get3A_389] {strides = array<i32>} : memref<128x128xf32, #tpu.memory_space<vmem>>, vector<1x16xf32>,
          %get3A_391 = vector.shape_cast %get3A_390 : vector<1x16xf32> to vector<16xf32>
          %add3A_392 = arith.constant 64 : i32
          %add3A_393 = arith.addi %add3A_392, %add3A_292 : i32
          %get3A_394 = arith.index_cast %add3A_393 : i32 to index
          %get3A_395 = arith.constant 96 : index
          %get3A_396 = tpu.vector_load %arg10[%get3A_394, %get3A_395] {strides = array<i32>} : memref<128x128xf32, #tpu.memory_space<vmem>>, vector<1x16xf32>,
          %get3A_397 = vector.shape_cast %get3A_396 : vector<1x16xf32> to vector<16xf32>
          %add3A_398 = arith.addf %get3A_391, %get3A_397 : vector<16xf32>
          %swap3A_399 = arith.index_cast %add3A_292 : i32 to index
          %swap3A_400 = arith.constant 96 : index
          %swap3A_401 = tpu.vector_load %arg10[%swap3A_399, %swap3A_400] {strides = array<i32>} : memref<128x128xf32, #tpu.memory_space<vmem>>, vector<1x16xf32>,
          %swap3A_402 = vector.shape_cast %swap3A_401 : vector<1x16xf32> to vector<16xf32>
          %swap3A_403 = vector.shape_cast %add3A_398 : vector<16xf32> to vector<1x16xf32>
          tpu.vector_store %arg10[%swap3A_399, %swap3A_400], %swap3A_403 {strides = array<i32>} : memref<128x128xf32, #tpu.memory_space<vmem>>, vector<1x16xf32>,
          %get3A_404 = arith.index_cast %add3A_292 : i32 to index
          %get3A_405 = arith.constant 112 : index
          %get3A_406 = tpu.vector_load %arg10[%get3A_404, %get3A_405] {strides = array<i32>} : memref<128x128xf32, #tpu.memory_space<vmem>>, vector<1x16xf32>,
          %get3A_407 = vector.shape_cast %get3A_406 : vector<1x16xf32> to vector<16xf32>
          %add3A_408 = arith.constant 64 : i32
          %add3A_409 = arith.addi %add3A_408, %add3A_292 : i32
          %get3A_410 = arith.index_cast %add3A_409 : i32 to index
          %get3A_411 = arith.constant 112 : index
          %get3A_412 = tpu.vector_load %arg10[%get3A_410, %get3A_411] {strides = array<i32>} : memref<128x128xf32, #tpu.memory_space<vmem>>, vector<1x16xf32>,
          %get3A_413 = vector.shape_cast %get3A_412 : vector<1x16xf32> to vector<16xf32>
          %add3A_414 = arith.addf %get3A_407, %get3A_413 : vector<16xf32>
          %swap3A_415 = arith.index_cast %add3A_292 : i32 to index
          %swap3A_416 = arith.constant 112 : index
          %swap3A_417 = tpu.vector_load %arg10[%swap3A_415, %swap3A_416] {strides = array<i32>} : memref<128x128xf32, #tpu.memory_space<vmem>>, vector<1x16xf32>,
          %swap3A_418 = vector.shape_cast %swap3A_417 : vector<1x16xf32> to vector<16xf32>
          %swap3A_419 = vector.shape_cast %add3A_414 : vector<16xf32> to vector<1x16xf32>
          tpu.vector_store %arg10[%swap3A_415, %swap3A_416], %swap3A_419 {strides = array<i32>} : memref<128x128xf32, #tpu.memory_space<vmem>>, vector<1x16xf32>,
        }
        %scan3A_269 = arith.constant 32 : i32
        %add3A_270 = arith.constant 32 : i32
        %add3A_271 = arith.addi %add3A_259, %add3A_270 : i32
        %le3A = arith.constant 100000 : i32
        %le3A_272 = arith.cmpi sle, %add3A_271, %le3A : i32
        %convert_element_type3A_273 = arith.extui %le3A_272 : i1 to i32
        %cond3A_274 = arith.constant 0 : i32
        %cond3A_275 = arith.cmpi ne, %convert_element_type3A_273, %cond3A_274 : i32
        scf.if %cond3A_275 {
          %add3A_288 = arith.constant 0 : i32
          %add3A_289 = arith.addi %add3A_259, %add3A_288 : i32
          %multiple_of3A_290 = tpu.assume_multiple %add3A_289, 32 : i32
          %dma_start3A_291 = arith.constant 0 : i32
          %dma_start3A_292 = arith.constant 0 : i32
          %dma_start3A_293 = tpu.memref_slice %arg10[%dma_start3A_291, %dma_start3A_292] : memref<128x128xf32, #tpu.memory_space<vmem>> -> memref<32x128xf32, #tpu.memory_space<vmem>>
          %dma_start3A_294 = arith.constant 0 : i32
          %dma_start3A_295 = tpu.memref_slice %arg6[%multiple_of3A_290, %dma_start3A_294] : memref<100000x128xf32, #tpu.memory_space<hbm>> -> memref<32x128xf32, #tpu.memory_space<hbm>>
          %dma_start3A_296 = arith.constant 0 : i32
          %dma_start3A_297 = tpu.memref_slice %arg6[%multiple_of3A_290, %dma_start3A_296] : memref<100000x128xf32, #tpu.memory_space<hbm>> -> memref<32x128xf32, #tpu.memory_space<hbm>>
          %dma_start3A_298 = arith.constant 0 : i32
          %dma_start3A_299 = arith.constant 0 : i32
          %dma_start3A_300 = tpu.memref_slice %arg10[%dma_start3A_298, %dma_start3A_299] : memref<128x128xf32, #tpu.memory_space<vmem>> -> memref<32x128xf32, #tpu.memory_space<vmem>>
          tpu.enqueue_dma source(%dma_start3A_300 : memref<32x128xf32, #tpu.memory_space<vmem>>) target(%dma_start3A_297 : memref<32x128xf32, #tpu.memory_space<hbm>>) target_semaphore(%arg25 : memref<!tpu.dma_semaphore, #tpu.memory_space<semaphore_mem>>)
        } else {
        }
        %scan3A_276 = arith.constant 0 : i32
        %scan3A_277 = arith.constant 32 : i32
        %scan3A_278 = arith.addi %scan3A_276, %scan3A_277 : i32
        %scan3A_279 = arith.constant 1 : i32
        scf.for %scan3A_288 = %scan3A_276 to %scan3A_278 step %scan3A_279  : i32 {
          %mul3A_289 = arith.constant 1 : i32
          %mul3A_290 = arith.muli %scan3A_288, %mul3A_289 : i32
          %add3A_291 = arith.constant 32 : i32
          %add3A_292 = arith.addi %add3A_291, %mul3A_290 : i32
          %get3A_293 = arith.index_cast %add3A_292 : i32 to index
          %get3A_294 = arith.constant 0 : index
          %get3A_295 = tpu.vector_load %arg10[%get3A_293, %get3A_294] {strides = array<i32>} : memref<128x128xf32, #tpu.memory_space<vmem>>, vector<1x16xf32>,
          %get3A_296 = vector.shape_cast %get3A_295 : vector<1x16xf32> to vector<16xf32>
          %add3A_297 = arith.constant 64 : i32
          %add3A_298 = arith.addi %add3A_297, %add3A_292 : i32
          %get3A_299 = arith.index_cast %add3A_298 : i32 to index
          %get3A_300 = arith.constant 0 : index
          %get3A_301 = tpu.vector_load %arg10[%get3A_299, %get3A_300] {strides = array<i32>} : memref<128x128xf32, #tpu.memory_space<vmem>>, vector<1x16xf32>,
          %get3A_302 = vector.shape_cast %get3A_301 : vector<1x16xf32> to vector<16xf32>
          %add3A_303 = arith.addf %get3A_296, %get3A_302 : vector<16xf32>
          %swap3A = arith.index_cast %add3A_292 : i32 to index
          %swap3A_304 = arith.constant 0 : index
          %swap3A_305 = tpu.vector_load %arg10[%swap3A, %swap3A_304] {strides = array<i32>} : memref<128x128xf32, #tpu.memory_space<vmem>>, vector<1x16xf32>,
          %swap3A_306 = vector.shape_cast %swap3A_305 : vector<1x16xf32> to vector<16xf32>
          %swap3A_307 = vector.shape_cast %add3A_303 : vector<16xf32> to vector<1x16xf32>
          tpu.vector_store %arg10[%swap3A, %swap3A_304], %swap3A_307 {strides = array<i32>} : memref<128x128xf32, #tpu.memory_space<vmem>>, vector<1x16xf32>,
          %get3A_308 = arith.index_cast %add3A_292 : i32 to index
          %get3A_309 = arith.constant 16 : index
          %get3A_310 = tpu.vector_load %arg10[%get3A_308, %get3A_309] {strides = array<i32>} : memref<128x128xf32, #tpu.memory_space<vmem>>, vector<1x16xf32>,
          %get3A_311 = vector.shape_cast %get3A_310 : vector<1x16xf32> to vector<16xf32>
          %add3A_312 = arith.constant 64 : i32
          %add3A_313 = arith.addi %add3A_312, %add3A_292 : i32
          %get3A_314 = arith.index_cast %add3A_313 : i32 to index
          %get3A_315 = arith.constant 16 : index
          %get3A_316 = tpu.vector_load %arg10[%get3A_314, %get3A_315] {strides = array<i32>} : memref<128x128xf32, #tpu.memory_space<vmem>>, vector<1x16xf32>,
          %get3A_317 = vector.shape_cast %get3A_316 : vector<1x16xf32> to vector<16xf32>
          %add3A_318 = arith.addf %get3A_311, %get3A_317 : vector<16xf32>
          %swap3A_319 = arith.index_cast %add3A_292 : i32 to index
          %swap3A_320 = arith.constant 16 : index
          %swap3A_321 = tpu.vector_load %arg10[%swap3A_319, %swap3A_320] {strides = array<i32>} : memref<128x128xf32, #tpu.memory_space<vmem>>, vector<1x16xf32>,
          %swap3A_322 = vector.shape_cast %swap3A_321 : vector<1x16xf32> to vector<16xf32>
          %swap3A_323 = vector.shape_cast %add3A_318 : vector<16xf32> to vector<1x16xf32>
          tpu.vector_store %arg10[%swap3A_319, %swap3A_320], %swap3A_323 {strides = array<i32>} : memref<128x128xf32, #tpu.memory_space<vmem>>, vector<1x16xf32>,
          %get3A_324 = arith.index_cast %add3A_292 : i32 to index
          %get3A_325 = arith.constant 32 : index
          %get3A_326 = tpu.vector_load %arg10[%get3A_324, %get3A_325] {strides = array<i32>} : memref<128x128xf32, #tpu.memory_space<vmem>>, vector<1x16xf32>,
          %get3A_327 = vector.shape_cast %get3A_326 : vector<1x16xf32> to vector<16xf32>
          %add3A_328 = arith.constant 64 : i32
          %add3A_329 = arith.addi %add3A_328, %add3A_292 : i32
          %get3A_330 = arith.index_cast %add3A_329 : i32 to index
          %get3A_331 = arith.constant 32 : index
          %get3A_332 = tpu.vector_load %arg10[%get3A_330, %get3A_331] {strides = array<i32>} : memref<128x128xf32, #tpu.memory_space<vmem>>, vector<1x16xf32>,
          %get3A_333 = vector.shape_cast %get3A_332 : vector<1x16xf32> to vector<16xf32>
          %add3A_334 = arith.addf %get3A_327, %get3A_333 : vector<16xf32>
          %swap3A_335 = arith.index_cast %add3A_292 : i32 to index
          %swap3A_336 = arith.constant 32 : index
          %swap3A_337 = tpu.vector_load %arg10[%swap3A_335, %swap3A_336] {strides = array<i32>} : memref<128x128xf32, #tpu.memory_space<vmem>>, vector<1x16xf32>,
          %swap3A_338 = vector.shape_cast %swap3A_337 : vector<1x16xf32> to vector<16xf32>
          %swap3A_339 = vector.shape_cast %add3A_334 : vector<16xf32> to vector<1x16xf32>
          tpu.vector_store %arg10[%swap3A_335, %swap3A_336], %swap3A_339 {strides = array<i32>} : memref<128x128xf32, #tpu.memory_space<vmem>>, vector<1x16xf32>,
          %get3A_340 = arith.index_cast %add3A_292 : i32 to index
          %get3A_341 = arith.constant 48 : index
          %get3A_342 = tpu.vector_load %arg10[%get3A_340, %get3A_341] {strides = array<i32>} : memref<128x128xf32, #tpu.memory_space<vmem>>, vector<1x16xf32>,
          %get3A_343 = vector.shape_cast %get3A_342 : vector<1x16xf32> to vector<16xf32>
          %add3A_344 = arith.constant 64 : i32
          %add3A_345 = arith.addi %add3A_344, %add3A_292 : i32
          %get3A_346 = arith.index_cast %add3A_345 : i32 to index
          %get3A_347 = arith.constant 48 : index
          %get3A_348 = tpu.vector_load %arg10[%get3A_346, %get3A_347] {strides = array<i32>} : memref<128x128xf32, #tpu.memory_space<vmem>>, vector<1x16xf32>,
          %get3A_349 = vector.shape_cast %get3A_348 : vector<1x16xf32> to vector<16xf32>
          %add3A_350 = arith.addf %get3A_343, %get3A_349 : vector<16xf32>
          %swap3A_351 = arith.index_cast %add3A_292 : i32 to index
          %swap3A_352 = arith.constant 48 : index
          %swap3A_353 = tpu.vector_load %arg10[%swap3A_351, %swap3A_352] {strides = array<i32>} : memref<128x128xf32, #tpu.memory_space<vmem>>, vector<1x16xf32>,
          %swap3A_354 = vector.shape_cast %swap3A_353 : vector<1x16xf32> to vector<16xf32>
          %swap3A_355 = vector.shape_cast %add3A_350 : vector<16xf32> to vector<1x16xf32>
          tpu.vector_store %arg10[%swap3A_351, %swap3A_352], %swap3A_355 {strides = array<i32>} : memref<128x128xf32, #tpu.memory_space<vmem>>, vector<1x16xf32>,
          %get3A_356 = arith.index_cast %add3A_292 : i32 to index
          %get3A_357 = arith.constant 64 : index
          %get3A_358 = tpu.vector_load %arg10[%get3A_356, %get3A_357] {strides = array<i32>} : memref<128x128xf32, #tpu.memory_space<vmem>>, vector<1x16xf32>,
          %get3A_359 = vector.shape_cast %get3A_358 : vector<1x16xf32> to vector<16xf32>
          %add3A_360 = arith.constant 64 : i32
          %add3A_361 = arith.addi %add3A_360, %add3A_292 : i32
          %get3A_362 = arith.index_cast %add3A_361 : i32 to index
          %get3A_363 = arith.constant 64 : index
          %get3A_364 = tpu.vector_load %arg10[%get3A_362, %get3A_363] {strides = array<i32>} : memref<128x128xf32, #tpu.memory_space<vmem>>, vector<1x16xf32>,
          %get3A_365 = vector.shape_cast %get3A_364 : vector<1x16xf32> to vector<16xf32>
          %add3A_366 = arith.addf %get3A_359, %get3A_365 : vector<16xf32>
          %swap3A_367 = arith.index_cast %add3A_292 : i32 to index
          %swap3A_368 = arith.constant 64 : index
          %swap3A_369 = tpu.vector_load %arg10[%swap3A_367, %swap3A_368] {strides = array<i32>} : memref<128x128xf32, #tpu.memory_space<vmem>>, vector<1x16xf32>,
          %swap3A_370 = vector.shape_cast %swap3A_369 : vector<1x16xf32> to vector<16xf32>
          %swap3A_371 = vector.shape_cast %add3A_366 : vector<16xf32> to vector<1x16xf32>
          tpu.vector_store %arg10[%swap3A_367, %swap3A_368], %swap3A_371 {strides = array<i32>} : memref<128x128xf32, #tpu.memory_space<vmem>>, vector<1x16xf32>,
          %get3A_372 = arith.index_cast %add3A_292 : i32 to index
          %get3A_373 = arith.constant 80 : index
          %get3A_374 = tpu.vector_load %arg10[%get3A_372, %get3A_373] {strides = array<i32>} : memref<128x128xf32, #tpu.memory_space<vmem>>, vector<1x16xf32>,
          %get3A_375 = vector.shape_cast %get3A_374 : vector<1x16xf32> to vector<16xf32>
          %add3A_376 = arith.constant 64 : i32
          %add3A_377 = arith.addi %add3A_376, %add3A_292 : i32
          %get3A_378 = arith.index_cast %add3A_377 : i32 to index
          %get3A_379 = arith.constant 80 : index
          %get3A_380 = tpu.vector_load %arg10[%get3A_378, %get3A_379] {strides = array<i32>} : memref<128x128xf32, #tpu.memory_space<vmem>>, vector<1x16xf32>,
          %get3A_381 = vector.shape_cast %get3A_380 : vector<1x16xf32> to vector<16xf32>
          %add3A_382 = arith.addf %get3A_375, %get3A_381 : vector<16xf32>
          %swap3A_383 = arith.index_cast %add3A_292 : i32 to index
          %swap3A_384 = arith.constant 80 : index
          %swap3A_385 = tpu.vector_load %arg10[%swap3A_383, %swap3A_384] {strides = array<i32>} : memref<128x128xf32, #tpu.memory_space<vmem>>, vector<1x16xf32>,
          %swap3A_386 = vector.shape_cast %swap3A_385 : vector<1x16xf32> to vector<16xf32>
          %swap3A_387 = vector.shape_cast %add3A_382 : vector<16xf32> to vector<1x16xf32>
          tpu.vector_store %arg10[%swap3A_383, %swap3A_384], %swap3A_387 {strides = array<i32>} : memref<128x128xf32, #tpu.memory_space<vmem>>, vector<1x16xf32>,
          %get3A_388 = arith.index_cast %add3A_292 : i32 to index
          %get3A_389 = arith.constant 96 : index
          %get3A_390 = tpu.vector_load %arg10[%get3A_388, %get3A_389] {strides = array<i32>} : memref<128x128xf32, #tpu.memory_space<vmem>>, vector<1x16xf32>,
          %get3A_391 = vector.shape_cast %get3A_390 : vector<1x16xf32> to vector<16xf32>
          %add3A_392 = arith.constant 64 : i32
          %add3A_393 = arith.addi %add3A_392, %add3A_292 : i32
          %get3A_394 = arith.index_cast %add3A_393 : i32 to index
          %get3A_395 = arith.constant 96 : index
          %get3A_396 = tpu.vector_load %arg10[%get3A_394, %get3A_395] {strides = array<i32>} : memref<128x128xf32, #tpu.memory_space<vmem>>, vector<1x16xf32>,
          %get3A_397 = vector.shape_cast %get3A_396 : vector<1x16xf32> to vector<16xf32>
          %add3A_398 = arith.addf %get3A_391, %get3A_397 : vector<16xf32>
          %swap3A_399 = arith.index_cast %add3A_292 : i32 to index
          %swap3A_400 = arith.constant 96 : index
          %swap3A_401 = tpu.vector_load %arg10[%swap3A_399, %swap3A_400] {strides = array<i32>} : memref<128x128xf32, #tpu.memory_space<vmem>>, vector<1x16xf32>,
          %swap3A_402 = vector.shape_cast %swap3A_401 : vector<1x16xf32> to vector<16xf32>
          %swap3A_403 = vector.shape_cast %add3A_398 : vector<16xf32> to vector<1x16xf32>
          tpu.vector_store %arg10[%swap3A_399, %swap3A_400], %swap3A_403 {strides = array<i32>} : memref<128x128xf32, #tpu.memory_space<vmem>>, vector<1x16xf32>,
          %get3A_404 = arith.index_cast %add3A_292 : i32 to index
          %get3A_405 = arith.constant 112 : index
          %get3A_406 = tpu.vector_load %arg10[%get3A_404, %get3A_405] {strides = array<i32>} : memref<128x128xf32, #tpu.memory_space<vmem>>, vector<1x16xf32>,
          %get3A_407 = vector.shape_cast %get3A_406 : vector<1x16xf32> to vector<16xf32>
          %add3A_408 = arith.constant 64 : i32
          %add3A_409 = arith.addi %add3A_408, %add3A_292 : i32
          %get3A_410 = arith.index_cast %add3A_409 : i32 to index
          %get3A_411 = arith.constant 112 : index
          %get3A_412 = tpu.vector_load %arg10[%get3A_410, %get3A_411] {strides = array<i32>} : memref<128x128xf32, #tpu.memory_space<vmem>>, vector<1x16xf32>,
          %get3A_413 = vector.shape_cast %get3A_412 : vector<1x16xf32> to vector<16xf32>
          %add3A_414 = arith.addf %get3A_407, %get3A_413 : vector<16xf32>
          %swap3A_415 = arith.index_cast %add3A_292 : i32 to index
          %swap3A_416 = arith.constant 112 : index
          %swap3A_417 = tpu.vector_load %arg10[%swap3A_415, %swap3A_416] {strides = array<i32>} : memref<128x128xf32, #tpu.memory_space<vmem>>, vector<1x16xf32>,
          %swap3A_418 = vector.shape_cast %swap3A_417 : vector<1x16xf32> to vector<16xf32>
          %swap3A_419 = vector.shape_cast %add3A_414 : vector<16xf32> to vector<1x16xf32>
          tpu.vector_store %arg10[%swap3A_415, %swap3A_416], %swap3A_419 {strides = array<i32>} : memref<128x128xf32, #tpu.memory_space<vmem>>, vector<1x16xf32>,
        }
        %scan3A_280 = arith.constant 32 : i32
        %add3A_281 = arith.constant 64 : i32
        %add3A_282 = arith.addi %add3A_259, %add3A_281 : i32
        %le3A_283 = arith.constant 100000 : i32
        %le3A_284 = arith.cmpi sle, %add3A_282, %le3A_283 : i32
        %convert_element_type3A_285 = arith.extui %le3A_284 : i1 to i32
        %cond3A_286 = arith.constant 0 : i32
        %cond3A_287 = arith.cmpi ne, %convert_element_type3A_285, %cond3A_286 : i32
        scf.if %cond3A_287 {
          %add3A_288 = arith.constant 32 : i32
          %add3A_289 = arith.addi %add3A_259, %add3A_288 : i32
          %multiple_of3A_290 = tpu.assume_multiple %add3A_289, 32 : i32
          %dma_start3A_291 = arith.constant 32 : i32
          %dma_start3A_292 = arith.constant 0 : i32
          %dma_start3A_293 = tpu.memref_slice %arg10[%dma_start3A_291, %dma_start3A_292] : memref<128x128xf32, #tpu.memory_space<vmem>> -> memref<32x128xf32, #tpu.memory_space<vmem>>
          %dma_start3A_294 = arith.constant 0 : i32
          %dma_start3A_295 = tpu.memref_slice %arg6[%multiple_of3A_290, %dma_start3A_294] : memref<100000x128xf32, #tpu.memory_space<hbm>> -> memref<32x128xf32, #tpu.memory_space<hbm>>
          %dma_start3A_296 = arith.constant 0 : i32
          %dma_start3A_297 = tpu.memref_slice %arg6[%multiple_of3A_290, %dma_start3A_296] : memref<100000x128xf32, #tpu.memory_space<hbm>> -> memref<32x128xf32, #tpu.memory_space<hbm>>
          %dma_start3A_298 = arith.constant 32 : i32
          %dma_start3A_299 = arith.constant 0 : i32
          %dma_start3A_300 = tpu.memref_slice %arg10[%dma_start3A_298, %dma_start3A_299] : memref<128x128xf32, #tpu.memory_space<vmem>> -> memref<32x128xf32, #tpu.memory_space<vmem>>
          tpu.enqueue_dma source(%dma_start3A_300 : memref<32x128xf32, #tpu.memory_space<vmem>>) target(%dma_start3A_297 : memref<32x128xf32, #tpu.memory_space<hbm>>) target_semaphore(%arg25 : memref<!tpu.dma_semaphore, #tpu.memory_space<semaphore_mem>>)
        } else {
        }
      } else {
      }
      %add3A_170 = arith.constant 1 : i32
      %add3A_171 = arith.addi %add3A_155, %add3A_170 : i32
      %lt3A_172 = arith.constant 49 : i32
      %lt3A_173 = arith.cmpi slt, %add3A_171, %lt3A_172 : i32
      %convert_element_type3A_174 = arith.extui %lt3A_173 : i1 to i32
      %cond3A_175 = arith.constant 0 : i32
      %cond3A_176 = arith.cmpi ne, %convert_element_type3A_174, %cond3A_175 : i32
      scf.if %cond3A_176 {
        %ge3A_255 = arith.constant 6 : i32
        %ge3A_256 = arith.cmpi sge, %add3A_171, %ge3A_255 : i32
        %convert_element_type3A_257 = arith.extui %ge3A_256 : i1 to i32
        %cond3A_258 = arith.constant 0 : i32
        %cond3A_259 = arith.cmpi ne, %convert_element_type3A_257, %cond3A_258 : i32
        scf.if %cond3A_259 {
          %dma_wait3A_269 = arith.constant 0 : i32
          %dma_wait3A_270 = arith.constant 0 : i32
          %dma_wait3A_271 = tpu.memref_slice %arg10[%dma_wait3A_269, %dma_wait3A_270] : memref<128x128xf32, #tpu.memory_space<vmem>> -> memref<32x128xf32, #tpu.memory_space<vmem>>
          %dma_wait3A_272 = arith.constant 0 : i32
          %dma_wait3A_273 = arith.constant 0 : i32
          %dma_wait3A_274 = tpu.memref_slice %arg6[%dma_wait3A_272, %dma_wait3A_273] : memref<100000x128xf32, #tpu.memory_space<hbm>> -> memref<32x128xf32, #tpu.memory_space<hbm>>
          %dma_wait3A_275 = arith.constant 0 : i32
          %dma_wait3A_276 = arith.constant 0 : i32
          %dma_wait3A_277 = tpu.memref_slice %arg6[%dma_wait3A_275, %dma_wait3A_276] : memref<100000x128xf32, #tpu.memory_space<hbm>> -> memref<32x128xf32, #tpu.memory_space<hbm>>
          %dma_wait3A_278 = arith.constant 0 : i32
          %dma_wait3A_279 = arith.constant 0 : i32
          %dma_wait3A_280 = tpu.memref_slice %arg10[%dma_wait3A_278, %dma_wait3A_279] : memref<128x128xf32, #tpu.memory_space<vmem>> -> memref<32x128xf32, #tpu.memory_space<vmem>>
          tpu.wait_dma2 semaphore(%arg25 : memref<!tpu.dma_semaphore, #tpu.memory_space<semaphore_mem>>) src(%dma_wait3A_280 : memref<32x128xf32, #tpu.memory_space<vmem>>) dst(%dma_wait3A_277 : memref<32x128xf32, #tpu.memory_space<hbm>>)
          %dma_wait3A_281 = arith.constant 0 : i32
          %dma_wait3A_282 = arith.constant 0 : i32
          %dma_wait3A_283 = tpu.memref_slice %arg10[%dma_wait3A_281, %dma_wait3A_282] : memref<128x128xf32, #tpu.memory_space<vmem>> -> memref<32x128xf32, #tpu.memory_space<vmem>>
          %dma_wait3A_284 = arith.constant 0 : i32
          %dma_wait3A_285 = arith.constant 0 : i32
          %dma_wait3A_286 = tpu.memref_slice %arg6[%dma_wait3A_284, %dma_wait3A_285] : memref<100000x128xf32, #tpu.memory_space<hbm>> -> memref<32x128xf32, #tpu.memory_space<hbm>>
          %dma_wait3A_287 = arith.constant 0 : i32
          %dma_wait3A_288 = arith.constant 0 : i32
          %dma_wait3A_289 = tpu.memref_slice %arg6[%dma_wait3A_287, %dma_wait3A_288] : memref<100000x128xf32, #tpu.memory_space<hbm>> -> memref<32x128xf32, #tpu.memory_space<hbm>>
          %dma_wait3A_290 = arith.constant 0 : i32
          %dma_wait3A_291 = arith.constant 0 : i32
          %dma_wait3A_292 = tpu.memref_slice %arg10[%dma_wait3A_290, %dma_wait3A_291] : memref<128x128xf32, #tpu.memory_space<vmem>> -> memref<32x128xf32, #tpu.memory_space<vmem>>
          tpu.wait_dma2 semaphore(%arg25 : memref<!tpu.dma_semaphore, #tpu.memory_space<semaphore_mem>>) src(%dma_wait3A_292 : memref<32x128xf32, #tpu.memory_space<vmem>>) dst(%dma_wait3A_289 : memref<32x128xf32, #tpu.memory_space<hbm>>)
        } else {
        }
        %mul3A_260 = arith.constant 2 : i32
        %mul3A_261 = arith.muli %add3A_171, %mul3A_260 : i32
        %mul3A_262 = arith.constant 64 : i32
        %mul3A_263 = arith.muli %mul3A_261, %mul3A_262 : i32
        %multiple_of3A_264 = tpu.assume_multiple %mul3A_263, 128 : i32
        %dma_start3A_265 = tpu.memref_slice %arg8[%multiple_of3A_264] : memref<6272xi32, #tpu.memory_space<vmem>> -> memref<128xi32, #tpu.memory_space<vmem>>
        %dma_start3A_266 = arith.constant 0 : i32
        %dma_start3A_267 = arith.constant 0 : i32
        %dma_start3A_268 = tpu.memref_slice %arg16[%dma_start3A_266, %dma_start3A_267] : memref<1040x128xf32, #tpu.memory_space<vmem_shared>> -> memref<1040x128xf32, #tpu.memory_space<vmem_shared>>
        tpu.enqueue_indirect_dma source(%dma_start3A_268 : memref<1040x128xf32, #tpu.memory_space<vmem_shared>>) target(%arg10 : memref<128x128xf32, #tpu.memory_space<vmem>>) offsets(%dma_start3A_265 : memref<128xi32, #tpu.memory_space<vmem>>) semaphore(%arg19 : memref<!tpu.dma_semaphore, #tpu.memory_space<semaphore_mem>>)
      } else {
      }
      %sub3A_177 = arith.constant 5 : i32
      %sub3A_178 = arith.subi %add3A_171, %sub3A_177 : i32
      %ge3A_179 = arith.constant 0 : i32
      %ge3A_180 = arith.cmpi sge, %sub3A_178, %ge3A_179 : i32
      %lt3A_181 = arith.constant 49 : i32
      %lt3A_182 = arith.cmpi slt, %sub3A_178, %lt3A_181 : i32
      %and3A_183 = arith.andi %ge3A_180, %lt3A_182 : i1
      %convert_element_type3A_184 = arith.extui %and3A_183 : i1 to i32
      %cond3A_185 = arith.constant 0 : i32
      %cond3A_186 = arith.cmpi ne, %convert_element_type3A_184, %cond3A_185 : i32
      scf.if %cond3A_186 {
        %mul3A_255 = arith.constant 3136 : i32
        %mul3A_256 = arith.muli %add3A, %mul3A_255 : i32
        %mul3A_257 = arith.constant 64 : i32
        %mul3A_258 = arith.muli %sub3A_178, %mul3A_257 : i32
        %add3A_259 = arith.addi %mul3A_256, %mul3A_258 : i32
        %dma_wait3A_260 = arith.constant 0 : i32
        %dma_wait3A_261 = tpu.memref_slice %arg8[%dma_wait3A_260] : memref<6272xi32, #tpu.memory_space<vmem>> -> memref<128xi32, #tpu.memory_space<vmem>>
        %dma_wait3A_262 = arith.constant 0 : i32
        %dma_wait3A_263 = arith.constant 0 : i32
        %dma_wait3A_264 = tpu.memref_slice %arg16[%dma_wait3A_262, %dma_wait3A_263] : memref<1040x128xf32, #tpu.memory_space<vmem_shared>> -> memref<1040x128xf32, #tpu.memory_space<vmem_shared>>
        tpu.wait_indirect_dma semaphore(%arg20 : memref<!tpu.dma_semaphore, #tpu.memory_space<semaphore_mem>>) src(%dma_wait3A_264 : memref<1040x128xf32, #tpu.memory_space<vmem_shared>>) dst(%arg11 : memref<128x128xf32, #tpu.memory_space<vmem>>)
        %scan3A_265 = arith.constant 0 : i32
        %scan3A_266 = arith.constant 32 : i32
        %scan3A_267 = arith.addi %scan3A_265, %scan3A_266 : i32
        %scan3A_268 = arith.constant 1 : i32
        scf.for %scan3A_288 = %scan3A_265 to %scan3A_267 step %scan3A_268  : i32 {
          %mul3A_289 = arith.constant 1 : i32
          %mul3A_290 = arith.muli %scan3A_288, %mul3A_289 : i32
          %add3A_291 = arith.constant 0 : i32
          %add3A_292 = arith.addi %add3A_291, %mul3A_290 : i32
          %get3A_293 = arith.index_cast %add3A_292 : i32 to index
          %get3A_294 = arith.constant 0 : index
          %get3A_295 = tpu.vector_load %arg11[%get3A_293, %get3A_294] {strides = array<i32>} : memref<128x128xf32, #tpu.memory_space<vmem>>, vector<1x16xf32>,
          %get3A_296 = vector.shape_cast %get3A_295 : vector<1x16xf32> to vector<16xf32>
          %add3A_297 = arith.constant 64 : i32
          %add3A_298 = arith.addi %add3A_297, %add3A_292 : i32
          %get3A_299 = arith.index_cast %add3A_298 : i32 to index
          %get3A_300 = arith.constant 0 : index
          %get3A_301 = tpu.vector_load %arg11[%get3A_299, %get3A_300] {strides = array<i32>} : memref<128x128xf32, #tpu.memory_space<vmem>>, vector<1x16xf32>,
          %get3A_302 = vector.shape_cast %get3A_301 : vector<1x16xf32> to vector<16xf32>
          %add3A_303 = arith.addf %get3A_296, %get3A_302 : vector<16xf32>
          %swap3A = arith.index_cast %add3A_292 : i32 to index
          %swap3A_304 = arith.constant 0 : index
          %swap3A_305 = tpu.vector_load %arg11[%swap3A, %swap3A_304] {strides = array<i32>} : memref<128x128xf32, #tpu.memory_space<vmem>>, vector<1x16xf32>,
          %swap3A_306 = vector.shape_cast %swap3A_305 : vector<1x16xf32> to vector<16xf32>
          %swap3A_307 = vector.shape_cast %add3A_303 : vector<16xf32> to vector<1x16xf32>
          tpu.vector_store %arg11[%swap3A, %swap3A_304], %swap3A_307 {strides = array<i32>} : memref<128x128xf32, #tpu.memory_space<vmem>>, vector<1x16xf32>,
          %get3A_308 = arith.index_cast %add3A_292 : i32 to index
          %get3A_309 = arith.constant 16 : index
          %get3A_310 = tpu.vector_load %arg11[%get3A_308, %get3A_309] {strides = array<i32>} : memref<128x128xf32, #tpu.memory_space<vmem>>, vector<1x16xf32>,
          %get3A_311 = vector.shape_cast %get3A_310 : vector<1x16xf32> to vector<16xf32>
          %add3A_312 = arith.constant 64 : i32
          %add3A_313 = arith.addi %add3A_312, %add3A_292 : i32
          %get3A_314 = arith.index_cast %add3A_313 : i32 to index
          %get3A_315 = arith.constant 16 : index
          %get3A_316 = tpu.vector_load %arg11[%get3A_314, %get3A_315] {strides = array<i32>} : memref<128x128xf32, #tpu.memory_space<vmem>>, vector<1x16xf32>,
          %get3A_317 = vector.shape_cast %get3A_316 : vector<1x16xf32> to vector<16xf32>
          %add3A_318 = arith.addf %get3A_311, %get3A_317 : vector<16xf32>
          %swap3A_319 = arith.index_cast %add3A_292 : i32 to index
          %swap3A_320 = arith.constant 16 : index
          %swap3A_321 = tpu.vector_load %arg11[%swap3A_319, %swap3A_320] {strides = array<i32>} : memref<128x128xf32, #tpu.memory_space<vmem>>, vector<1x16xf32>,
          %swap3A_322 = vector.shape_cast %swap3A_321 : vector<1x16xf32> to vector<16xf32>
          %swap3A_323 = vector.shape_cast %add3A_318 : vector<16xf32> to vector<1x16xf32>
          tpu.vector_store %arg11[%swap3A_319, %swap3A_320], %swap3A_323 {strides = array<i32>} : memref<128x128xf32, #tpu.memory_space<vmem>>, vector<1x16xf32>,
          %get3A_324 = arith.index_cast %add3A_292 : i32 to index
          %get3A_325 = arith.constant 32 : index
          %get3A_326 = tpu.vector_load %arg11[%get3A_324, %get3A_325] {strides = array<i32>} : memref<128x128xf32, #tpu.memory_space<vmem>>, vector<1x16xf32>,
          %get3A_327 = vector.shape_cast %get3A_326 : vector<1x16xf32> to vector<16xf32>
          %add3A_328 = arith.constant 64 : i32
          %add3A_329 = arith.addi %add3A_328, %add3A_292 : i32
          %get3A_330 = arith.index_cast %add3A_329 : i32 to index
          %get3A_331 = arith.constant 32 : index
          %get3A_332 = tpu.vector_load %arg11[%get3A_330, %get3A_331] {strides = array<i32>} : memref<128x128xf32, #tpu.memory_space<vmem>>, vector<1x16xf32>,
          %get3A_333 = vector.shape_cast %get3A_332 : vector<1x16xf32> to vector<16xf32>
          %add3A_334 = arith.addf %get3A_327, %get3A_333 : vector<16xf32>
          %swap3A_335 = arith.index_cast %add3A_292 : i32 to index
          %swap3A_336 = arith.constant 32 : index
          %swap3A_337 = tpu.vector_load %arg11[%swap3A_335, %swap3A_336] {strides = array<i32>} : memref<128x128xf32, #tpu.memory_space<vmem>>, vector<1x16xf32>,
          %swap3A_338 = vector.shape_cast %swap3A_337 : vector<1x16xf32> to vector<16xf32>
          %swap3A_339 = vector.shape_cast %add3A_334 : vector<16xf32> to vector<1x16xf32>
          tpu.vector_store %arg11[%swap3A_335, %swap3A_336], %swap3A_339 {strides = array<i32>} : memref<128x128xf32, #tpu.memory_space<vmem>>, vector<1x16xf32>,
          %get3A_340 = arith.index_cast %add3A_292 : i32 to index
          %get3A_341 = arith.constant 48 : index
          %get3A_342 = tpu.vector_load %arg11[%get3A_340, %get3A_341] {strides = array<i32>} : memref<128x128xf32, #tpu.memory_space<vmem>>, vector<1x16xf32>,
          %get3A_343 = vector.shape_cast %get3A_342 : vector<1x16xf32> to vector<16xf32>
          %add3A_344 = arith.constant 64 : i32
          %add3A_345 = arith.addi %add3A_344, %add3A_292 : i32
          %get3A_346 = arith.index_cast %add3A_345 : i32 to index
          %get3A_347 = arith.constant 48 : index
          %get3A_348 = tpu.vector_load %arg11[%get3A_346, %get3A_347] {strides = array<i32>} : memref<128x128xf32, #tpu.memory_space<vmem>>, vector<1x16xf32>,
          %get3A_349 = vector.shape_cast %get3A_348 : vector<1x16xf32> to vector<16xf32>
          %add3A_350 = arith.addf %get3A_343, %get3A_349 : vector<16xf32>
          %swap3A_351 = arith.index_cast %add3A_292 : i32 to index
          %swap3A_352 = arith.constant 48 : index
          %swap3A_353 = tpu.vector_load %arg11[%swap3A_351, %swap3A_352] {strides = array<i32>} : memref<128x128xf32, #tpu.memory_space<vmem>>, vector<1x16xf32>,
          %swap3A_354 = vector.shape_cast %swap3A_353 : vector<1x16xf32> to vector<16xf32>
          %swap3A_355 = vector.shape_cast %add3A_350 : vector<16xf32> to vector<1x16xf32>
          tpu.vector_store %arg11[%swap3A_351, %swap3A_352], %swap3A_355 {strides = array<i32>} : memref<128x128xf32, #tpu.memory_space<vmem>>, vector<1x16xf32>,
          %get3A_356 = arith.index_cast %add3A_292 : i32 to index
          %get3A_357 = arith.constant 64 : index
          %get3A_358 = tpu.vector_load %arg11[%get3A_356, %get3A_357] {strides = array<i32>} : memref<128x128xf32, #tpu.memory_space<vmem>>, vector<1x16xf32>,
          %get3A_359 = vector.shape_cast %get3A_358 : vector<1x16xf32> to vector<16xf32>
          %add3A_360 = arith.constant 64 : i32
          %add3A_361 = arith.addi %add3A_360, %add3A_292 : i32
          %get3A_362 = arith.index_cast %add3A_361 : i32 to index
          %get3A_363 = arith.constant 64 : index
          %get3A_364 = tpu.vector_load %arg11[%get3A_362, %get3A_363] {strides = array<i32>} : memref<128x128xf32, #tpu.memory_space<vmem>>, vector<1x16xf32>,
          %get3A_365 = vector.shape_cast %get3A_364 : vector<1x16xf32> to vector<16xf32>
          %add3A_366 = arith.addf %get3A_359, %get3A_365 : vector<16xf32>
          %swap3A_367 = arith.index_cast %add3A_292 : i32 to index
          %swap3A_368 = arith.constant 64 : index
          %swap3A_369 = tpu.vector_load %arg11[%swap3A_367, %swap3A_368] {strides = array<i32>} : memref<128x128xf32, #tpu.memory_space<vmem>>, vector<1x16xf32>,
          %swap3A_370 = vector.shape_cast %swap3A_369 : vector<1x16xf32> to vector<16xf32>
          %swap3A_371 = vector.shape_cast %add3A_366 : vector<16xf32> to vector<1x16xf32>
          tpu.vector_store %arg11[%swap3A_367, %swap3A_368], %swap3A_371 {strides = array<i32>} : memref<128x128xf32, #tpu.memory_space<vmem>>, vector<1x16xf32>,
          %get3A_372 = arith.index_cast %add3A_292 : i32 to index
          %get3A_373 = arith.constant 80 : index
          %get3A_374 = tpu.vector_load %arg11[%get3A_372, %get3A_373] {strides = array<i32>} : memref<128x128xf32, #tpu.memory_space<vmem>>, vector<1x16xf32>,
          %get3A_375 = vector.shape_cast %get3A_374 : vector<1x16xf32> to vector<16xf32>
          %add3A_376 = arith.constant 64 : i32
          %add3A_377 = arith.addi %add3A_376, %add3A_292 : i32
          %get3A_378 = arith.index_cast %add3A_377 : i32 to index
          %get3A_379 = arith.constant 80 : index
          %get3A_380 = tpu.vector_load %arg11[%get3A_378, %get3A_379] {strides = array<i32>} : memref<128x128xf32, #tpu.memory_space<vmem>>, vector<1x16xf32>,
          %get3A_381 = vector.shape_cast %get3A_380 : vector<1x16xf32> to vector<16xf32>
          %add3A_382 = arith.addf %get3A_375, %get3A_381 : vector<16xf32>
          %swap3A_383 = arith.index_cast %add3A_292 : i32 to index
          %swap3A_384 = arith.constant 80 : index
          %swap3A_385 = tpu.vector_load %arg11[%swap3A_383, %swap3A_384] {strides = array<i32>} : memref<128x128xf32, #tpu.memory_space<vmem>>, vector<1x16xf32>,
          %swap3A_386 = vector.shape_cast %swap3A_385 : vector<1x16xf32> to vector<16xf32>
          %swap3A_387 = vector.shape_cast %add3A_382 : vector<16xf32> to vector<1x16xf32>
          tpu.vector_store %arg11[%swap3A_383, %swap3A_384], %swap3A_387 {strides = array<i32>} : memref<128x128xf32, #tpu.memory_space<vmem>>, vector<1x16xf32>,
          %get3A_388 = arith.index_cast %add3A_292 : i32 to index
          %get3A_389 = arith.constant 96 : index
          %get3A_390 = tpu.vector_load %arg11[%get3A_388, %get3A_389] {strides = array<i32>} : memref<128x128xf32, #tpu.memory_space<vmem>>, vector<1x16xf32>,
          %get3A_391 = vector.shape_cast %get3A_390 : vector<1x16xf32> to vector<16xf32>
          %add3A_392 = arith.constant 64 : i32
          %add3A_393 = arith.addi %add3A_392, %add3A_292 : i32
          %get3A_394 = arith.index_cast %add3A_393 : i32 to index
          %get3A_395 = arith.constant 96 : index
          %get3A_396 = tpu.vector_load %arg11[%get3A_394, %get3A_395] {strides = array<i32>} : memref<128x128xf32, #tpu.memory_space<vmem>>, vector<1x16xf32>,
          %get3A_397 = vector.shape_cast %get3A_396 : vector<1x16xf32> to vector<16xf32>
          %add3A_398 = arith.addf %get3A_391, %get3A_397 : vector<16xf32>
          %swap3A_399 = arith.index_cast %add3A_292 : i32 to index
          %swap3A_400 = arith.constant 96 : index
          %swap3A_401 = tpu.vector_load %arg11[%swap3A_399, %swap3A_400] {strides = array<i32>} : memref<128x128xf32, #tpu.memory_space<vmem>>, vector<1x16xf32>,
          %swap3A_402 = vector.shape_cast %swap3A_401 : vector<1x16xf32> to vector<16xf32>
          %swap3A_403 = vector.shape_cast %add3A_398 : vector<16xf32> to vector<1x16xf32>
          tpu.vector_store %arg11[%swap3A_399, %swap3A_400], %swap3A_403 {strides = array<i32>} : memref<128x128xf32, #tpu.memory_space<vmem>>, vector<1x16xf32>,
          %get3A_404 = arith.index_cast %add3A_292 : i32 to index
          %get3A_405 = arith.constant 112 : index
          %get3A_406 = tpu.vector_load %arg11[%get3A_404, %get3A_405] {strides = array<i32>} : memref<128x128xf32, #tpu.memory_space<vmem>>, vector<1x16xf32>,
          %get3A_407 = vector.shape_cast %get3A_406 : vector<1x16xf32> to vector<16xf32>
          %add3A_408 = arith.constant 64 : i32
          %add3A_409 = arith.addi %add3A_408, %add3A_292 : i32
          %get3A_410 = arith.index_cast %add3A_409 : i32 to index
          %get3A_411 = arith.constant 112 : index
          %get3A_412 = tpu.vector_load %arg11[%get3A_410, %get3A_411] {strides = array<i32>} : memref<128x128xf32, #tpu.memory_space<vmem>>, vector<1x16xf32>,
          %get3A_413 = vector.shape_cast %get3A_412 : vector<1x16xf32> to vector<16xf32>
          %add3A_414 = arith.addf %get3A_407, %get3A_413 : vector<16xf32>
          %swap3A_415 = arith.index_cast %add3A_292 : i32 to index
          %swap3A_416 = arith.constant 112 : index
          %swap3A_417 = tpu.vector_load %arg11[%swap3A_415, %swap3A_416] {strides = array<i32>} : memref<128x128xf32, #tpu.memory_space<vmem>>, vector<1x16xf32>,
          %swap3A_418 = vector.shape_cast %swap3A_417 : vector<1x16xf32> to vector<16xf32>
          %swap3A_419 = vector.shape_cast %add3A_414 : vector<16xf32> to vector<1x16xf32>
          tpu.vector_store %arg11[%swap3A_415, %swap3A_416], %swap3A_419 {strides = array<i32>} : memref<128x128xf32, #tpu.memory_space<vmem>>, vector<1x16xf32>,
        }
        %scan3A_269 = arith.constant 32 : i32
        %add3A_270 = arith.constant 32 : i32
        %add3A_271 = arith.addi %add3A_259, %add3A_270 : i32
        %le3A = arith.constant 100000 : i32
        %le3A_272 = arith.cmpi sle, %add3A_271, %le3A : i32
        %convert_element_type3A_273 = arith.extui %le3A_272 : i1 to i32
        %cond3A_274 = arith.constant 0 : i32
        %cond3A_275 = arith.cmpi ne, %convert_element_type3A_273, %cond3A_274 : i32
        scf.if %cond3A_275 {
          %add3A_288 = arith.constant 0 : i32
          %add3A_289 = arith.addi %add3A_259, %add3A_288 : i32
          %multiple_of3A_290 = tpu.assume_multiple %add3A_289, 32 : i32
          %dma_start3A_291 = arith.constant 0 : i32
          %dma_start3A_292 = arith.constant 0 : i32
          %dma_start3A_293 = tpu.memref_slice %arg11[%dma_start3A_291, %dma_start3A_292] : memref<128x128xf32, #tpu.memory_space<vmem>> -> memref<32x128xf32, #tpu.memory_space<vmem>>
          %dma_start3A_294 = arith.constant 0 : i32
          %dma_start3A_295 = tpu.memref_slice %arg6[%multiple_of3A_290, %dma_start3A_294] : memref<100000x128xf32, #tpu.memory_space<hbm>> -> memref<32x128xf32, #tpu.memory_space<hbm>>
          %dma_start3A_296 = arith.constant 0 : i32
          %dma_start3A_297 = tpu.memref_slice %arg6[%multiple_of3A_290, %dma_start3A_296] : memref<100000x128xf32, #tpu.memory_space<hbm>> -> memref<32x128xf32, #tpu.memory_space<hbm>>
          %dma_start3A_298 = arith.constant 0 : i32
          %dma_start3A_299 = arith.constant 0 : i32
          %dma_start3A_300 = tpu.memref_slice %arg11[%dma_start3A_298, %dma_start3A_299] : memref<128x128xf32, #tpu.memory_space<vmem>> -> memref<32x128xf32, #tpu.memory_space<vmem>>
          tpu.enqueue_dma source(%dma_start3A_300 : memref<32x128xf32, #tpu.memory_space<vmem>>) target(%dma_start3A_297 : memref<32x128xf32, #tpu.memory_space<hbm>>) target_semaphore(%arg26 : memref<!tpu.dma_semaphore, #tpu.memory_space<semaphore_mem>>)
        } else {
        }
        %scan3A_276 = arith.constant 0 : i32
        %scan3A_277 = arith.constant 32 : i32
        %scan3A_278 = arith.addi %scan3A_276, %scan3A_277 : i32
        %scan3A_279 = arith.constant 1 : i32
        scf.for %scan3A_288 = %scan3A_276 to %scan3A_278 step %scan3A_279  : i32 {
          %mul3A_289 = arith.constant 1 : i32
          %mul3A_290 = arith.muli %scan3A_288, %mul3A_289 : i32
          %add3A_291 = arith.constant 32 : i32
          %add3A_292 = arith.addi %add3A_291, %mul3A_290 : i32
          %get3A_293 = arith.index_cast %add3A_292 : i32 to index
          %get3A_294 = arith.constant 0 : index
          %get3A_295 = tpu.vector_load %arg11[%get3A_293, %get3A_294] {strides = array<i32>} : memref<128x128xf32, #tpu.memory_space<vmem>>, vector<1x16xf32>,
          %get3A_296 = vector.shape_cast %get3A_295 : vector<1x16xf32> to vector<16xf32>
          %add3A_297 = arith.constant 64 : i32
          %add3A_298 = arith.addi %add3A_297, %add3A_292 : i32
          %get3A_299 = arith.index_cast %add3A_298 : i32 to index
          %get3A_300 = arith.constant 0 : index
          %get3A_301 = tpu.vector_load %arg11[%get3A_299, %get3A_300] {strides = array<i32>} : memref<128x128xf32, #tpu.memory_space<vmem>>, vector<1x16xf32>,
          %get3A_302 = vector.shape_cast %get3A_301 : vector<1x16xf32> to vector<16xf32>
          %add3A_303 = arith.addf %get3A_296, %get3A_302 : vector<16xf32>
          %swap3A = arith.index_cast %add3A_292 : i32 to index
          %swap3A_304 = arith.constant 0 : index
          %swap3A_305 = tpu.vector_load %arg11[%swap3A, %swap3A_304] {strides = array<i32>} : memref<128x128xf32, #tpu.memory_space<vmem>>, vector<1x16xf32>,
          %swap3A_306 = vector.shape_cast %swap3A_305 : vector<1x16xf32> to vector<16xf32>
          %swap3A_307 = vector.shape_cast %add3A_303 : vector<16xf32> to vector<1x16xf32>
          tpu.vector_store %arg11[%swap3A, %swap3A_304], %swap3A_307 {strides = array<i32>} : memref<128x128xf32, #tpu.memory_space<vmem>>, vector<1x16xf32>,
          %get3A_308 = arith.index_cast %add3A_292 : i32 to index
          %get3A_309 = arith.constant 16 : index
          %get3A_310 = tpu.vector_load %arg11[%get3A_308, %get3A_309] {strides = array<i32>} : memref<128x128xf32, #tpu.memory_space<vmem>>, vector<1x16xf32>,
          %get3A_311 = vector.shape_cast %get3A_310 : vector<1x16xf32> to vector<16xf32>
          %add3A_312 = arith.constant 64 : i32
          %add3A_313 = arith.addi %add3A_312, %add3A_292 : i32
          %get3A_314 = arith.index_cast %add3A_313 : i32 to index
          %get3A_315 = arith.constant 16 : index
          %get3A_316 = tpu.vector_load %arg11[%get3A_314, %get3A_315] {strides = array<i32>} : memref<128x128xf32, #tpu.memory_space<vmem>>, vector<1x16xf32>,
          %get3A_317 = vector.shape_cast %get3A_316 : vector<1x16xf32> to vector<16xf32>
          %add3A_318 = arith.addf %get3A_311, %get3A_317 : vector<16xf32>
          %swap3A_319 = arith.index_cast %add3A_292 : i32 to index
          %swap3A_320 = arith.constant 16 : index
          %swap3A_321 = tpu.vector_load %arg11[%swap3A_319, %swap3A_320] {strides = array<i32>} : memref<128x128xf32, #tpu.memory_space<vmem>>, vector<1x16xf32>,
          %swap3A_322 = vector.shape_cast %swap3A_321 : vector<1x16xf32> to vector<16xf32>
          %swap3A_323 = vector.shape_cast %add3A_318 : vector<16xf32> to vector<1x16xf32>
          tpu.vector_store %arg11[%swap3A_319, %swap3A_320], %swap3A_323 {strides = array<i32>} : memref<128x128xf32, #tpu.memory_space<vmem>>, vector<1x16xf32>,
          %get3A_324 = arith.index_cast %add3A_292 : i32 to index
          %get3A_325 = arith.constant 32 : index
          %get3A_326 = tpu.vector_load %arg11[%get3A_324, %get3A_325] {strides = array<i32>} : memref<128x128xf32, #tpu.memory_space<vmem>>, vector<1x16xf32>,
          %get3A_327 = vector.shape_cast %get3A_326 : vector<1x16xf32> to vector<16xf32>
          %add3A_328 = arith.constant 64 : i32
          %add3A_329 = arith.addi %add3A_328, %add3A_292 : i32
          %get3A_330 = arith.index_cast %add3A_329 : i32 to index
          %get3A_331 = arith.constant 32 : index
          %get3A_332 = tpu.vector_load %arg11[%get3A_330, %get3A_331] {strides = array<i32>} : memref<128x128xf32, #tpu.memory_space<vmem>>, vector<1x16xf32>,
          %get3A_333 = vector.shape_cast %get3A_332 : vector<1x16xf32> to vector<16xf32>
          %add3A_334 = arith.addf %get3A_327, %get3A_333 : vector<16xf32>
          %swap3A_335 = arith.index_cast %add3A_292 : i32 to index
          %swap3A_336 = arith.constant 32 : index
          %swap3A_337 = tpu.vector_load %arg11[%swap3A_335, %swap3A_336] {strides = array<i32>} : memref<128x128xf32, #tpu.memory_space<vmem>>, vector<1x16xf32>,
          %swap3A_338 = vector.shape_cast %swap3A_337 : vector<1x16xf32> to vector<16xf32>
          %swap3A_339 = vector.shape_cast %add3A_334 : vector<16xf32> to vector<1x16xf32>
          tpu.vector_store %arg11[%swap3A_335, %swap3A_336], %swap3A_339 {strides = array<i32>} : memref<128x128xf32, #tpu.memory_space<vmem>>, vector<1x16xf32>,
          %get3A_340 = arith.index_cast %add3A_292 : i32 to index
          %get3A_341 = arith.constant 48 : index
          %get3A_342 = tpu.vector_load %arg11[%get3A_340, %get3A_341] {strides = array<i32>} : memref<128x128xf32, #tpu.memory_space<vmem>>, vector<1x16xf32>,
          %get3A_343 = vector.shape_cast %get3A_342 : vector<1x16xf32> to vector<16xf32>
          %add3A_344 = arith.constant 64 : i32
          %add3A_345 = arith.addi %add3A_344, %add3A_292 : i32
          %get3A_346 = arith.index_cast %add3A_345 : i32 to index
          %get3A_347 = arith.constant 48 : index
          %get3A_348 = tpu.vector_load %arg11[%get3A_346, %get3A_347] {strides = array<i32>} : memref<128x128xf32, #tpu.memory_space<vmem>>, vector<1x16xf32>,
          %get3A_349 = vector.shape_cast %get3A_348 : vector<1x16xf32> to vector<16xf32>
          %add3A_350 = arith.addf %get3A_343, %get3A_349 : vector<16xf32>
          %swap3A_351 = arith.index_cast %add3A_292 : i32 to index
          %swap3A_352 = arith.constant 48 : index
          %swap3A_353 = tpu.vector_load %arg11[%swap3A_351, %swap3A_352] {strides = array<i32>} : memref<128x128xf32, #tpu.memory_space<vmem>>, vector<1x16xf32>,
          %swap3A_354 = vector.shape_cast %swap3A_353 : vector<1x16xf32> to vector<16xf32>
          %swap3A_355 = vector.shape_cast %add3A_350 : vector<16xf32> to vector<1x16xf32>
          tpu.vector_store %arg11[%swap3A_351, %swap3A_352], %swap3A_355 {strides = array<i32>} : memref<128x128xf32, #tpu.memory_space<vmem>>, vector<1x16xf32>,
          %get3A_356 = arith.index_cast %add3A_292 : i32 to index
          %get3A_357 = arith.constant 64 : index
          %get3A_358 = tpu.vector_load %arg11[%get3A_356, %get3A_357] {strides = array<i32>} : memref<128x128xf32, #tpu.memory_space<vmem>>, vector<1x16xf32>,
          %get3A_359 = vector.shape_cast %get3A_358 : vector<1x16xf32> to vector<16xf32>
          %add3A_360 = arith.constant 64 : i32
          %add3A_361 = arith.addi %add3A_360, %add3A_292 : i32
          %get3A_362 = arith.index_cast %add3A_361 : i32 to index
          %get3A_363 = arith.constant 64 : index
          %get3A_364 = tpu.vector_load %arg11[%get3A_362, %get3A_363] {strides = array<i32>} : memref<128x128xf32, #tpu.memory_space<vmem>>, vector<1x16xf32>,
          %get3A_365 = vector.shape_cast %get3A_364 : vector<1x16xf32> to vector<16xf32>
          %add3A_366 = arith.addf %get3A_359, %get3A_365 : vector<16xf32>
          %swap3A_367 = arith.index_cast %add3A_292 : i32 to index
          %swap3A_368 = arith.constant 64 : index
          %swap3A_369 = tpu.vector_load %arg11[%swap3A_367, %swap3A_368] {strides = array<i32>} : memref<128x128xf32, #tpu.memory_space<vmem>>, vector<1x16xf32>,
          %swap3A_370 = vector.shape_cast %swap3A_369 : vector<1x16xf32> to vector<16xf32>
          %swap3A_371 = vector.shape_cast %add3A_366 : vector<16xf32> to vector<1x16xf32>
          tpu.vector_store %arg11[%swap3A_367, %swap3A_368], %swap3A_371 {strides = array<i32>} : memref<128x128xf32, #tpu.memory_space<vmem>>, vector<1x16xf32>,
          %get3A_372 = arith.index_cast %add3A_292 : i32 to index
          %get3A_373 = arith.constant 80 : index
          %get3A_374 = tpu.vector_load %arg11[%get3A_372, %get3A_373] {strides = array<i32>} : memref<128x128xf32, #tpu.memory_space<vmem>>, vector<1x16xf32>,
          %get3A_375 = vector.shape_cast %get3A_374 : vector<1x16xf32> to vector<16xf32>
          %add3A_376 = arith.constant 64 : i32
          %add3A_377 = arith.addi %add3A_376, %add3A_292 : i32
          %get3A_378 = arith.index_cast %add3A_377 : i32 to index
          %get3A_379 = arith.constant 80 : index
          %get3A_380 = tpu.vector_load %arg11[%get3A_378, %get3A_379] {strides = array<i32>} : memref<128x128xf32, #tpu.memory_space<vmem>>, vector<1x16xf32>,
          %get3A_381 = vector.shape_cast %get3A_380 : vector<1x16xf32> to vector<16xf32>
          %add3A_382 = arith.addf %get3A_375, %get3A_381 : vector<16xf32>
          %swap3A_383 = arith.index_cast %add3A_292 : i32 to index
          %swap3A_384 = arith.constant 80 : index
          %swap3A_385 = tpu.vector_load %arg11[%swap3A_383, %swap3A_384] {strides = array<i32>} : memref<128x128xf32, #tpu.memory_space<vmem>>, vector<1x16xf32>,
          %swap3A_386 = vector.shape_cast %swap3A_385 : vector<1x16xf32> to vector<16xf32>
          %swap3A_387 = vector.shape_cast %add3A_382 : vector<16xf32> to vector<1x16xf32>
          tpu.vector_store %arg11[%swap3A_383, %swap3A_384], %swap3A_387 {strides = array<i32>} : memref<128x128xf32, #tpu.memory_space<vmem>>, vector<1x16xf32>,
          %get3A_388 = arith.index_cast %add3A_292 : i32 to index
          %get3A_389 = arith.constant 96 : index
          %get3A_390 = tpu.vector_load %arg11[%get3A_388, %get3A_389] {strides = array<i32>} : memref<128x128xf32, #tpu.memory_space<vmem>>, vector<1x16xf32>,
          %get3A_391 = vector.shape_cast %get3A_390 : vector<1x16xf32> to vector<16xf32>
          %add3A_392 = arith.constant 64 : i32
          %add3A_393 = arith.addi %add3A_392, %add3A_292 : i32
          %get3A_394 = arith.index_cast %add3A_393 : i32 to index
          %get3A_395 = arith.constant 96 : index
          %get3A_396 = tpu.vector_load %arg11[%get3A_394, %get3A_395] {strides = array<i32>} : memref<128x128xf32, #tpu.memory_space<vmem>>, vector<1x16xf32>,
          %get3A_397 = vector.shape_cast %get3A_396 : vector<1x16xf32> to vector<16xf32>
          %add3A_398 = arith.addf %get3A_391, %get3A_397 : vector<16xf32>
          %swap3A_399 = arith.index_cast %add3A_292 : i32 to index
          %swap3A_400 = arith.constant 96 : index
          %swap3A_401 = tpu.vector_load %arg11[%swap3A_399, %swap3A_400] {strides = array<i32>} : memref<128x128xf32, #tpu.memory_space<vmem>>, vector<1x16xf32>,
          %swap3A_402 = vector.shape_cast %swap3A_401 : vector<1x16xf32> to vector<16xf32>
          %swap3A_403 = vector.shape_cast %add3A_398 : vector<16xf32> to vector<1x16xf32>
          tpu.vector_store %arg11[%swap3A_399, %swap3A_400], %swap3A_403 {strides = array<i32>} : memref<128x128xf32, #tpu.memory_space<vmem>>, vector<1x16xf32>,
          %get3A_404 = arith.index_cast %add3A_292 : i32 to index
          %get3A_405 = arith.constant 112 : index
          %get3A_406 = tpu.vector_load %arg11[%get3A_404, %get3A_405] {strides = array<i32>} : memref<128x128xf32, #tpu.memory_space<vmem>>, vector<1x16xf32>,
          %get3A_407 = vector.shape_cast %get3A_406 : vector<1x16xf32> to vector<16xf32>
          %add3A_408 = arith.constant 64 : i32
          %add3A_409 = arith.addi %add3A_408, %add3A_292 : i32
          %get3A_410 = arith.index_cast %add3A_409 : i32 to index
          %get3A_411 = arith.constant 112 : index
          %get3A_412 = tpu.vector_load %arg11[%get3A_410, %get3A_411] {strides = array<i32>} : memref<128x128xf32, #tpu.memory_space<vmem>>, vector<1x16xf32>,
          %get3A_413 = vector.shape_cast %get3A_412 : vector<1x16xf32> to vector<16xf32>
          %add3A_414 = arith.addf %get3A_407, %get3A_413 : vector<16xf32>
          %swap3A_415 = arith.index_cast %add3A_292 : i32 to index
          %swap3A_416 = arith.constant 112 : index
          %swap3A_417 = tpu.vector_load %arg11[%swap3A_415, %swap3A_416] {strides = array<i32>} : memref<128x128xf32, #tpu.memory_space<vmem>>, vector<1x16xf32>,
          %swap3A_418 = vector.shape_cast %swap3A_417 : vector<1x16xf32> to vector<16xf32>
          %swap3A_419 = vector.shape_cast %add3A_414 : vector<16xf32> to vector<1x16xf32>
          tpu.vector_store %arg11[%swap3A_415, %swap3A_416], %swap3A_419 {strides = array<i32>} : memref<128x128xf32, #tpu.memory_space<vmem>>, vector<1x16xf32>,
        }
        %scan3A_280 = arith.constant 32 : i32
        %add3A_281 = arith.constant 64 : i32
        %add3A_282 = arith.addi %add3A_259, %add3A_281 : i32
        %le3A_283 = arith.constant 100000 : i32
        %le3A_284 = arith.cmpi sle, %add3A_282, %le3A_283 : i32
        %convert_element_type3A_285 = arith.extui %le3A_284 : i1 to i32
        %cond3A_286 = arith.constant 0 : i32
        %cond3A_287 = arith.cmpi ne, %convert_element_type3A_285, %cond3A_286 : i32
        scf.if %cond3A_287 {
          %add3A_288 = arith.constant 32 : i32
          %add3A_289 = arith.addi %add3A_259, %add3A_288 : i32
          %multiple_of3A_290 = tpu.assume_multiple %add3A_289, 32 : i32
          %dma_start3A_291 = arith.constant 32 : i32
          %dma_start3A_292 = arith.constant 0 : i32
          %dma_start3A_293 = tpu.memref_slice %arg11[%dma_start3A_291, %dma_start3A_292] : memref<128x128xf32, #tpu.memory_space<vmem>> -> memref<32x128xf32, #tpu.memory_space<vmem>>
          %dma_start3A_294 = arith.constant 0 : i32
          %dma_start3A_295 = tpu.memref_slice %arg6[%multiple_of3A_290, %dma_start3A_294] : memref<100000x128xf32, #tpu.memory_space<hbm>> -> memref<32x128xf32, #tpu.memory_space<hbm>>
          %dma_start3A_296 = arith.constant 0 : i32
          %dma_start3A_297 = tpu.memref_slice %arg6[%multiple_of3A_290, %dma_start3A_296] : memref<100000x128xf32, #tpu.memory_space<hbm>> -> memref<32x128xf32, #tpu.memory_space<hbm>>
          %dma_start3A_298 = arith.constant 32 : i32
          %dma_start3A_299 = arith.constant 0 : i32
          %dma_start3A_300 = tpu.memref_slice %arg11[%dma_start3A_298, %dma_start3A_299] : memref<128x128xf32, #tpu.memory_space<vmem>> -> memref<32x128xf32, #tpu.memory_space<vmem>>
          tpu.enqueue_dma source(%dma_start3A_300 : memref<32x128xf32, #tpu.memory_space<vmem>>) target(%dma_start3A_297 : memref<32x128xf32, #tpu.memory_space<hbm>>) target_semaphore(%arg26 : memref<!tpu.dma_semaphore, #tpu.memory_space<semaphore_mem>>)
        } else {
        }
      } else {
      }
      %add3A_187 = arith.constant 2 : i32
      %add3A_188 = arith.addi %add3A_155, %add3A_187 : i32
      %lt3A_189 = arith.constant 49 : i32
      %lt3A_190 = arith.cmpi slt, %add3A_188, %lt3A_189 : i32
      %convert_element_type3A_191 = arith.extui %lt3A_190 : i1 to i32
      %cond3A_192 = arith.constant 0 : i32
      %cond3A_193 = arith.cmpi ne, %convert_element_type3A_191, %cond3A_192 : i32
      scf.if %cond3A_193 {
        %ge3A_255 = arith.constant 6 : i32
        %ge3A_256 = arith.cmpi sge, %add3A_188, %ge3A_255 : i32
        %convert_element_type3A_257 = arith.extui %ge3A_256 : i1 to i32
        %cond3A_258 = arith.constant 0 : i32
        %cond3A_259 = arith.cmpi ne, %convert_element_type3A_257, %cond3A_258 : i32
        scf.if %cond3A_259 {
          %dma_wait3A_269 = arith.constant 0 : i32
          %dma_wait3A_270 = arith.constant 0 : i32
          %dma_wait3A_271 = tpu.memref_slice %arg11[%dma_wait3A_269, %dma_wait3A_270] : memref<128x128xf32, #tpu.memory_space<vmem>> -> memref<32x128xf32, #tpu.memory_space<vmem>>
          %dma_wait3A_272 = arith.constant 0 : i32
          %dma_wait3A_273 = arith.constant 0 : i32
          %dma_wait3A_274 = tpu.memref_slice %arg6[%dma_wait3A_272, %dma_wait3A_273] : memref<100000x128xf32, #tpu.memory_space<hbm>> -> memref<32x128xf32, #tpu.memory_space<hbm>>
          %dma_wait3A_275 = arith.constant 0 : i32
          %dma_wait3A_276 = arith.constant 0 : i32
          %dma_wait3A_277 = tpu.memref_slice %arg6[%dma_wait3A_275, %dma_wait3A_276] : memref<100000x128xf32, #tpu.memory_space<hbm>> -> memref<32x128xf32, #tpu.memory_space<hbm>>
          %dma_wait3A_278 = arith.constant 0 : i32
          %dma_wait3A_279 = arith.constant 0 : i32
          %dma_wait3A_280 = tpu.memref_slice %arg11[%dma_wait3A_278, %dma_wait3A_279] : memref<128x128xf32, #tpu.memory_space<vmem>> -> memref<32x128xf32, #tpu.memory_space<vmem>>
          tpu.wait_dma2 semaphore(%arg26 : memref<!tpu.dma_semaphore, #tpu.memory_space<semaphore_mem>>) src(%dma_wait3A_280 : memref<32x128xf32, #tpu.memory_space<vmem>>) dst(%dma_wait3A_277 : memref<32x128xf32, #tpu.memory_space<hbm>>)
          %dma_wait3A_281 = arith.constant 0 : i32
          %dma_wait3A_282 = arith.constant 0 : i32
          %dma_wait3A_283 = tpu.memref_slice %arg11[%dma_wait3A_281, %dma_wait3A_282] : memref<128x128xf32, #tpu.memory_space<vmem>> -> memref<32x128xf32, #tpu.memory_space<vmem>>
          %dma_wait3A_284 = arith.constant 0 : i32
          %dma_wait3A_285 = arith.constant 0 : i32
          %dma_wait3A_286 = tpu.memref_slice %arg6[%dma_wait3A_284, %dma_wait3A_285] : memref<100000x128xf32, #tpu.memory_space<hbm>> -> memref<32x128xf32, #tpu.memory_space<hbm>>
          %dma_wait3A_287 = arith.constant 0 : i32
          %dma_wait3A_288 = arith.constant 0 : i32
          %dma_wait3A_289 = tpu.memref_slice %arg6[%dma_wait3A_287, %dma_wait3A_288] : memref<100000x128xf32, #tpu.memory_space<hbm>> -> memref<32x128xf32, #tpu.memory_space<hbm>>
          %dma_wait3A_290 = arith.constant 0 : i32
          %dma_wait3A_291 = arith.constant 0 : i32
          %dma_wait3A_292 = tpu.memref_slice %arg11[%dma_wait3A_290, %dma_wait3A_291] : memref<128x128xf32, #tpu.memory_space<vmem>> -> memref<32x128xf32, #tpu.memory_space<vmem>>
          tpu.wait_dma2 semaphore(%arg26 : memref<!tpu.dma_semaphore, #tpu.memory_space<semaphore_mem>>) src(%dma_wait3A_292 : memref<32x128xf32, #tpu.memory_space<vmem>>) dst(%dma_wait3A_289 : memref<32x128xf32, #tpu.memory_space<hbm>>)
        } else {
        }
        %mul3A_260 = arith.constant 2 : i32
        %mul3A_261 = arith.muli %add3A_188, %mul3A_260 : i32
        %mul3A_262 = arith.constant 64 : i32
        %mul3A_263 = arith.muli %mul3A_261, %mul3A_262 : i32
        %multiple_of3A_264 = tpu.assume_multiple %mul3A_263, 128 : i32
        %dma_start3A_265 = tpu.memref_slice %arg8[%multiple_of3A_264] : memref<6272xi32, #tpu.memory_space<vmem>> -> memref<128xi32, #tpu.memory_space<vmem>>
        %dma_start3A_266 = arith.constant 0 : i32
        %dma_start3A_267 = arith.constant 0 : i32
        %dma_start3A_268 = tpu.memref_slice %arg16[%dma_start3A_266, %dma_start3A_267] : memref<1040x128xf32, #tpu.memory_space<vmem_shared>> -> memref<1040x128xf32, #tpu.memory_space<vmem_shared>>
        tpu.enqueue_indirect_dma source(%dma_start3A_268 : memref<1040x128xf32, #tpu.memory_space<vmem_shared>>) target(%arg11 : memref<128x128xf32, #tpu.memory_space<vmem>>) offsets(%dma_start3A_265 : memref<128xi32, #tpu.memory_space<vmem>>) semaphore(%arg20 : memref<!tpu.dma_semaphore, #tpu.memory_space<semaphore_mem>>)
      } else {
      }
      %sub3A_194 = arith.constant 5 : i32
      %sub3A_195 = arith.subi %add3A_188, %sub3A_194 : i32
      %ge3A_196 = arith.constant 0 : i32
      %ge3A_197 = arith.cmpi sge, %sub3A_195, %ge3A_196 : i32
      %lt3A_198 = arith.constant 49 : i32
      %lt3A_199 = arith.cmpi slt, %sub3A_195, %lt3A_198 : i32
      %and3A_200 = arith.andi %ge3A_197, %lt3A_199 : i1
      %convert_element_type3A_201 = arith.extui %and3A_200 : i1 to i32
      %cond3A_202 = arith.constant 0 : i32
      %cond3A_203 = arith.cmpi ne, %convert_element_type3A_201, %cond3A_202 : i32
      scf.if %cond3A_203 {
        %mul3A_255 = arith.constant 3136 : i32
        %mul3A_256 = arith.muli %add3A, %mul3A_255 : i32
        %mul3A_257 = arith.constant 64 : i32
        %mul3A_258 = arith.muli %sub3A_195, %mul3A_257 : i32
        %add3A_259 = arith.addi %mul3A_256, %mul3A_258 : i32
        %dma_wait3A_260 = arith.constant 0 : i32
        %dma_wait3A_261 = tpu.memref_slice %arg8[%dma_wait3A_260] : memref<6272xi32, #tpu.memory_space<vmem>> -> memref<128xi32, #tpu.memory_space<vmem>>
        %dma_wait3A_262 = arith.constant 0 : i32
        %dma_wait3A_263 = arith.constant 0 : i32
        %dma_wait3A_264 = tpu.memref_slice %arg16[%dma_wait3A_262, %dma_wait3A_263] : memref<1040x128xf32, #tpu.memory_space<vmem_shared>> -> memref<1040x128xf32, #tpu.memory_space<vmem_shared>>
        tpu.wait_indirect_dma semaphore(%arg21 : memref<!tpu.dma_semaphore, #tpu.memory_space<semaphore_mem>>) src(%dma_wait3A_264 : memref<1040x128xf32, #tpu.memory_space<vmem_shared>>) dst(%arg12 : memref<128x128xf32, #tpu.memory_space<vmem>>)
        %scan3A_265 = arith.constant 0 : i32
        %scan3A_266 = arith.constant 32 : i32
        %scan3A_267 = arith.addi %scan3A_265, %scan3A_266 : i32
        %scan3A_268 = arith.constant 1 : i32
        scf.for %scan3A_288 = %scan3A_265 to %scan3A_267 step %scan3A_268  : i32 {
          %mul3A_289 = arith.constant 1 : i32
          %mul3A_290 = arith.muli %scan3A_288, %mul3A_289 : i32
          %add3A_291 = arith.constant 0 : i32
          %add3A_292 = arith.addi %add3A_291, %mul3A_290 : i32
          %get3A_293 = arith.index_cast %add3A_292 : i32 to index
          %get3A_294 = arith.constant 0 : index
          %get3A_295 = tpu.vector_load %arg12[%get3A_293, %get3A_294] {strides = array<i32>} : memref<128x128xf32, #tpu.memory_space<vmem>>, vector<1x16xf32>,
          %get3A_296 = vector.shape_cast %get3A_295 : vector<1x16xf32> to vector<16xf32>
          %add3A_297 = arith.constant 64 : i32
          %add3A_298 = arith.addi %add3A_297, %add3A_292 : i32
          %get3A_299 = arith.index_cast %add3A_298 : i32 to index
          %get3A_300 = arith.constant 0 : index
          %get3A_301 = tpu.vector_load %arg12[%get3A_299, %get3A_300] {strides = array<i32>} : memref<128x128xf32, #tpu.memory_space<vmem>>, vector<1x16xf32>,
          %get3A_302 = vector.shape_cast %get3A_301 : vector<1x16xf32> to vector<16xf32>
          %add3A_303 = arith.addf %get3A_296, %get3A_302 : vector<16xf32>
          %swap3A = arith.index_cast %add3A_292 : i32 to index
          %swap3A_304 = arith.constant 0 : index
          %swap3A_305 = tpu.vector_load %arg12[%swap3A, %swap3A_304] {strides = array<i32>} : memref<128x128xf32, #tpu.memory_space<vmem>>, vector<1x16xf32>,
          %swap3A_306 = vector.shape_cast %swap3A_305 : vector<1x16xf32> to vector<16xf32>
          %swap3A_307 = vector.shape_cast %add3A_303 : vector<16xf32> to vector<1x16xf32>
          tpu.vector_store %arg12[%swap3A, %swap3A_304], %swap3A_307 {strides = array<i32>} : memref<128x128xf32, #tpu.memory_space<vmem>>, vector<1x16xf32>,
          %get3A_308 = arith.index_cast %add3A_292 : i32 to index
          %get3A_309 = arith.constant 16 : index
          %get3A_310 = tpu.vector_load %arg12[%get3A_308, %get3A_309] {strides = array<i32>} : memref<128x128xf32, #tpu.memory_space<vmem>>, vector<1x16xf32>,
          %get3A_311 = vector.shape_cast %get3A_310 : vector<1x16xf32> to vector<16xf32>
          %add3A_312 = arith.constant 64 : i32
          %add3A_313 = arith.addi %add3A_312, %add3A_292 : i32
          %get3A_314 = arith.index_cast %add3A_313 : i32 to index
          %get3A_315 = arith.constant 16 : index
          %get3A_316 = tpu.vector_load %arg12[%get3A_314, %get3A_315] {strides = array<i32>} : memref<128x128xf32, #tpu.memory_space<vmem>>, vector<1x16xf32>,
          %get3A_317 = vector.shape_cast %get3A_316 : vector<1x16xf32> to vector<16xf32>
          %add3A_318 = arith.addf %get3A_311, %get3A_317 : vector<16xf32>
          %swap3A_319 = arith.index_cast %add3A_292 : i32 to index
          %swap3A_320 = arith.constant 16 : index
          %swap3A_321 = tpu.vector_load %arg12[%swap3A_319, %swap3A_320] {strides = array<i32>} : memref<128x128xf32, #tpu.memory_space<vmem>>, vector<1x16xf32>,
          %swap3A_322 = vector.shape_cast %swap3A_321 : vector<1x16xf32> to vector<16xf32>
          %swap3A_323 = vector.shape_cast %add3A_318 : vector<16xf32> to vector<1x16xf32>
          tpu.vector_store %arg12[%swap3A_319, %swap3A_320], %swap3A_323 {strides = array<i32>} : memref<128x128xf32, #tpu.memory_space<vmem>>, vector<1x16xf32>,
          %get3A_324 = arith.index_cast %add3A_292 : i32 to index
          %get3A_325 = arith.constant 32 : index
          %get3A_326 = tpu.vector_load %arg12[%get3A_324, %get3A_325] {strides = array<i32>} : memref<128x128xf32, #tpu.memory_space<vmem>>, vector<1x16xf32>,
          %get3A_327 = vector.shape_cast %get3A_326 : vector<1x16xf32> to vector<16xf32>
          %add3A_328 = arith.constant 64 : i32
          %add3A_329 = arith.addi %add3A_328, %add3A_292 : i32
          %get3A_330 = arith.index_cast %add3A_329 : i32 to index
          %get3A_331 = arith.constant 32 : index
          %get3A_332 = tpu.vector_load %arg12[%get3A_330, %get3A_331] {strides = array<i32>} : memref<128x128xf32, #tpu.memory_space<vmem>>, vector<1x16xf32>,
          %get3A_333 = vector.shape_cast %get3A_332 : vector<1x16xf32> to vector<16xf32>
          %add3A_334 = arith.addf %get3A_327, %get3A_333 : vector<16xf32>
          %swap3A_335 = arith.index_cast %add3A_292 : i32 to index
          %swap3A_336 = arith.constant 32 : index
          %swap3A_337 = tpu.vector_load %arg12[%swap3A_335, %swap3A_336] {strides = array<i32>} : memref<128x128xf32, #tpu.memory_space<vmem>>, vector<1x16xf32>,
          %swap3A_338 = vector.shape_cast %swap3A_337 : vector<1x16xf32> to vector<16xf32>
          %swap3A_339 = vector.shape_cast %add3A_334 : vector<16xf32> to vector<1x16xf32>
          tpu.vector_store %arg12[%swap3A_335, %swap3A_336], %swap3A_339 {strides = array<i32>} : memref<128x128xf32, #tpu.memory_space<vmem>>, vector<1x16xf32>,
          %get3A_340 = arith.index_cast %add3A_292 : i32 to index
          %get3A_341 = arith.constant 48 : index
          %get3A_342 = tpu.vector_load %arg12[%get3A_340, %get3A_341] {strides = array<i32>} : memref<128x128xf32, #tpu.memory_space<vmem>>, vector<1x16xf32>,
          %get3A_343 = vector.shape_cast %get3A_342 : vector<1x16xf32> to vector<16xf32>
          %add3A_344 = arith.constant 64 : i32
          %add3A_345 = arith.addi %add3A_344, %add3A_292 : i32
          %get3A_346 = arith.index_cast %add3A_345 : i32 to index
          %get3A_347 = arith.constant 48 : index
          %get3A_348 = tpu.vector_load %arg12[%get3A_346, %get3A_347] {strides = array<i32>} : memref<128x128xf32, #tpu.memory_space<vmem>>, vector<1x16xf32>,
          %get3A_349 = vector.shape_cast %get3A_348 : vector<1x16xf32> to vector<16xf32>
          %add3A_350 = arith.addf %get3A_343, %get3A_349 : vector<16xf32>
          %swap3A_351 = arith.index_cast %add3A_292 : i32 to index
          %swap3A_352 = arith.constant 48 : index
          %swap3A_353 = tpu.vector_load %arg12[%swap3A_351, %swap3A_352] {strides = array<i32>} : memref<128x128xf32, #tpu.memory_space<vmem>>, vector<1x16xf32>,
          %swap3A_354 = vector.shape_cast %swap3A_353 : vector<1x16xf32> to vector<16xf32>
          %swap3A_355 = vector.shape_cast %add3A_350 : vector<16xf32> to vector<1x16xf32>
          tpu.vector_store %arg12[%swap3A_351, %swap3A_352], %swap3A_355 {strides = array<i32>} : memref<128x128xf32, #tpu.memory_space<vmem>>, vector<1x16xf32>,
          %get3A_356 = arith.index_cast %add3A_292 : i32 to index
          %get3A_357 = arith.constant 64 : index
          %get3A_358 = tpu.vector_load %arg12[%get3A_356, %get3A_357] {strides = array<i32>} : memref<128x128xf32, #tpu.memory_space<vmem>>, vector<1x16xf32>,
          %get3A_359 = vector.shape_cast %get3A_358 : vector<1x16xf32> to vector<16xf32>
          %add3A_360 = arith.constant 64 : i32
          %add3A_361 = arith.addi %add3A_360, %add3A_292 : i32
          %get3A_362 = arith.index_cast %add3A_361 : i32 to index
          %get3A_363 = arith.constant 64 : index
          %get3A_364 = tpu.vector_load %arg12[%get3A_362, %get3A_363] {strides = array<i32>} : memref<128x128xf32, #tpu.memory_space<vmem>>, vector<1x16xf32>,
          %get3A_365 = vector.shape_cast %get3A_364 : vector<1x16xf32> to vector<16xf32>
          %add3A_366 = arith.addf %get3A_359, %get3A_365 : vector<16xf32>
          %swap3A_367 = arith.index_cast %add3A_292 : i32 to index
          %swap3A_368 = arith.constant 64 : index
          %swap3A_369 = tpu.vector_load %arg12[%swap3A_367, %swap3A_368] {strides = array<i32>} : memref<128x128xf32, #tpu.memory_space<vmem>>, vector<1x16xf32>,
          %swap3A_370 = vector.shape_cast %swap3A_369 : vector<1x16xf32> to vector<16xf32>
          %swap3A_371 = vector.shape_cast %add3A_366 : vector<16xf32> to vector<1x16xf32>
          tpu.vector_store %arg12[%swap3A_367, %swap3A_368], %swap3A_371 {strides = array<i32>} : memref<128x128xf32, #tpu.memory_space<vmem>>, vector<1x16xf32>,
          %get3A_372 = arith.index_cast %add3A_292 : i32 to index
          %get3A_373 = arith.constant 80 : index
          %get3A_374 = tpu.vector_load %arg12[%get3A_372, %get3A_373] {strides = array<i32>} : memref<128x128xf32, #tpu.memory_space<vmem>>, vector<1x16xf32>,
          %get3A_375 = vector.shape_cast %get3A_374 : vector<1x16xf32> to vector<16xf32>
          %add3A_376 = arith.constant 64 : i32
          %add3A_377 = arith.addi %add3A_376, %add3A_292 : i32
          %get3A_378 = arith.index_cast %add3A_377 : i32 to index
          %get3A_379 = arith.constant 80 : index
          %get3A_380 = tpu.vector_load %arg12[%get3A_378, %get3A_379] {strides = array<i32>} : memref<128x128xf32, #tpu.memory_space<vmem>>, vector<1x16xf32>,
          %get3A_381 = vector.shape_cast %get3A_380 : vector<1x16xf32> to vector<16xf32>
          %add3A_382 = arith.addf %get3A_375, %get3A_381 : vector<16xf32>
          %swap3A_383 = arith.index_cast %add3A_292 : i32 to index
          %swap3A_384 = arith.constant 80 : index
          %swap3A_385 = tpu.vector_load %arg12[%swap3A_383, %swap3A_384] {strides = array<i32>} : memref<128x128xf32, #tpu.memory_space<vmem>>, vector<1x16xf32>,
          %swap3A_386 = vector.shape_cast %swap3A_385 : vector<1x16xf32> to vector<16xf32>
          %swap3A_387 = vector.shape_cast %add3A_382 : vector<16xf32> to vector<1x16xf32>
          tpu.vector_store %arg12[%swap3A_383, %swap3A_384], %swap3A_387 {strides = array<i32>} : memref<128x128xf32, #tpu.memory_space<vmem>>, vector<1x16xf32>,
          %get3A_388 = arith.index_cast %add3A_292 : i32 to index
          %get3A_389 = arith.constant 96 : index
          %get3A_390 = tpu.vector_load %arg12[%get3A_388, %get3A_389] {strides = array<i32>} : memref<128x128xf32, #tpu.memory_space<vmem>>, vector<1x16xf32>,
          %get3A_391 = vector.shape_cast %get3A_390 : vector<1x16xf32> to vector<16xf32>
          %add3A_392 = arith.constant 64 : i32
          %add3A_393 = arith.addi %add3A_392, %add3A_292 : i32
          %get3A_394 = arith.index_cast %add3A_393 : i32 to index
          %get3A_395 = arith.constant 96 : index
          %get3A_396 = tpu.vector_load %arg12[%get3A_394, %get3A_395] {strides = array<i32>} : memref<128x128xf32, #tpu.memory_space<vmem>>, vector<1x16xf32>,
          %get3A_397 = vector.shape_cast %get3A_396 : vector<1x16xf32> to vector<16xf32>
          %add3A_398 = arith.addf %get3A_391, %get3A_397 : vector<16xf32>
          %swap3A_399 = arith.index_cast %add3A_292 : i32 to index
          %swap3A_400 = arith.constant 96 : index
          %swap3A_401 = tpu.vector_load %arg12[%swap3A_399, %swap3A_400] {strides = array<i32>} : memref<128x128xf32, #tpu.memory_space<vmem>>, vector<1x16xf32>,
          %swap3A_402 = vector.shape_cast %swap3A_401 : vector<1x16xf32> to vector<16xf32>
          %swap3A_403 = vector.shape_cast %add3A_398 : vector<16xf32> to vector<1x16xf32>
          tpu.vector_store %arg12[%swap3A_399, %swap3A_400], %swap3A_403 {strides = array<i32>} : memref<128x128xf32, #tpu.memory_space<vmem>>, vector<1x16xf32>,
          %get3A_404 = arith.index_cast %add3A_292 : i32 to index
          %get3A_405 = arith.constant 112 : index
          %get3A_406 = tpu.vector_load %arg12[%get3A_404, %get3A_405] {strides = array<i32>} : memref<128x128xf32, #tpu.memory_space<vmem>>, vector<1x16xf32>,
          %get3A_407 = vector.shape_cast %get3A_406 : vector<1x16xf32> to vector<16xf32>
          %add3A_408 = arith.constant 64 : i32
          %add3A_409 = arith.addi %add3A_408, %add3A_292 : i32
          %get3A_410 = arith.index_cast %add3A_409 : i32 to index
          %get3A_411 = arith.constant 112 : index
          %get3A_412 = tpu.vector_load %arg12[%get3A_410, %get3A_411] {strides = array<i32>} : memref<128x128xf32, #tpu.memory_space<vmem>>, vector<1x16xf32>,
          %get3A_413 = vector.shape_cast %get3A_412 : vector<1x16xf32> to vector<16xf32>
          %add3A_414 = arith.addf %get3A_407, %get3A_413 : vector<16xf32>
          %swap3A_415 = arith.index_cast %add3A_292 : i32 to index
          %swap3A_416 = arith.constant 112 : index
          %swap3A_417 = tpu.vector_load %arg12[%swap3A_415, %swap3A_416] {strides = array<i32>} : memref<128x128xf32, #tpu.memory_space<vmem>>, vector<1x16xf32>,
          %swap3A_418 = vector.shape_cast %swap3A_417 : vector<1x16xf32> to vector<16xf32>
          %swap3A_419 = vector.shape_cast %add3A_414 : vector<16xf32> to vector<1x16xf32>
          tpu.vector_store %arg12[%swap3A_415, %swap3A_416], %swap3A_419 {strides = array<i32>} : memref<128x128xf32, #tpu.memory_space<vmem>>, vector<1x16xf32>,
        }
        %scan3A_269 = arith.constant 32 : i32
        %add3A_270 = arith.constant 32 : i32
        %add3A_271 = arith.addi %add3A_259, %add3A_270 : i32
        %le3A = arith.constant 100000 : i32
        %le3A_272 = arith.cmpi sle, %add3A_271, %le3A : i32
        %convert_element_type3A_273 = arith.extui %le3A_272 : i1 to i32
        %cond3A_274 = arith.constant 0 : i32
        %cond3A_275 = arith.cmpi ne, %convert_element_type3A_273, %cond3A_274 : i32
        scf.if %cond3A_275 {
          %add3A_288 = arith.constant 0 : i32
          %add3A_289 = arith.addi %add3A_259, %add3A_288 : i32
          %multiple_of3A_290 = tpu.assume_multiple %add3A_289, 32 : i32
          %dma_start3A_291 = arith.constant 0 : i32
          %dma_start3A_292 = arith.constant 0 : i32
          %dma_start3A_293 = tpu.memref_slice %arg12[%dma_start3A_291, %dma_start3A_292] : memref<128x128xf32, #tpu.memory_space<vmem>> -> memref<32x128xf32, #tpu.memory_space<vmem>>
          %dma_start3A_294 = arith.constant 0 : i32
          %dma_start3A_295 = tpu.memref_slice %arg6[%multiple_of3A_290, %dma_start3A_294] : memref<100000x128xf32, #tpu.memory_space<hbm>> -> memref<32x128xf32, #tpu.memory_space<hbm>>
          %dma_start3A_296 = arith.constant 0 : i32
          %dma_start3A_297 = tpu.memref_slice %arg6[%multiple_of3A_290, %dma_start3A_296] : memref<100000x128xf32, #tpu.memory_space<hbm>> -> memref<32x128xf32, #tpu.memory_space<hbm>>
          %dma_start3A_298 = arith.constant 0 : i32
          %dma_start3A_299 = arith.constant 0 : i32
          %dma_start3A_300 = tpu.memref_slice %arg12[%dma_start3A_298, %dma_start3A_299] : memref<128x128xf32, #tpu.memory_space<vmem>> -> memref<32x128xf32, #tpu.memory_space<vmem>>
          tpu.enqueue_dma source(%dma_start3A_300 : memref<32x128xf32, #tpu.memory_space<vmem>>) target(%dma_start3A_297 : memref<32x128xf32, #tpu.memory_space<hbm>>) target_semaphore(%arg27 : memref<!tpu.dma_semaphore, #tpu.memory_space<semaphore_mem>>)
        } else {
        }
        %scan3A_276 = arith.constant 0 : i32
        %scan3A_277 = arith.constant 32 : i32
        %scan3A_278 = arith.addi %scan3A_276, %scan3A_277 : i32
        %scan3A_279 = arith.constant 1 : i32
        scf.for %scan3A_288 = %scan3A_276 to %scan3A_278 step %scan3A_279  : i32 {
          %mul3A_289 = arith.constant 1 : i32
          %mul3A_290 = arith.muli %scan3A_288, %mul3A_289 : i32
          %add3A_291 = arith.constant 32 : i32
          %add3A_292 = arith.addi %add3A_291, %mul3A_290 : i32
          %get3A_293 = arith.index_cast %add3A_292 : i32 to index
          %get3A_294 = arith.constant 0 : index
          %get3A_295 = tpu.vector_load %arg12[%get3A_293, %get3A_294] {strides = array<i32>} : memref<128x128xf32, #tpu.memory_space<vmem>>, vector<1x16xf32>,
          %get3A_296 = vector.shape_cast %get3A_295 : vector<1x16xf32> to vector<16xf32>
          %add3A_297 = arith.constant 64 : i32
          %add3A_298 = arith.addi %add3A_297, %add3A_292 : i32
          %get3A_299 = arith.index_cast %add3A_298 : i32 to index
          %get3A_300 = arith.constant 0 : index
          %get3A_301 = tpu.vector_load %arg12[%get3A_299, %get3A_300] {strides = array<i32>} : memref<128x128xf32, #tpu.memory_space<vmem>>, vector<1x16xf32>,
          %get3A_302 = vector.shape_cast %get3A_301 : vector<1x16xf32> to vector<16xf32>
          %add3A_303 = arith.addf %get3A_296, %get3A_302 : vector<16xf32>
          %swap3A = arith.index_cast %add3A_292 : i32 to index
          %swap3A_304 = arith.constant 0 : index
          %swap3A_305 = tpu.vector_load %arg12[%swap3A, %swap3A_304] {strides = array<i32>} : memref<128x128xf32, #tpu.memory_space<vmem>>, vector<1x16xf32>,
          %swap3A_306 = vector.shape_cast %swap3A_305 : vector<1x16xf32> to vector<16xf32>
          %swap3A_307 = vector.shape_cast %add3A_303 : vector<16xf32> to vector<1x16xf32>
          tpu.vector_store %arg12[%swap3A, %swap3A_304], %swap3A_307 {strides = array<i32>} : memref<128x128xf32, #tpu.memory_space<vmem>>, vector<1x16xf32>,
          %get3A_308 = arith.index_cast %add3A_292 : i32 to index
          %get3A_309 = arith.constant 16 : index
          %get3A_310 = tpu.vector_load %arg12[%get3A_308, %get3A_309] {strides = array<i32>} : memref<128x128xf32, #tpu.memory_space<vmem>>, vector<1x16xf32>,
          %get3A_311 = vector.shape_cast %get3A_310 : vector<1x16xf32> to vector<16xf32>
          %add3A_312 = arith.constant 64 : i32
          %add3A_313 = arith.addi %add3A_312, %add3A_292 : i32
          %get3A_314 = arith.index_cast %add3A_313 : i32 to index
          %get3A_315 = arith.constant 16 : index
          %get3A_316 = tpu.vector_load %arg12[%get3A_314, %get3A_315] {strides = array<i32>} : memref<128x128xf32, #tpu.memory_space<vmem>>, vector<1x16xf32>,
          %get3A_317 = vector.shape_cast %get3A_316 : vector<1x16xf32> to vector<16xf32>
          %add3A_318 = arith.addf %get3A_311, %get3A_317 : vector<16xf32>
          %swap3A_319 = arith.index_cast %add3A_292 : i32 to index
          %swap3A_320 = arith.constant 16 : index
          %swap3A_321 = tpu.vector_load %arg12[%swap3A_319, %swap3A_320] {strides = array<i32>} : memref<128x128xf32, #tpu.memory_space<vmem>>, vector<1x16xf32>,
          %swap3A_322 = vector.shape_cast %swap3A_321 : vector<1x16xf32> to vector<16xf32>
          %swap3A_323 = vector.shape_cast %add3A_318 : vector<16xf32> to vector<1x16xf32>
          tpu.vector_store %arg12[%swap3A_319, %swap3A_320], %swap3A_323 {strides = array<i32>} : memref<128x128xf32, #tpu.memory_space<vmem>>, vector<1x16xf32>,
          %get3A_324 = arith.index_cast %add3A_292 : i32 to index
          %get3A_325 = arith.constant 32 : index
          %get3A_326 = tpu.vector_load %arg12[%get3A_324, %get3A_325] {strides = array<i32>} : memref<128x128xf32, #tpu.memory_space<vmem>>, vector<1x16xf32>,
          %get3A_327 = vector.shape_cast %get3A_326 : vector<1x16xf32> to vector<16xf32>
          %add3A_328 = arith.constant 64 : i32
          %add3A_329 = arith.addi %add3A_328, %add3A_292 : i32
          %get3A_330 = arith.index_cast %add3A_329 : i32 to index
          %get3A_331 = arith.constant 32 : index
          %get3A_332 = tpu.vector_load %arg12[%get3A_330, %get3A_331] {strides = array<i32>} : memref<128x128xf32, #tpu.memory_space<vmem>>, vector<1x16xf32>,
          %get3A_333 = vector.shape_cast %get3A_332 : vector<1x16xf32> to vector<16xf32>
          %add3A_334 = arith.addf %get3A_327, %get3A_333 : vector<16xf32>
          %swap3A_335 = arith.index_cast %add3A_292 : i32 to index
          %swap3A_336 = arith.constant 32 : index
          %swap3A_337 = tpu.vector_load %arg12[%swap3A_335, %swap3A_336] {strides = array<i32>} : memref<128x128xf32, #tpu.memory_space<vmem>>, vector<1x16xf32>,
          %swap3A_338 = vector.shape_cast %swap3A_337 : vector<1x16xf32> to vector<16xf32>
          %swap3A_339 = vector.shape_cast %add3A_334 : vector<16xf32> to vector<1x16xf32>
          tpu.vector_store %arg12[%swap3A_335, %swap3A_336], %swap3A_339 {strides = array<i32>} : memref<128x128xf32, #tpu.memory_space<vmem>>, vector<1x16xf32>,
          %get3A_340 = arith.index_cast %add3A_292 : i32 to index
          %get3A_341 = arith.constant 48 : index
          %get3A_342 = tpu.vector_load %arg12[%get3A_340, %get3A_341] {strides = array<i32>} : memref<128x128xf32, #tpu.memory_space<vmem>>, vector<1x16xf32>,
          %get3A_343 = vector.shape_cast %get3A_342 : vector<1x16xf32> to vector<16xf32>
          %add3A_344 = arith.constant 64 : i32
          %add3A_345 = arith.addi %add3A_344, %add3A_292 : i32
          %get3A_346 = arith.index_cast %add3A_345 : i32 to index
          %get3A_347 = arith.constant 48 : index
          %get3A_348 = tpu.vector_load %arg12[%get3A_346, %get3A_347] {strides = array<i32>} : memref<128x128xf32, #tpu.memory_space<vmem>>, vector<1x16xf32>,
          %get3A_349 = vector.shape_cast %get3A_348 : vector<1x16xf32> to vector<16xf32>
          %add3A_350 = arith.addf %get3A_343, %get3A_349 : vector<16xf32>
          %swap3A_351 = arith.index_cast %add3A_292 : i32 to index
          %swap3A_352 = arith.constant 48 : index
          %swap3A_353 = tpu.vector_load %arg12[%swap3A_351, %swap3A_352] {strides = array<i32>} : memref<128x128xf32, #tpu.memory_space<vmem>>, vector<1x16xf32>,
          %swap3A_354 = vector.shape_cast %swap3A_353 : vector<1x16xf32> to vector<16xf32>
          %swap3A_355 = vector.shape_cast %add3A_350 : vector<16xf32> to vector<1x16xf32>
          tpu.vector_store %arg12[%swap3A_351, %swap3A_352], %swap3A_355 {strides = array<i32>} : memref<128x128xf32, #tpu.memory_space<vmem>>, vector<1x16xf32>,
          %get3A_356 = arith.index_cast %add3A_292 : i32 to index
          %get3A_357 = arith.constant 64 : index
          %get3A_358 = tpu.vector_load %arg12[%get3A_356, %get3A_357] {strides = array<i32>} : memref<128x128xf32, #tpu.memory_space<vmem>>, vector<1x16xf32>,
          %get3A_359 = vector.shape_cast %get3A_358 : vector<1x16xf32> to vector<16xf32>
          %add3A_360 = arith.constant 64 : i32
          %add3A_361 = arith.addi %add3A_360, %add3A_292 : i32
          %get3A_362 = arith.index_cast %add3A_361 : i32 to index
          %get3A_363 = arith.constant 64 : index
          %get3A_364 = tpu.vector_load %arg12[%get3A_362, %get3A_363] {strides = array<i32>} : memref<128x128xf32, #tpu.memory_space<vmem>>, vector<1x16xf32>,
          %get3A_365 = vector.shape_cast %get3A_364 : vector<1x16xf32> to vector<16xf32>
          %add3A_366 = arith.addf %get3A_359, %get3A_365 : vector<16xf32>
          %swap3A_367 = arith.index_cast %add3A_292 : i32 to index
          %swap3A_368 = arith.constant 64 : index
          %swap3A_369 = tpu.vector_load %arg12[%swap3A_367, %swap3A_368] {strides = array<i32>} : memref<128x128xf32, #tpu.memory_space<vmem>>, vector<1x16xf32>,
          %swap3A_370 = vector.shape_cast %swap3A_369 : vector<1x16xf32> to vector<16xf32>
          %swap3A_371 = vector.shape_cast %add3A_366 : vector<16xf32> to vector<1x16xf32>
          tpu.vector_store %arg12[%swap3A_367, %swap3A_368], %swap3A_371 {strides = array<i32>} : memref<128x128xf32, #tpu.memory_space<vmem>>, vector<1x16xf32>,
          %get3A_372 = arith.index_cast %add3A_292 : i32 to index
          %get3A_373 = arith.constant 80 : index
          %get3A_374 = tpu.vector_load %arg12[%get3A_372, %get3A_373] {strides = array<i32>} : memref<128x128xf32, #tpu.memory_space<vmem>>, vector<1x16xf32>,
          %get3A_375 = vector.shape_cast %get3A_374 : vector<1x16xf32> to vector<16xf32>
          %add3A_376 = arith.constant 64 : i32
          %add3A_377 = arith.addi %add3A_376, %add3A_292 : i32
          %get3A_378 = arith.index_cast %add3A_377 : i32 to index
          %get3A_379 = arith.constant 80 : index
          %get3A_380 = tpu.vector_load %arg12[%get3A_378, %get3A_379] {strides = array<i32>} : memref<128x128xf32, #tpu.memory_space<vmem>>, vector<1x16xf32>,
          %get3A_381 = vector.shape_cast %get3A_380 : vector<1x16xf32> to vector<16xf32>
          %add3A_382 = arith.addf %get3A_375, %get3A_381 : vector<16xf32>
          %swap3A_383 = arith.index_cast %add3A_292 : i32 to index
          %swap3A_384 = arith.constant 80 : index
          %swap3A_385 = tpu.vector_load %arg12[%swap3A_383, %swap3A_384] {strides = array<i32>} : memref<128x128xf32, #tpu.memory_space<vmem>>, vector<1x16xf32>,
          %swap3A_386 = vector.shape_cast %swap3A_385 : vector<1x16xf32> to vector<16xf32>
          %swap3A_387 = vector.shape_cast %add3A_382 : vector<16xf32> to vector<1x16xf32>
          tpu.vector_store %arg12[%swap3A_383, %swap3A_384], %swap3A_387 {strides = array<i32>} : memref<128x128xf32, #tpu.memory_space<vmem>>, vector<1x16xf32>,
          %get3A_388 = arith.index_cast %add3A_292 : i32 to index
          %get3A_389 = arith.constant 96 : index
          %get3A_390 = tpu.vector_load %arg12[%get3A_388, %get3A_389] {strides = array<i32>} : memref<128x128xf32, #tpu.memory_space<vmem>>, vector<1x16xf32>,
          %get3A_391 = vector.shape_cast %get3A_390 : vector<1x16xf32> to vector<16xf32>
          %add3A_392 = arith.constant 64 : i32
          %add3A_393 = arith.addi %add3A_392, %add3A_292 : i32
          %get3A_394 = arith.index_cast %add3A_393 : i32 to index
          %get3A_395 = arith.constant 96 : index
          %get3A_396 = tpu.vector_load %arg12[%get3A_394, %get3A_395] {strides = array<i32>} : memref<128x128xf32, #tpu.memory_space<vmem>>, vector<1x16xf32>,
          %get3A_397 = vector.shape_cast %get3A_396 : vector<1x16xf32> to vector<16xf32>
          %add3A_398 = arith.addf %get3A_391, %get3A_397 : vector<16xf32>
          %swap3A_399 = arith.index_cast %add3A_292 : i32 to index
          %swap3A_400 = arith.constant 96 : index
          %swap3A_401 = tpu.vector_load %arg12[%swap3A_399, %swap3A_400] {strides = array<i32>} : memref<128x128xf32, #tpu.memory_space<vmem>>, vector<1x16xf32>,
          %swap3A_402 = vector.shape_cast %swap3A_401 : vector<1x16xf32> to vector<16xf32>
          %swap3A_403 = vector.shape_cast %add3A_398 : vector<16xf32> to vector<1x16xf32>
          tpu.vector_store %arg12[%swap3A_399, %swap3A_400], %swap3A_403 {strides = array<i32>} : memref<128x128xf32, #tpu.memory_space<vmem>>, vector<1x16xf32>,
          %get3A_404 = arith.index_cast %add3A_292 : i32 to index
          %get3A_405 = arith.constant 112 : index
          %get3A_406 = tpu.vector_load %arg12[%get3A_404, %get3A_405] {strides = array<i32>} : memref<128x128xf32, #tpu.memory_space<vmem>>, vector<1x16xf32>,
          %get3A_407 = vector.shape_cast %get3A_406 : vector<1x16xf32> to vector<16xf32>
          %add3A_408 = arith.constant 64 : i32
          %add3A_409 = arith.addi %add3A_408, %add3A_292 : i32
          %get3A_410 = arith.index_cast %add3A_409 : i32 to index
          %get3A_411 = arith.constant 112 : index
          %get3A_412 = tpu.vector_load %arg12[%get3A_410, %get3A_411] {strides = array<i32>} : memref<128x128xf32, #tpu.memory_space<vmem>>, vector<1x16xf32>,
          %get3A_413 = vector.shape_cast %get3A_412 : vector<1x16xf32> to vector<16xf32>
          %add3A_414 = arith.addf %get3A_407, %get3A_413 : vector<16xf32>
          %swap3A_415 = arith.index_cast %add3A_292 : i32 to index
          %swap3A_416 = arith.constant 112 : index
          %swap3A_417 = tpu.vector_load %arg12[%swap3A_415, %swap3A_416] {strides = array<i32>} : memref<128x128xf32, #tpu.memory_space<vmem>>, vector<1x16xf32>,
          %swap3A_418 = vector.shape_cast %swap3A_417 : vector<1x16xf32> to vector<16xf32>
          %swap3A_419 = vector.shape_cast %add3A_414 : vector<16xf32> to vector<1x16xf32>
          tpu.vector_store %arg12[%swap3A_415, %swap3A_416], %swap3A_419 {strides = array<i32>} : memref<128x128xf32, #tpu.memory_space<vmem>>, vector<1x16xf32>,
        }
        %scan3A_280 = arith.constant 32 : i32
        %add3A_281 = arith.constant 64 : i32
        %add3A_282 = arith.addi %add3A_259, %add3A_281 : i32
        %le3A_283 = arith.constant 100000 : i32
        %le3A_284 = arith.cmpi sle, %add3A_282, %le3A_283 : i32
        %convert_element_type3A_285 = arith.extui %le3A_284 : i1 to i32
        %cond3A_286 = arith.constant 0 : i32
        %cond3A_287 = arith.cmpi ne, %convert_element_type3A_285, %cond3A_286 : i32
        scf.if %cond3A_287 {
          %add3A_288 = arith.constant 32 : i32
          %add3A_289 = arith.addi %add3A_259, %add3A_288 : i32
          %multiple_of3A_290 = tpu.assume_multiple %add3A_289, 32 : i32
          %dma_start3A_291 = arith.constant 32 : i32
          %dma_start3A_292 = arith.constant 0 : i32
          %dma_start3A_293 = tpu.memref_slice %arg12[%dma_start3A_291, %dma_start3A_292] : memref<128x128xf32, #tpu.memory_space<vmem>> -> memref<32x128xf32, #tpu.memory_space<vmem>>
          %dma_start3A_294 = arith.constant 0 : i32
          %dma_start3A_295 = tpu.memref_slice %arg6[%multiple_of3A_290, %dma_start3A_294] : memref<100000x128xf32, #tpu.memory_space<hbm>> -> memref<32x128xf32, #tpu.memory_space<hbm>>
          %dma_start3A_296 = arith.constant 0 : i32
          %dma_start3A_297 = tpu.memref_slice %arg6[%multiple_of3A_290, %dma_start3A_296] : memref<100000x128xf32, #tpu.memory_space<hbm>> -> memref<32x128xf32, #tpu.memory_space<hbm>>
          %dma_start3A_298 = arith.constant 32 : i32
          %dma_start3A_299 = arith.constant 0 : i32
          %dma_start3A_300 = tpu.memref_slice %arg12[%dma_start3A_298, %dma_start3A_299] : memref<128x128xf32, #tpu.memory_space<vmem>> -> memref<32x128xf32, #tpu.memory_space<vmem>>
          tpu.enqueue_dma source(%dma_start3A_300 : memref<32x128xf32, #tpu.memory_space<vmem>>) target(%dma_start3A_297 : memref<32x128xf32, #tpu.memory_space<hbm>>) target_semaphore(%arg27 : memref<!tpu.dma_semaphore, #tpu.memory_space<semaphore_mem>>)
        } else {
        }
      } else {
      }
      %add3A_204 = arith.constant 3 : i32
      %add3A_205 = arith.addi %add3A_155, %add3A_204 : i32
      %lt3A_206 = arith.constant 49 : i32
      %lt3A_207 = arith.cmpi slt, %add3A_205, %lt3A_206 : i32
      %convert_element_type3A_208 = arith.extui %lt3A_207 : i1 to i32
      %cond3A_209 = arith.constant 0 : i32
      %cond3A_210 = arith.cmpi ne, %convert_element_type3A_208, %cond3A_209 : i32
      scf.if %cond3A_210 {
        %ge3A_255 = arith.constant 6 : i32
        %ge3A_256 = arith.cmpi sge, %add3A_205, %ge3A_255 : i32
        %convert_element_type3A_257 = arith.extui %ge3A_256 : i1 to i32
        %cond3A_258 = arith.constant 0 : i32
        %cond3A_259 = arith.cmpi ne, %convert_element_type3A_257, %cond3A_258 : i32
        scf.if %cond3A_259 {
          %dma_wait3A_269 = arith.constant 0 : i32
          %dma_wait3A_270 = arith.constant 0 : i32
          %dma_wait3A_271 = tpu.memref_slice %arg12[%dma_wait3A_269, %dma_wait3A_270] : memref<128x128xf32, #tpu.memory_space<vmem>> -> memref<32x128xf32, #tpu.memory_space<vmem>>
          %dma_wait3A_272 = arith.constant 0 : i32
          %dma_wait3A_273 = arith.constant 0 : i32
          %dma_wait3A_274 = tpu.memref_slice %arg6[%dma_wait3A_272, %dma_wait3A_273] : memref<100000x128xf32, #tpu.memory_space<hbm>> -> memref<32x128xf32, #tpu.memory_space<hbm>>
          %dma_wait3A_275 = arith.constant 0 : i32
          %dma_wait3A_276 = arith.constant 0 : i32
          %dma_wait3A_277 = tpu.memref_slice %arg6[%dma_wait3A_275, %dma_wait3A_276] : memref<100000x128xf32, #tpu.memory_space<hbm>> -> memref<32x128xf32, #tpu.memory_space<hbm>>
          %dma_wait3A_278 = arith.constant 0 : i32
          %dma_wait3A_279 = arith.constant 0 : i32
          %dma_wait3A_280 = tpu.memref_slice %arg12[%dma_wait3A_278, %dma_wait3A_279] : memref<128x128xf32, #tpu.memory_space<vmem>> -> memref<32x128xf32, #tpu.memory_space<vmem>>
          tpu.wait_dma2 semaphore(%arg27 : memref<!tpu.dma_semaphore, #tpu.memory_space<semaphore_mem>>) src(%dma_wait3A_280 : memref<32x128xf32, #tpu.memory_space<vmem>>) dst(%dma_wait3A_277 : memref<32x128xf32, #tpu.memory_space<hbm>>)
          %dma_wait3A_281 = arith.constant 0 : i32
          %dma_wait3A_282 = arith.constant 0 : i32
          %dma_wait3A_283 = tpu.memref_slice %arg12[%dma_wait3A_281, %dma_wait3A_282] : memref<128x128xf32, #tpu.memory_space<vmem>> -> memref<32x128xf32, #tpu.memory_space<vmem>>
          %dma_wait3A_284 = arith.constant 0 : i32
          %dma_wait3A_285 = arith.constant 0 : i32
          %dma_wait3A_286 = tpu.memref_slice %arg6[%dma_wait3A_284, %dma_wait3A_285] : memref<100000x128xf32, #tpu.memory_space<hbm>> -> memref<32x128xf32, #tpu.memory_space<hbm>>
          %dma_wait3A_287 = arith.constant 0 : i32
          %dma_wait3A_288 = arith.constant 0 : i32
          %dma_wait3A_289 = tpu.memref_slice %arg6[%dma_wait3A_287, %dma_wait3A_288] : memref<100000x128xf32, #tpu.memory_space<hbm>> -> memref<32x128xf32, #tpu.memory_space<hbm>>
          %dma_wait3A_290 = arith.constant 0 : i32
          %dma_wait3A_291 = arith.constant 0 : i32
          %dma_wait3A_292 = tpu.memref_slice %arg12[%dma_wait3A_290, %dma_wait3A_291] : memref<128x128xf32, #tpu.memory_space<vmem>> -> memref<32x128xf32, #tpu.memory_space<vmem>>
          tpu.wait_dma2 semaphore(%arg27 : memref<!tpu.dma_semaphore, #tpu.memory_space<semaphore_mem>>) src(%dma_wait3A_292 : memref<32x128xf32, #tpu.memory_space<vmem>>) dst(%dma_wait3A_289 : memref<32x128xf32, #tpu.memory_space<hbm>>)
        } else {
        }
        %mul3A_260 = arith.constant 2 : i32
        %mul3A_261 = arith.muli %add3A_205, %mul3A_260 : i32
        %mul3A_262 = arith.constant 64 : i32
        %mul3A_263 = arith.muli %mul3A_261, %mul3A_262 : i32
        %multiple_of3A_264 = tpu.assume_multiple %mul3A_263, 128 : i32
        %dma_start3A_265 = tpu.memref_slice %arg8[%multiple_of3A_264] : memref<6272xi32, #tpu.memory_space<vmem>> -> memref<128xi32, #tpu.memory_space<vmem>>
        %dma_start3A_266 = arith.constant 0 : i32
        %dma_start3A_267 = arith.constant 0 : i32
        %dma_start3A_268 = tpu.memref_slice %arg16[%dma_start3A_266, %dma_start3A_267] : memref<1040x128xf32, #tpu.memory_space<vmem_shared>> -> memref<1040x128xf32, #tpu.memory_space<vmem_shared>>
        tpu.enqueue_indirect_dma source(%dma_start3A_268 : memref<1040x128xf32, #tpu.memory_space<vmem_shared>>) target(%arg12 : memref<128x128xf32, #tpu.memory_space<vmem>>) offsets(%dma_start3A_265 : memref<128xi32, #tpu.memory_space<vmem>>) semaphore(%arg21 : memref<!tpu.dma_semaphore, #tpu.memory_space<semaphore_mem>>)
      } else {
      }
      %sub3A_211 = arith.constant 5 : i32
      %sub3A_212 = arith.subi %add3A_205, %sub3A_211 : i32
      %ge3A_213 = arith.constant 0 : i32
      %ge3A_214 = arith.cmpi sge, %sub3A_212, %ge3A_213 : i32
      %lt3A_215 = arith.constant 49 : i32
      %lt3A_216 = arith.cmpi slt, %sub3A_212, %lt3A_215 : i32
      %and3A_217 = arith.andi %ge3A_214, %lt3A_216 : i1
      %convert_element_type3A_218 = arith.extui %and3A_217 : i1 to i32
      %cond3A_219 = arith.constant 0 : i32
      %cond3A_220 = arith.cmpi ne, %convert_element_type3A_218, %cond3A_219 : i32
      scf.if %cond3A_220 {
        %mul3A_255 = arith.constant 3136 : i32
        %mul3A_256 = arith.muli %add3A, %mul3A_255 : i32
        %mul3A_257 = arith.constant 64 : i32
        %mul3A_258 = arith.muli %sub3A_212, %mul3A_257 : i32
        %add3A_259 = arith.addi %mul3A_256, %mul3A_258 : i32
        %dma_wait3A_260 = arith.constant 0 : i32
        %dma_wait3A_261 = tpu.memref_slice %arg8[%dma_wait3A_260] : memref<6272xi32, #tpu.memory_space<vmem>> -> memref<128xi32, #tpu.memory_space<vmem>>
        %dma_wait3A_262 = arith.constant 0 : i32
        %dma_wait3A_263 = arith.constant 0 : i32
        %dma_wait3A_264 = tpu.memref_slice %arg16[%dma_wait3A_262, %dma_wait3A_263] : memref<1040x128xf32, #tpu.memory_space<vmem_shared>> -> memref<1040x128xf32, #tpu.memory_space<vmem_shared>>
        tpu.wait_indirect_dma semaphore(%arg22 : memref<!tpu.dma_semaphore, #tpu.memory_space<semaphore_mem>>) src(%dma_wait3A_264 : memref<1040x128xf32, #tpu.memory_space<vmem_shared>>) dst(%arg13 : memref<128x128xf32, #tpu.memory_space<vmem>>)
        %scan3A_265 = arith.constant 0 : i32
        %scan3A_266 = arith.constant 32 : i32
        %scan3A_267 = arith.addi %scan3A_265, %scan3A_266 : i32
        %scan3A_268 = arith.constant 1 : i32
        scf.for %scan3A_288 = %scan3A_265 to %scan3A_267 step %scan3A_268  : i32 {
          %mul3A_289 = arith.constant 1 : i32
          %mul3A_290 = arith.muli %scan3A_288, %mul3A_289 : i32
          %add3A_291 = arith.constant 0 : i32
          %add3A_292 = arith.addi %add3A_291, %mul3A_290 : i32
          %get3A_293 = arith.index_cast %add3A_292 : i32 to index
          %get3A_294 = arith.constant 0 : index
          %get3A_295 = tpu.vector_load %arg13[%get3A_293, %get3A_294] {strides = array<i32>} : memref<128x128xf32, #tpu.memory_space<vmem>>, vector<1x16xf32>,
          %get3A_296 = vector.shape_cast %get3A_295 : vector<1x16xf32> to vector<16xf32>
          %add3A_297 = arith.constant 64 : i32
          %add3A_298 = arith.addi %add3A_297, %add3A_292 : i32
          %get3A_299 = arith.index_cast %add3A_298 : i32 to index
          %get3A_300 = arith.constant 0 : index
          %get3A_301 = tpu.vector_load %arg13[%get3A_299, %get3A_300] {strides = array<i32>} : memref<128x128xf32, #tpu.memory_space<vmem>>, vector<1x16xf32>,
          %get3A_302 = vector.shape_cast %get3A_301 : vector<1x16xf32> to vector<16xf32>
          %add3A_303 = arith.addf %get3A_296, %get3A_302 : vector<16xf32>
          %swap3A = arith.index_cast %add3A_292 : i32 to index
          %swap3A_304 = arith.constant 0 : index
          %swap3A_305 = tpu.vector_load %arg13[%swap3A, %swap3A_304] {strides = array<i32>} : memref<128x128xf32, #tpu.memory_space<vmem>>, vector<1x16xf32>,
          %swap3A_306 = vector.shape_cast %swap3A_305 : vector<1x16xf32> to vector<16xf32>
          %swap3A_307 = vector.shape_cast %add3A_303 : vector<16xf32> to vector<1x16xf32>
          tpu.vector_store %arg13[%swap3A, %swap3A_304], %swap3A_307 {strides = array<i32>} : memref<128x128xf32, #tpu.memory_space<vmem>>, vector<1x16xf32>,
          %get3A_308 = arith.index_cast %add3A_292 : i32 to index
          %get3A_309 = arith.constant 16 : index
          %get3A_310 = tpu.vector_load %arg13[%get3A_308, %get3A_309] {strides = array<i32>} : memref<128x128xf32, #tpu.memory_space<vmem>>, vector<1x16xf32>,
          %get3A_311 = vector.shape_cast %get3A_310 : vector<1x16xf32> to vector<16xf32>
          %add3A_312 = arith.constant 64 : i32
          %add3A_313 = arith.addi %add3A_312, %add3A_292 : i32
          %get3A_314 = arith.index_cast %add3A_313 : i32 to index
          %get3A_315 = arith.constant 16 : index
          %get3A_316 = tpu.vector_load %arg13[%get3A_314, %get3A_315] {strides = array<i32>} : memref<128x128xf32, #tpu.memory_space<vmem>>, vector<1x16xf32>,
          %get3A_317 = vector.shape_cast %get3A_316 : vector<1x16xf32> to vector<16xf32>
          %add3A_318 = arith.addf %get3A_311, %get3A_317 : vector<16xf32>
          %swap3A_319 = arith.index_cast %add3A_292 : i32 to index
          %swap3A_320 = arith.constant 16 : index
          %swap3A_321 = tpu.vector_load %arg13[%swap3A_319, %swap3A_320] {strides = array<i32>} : memref<128x128xf32, #tpu.memory_space<vmem>>, vector<1x16xf32>,
          %swap3A_322 = vector.shape_cast %swap3A_321 : vector<1x16xf32> to vector<16xf32>
          %swap3A_323 = vector.shape_cast %add3A_318 : vector<16xf32> to vector<1x16xf32>
          tpu.vector_store %arg13[%swap3A_319, %swap3A_320], %swap3A_323 {strides = array<i32>} : memref<128x128xf32, #tpu.memory_space<vmem>>, vector<1x16xf32>,
          %get3A_324 = arith.index_cast %add3A_292 : i32 to index
          %get3A_325 = arith.constant 32 : index
          %get3A_326 = tpu.vector_load %arg13[%get3A_324, %get3A_325] {strides = array<i32>} : memref<128x128xf32, #tpu.memory_space<vmem>>, vector<1x16xf32>,
          %get3A_327 = vector.shape_cast %get3A_326 : vector<1x16xf32> to vector<16xf32>
          %add3A_328 = arith.constant 64 : i32
          %add3A_329 = arith.addi %add3A_328, %add3A_292 : i32
          %get3A_330 = arith.index_cast %add3A_329 : i32 to index
          %get3A_331 = arith.constant 32 : index
          %get3A_332 = tpu.vector_load %arg13[%get3A_330, %get3A_331] {strides = array<i32>} : memref<128x128xf32, #tpu.memory_space<vmem>>, vector<1x16xf32>,
          %get3A_333 = vector.shape_cast %get3A_332 : vector<1x16xf32> to vector<16xf32>
          %add3A_334 = arith.addf %get3A_327, %get3A_333 : vector<16xf32>
          %swap3A_335 = arith.index_cast %add3A_292 : i32 to index
          %swap3A_336 = arith.constant 32 : index
          %swap3A_337 = tpu.vector_load %arg13[%swap3A_335, %swap3A_336] {strides = array<i32>} : memref<128x128xf32, #tpu.memory_space<vmem>>, vector<1x16xf32>,
          %swap3A_338 = vector.shape_cast %swap3A_337 : vector<1x16xf32> to vector<16xf32>
          %swap3A_339 = vector.shape_cast %add3A_334 : vector<16xf32> to vector<1x16xf32>
          tpu.vector_store %arg13[%swap3A_335, %swap3A_336], %swap3A_339 {strides = array<i32>} : memref<128x128xf32, #tpu.memory_space<vmem>>, vector<1x16xf32>,
          %get3A_340 = arith.index_cast %add3A_292 : i32 to index
          %get3A_341 = arith.constant 48 : index
          %get3A_342 = tpu.vector_load %arg13[%get3A_340, %get3A_341] {strides = array<i32>} : memref<128x128xf32, #tpu.memory_space<vmem>>, vector<1x16xf32>,
          %get3A_343 = vector.shape_cast %get3A_342 : vector<1x16xf32> to vector<16xf32>
          %add3A_344 = arith.constant 64 : i32
          %add3A_345 = arith.addi %add3A_344, %add3A_292 : i32
          %get3A_346 = arith.index_cast %add3A_345 : i32 to index
          %get3A_347 = arith.constant 48 : index
          %get3A_348 = tpu.vector_load %arg13[%get3A_346, %get3A_347] {strides = array<i32>} : memref<128x128xf32, #tpu.memory_space<vmem>>, vector<1x16xf32>,
          %get3A_349 = vector.shape_cast %get3A_348 : vector<1x16xf32> to vector<16xf32>
          %add3A_350 = arith.addf %get3A_343, %get3A_349 : vector<16xf32>
          %swap3A_351 = arith.index_cast %add3A_292 : i32 to index
          %swap3A_352 = arith.constant 48 : index
          %swap3A_353 = tpu.vector_load %arg13[%swap3A_351, %swap3A_352] {strides = array<i32>} : memref<128x128xf32, #tpu.memory_space<vmem>>, vector<1x16xf32>,
          %swap3A_354 = vector.shape_cast %swap3A_353 : vector<1x16xf32> to vector<16xf32>
          %swap3A_355 = vector.shape_cast %add3A_350 : vector<16xf32> to vector<1x16xf32>
          tpu.vector_store %arg13[%swap3A_351, %swap3A_352], %swap3A_355 {strides = array<i32>} : memref<128x128xf32, #tpu.memory_space<vmem>>, vector<1x16xf32>,
          %get3A_356 = arith.index_cast %add3A_292 : i32 to index
          %get3A_357 = arith.constant 64 : index
          %get3A_358 = tpu.vector_load %arg13[%get3A_356, %get3A_357] {strides = array<i32>} : memref<128x128xf32, #tpu.memory_space<vmem>>, vector<1x16xf32>,
          %get3A_359 = vector.shape_cast %get3A_358 : vector<1x16xf32> to vector<16xf32>
          %add3A_360 = arith.constant 64 : i32
          %add3A_361 = arith.addi %add3A_360, %add3A_292 : i32
          %get3A_362 = arith.index_cast %add3A_361 : i32 to index
          %get3A_363 = arith.constant 64 : index
          %get3A_364 = tpu.vector_load %arg13[%get3A_362, %get3A_363] {strides = array<i32>} : memref<128x128xf32, #tpu.memory_space<vmem>>, vector<1x16xf32>,
          %get3A_365 = vector.shape_cast %get3A_364 : vector<1x16xf32> to vector<16xf32>
          %add3A_366 = arith.addf %get3A_359, %get3A_365 : vector<16xf32>
          %swap3A_367 = arith.index_cast %add3A_292 : i32 to index
          %swap3A_368 = arith.constant 64 : index
          %swap3A_369 = tpu.vector_load %arg13[%swap3A_367, %swap3A_368] {strides = array<i32>} : memref<128x128xf32, #tpu.memory_space<vmem>>, vector<1x16xf32>,
          %swap3A_370 = vector.shape_cast %swap3A_369 : vector<1x16xf32> to vector<16xf32>
          %swap3A_371 = vector.shape_cast %add3A_366 : vector<16xf32> to vector<1x16xf32>
          tpu.vector_store %arg13[%swap3A_367, %swap3A_368], %swap3A_371 {strides = array<i32>} : memref<128x128xf32, #tpu.memory_space<vmem>>, vector<1x16xf32>,
          %get3A_372 = arith.index_cast %add3A_292 : i32 to index
          %get3A_373 = arith.constant 80 : index
          %get3A_374 = tpu.vector_load %arg13[%get3A_372, %get3A_373] {strides = array<i32>} : memref<128x128xf32, #tpu.memory_space<vmem>>, vector<1x16xf32>,
          %get3A_375 = vector.shape_cast %get3A_374 : vector<1x16xf32> to vector<16xf32>
          %add3A_376 = arith.constant 64 : i32
          %add3A_377 = arith.addi %add3A_376, %add3A_292 : i32
          %get3A_378 = arith.index_cast %add3A_377 : i32 to index
          %get3A_379 = arith.constant 80 : index
          %get3A_380 = tpu.vector_load %arg13[%get3A_378, %get3A_379] {strides = array<i32>} : memref<128x128xf32, #tpu.memory_space<vmem>>, vector<1x16xf32>,
          %get3A_381 = vector.shape_cast %get3A_380 : vector<1x16xf32> to vector<16xf32>
          %add3A_382 = arith.addf %get3A_375, %get3A_381 : vector<16xf32>
          %swap3A_383 = arith.index_cast %add3A_292 : i32 to index
          %swap3A_384 = arith.constant 80 : index
          %swap3A_385 = tpu.vector_load %arg13[%swap3A_383, %swap3A_384] {strides = array<i32>} : memref<128x128xf32, #tpu.memory_space<vmem>>, vector<1x16xf32>,
          %swap3A_386 = vector.shape_cast %swap3A_385 : vector<1x16xf32> to vector<16xf32>
          %swap3A_387 = vector.shape_cast %add3A_382 : vector<16xf32> to vector<1x16xf32>
          tpu.vector_store %arg13[%swap3A_383, %swap3A_384], %swap3A_387 {strides = array<i32>} : memref<128x128xf32, #tpu.memory_space<vmem>>, vector<1x16xf32>,
          %get3A_388 = arith.index_cast %add3A_292 : i32 to index
          %get3A_389 = arith.constant 96 : index
          %get3A_390 = tpu.vector_load %arg13[%get3A_388, %get3A_389] {strides = array<i32>} : memref<128x128xf32, #tpu.memory_space<vmem>>, vector<1x16xf32>,
          %get3A_391 = vector.shape_cast %get3A_390 : vector<1x16xf32> to vector<16xf32>
          %add3A_392 = arith.constant 64 : i32
          %add3A_393 = arith.addi %add3A_392, %add3A_292 : i32
          %get3A_394 = arith.index_cast %add3A_393 : i32 to index
          %get3A_395 = arith.constant 96 : index
          %get3A_396 = tpu.vector_load %arg13[%get3A_394, %get3A_395] {strides = array<i32>} : memref<128x128xf32, #tpu.memory_space<vmem>>, vector<1x16xf32>,
          %get3A_397 = vector.shape_cast %get3A_396 : vector<1x16xf32> to vector<16xf32>
          %add3A_398 = arith.addf %get3A_391, %get3A_397 : vector<16xf32>
          %swap3A_399 = arith.index_cast %add3A_292 : i32 to index
          %swap3A_400 = arith.constant 96 : index
          %swap3A_401 = tpu.vector_load %arg13[%swap3A_399, %swap3A_400] {strides = array<i32>} : memref<128x128xf32, #tpu.memory_space<vmem>>, vector<1x16xf32>,
          %swap3A_402 = vector.shape_cast %swap3A_401 : vector<1x16xf32> to vector<16xf32>
          %swap3A_403 = vector.shape_cast %add3A_398 : vector<16xf32> to vector<1x16xf32>
          tpu.vector_store %arg13[%swap3A_399, %swap3A_400], %swap3A_403 {strides = array<i32>} : memref<128x128xf32, #tpu.memory_space<vmem>>, vector<1x16xf32>,
          %get3A_404 = arith.index_cast %add3A_292 : i32 to index
          %get3A_405 = arith.constant 112 : index
          %get3A_406 = tpu.vector_load %arg13[%get3A_404, %get3A_405] {strides = array<i32>} : memref<128x128xf32, #tpu.memory_space<vmem>>, vector<1x16xf32>,
          %get3A_407 = vector.shape_cast %get3A_406 : vector<1x16xf32> to vector<16xf32>
          %add3A_408 = arith.constant 64 : i32
          %add3A_409 = arith.addi %add3A_408, %add3A_292 : i32
          %get3A_410 = arith.index_cast %add3A_409 : i32 to index
          %get3A_411 = arith.constant 112 : index
          %get3A_412 = tpu.vector_load %arg13[%get3A_410, %get3A_411] {strides = array<i32>} : memref<128x128xf32, #tpu.memory_space<vmem>>, vector<1x16xf32>,
          %get3A_413 = vector.shape_cast %get3A_412 : vector<1x16xf32> to vector<16xf32>
          %add3A_414 = arith.addf %get3A_407, %get3A_413 : vector<16xf32>
          %swap3A_415 = arith.index_cast %add3A_292 : i32 to index
          %swap3A_416 = arith.constant 112 : index
          %swap3A_417 = tpu.vector_load %arg13[%swap3A_415, %swap3A_416] {strides = array<i32>} : memref<128x128xf32, #tpu.memory_space<vmem>>, vector<1x16xf32>,
          %swap3A_418 = vector.shape_cast %swap3A_417 : vector<1x16xf32> to vector<16xf32>
          %swap3A_419 = vector.shape_cast %add3A_414 : vector<16xf32> to vector<1x16xf32>
          tpu.vector_store %arg13[%swap3A_415, %swap3A_416], %swap3A_419 {strides = array<i32>} : memref<128x128xf32, #tpu.memory_space<vmem>>, vector<1x16xf32>,
        }
        %scan3A_269 = arith.constant 32 : i32
        %add3A_270 = arith.constant 32 : i32
        %add3A_271 = arith.addi %add3A_259, %add3A_270 : i32
        %le3A = arith.constant 100000 : i32
        %le3A_272 = arith.cmpi sle, %add3A_271, %le3A : i32
        %convert_element_type3A_273 = arith.extui %le3A_272 : i1 to i32
        %cond3A_274 = arith.constant 0 : i32
        %cond3A_275 = arith.cmpi ne, %convert_element_type3A_273, %cond3A_274 : i32
        scf.if %cond3A_275 {
          %add3A_288 = arith.constant 0 : i32
          %add3A_289 = arith.addi %add3A_259, %add3A_288 : i32
          %multiple_of3A_290 = tpu.assume_multiple %add3A_289, 32 : i32
          %dma_start3A_291 = arith.constant 0 : i32
          %dma_start3A_292 = arith.constant 0 : i32
          %dma_start3A_293 = tpu.memref_slice %arg13[%dma_start3A_291, %dma_start3A_292] : memref<128x128xf32, #tpu.memory_space<vmem>> -> memref<32x128xf32, #tpu.memory_space<vmem>>
          %dma_start3A_294 = arith.constant 0 : i32
          %dma_start3A_295 = tpu.memref_slice %arg6[%multiple_of3A_290, %dma_start3A_294] : memref<100000x128xf32, #tpu.memory_space<hbm>> -> memref<32x128xf32, #tpu.memory_space<hbm>>
          %dma_start3A_296 = arith.constant 0 : i32
          %dma_start3A_297 = tpu.memref_slice %arg6[%multiple_of3A_290, %dma_start3A_296] : memref<100000x128xf32, #tpu.memory_space<hbm>> -> memref<32x128xf32, #tpu.memory_space<hbm>>
          %dma_start3A_298 = arith.constant 0 : i32
          %dma_start3A_299 = arith.constant 0 : i32
          %dma_start3A_300 = tpu.memref_slice %arg13[%dma_start3A_298, %dma_start3A_299] : memref<128x128xf32, #tpu.memory_space<vmem>> -> memref<32x128xf32, #tpu.memory_space<vmem>>
          tpu.enqueue_dma source(%dma_start3A_300 : memref<32x128xf32, #tpu.memory_space<vmem>>) target(%dma_start3A_297 : memref<32x128xf32, #tpu.memory_space<hbm>>) target_semaphore(%arg28 : memref<!tpu.dma_semaphore, #tpu.memory_space<semaphore_mem>>)
        } else {
        }
        %scan3A_276 = arith.constant 0 : i32
        %scan3A_277 = arith.constant 32 : i32
        %scan3A_278 = arith.addi %scan3A_276, %scan3A_277 : i32
        %scan3A_279 = arith.constant 1 : i32
        scf.for %scan3A_288 = %scan3A_276 to %scan3A_278 step %scan3A_279  : i32 {
          %mul3A_289 = arith.constant 1 : i32
          %mul3A_290 = arith.muli %scan3A_288, %mul3A_289 : i32
          %add3A_291 = arith.constant 32 : i32
          %add3A_292 = arith.addi %add3A_291, %mul3A_290 : i32
          %get3A_293 = arith.index_cast %add3A_292 : i32 to index
          %get3A_294 = arith.constant 0 : index
          %get3A_295 = tpu.vector_load %arg13[%get3A_293, %get3A_294] {strides = array<i32>} : memref<128x128xf32, #tpu.memory_space<vmem>>, vector<1x16xf32>,
          %get3A_296 = vector.shape_cast %get3A_295 : vector<1x16xf32> to vector<16xf32>
          %add3A_297 = arith.constant 64 : i32
          %add3A_298 = arith.addi %add3A_297, %add3A_292 : i32
          %get3A_299 = arith.index_cast %add3A_298 : i32 to index
          %get3A_300 = arith.constant 0 : index
          %get3A_301 = tpu.vector_load %arg13[%get3A_299, %get3A_300] {strides = array<i32>} : memref<128x128xf32, #tpu.memory_space<vmem>>, vector<1x16xf32>,
          %get3A_302 = vector.shape_cast %get3A_301 : vector<1x16xf32> to vector<16xf32>
          %add3A_303 = arith.addf %get3A_296, %get3A_302 : vector<16xf32>
          %swap3A = arith.index_cast %add3A_292 : i32 to index
          %swap3A_304 = arith.constant 0 : index
          %swap3A_305 = tpu.vector_load %arg13[%swap3A, %swap3A_304] {strides = array<i32>} : memref<128x128xf32, #tpu.memory_space<vmem>>, vector<1x16xf32>,
          %swap3A_306 = vector.shape_cast %swap3A_305 : vector<1x16xf32> to vector<16xf32>
          %swap3A_307 = vector.shape_cast %add3A_303 : vector<16xf32> to vector<1x16xf32>
          tpu.vector_store %arg13[%swap3A, %swap3A_304], %swap3A_307 {strides = array<i32>} : memref<128x128xf32, #tpu.memory_space<vmem>>, vector<1x16xf32>,
          %get3A_308 = arith.index_cast %add3A_292 : i32 to index
          %get3A_309 = arith.constant 16 : index
          %get3A_310 = tpu.vector_load %arg13[%get3A_308, %get3A_309] {strides = array<i32>} : memref<128x128xf32, #tpu.memory_space<vmem>>, vector<1x16xf32>,
          %get3A_311 = vector.shape_cast %get3A_310 : vector<1x16xf32> to vector<16xf32>
          %add3A_312 = arith.constant 64 : i32
          %add3A_313 = arith.addi %add3A_312, %add3A_292 : i32
          %get3A_314 = arith.index_cast %add3A_313 : i32 to index
          %get3A_315 = arith.constant 16 : index
          %get3A_316 = tpu.vector_load %arg13[%get3A_314, %get3A_315] {strides = array<i32>} : memref<128x128xf32, #tpu.memory_space<vmem>>, vector<1x16xf32>,
          %get3A_317 = vector.shape_cast %get3A_316 : vector<1x16xf32> to vector<16xf32>
          %add3A_318 = arith.addf %get3A_311, %get3A_317 : vector<16xf32>
          %swap3A_319 = arith.index_cast %add3A_292 : i32 to index
          %swap3A_320 = arith.constant 16 : index
          %swap3A_321 = tpu.vector_load %arg13[%swap3A_319, %swap3A_320] {strides = array<i32>} : memref<128x128xf32, #tpu.memory_space<vmem>>, vector<1x16xf32>,
          %swap3A_322 = vector.shape_cast %swap3A_321 : vector<1x16xf32> to vector<16xf32>
          %swap3A_323 = vector.shape_cast %add3A_318 : vector<16xf32> to vector<1x16xf32>
          tpu.vector_store %arg13[%swap3A_319, %swap3A_320], %swap3A_323 {strides = array<i32>} : memref<128x128xf32, #tpu.memory_space<vmem>>, vector<1x16xf32>,
          %get3A_324 = arith.index_cast %add3A_292 : i32 to index
          %get3A_325 = arith.constant 32 : index
          %get3A_326 = tpu.vector_load %arg13[%get3A_324, %get3A_325] {strides = array<i32>} : memref<128x128xf32, #tpu.memory_space<vmem>>, vector<1x16xf32>,
          %get3A_327 = vector.shape_cast %get3A_326 : vector<1x16xf32> to vector<16xf32>
          %add3A_328 = arith.constant 64 : i32
          %add3A_329 = arith.addi %add3A_328, %add3A_292 : i32
          %get3A_330 = arith.index_cast %add3A_329 : i32 to index
          %get3A_331 = arith.constant 32 : index
          %get3A_332 = tpu.vector_load %arg13[%get3A_330, %get3A_331] {strides = array<i32>} : memref<128x128xf32, #tpu.memory_space<vmem>>, vector<1x16xf32>,
          %get3A_333 = vector.shape_cast %get3A_332 : vector<1x16xf32> to vector<16xf32>
          %add3A_334 = arith.addf %get3A_327, %get3A_333 : vector<16xf32>
          %swap3A_335 = arith.index_cast %add3A_292 : i32 to index
          %swap3A_336 = arith.constant 32 : index
          %swap3A_337 = tpu.vector_load %arg13[%swap3A_335, %swap3A_336] {strides = array<i32>} : memref<128x128xf32, #tpu.memory_space<vmem>>, vector<1x16xf32>,
          %swap3A_338 = vector.shape_cast %swap3A_337 : vector<1x16xf32> to vector<16xf32>
          %swap3A_339 = vector.shape_cast %add3A_334 : vector<16xf32> to vector<1x16xf32>
          tpu.vector_store %arg13[%swap3A_335, %swap3A_336], %swap3A_339 {strides = array<i32>} : memref<128x128xf32, #tpu.memory_space<vmem>>, vector<1x16xf32>,
          %get3A_340 = arith.index_cast %add3A_292 : i32 to index
          %get3A_341 = arith.constant 48 : index
          %get3A_342 = tpu.vector_load %arg13[%get3A_340, %get3A_341] {strides = array<i32>} : memref<128x128xf32, #tpu.memory_space<vmem>>, vector<1x16xf32>,
          %get3A_343 = vector.shape_cast %get3A_342 : vector<1x16xf32> to vector<16xf32>
          %add3A_344 = arith.constant 64 : i32
          %add3A_345 = arith.addi %add3A_344, %add3A_292 : i32
          %get3A_346 = arith.index_cast %add3A_345 : i32 to index
          %get3A_347 = arith.constant 48 : index
          %get3A_348 = tpu.vector_load %arg13[%get3A_346, %get3A_347] {strides = array<i32>} : memref<128x128xf32, #tpu.memory_space<vmem>>, vector<1x16xf32>,
          %get3A_349 = vector.shape_cast %get3A_348 : vector<1x16xf32> to vector<16xf32>
          %add3A_350 = arith.addf %get3A_343, %get3A_349 : vector<16xf32>
          %swap3A_351 = arith.index_cast %add3A_292 : i32 to index
          %swap3A_352 = arith.constant 48 : index
          %swap3A_353 = tpu.vector_load %arg13[%swap3A_351, %swap3A_352] {strides = array<i32>} : memref<128x128xf32, #tpu.memory_space<vmem>>, vector<1x16xf32>,
          %swap3A_354 = vector.shape_cast %swap3A_353 : vector<1x16xf32> to vector<16xf32>
          %swap3A_355 = vector.shape_cast %add3A_350 : vector<16xf32> to vector<1x16xf32>
          tpu.vector_store %arg13[%swap3A_351, %swap3A_352], %swap3A_355 {strides = array<i32>} : memref<128x128xf32, #tpu.memory_space<vmem>>, vector<1x16xf32>,
          %get3A_356 = arith.index_cast %add3A_292 : i32 to index
          %get3A_357 = arith.constant 64 : index
          %get3A_358 = tpu.vector_load %arg13[%get3A_356, %get3A_357] {strides = array<i32>} : memref<128x128xf32, #tpu.memory_space<vmem>>, vector<1x16xf32>,
          %get3A_359 = vector.shape_cast %get3A_358 : vector<1x16xf32> to vector<16xf32>
          %add3A_360 = arith.constant 64 : i32
          %add3A_361 = arith.addi %add3A_360, %add3A_292 : i32
          %get3A_362 = arith.index_cast %add3A_361 : i32 to index
          %get3A_363 = arith.constant 64 : index
          %get3A_364 = tpu.vector_load %arg13[%get3A_362, %get3A_363] {strides = array<i32>} : memref<128x128xf32, #tpu.memory_space<vmem>>, vector<1x16xf32>,
          %get3A_365 = vector.shape_cast %get3A_364 : vector<1x16xf32> to vector<16xf32>
          %add3A_366 = arith.addf %get3A_359, %get3A_365 : vector<16xf32>
          %swap3A_367 = arith.index_cast %add3A_292 : i32 to index
          %swap3A_368 = arith.constant 64 : index
          %swap3A_369 = tpu.vector_load %arg13[%swap3A_367, %swap3A_368] {strides = array<i32>} : memref<128x128xf32, #tpu.memory_space<vmem>>, vector<1x16xf32>,
          %swap3A_370 = vector.shape_cast %swap3A_369 : vector<1x16xf32> to vector<16xf32>
          %swap3A_371 = vector.shape_cast %add3A_366 : vector<16xf32> to vector<1x16xf32>
          tpu.vector_store %arg13[%swap3A_367, %swap3A_368], %swap3A_371 {strides = array<i32>} : memref<128x128xf32, #tpu.memory_space<vmem>>, vector<1x16xf32>,
          %get3A_372 = arith.index_cast %add3A_292 : i32 to index
          %get3A_373 = arith.constant 80 : index
          %get3A_374 = tpu.vector_load %arg13[%get3A_372, %get3A_373] {strides = array<i32>} : memref<128x128xf32, #tpu.memory_space<vmem>>, vector<1x16xf32>,
          %get3A_375 = vector.shape_cast %get3A_374 : vector<1x16xf32> to vector<16xf32>
          %add3A_376 = arith.constant 64 : i32
          %add3A_377 = arith.addi %add3A_376, %add3A_292 : i32
          %get3A_378 = arith.index_cast %add3A_377 : i32 to index
          %get3A_379 = arith.constant 80 : index
          %get3A_380 = tpu.vector_load %arg13[%get3A_378, %get3A_379] {strides = array<i32>} : memref<128x128xf32, #tpu.memory_space<vmem>>, vector<1x16xf32>,
          %get3A_381 = vector.shape_cast %get3A_380 : vector<1x16xf32> to vector<16xf32>
          %add3A_382 = arith.addf %get3A_375, %get3A_381 : vector<16xf32>
          %swap3A_383 = arith.index_cast %add3A_292 : i32 to index
          %swap3A_384 = arith.constant 80 : index
          %swap3A_385 = tpu.vector_load %arg13[%swap3A_383, %swap3A_384] {strides = array<i32>} : memref<128x128xf32, #tpu.memory_space<vmem>>, vector<1x16xf32>,
          %swap3A_386 = vector.shape_cast %swap3A_385 : vector<1x16xf32> to vector<16xf32>
          %swap3A_387 = vector.shape_cast %add3A_382 : vector<16xf32> to vector<1x16xf32>
          tpu.vector_store %arg13[%swap3A_383, %swap3A_384], %swap3A_387 {strides = array<i32>} : memref<128x128xf32, #tpu.memory_space<vmem>>, vector<1x16xf32>,
          %get3A_388 = arith.index_cast %add3A_292 : i32 to index
          %get3A_389 = arith.constant 96 : index
          %get3A_390 = tpu.vector_load %arg13[%get3A_388, %get3A_389] {strides = array<i32>} : memref<128x128xf32, #tpu.memory_space<vmem>>, vector<1x16xf32>,
          %get3A_391 = vector.shape_cast %get3A_390 : vector<1x16xf32> to vector<16xf32>
          %add3A_392 = arith.constant 64 : i32
          %add3A_393 = arith.addi %add3A_392, %add3A_292 : i32
          %get3A_394 = arith.index_cast %add3A_393 : i32 to index
          %get3A_395 = arith.constant 96 : index
          %get3A_396 = tpu.vector_load %arg13[%get3A_394, %get3A_395] {strides = array<i32>} : memref<128x128xf32, #tpu.memory_space<vmem>>, vector<1x16xf32>,
          %get3A_397 = vector.shape_cast %get3A_396 : vector<1x16xf32> to vector<16xf32>
          %add3A_398 = arith.addf %get3A_391, %get3A_397 : vector<16xf32>
          %swap3A_399 = arith.index_cast %add3A_292 : i32 to index
          %swap3A_400 = arith.constant 96 : index
          %swap3A_401 = tpu.vector_load %arg13[%swap3A_399, %swap3A_400] {strides = array<i32>} : memref<128x128xf32, #tpu.memory_space<vmem>>, vector<1x16xf32>,
          %swap3A_402 = vector.shape_cast %swap3A_401 : vector<1x16xf32> to vector<16xf32>
          %swap3A_403 = vector.shape_cast %add3A_398 : vector<16xf32> to vector<1x16xf32>
          tpu.vector_store %arg13[%swap3A_399, %swap3A_400], %swap3A_403 {strides = array<i32>} : memref<128x128xf32, #tpu.memory_space<vmem>>, vector<1x16xf32>,
          %get3A_404 = arith.index_cast %add3A_292 : i32 to index
          %get3A_405 = arith.constant 112 : index
          %get3A_406 = tpu.vector_load %arg13[%get3A_404, %get3A_405] {strides = array<i32>} : memref<128x128xf32, #tpu.memory_space<vmem>>, vector<1x16xf32>,
          %get3A_407 = vector.shape_cast %get3A_406 : vector<1x16xf32> to vector<16xf32>
          %add3A_408 = arith.constant 64 : i32
          %add3A_409 = arith.addi %add3A_408, %add3A_292 : i32
          %get3A_410 = arith.index_cast %add3A_409 : i32 to index
          %get3A_411 = arith.constant 112 : index
          %get3A_412 = tpu.vector_load %arg13[%get3A_410, %get3A_411] {strides = array<i32>} : memref<128x128xf32, #tpu.memory_space<vmem>>, vector<1x16xf32>,
          %get3A_413 = vector.shape_cast %get3A_412 : vector<1x16xf32> to vector<16xf32>
          %add3A_414 = arith.addf %get3A_407, %get3A_413 : vector<16xf32>
          %swap3A_415 = arith.index_cast %add3A_292 : i32 to index
          %swap3A_416 = arith.constant 112 : index
          %swap3A_417 = tpu.vector_load %arg13[%swap3A_415, %swap3A_416] {strides = array<i32>} : memref<128x128xf32, #tpu.memory_space<vmem>>, vector<1x16xf32>,
          %swap3A_418 = vector.shape_cast %swap3A_417 : vector<1x16xf32> to vector<16xf32>
          %swap3A_419 = vector.shape_cast %add3A_414 : vector<16xf32> to vector<1x16xf32>
          tpu.vector_store %arg13[%swap3A_415, %swap3A_416], %swap3A_419 {strides = array<i32>} : memref<128x128xf32, #tpu.memory_space<vmem>>, vector<1x16xf32>,
        }
        %scan3A_280 = arith.constant 32 : i32
        %add3A_281 = arith.constant 64 : i32
        %add3A_282 = arith.addi %add3A_259, %add3A_281 : i32
        %le3A_283 = arith.constant 100000 : i32
        %le3A_284 = arith.cmpi sle, %add3A_282, %le3A_283 : i32
        %convert_element_type3A_285 = arith.extui %le3A_284 : i1 to i32
        %cond3A_286 = arith.constant 0 : i32
        %cond3A_287 = arith.cmpi ne, %convert_element_type3A_285, %cond3A_286 : i32
        scf.if %cond3A_287 {
          %add3A_288 = arith.constant 32 : i32
          %add3A_289 = arith.addi %add3A_259, %add3A_288 : i32
          %multiple_of3A_290 = tpu.assume_multiple %add3A_289, 32 : i32
          %dma_start3A_291 = arith.constant 32 : i32
          %dma_start3A_292 = arith.constant 0 : i32
          %dma_start3A_293 = tpu.memref_slice %arg13[%dma_start3A_291, %dma_start3A_292] : memref<128x128xf32, #tpu.memory_space<vmem>> -> memref<32x128xf32, #tpu.memory_space<vmem>>
          %dma_start3A_294 = arith.constant 0 : i32
          %dma_start3A_295 = tpu.memref_slice %arg6[%multiple_of3A_290, %dma_start3A_294] : memref<100000x128xf32, #tpu.memory_space<hbm>> -> memref<32x128xf32, #tpu.memory_space<hbm>>
          %dma_start3A_296 = arith.constant 0 : i32
          %dma_start3A_297 = tpu.memref_slice %arg6[%multiple_of3A_290, %dma_start3A_296] : memref<100000x128xf32, #tpu.memory_space<hbm>> -> memref<32x128xf32, #tpu.memory_space<hbm>>
          %dma_start3A_298 = arith.constant 32 : i32
          %dma_start3A_299 = arith.constant 0 : i32
          %dma_start3A_300 = tpu.memref_slice %arg13[%dma_start3A_298, %dma_start3A_299] : memref<128x128xf32, #tpu.memory_space<vmem>> -> memref<32x128xf32, #tpu.memory_space<vmem>>
          tpu.enqueue_dma source(%dma_start3A_300 : memref<32x128xf32, #tpu.memory_space<vmem>>) target(%dma_start3A_297 : memref<32x128xf32, #tpu.memory_space<hbm>>) target_semaphore(%arg28 : memref<!tpu.dma_semaphore, #tpu.memory_space<semaphore_mem>>)
        } else {
        }
      } else {
      }
      %add3A_221 = arith.constant 4 : i32
      %add3A_222 = arith.addi %add3A_155, %add3A_221 : i32
      %lt3A_223 = arith.constant 49 : i32
      %lt3A_224 = arith.cmpi slt, %add3A_222, %lt3A_223 : i32
      %convert_element_type3A_225 = arith.extui %lt3A_224 : i1 to i32
      %cond3A_226 = arith.constant 0 : i32
      %cond3A_227 = arith.cmpi ne, %convert_element_type3A_225, %cond3A_226 : i32
      scf.if %cond3A_227 {
        %ge3A_255 = arith.constant 6 : i32
        %ge3A_256 = arith.cmpi sge, %add3A_222, %ge3A_255 : i32
        %convert_element_type3A_257 = arith.extui %ge3A_256 : i1 to i32
        %cond3A_258 = arith.constant 0 : i32
        %cond3A_259 = arith.cmpi ne, %convert_element_type3A_257, %cond3A_258 : i32
        scf.if %cond3A_259 {
          %dma_wait3A_269 = arith.constant 0 : i32
          %dma_wait3A_270 = arith.constant 0 : i32
          %dma_wait3A_271 = tpu.memref_slice %arg13[%dma_wait3A_269, %dma_wait3A_270] : memref<128x128xf32, #tpu.memory_space<vmem>> -> memref<32x128xf32, #tpu.memory_space<vmem>>
          %dma_wait3A_272 = arith.constant 0 : i32
          %dma_wait3A_273 = arith.constant 0 : i32
          %dma_wait3A_274 = tpu.memref_slice %arg6[%dma_wait3A_272, %dma_wait3A_273] : memref<100000x128xf32, #tpu.memory_space<hbm>> -> memref<32x128xf32, #tpu.memory_space<hbm>>
          %dma_wait3A_275 = arith.constant 0 : i32
          %dma_wait3A_276 = arith.constant 0 : i32
          %dma_wait3A_277 = tpu.memref_slice %arg6[%dma_wait3A_275, %dma_wait3A_276] : memref<100000x128xf32, #tpu.memory_space<hbm>> -> memref<32x128xf32, #tpu.memory_space<hbm>>
          %dma_wait3A_278 = arith.constant 0 : i32
          %dma_wait3A_279 = arith.constant 0 : i32
          %dma_wait3A_280 = tpu.memref_slice %arg13[%dma_wait3A_278, %dma_wait3A_279] : memref<128x128xf32, #tpu.memory_space<vmem>> -> memref<32x128xf32, #tpu.memory_space<vmem>>
          tpu.wait_dma2 semaphore(%arg28 : memref<!tpu.dma_semaphore, #tpu.memory_space<semaphore_mem>>) src(%dma_wait3A_280 : memref<32x128xf32, #tpu.memory_space<vmem>>) dst(%dma_wait3A_277 : memref<32x128xf32, #tpu.memory_space<hbm>>)
          %dma_wait3A_281 = arith.constant 0 : i32
          %dma_wait3A_282 = arith.constant 0 : i32
          %dma_wait3A_283 = tpu.memref_slice %arg13[%dma_wait3A_281, %dma_wait3A_282] : memref<128x128xf32, #tpu.memory_space<vmem>> -> memref<32x128xf32, #tpu.memory_space<vmem>>
          %dma_wait3A_284 = arith.constant 0 : i32
          %dma_wait3A_285 = arith.constant 0 : i32
          %dma_wait3A_286 = tpu.memref_slice %arg6[%dma_wait3A_284, %dma_wait3A_285] : memref<100000x128xf32, #tpu.memory_space<hbm>> -> memref<32x128xf32, #tpu.memory_space<hbm>>
          %dma_wait3A_287 = arith.constant 0 : i32
          %dma_wait3A_288 = arith.constant 0 : i32
          %dma_wait3A_289 = tpu.memref_slice %arg6[%dma_wait3A_287, %dma_wait3A_288] : memref<100000x128xf32, #tpu.memory_space<hbm>> -> memref<32x128xf32, #tpu.memory_space<hbm>>
          %dma_wait3A_290 = arith.constant 0 : i32
          %dma_wait3A_291 = arith.constant 0 : i32
          %dma_wait3A_292 = tpu.memref_slice %arg13[%dma_wait3A_290, %dma_wait3A_291] : memref<128x128xf32, #tpu.memory_space<vmem>> -> memref<32x128xf32, #tpu.memory_space<vmem>>
          tpu.wait_dma2 semaphore(%arg28 : memref<!tpu.dma_semaphore, #tpu.memory_space<semaphore_mem>>) src(%dma_wait3A_292 : memref<32x128xf32, #tpu.memory_space<vmem>>) dst(%dma_wait3A_289 : memref<32x128xf32, #tpu.memory_space<hbm>>)
        } else {
        }
        %mul3A_260 = arith.constant 2 : i32
        %mul3A_261 = arith.muli %add3A_222, %mul3A_260 : i32
        %mul3A_262 = arith.constant 64 : i32
        %mul3A_263 = arith.muli %mul3A_261, %mul3A_262 : i32
        %multiple_of3A_264 = tpu.assume_multiple %mul3A_263, 128 : i32
        %dma_start3A_265 = tpu.memref_slice %arg8[%multiple_of3A_264] : memref<6272xi32, #tpu.memory_space<vmem>> -> memref<128xi32, #tpu.memory_space<vmem>>
        %dma_start3A_266 = arith.constant 0 : i32
        %dma_start3A_267 = arith.constant 0 : i32
        %dma_start3A_268 = tpu.memref_slice %arg16[%dma_start3A_266, %dma_start3A_267] : memref<1040x128xf32, #tpu.memory_space<vmem_shared>> -> memref<1040x128xf32, #tpu.memory_space<vmem_shared>>
        tpu.enqueue_indirect_dma source(%dma_start3A_268 : memref<1040x128xf32, #tpu.memory_space<vmem_shared>>) target(%arg13 : memref<128x128xf32, #tpu.memory_space<vmem>>) offsets(%dma_start3A_265 : memref<128xi32, #tpu.memory_space<vmem>>) semaphore(%arg22 : memref<!tpu.dma_semaphore, #tpu.memory_space<semaphore_mem>>)
      } else {
      }
      %sub3A_228 = arith.constant 5 : i32
      %sub3A_229 = arith.subi %add3A_222, %sub3A_228 : i32
      %ge3A_230 = arith.constant 0 : i32
      %ge3A_231 = arith.cmpi sge, %sub3A_229, %ge3A_230 : i32
      %lt3A_232 = arith.constant 49 : i32
      %lt3A_233 = arith.cmpi slt, %sub3A_229, %lt3A_232 : i32
      %and3A_234 = arith.andi %ge3A_231, %lt3A_233 : i1
      %convert_element_type3A_235 = arith.extui %and3A_234 : i1 to i32
      %cond3A_236 = arith.constant 0 : i32
      %cond3A_237 = arith.cmpi ne, %convert_element_type3A_235, %cond3A_236 : i32
      scf.if %cond3A_237 {
        %mul3A_255 = arith.constant 3136 : i32
        %mul3A_256 = arith.muli %add3A, %mul3A_255 : i32
        %mul3A_257 = arith.constant 64 : i32
        %mul3A_258 = arith.muli %sub3A_229, %mul3A_257 : i32
        %add3A_259 = arith.addi %mul3A_256, %mul3A_258 : i32
        %dma_wait3A_260 = arith.constant 0 : i32
        %dma_wait3A_261 = tpu.memref_slice %arg8[%dma_wait3A_260] : memref<6272xi32, #tpu.memory_space<vmem>> -> memref<128xi32, #tpu.memory_space<vmem>>
        %dma_wait3A_262 = arith.constant 0 : i32
        %dma_wait3A_263 = arith.constant 0 : i32
        %dma_wait3A_264 = tpu.memref_slice %arg16[%dma_wait3A_262, %dma_wait3A_263] : memref<1040x128xf32, #tpu.memory_space<vmem_shared>> -> memref<1040x128xf32, #tpu.memory_space<vmem_shared>>
        tpu.wait_indirect_dma semaphore(%arg23 : memref<!tpu.dma_semaphore, #tpu.memory_space<semaphore_mem>>) src(%dma_wait3A_264 : memref<1040x128xf32, #tpu.memory_space<vmem_shared>>) dst(%arg14 : memref<128x128xf32, #tpu.memory_space<vmem>>)
        %scan3A_265 = arith.constant 0 : i32
        %scan3A_266 = arith.constant 32 : i32
        %scan3A_267 = arith.addi %scan3A_265, %scan3A_266 : i32
        %scan3A_268 = arith.constant 1 : i32
        scf.for %scan3A_288 = %scan3A_265 to %scan3A_267 step %scan3A_268  : i32 {
          %mul3A_289 = arith.constant 1 : i32
          %mul3A_290 = arith.muli %scan3A_288, %mul3A_289 : i32
          %add3A_291 = arith.constant 0 : i32
          %add3A_292 = arith.addi %add3A_291, %mul3A_290 : i32
          %get3A_293 = arith.index_cast %add3A_292 : i32 to index
          %get3A_294 = arith.constant 0 : index
          %get3A_295 = tpu.vector_load %arg14[%get3A_293, %get3A_294] {strides = array<i32>} : memref<128x128xf32, #tpu.memory_space<vmem>>, vector<1x16xf32>,
          %get3A_296 = vector.shape_cast %get3A_295 : vector<1x16xf32> to vector<16xf32>
          %add3A_297 = arith.constant 64 : i32
          %add3A_298 = arith.addi %add3A_297, %add3A_292 : i32
          %get3A_299 = arith.index_cast %add3A_298 : i32 to index
          %get3A_300 = arith.constant 0 : index
          %get3A_301 = tpu.vector_load %arg14[%get3A_299, %get3A_300] {strides = array<i32>} : memref<128x128xf32, #tpu.memory_space<vmem>>, vector<1x16xf32>,
          %get3A_302 = vector.shape_cast %get3A_301 : vector<1x16xf32> to vector<16xf32>
          %add3A_303 = arith.addf %get3A_296, %get3A_302 : vector<16xf32>
          %swap3A = arith.index_cast %add3A_292 : i32 to index
          %swap3A_304 = arith.constant 0 : index
          %swap3A_305 = tpu.vector_load %arg14[%swap3A, %swap3A_304] {strides = array<i32>} : memref<128x128xf32, #tpu.memory_space<vmem>>, vector<1x16xf32>,
          %swap3A_306 = vector.shape_cast %swap3A_305 : vector<1x16xf32> to vector<16xf32>
          %swap3A_307 = vector.shape_cast %add3A_303 : vector<16xf32> to vector<1x16xf32>
          tpu.vector_store %arg14[%swap3A, %swap3A_304], %swap3A_307 {strides = array<i32>} : memref<128x128xf32, #tpu.memory_space<vmem>>, vector<1x16xf32>,
          %get3A_308 = arith.index_cast %add3A_292 : i32 to index
          %get3A_309 = arith.constant 16 : index
          %get3A_310 = tpu.vector_load %arg14[%get3A_308, %get3A_309] {strides = array<i32>} : memref<128x128xf32, #tpu.memory_space<vmem>>, vector<1x16xf32>,
          %get3A_311 = vector.shape_cast %get3A_310 : vector<1x16xf32> to vector<16xf32>
          %add3A_312 = arith.constant 64 : i32
          %add3A_313 = arith.addi %add3A_312, %add3A_292 : i32
          %get3A_314 = arith.index_cast %add3A_313 : i32 to index
          %get3A_315 = arith.constant 16 : index
          %get3A_316 = tpu.vector_load %arg14[%get3A_314, %get3A_315] {strides = array<i32>} : memref<128x128xf32, #tpu.memory_space<vmem>>, vector<1x16xf32>,
          %get3A_317 = vector.shape_cast %get3A_316 : vector<1x16xf32> to vector<16xf32>
          %add3A_318 = arith.addf %get3A_311, %get3A_317 : vector<16xf32>
          %swap3A_319 = arith.index_cast %add3A_292 : i32 to index
          %swap3A_320 = arith.constant 16 : index
          %swap3A_321 = tpu.vector_load %arg14[%swap3A_319, %swap3A_320] {strides = array<i32>} : memref<128x128xf32, #tpu.memory_space<vmem>>, vector<1x16xf32>,
          %swap3A_322 = vector.shape_cast %swap3A_321 : vector<1x16xf32> to vector<16xf32>
          %swap3A_323 = vector.shape_cast %add3A_318 : vector<16xf32> to vector<1x16xf32>
          tpu.vector_store %arg14[%swap3A_319, %swap3A_320], %swap3A_323 {strides = array<i32>} : memref<128x128xf32, #tpu.memory_space<vmem>>, vector<1x16xf32>,
          %get3A_324 = arith.index_cast %add3A_292 : i32 to index
          %get3A_325 = arith.constant 32 : index
          %get3A_326 = tpu.vector_load %arg14[%get3A_324, %get3A_325] {strides = array<i32>} : memref<128x128xf32, #tpu.memory_space<vmem>>, vector<1x16xf32>,
          %get3A_327 = vector.shape_cast %get3A_326 : vector<1x16xf32> to vector<16xf32>
          %add3A_328 = arith.constant 64 : i32
          %add3A_329 = arith.addi %add3A_328, %add3A_292 : i32
          %get3A_330 = arith.index_cast %add3A_329 : i32 to index
          %get3A_331 = arith.constant 32 : index
          %get3A_332 = tpu.vector_load %arg14[%get3A_330, %get3A_331] {strides = array<i32>} : memref<128x128xf32, #tpu.memory_space<vmem>>, vector<1x16xf32>,
          %get3A_333 = vector.shape_cast %get3A_332 : vector<1x16xf32> to vector<16xf32>
          %add3A_334 = arith.addf %get3A_327, %get3A_333 : vector<16xf32>
          %swap3A_335 = arith.index_cast %add3A_292 : i32 to index
          %swap3A_336 = arith.constant 32 : index
          %swap3A_337 = tpu.vector_load %arg14[%swap3A_335, %swap3A_336] {strides = array<i32>} : memref<128x128xf32, #tpu.memory_space<vmem>>, vector<1x16xf32>,
          %swap3A_338 = vector.shape_cast %swap3A_337 : vector<1x16xf32> to vector<16xf32>
          %swap3A_339 = vector.shape_cast %add3A_334 : vector<16xf32> to vector<1x16xf32>
          tpu.vector_store %arg14[%swap3A_335, %swap3A_336], %swap3A_339 {strides = array<i32>} : memref<128x128xf32, #tpu.memory_space<vmem>>, vector<1x16xf32>,
          %get3A_340 = arith.index_cast %add3A_292 : i32 to index
          %get3A_341 = arith.constant 48 : index
          %get3A_342 = tpu.vector_load %arg14[%get3A_340, %get3A_341] {strides = array<i32>} : memref<128x128xf32, #tpu.memory_space<vmem>>, vector<1x16xf32>,
          %get3A_343 = vector.shape_cast %get3A_342 : vector<1x16xf32> to vector<16xf32>
          %add3A_344 = arith.constant 64 : i32
          %add3A_345 = arith.addi %add3A_344, %add3A_292 : i32
          %get3A_346 = arith.index_cast %add3A_345 : i32 to index
          %get3A_347 = arith.constant 48 : index
          %get3A_348 = tpu.vector_load %arg14[%get3A_346, %get3A_347] {strides = array<i32>} : memref<128x128xf32, #tpu.memory_space<vmem>>, vector<1x16xf32>,
          %get3A_349 = vector.shape_cast %get3A_348 : vector<1x16xf32> to vector<16xf32>
          %add3A_350 = arith.addf %get3A_343, %get3A_349 : vector<16xf32>
          %swap3A_351 = arith.index_cast %add3A_292 : i32 to index
          %swap3A_352 = arith.constant 48 : index
          %swap3A_353 = tpu.vector_load %arg14[%swap3A_351, %swap3A_352] {strides = array<i32>} : memref<128x128xf32, #tpu.memory_space<vmem>>, vector<1x16xf32>,
          %swap3A_354 = vector.shape_cast %swap3A_353 : vector<1x16xf32> to vector<16xf32>
          %swap3A_355 = vector.shape_cast %add3A_350 : vector<16xf32> to vector<1x16xf32>
          tpu.vector_store %arg14[%swap3A_351, %swap3A_352], %swap3A_355 {strides = array<i32>} : memref<128x128xf32, #tpu.memory_space<vmem>>, vector<1x16xf32>,
          %get3A_356 = arith.index_cast %add3A_292 : i32 to index
          %get3A_357 = arith.constant 64 : index
          %get3A_358 = tpu.vector_load %arg14[%get3A_356, %get3A_357] {strides = array<i32>} : memref<128x128xf32, #tpu.memory_space<vmem>>, vector<1x16xf32>,
          %get3A_359 = vector.shape_cast %get3A_358 : vector<1x16xf32> to vector<16xf32>
          %add3A_360 = arith.constant 64 : i32
          %add3A_361 = arith.addi %add3A_360, %add3A_292 : i32
          %get3A_362 = arith.index_cast %add3A_361 : i32 to index
          %get3A_363 = arith.constant 64 : index
          %get3A_364 = tpu.vector_load %arg14[%get3A_362, %get3A_363] {strides = array<i32>} : memref<128x128xf32, #tpu.memory_space<vmem>>, vector<1x16xf32>,
          %get3A_365 = vector.shape_cast %get3A_364 : vector<1x16xf32> to vector<16xf32>
          %add3A_366 = arith.addf %get3A_359, %get3A_365 : vector<16xf32>
          %swap3A_367 = arith.index_cast %add3A_292 : i32 to index
          %swap3A_368 = arith.constant 64 : index
          %swap3A_369 = tpu.vector_load %arg14[%swap3A_367, %swap3A_368] {strides = array<i32>} : memref<128x128xf32, #tpu.memory_space<vmem>>, vector<1x16xf32>,
          %swap3A_370 = vector.shape_cast %swap3A_369 : vector<1x16xf32> to vector<16xf32>
          %swap3A_371 = vector.shape_cast %add3A_366 : vector<16xf32> to vector<1x16xf32>
          tpu.vector_store %arg14[%swap3A_367, %swap3A_368], %swap3A_371 {strides = array<i32>} : memref<128x128xf32, #tpu.memory_space<vmem>>, vector<1x16xf32>,
          %get3A_372 = arith.index_cast %add3A_292 : i32 to index
          %get3A_373 = arith.constant 80 : index
          %get3A_374 = tpu.vector_load %arg14[%get3A_372, %get3A_373] {strides = array<i32>} : memref<128x128xf32, #tpu.memory_space<vmem>>, vector<1x16xf32>,
          %get3A_375 = vector.shape_cast %get3A_374 : vector<1x16xf32> to vector<16xf32>
          %add3A_376 = arith.constant 64 : i32
          %add3A_377 = arith.addi %add3A_376, %add3A_292 : i32
          %get3A_378 = arith.index_cast %add3A_377 : i32 to index
          %get3A_379 = arith.constant 80 : index
          %get3A_380 = tpu.vector_load %arg14[%get3A_378, %get3A_379] {strides = array<i32>} : memref<128x128xf32, #tpu.memory_space<vmem>>, vector<1x16xf32>,
          %get3A_381 = vector.shape_cast %get3A_380 : vector<1x16xf32> to vector<16xf32>
          %add3A_382 = arith.addf %get3A_375, %get3A_381 : vector<16xf32>
          %swap3A_383 = arith.index_cast %add3A_292 : i32 to index
          %swap3A_384 = arith.constant 80 : index
          %swap3A_385 = tpu.vector_load %arg14[%swap3A_383, %swap3A_384] {strides = array<i32>} : memref<128x128xf32, #tpu.memory_space<vmem>>, vector<1x16xf32>,
          %swap3A_386 = vector.shape_cast %swap3A_385 : vector<1x16xf32> to vector<16xf32>
          %swap3A_387 = vector.shape_cast %add3A_382 : vector<16xf32> to vector<1x16xf32>
          tpu.vector_store %arg14[%swap3A_383, %swap3A_384], %swap3A_387 {strides = array<i32>} : memref<128x128xf32, #tpu.memory_space<vmem>>, vector<1x16xf32>,
          %get3A_388 = arith.index_cast %add3A_292 : i32 to index
          %get3A_389 = arith.constant 96 : index
          %get3A_390 = tpu.vector_load %arg14[%get3A_388, %get3A_389] {strides = array<i32>} : memref<128x128xf32, #tpu.memory_space<vmem>>, vector<1x16xf32>,
          %get3A_391 = vector.shape_cast %get3A_390 : vector<1x16xf32> to vector<16xf32>
          %add3A_392 = arith.constant 64 : i32
          %add3A_393 = arith.addi %add3A_392, %add3A_292 : i32
          %get3A_394 = arith.index_cast %add3A_393 : i32 to index
          %get3A_395 = arith.constant 96 : index
          %get3A_396 = tpu.vector_load %arg14[%get3A_394, %get3A_395] {strides = array<i32>} : memref<128x128xf32, #tpu.memory_space<vmem>>, vector<1x16xf32>,
          %get3A_397 = vector.shape_cast %get3A_396 : vector<1x16xf32> to vector<16xf32>
          %add3A_398 = arith.addf %get3A_391, %get3A_397 : vector<16xf32>
          %swap3A_399 = arith.index_cast %add3A_292 : i32 to index
          %swap3A_400 = arith.constant 96 : index
          %swap3A_401 = tpu.vector_load %arg14[%swap3A_399, %swap3A_400] {strides = array<i32>} : memref<128x128xf32, #tpu.memory_space<vmem>>, vector<1x16xf32>,
          %swap3A_402 = vector.shape_cast %swap3A_401 : vector<1x16xf32> to vector<16xf32>
          %swap3A_403 = vector.shape_cast %add3A_398 : vector<16xf32> to vector<1x16xf32>
          tpu.vector_store %arg14[%swap3A_399, %swap3A_400], %swap3A_403 {strides = array<i32>} : memref<128x128xf32, #tpu.memory_space<vmem>>, vector<1x16xf32>,
          %get3A_404 = arith.index_cast %add3A_292 : i32 to index
          %get3A_405 = arith.constant 112 : index
          %get3A_406 = tpu.vector_load %arg14[%get3A_404, %get3A_405] {strides = array<i32>} : memref<128x128xf32, #tpu.memory_space<vmem>>, vector<1x16xf32>,
          %get3A_407 = vector.shape_cast %get3A_406 : vector<1x16xf32> to vector<16xf32>
          %add3A_408 = arith.constant 64 : i32
          %add3A_409 = arith.addi %add3A_408, %add3A_292 : i32
          %get3A_410 = arith.index_cast %add3A_409 : i32 to index
          %get3A_411 = arith.constant 112 : index
          %get3A_412 = tpu.vector_load %arg14[%get3A_410, %get3A_411] {strides = array<i32>} : memref<128x128xf32, #tpu.memory_space<vmem>>, vector<1x16xf32>,
          %get3A_413 = vector.shape_cast %get3A_412 : vector<1x16xf32> to vector<16xf32>
          %add3A_414 = arith.addf %get3A_407, %get3A_413 : vector<16xf32>
          %swap3A_415 = arith.index_cast %add3A_292 : i32 to index
          %swap3A_416 = arith.constant 112 : index
          %swap3A_417 = tpu.vector_load %arg14[%swap3A_415, %swap3A_416] {strides = array<i32>} : memref<128x128xf32, #tpu.memory_space<vmem>>, vector<1x16xf32>,
          %swap3A_418 = vector.shape_cast %swap3A_417 : vector<1x16xf32> to vector<16xf32>
          %swap3A_419 = vector.shape_cast %add3A_414 : vector<16xf32> to vector<1x16xf32>
          tpu.vector_store %arg14[%swap3A_415, %swap3A_416], %swap3A_419 {strides = array<i32>} : memref<128x128xf32, #tpu.memory_space<vmem>>, vector<1x16xf32>,
        }
        %scan3A_269 = arith.constant 32 : i32
        %add3A_270 = arith.constant 32 : i32
        %add3A_271 = arith.addi %add3A_259, %add3A_270 : i32
        %le3A = arith.constant 100000 : i32
        %le3A_272 = arith.cmpi sle, %add3A_271, %le3A : i32
        %convert_element_type3A_273 = arith.extui %le3A_272 : i1 to i32
        %cond3A_274 = arith.constant 0 : i32
        %cond3A_275 = arith.cmpi ne, %convert_element_type3A_273, %cond3A_274 : i32
        scf.if %cond3A_275 {
          %add3A_288 = arith.constant 0 : i32
          %add3A_289 = arith.addi %add3A_259, %add3A_288 : i32
          %multiple_of3A_290 = tpu.assume_multiple %add3A_289, 32 : i32
          %dma_start3A_291 = arith.constant 0 : i32
          %dma_start3A_292 = arith.constant 0 : i32
          %dma_start3A_293 = tpu.memref_slice %arg14[%dma_start3A_291, %dma_start3A_292] : memref<128x128xf32, #tpu.memory_space<vmem>> -> memref<32x128xf32, #tpu.memory_space<vmem>>
          %dma_start3A_294 = arith.constant 0 : i32
          %dma_start3A_295 = tpu.memref_slice %arg6[%multiple_of3A_290, %dma_start3A_294] : memref<100000x128xf32, #tpu.memory_space<hbm>> -> memref<32x128xf32, #tpu.memory_space<hbm>>
          %dma_start3A_296 = arith.constant 0 : i32
          %dma_start3A_297 = tpu.memref_slice %arg6[%multiple_of3A_290, %dma_start3A_296] : memref<100000x128xf32, #tpu.memory_space<hbm>> -> memref<32x128xf32, #tpu.memory_space<hbm>>
          %dma_start3A_298 = arith.constant 0 : i32
          %dma_start3A_299 = arith.constant 0 : i32
          %dma_start3A_300 = tpu.memref_slice %arg14[%dma_start3A_298, %dma_start3A_299] : memref<128x128xf32, #tpu.memory_space<vmem>> -> memref<32x128xf32, #tpu.memory_space<vmem>>
          tpu.enqueue_dma source(%dma_start3A_300 : memref<32x128xf32, #tpu.memory_space<vmem>>) target(%dma_start3A_297 : memref<32x128xf32, #tpu.memory_space<hbm>>) target_semaphore(%arg29 : memref<!tpu.dma_semaphore, #tpu.memory_space<semaphore_mem>>)
        } else {
        }
        %scan3A_276 = arith.constant 0 : i32
        %scan3A_277 = arith.constant 32 : i32
        %scan3A_278 = arith.addi %scan3A_276, %scan3A_277 : i32
        %scan3A_279 = arith.constant 1 : i32
        scf.for %scan3A_288 = %scan3A_276 to %scan3A_278 step %scan3A_279  : i32 {
          %mul3A_289 = arith.constant 1 : i32
          %mul3A_290 = arith.muli %scan3A_288, %mul3A_289 : i32
          %add3A_291 = arith.constant 32 : i32
          %add3A_292 = arith.addi %add3A_291, %mul3A_290 : i32
          %get3A_293 = arith.index_cast %add3A_292 : i32 to index
          %get3A_294 = arith.constant 0 : index
          %get3A_295 = tpu.vector_load %arg14[%get3A_293, %get3A_294] {strides = array<i32>} : memref<128x128xf32, #tpu.memory_space<vmem>>, vector<1x16xf32>,
          %get3A_296 = vector.shape_cast %get3A_295 : vector<1x16xf32> to vector<16xf32>
          %add3A_297 = arith.constant 64 : i32
          %add3A_298 = arith.addi %add3A_297, %add3A_292 : i32
          %get3A_299 = arith.index_cast %add3A_298 : i32 to index
          %get3A_300 = arith.constant 0 : index
          %get3A_301 = tpu.vector_load %arg14[%get3A_299, %get3A_300] {strides = array<i32>} : memref<128x128xf32, #tpu.memory_space<vmem>>, vector<1x16xf32>,
          %get3A_302 = vector.shape_cast %get3A_301 : vector<1x16xf32> to vector<16xf32>
          %add3A_303 = arith.addf %get3A_296, %get3A_302 : vector<16xf32>
          %swap3A = arith.index_cast %add3A_292 : i32 to index
          %swap3A_304 = arith.constant 0 : index
          %swap3A_305 = tpu.vector_load %arg14[%swap3A, %swap3A_304] {strides = array<i32>} : memref<128x128xf32, #tpu.memory_space<vmem>>, vector<1x16xf32>,
          %swap3A_306 = vector.shape_cast %swap3A_305 : vector<1x16xf32> to vector<16xf32>
          %swap3A_307 = vector.shape_cast %add3A_303 : vector<16xf32> to vector<1x16xf32>
          tpu.vector_store %arg14[%swap3A, %swap3A_304], %swap3A_307 {strides = array<i32>} : memref<128x128xf32, #tpu.memory_space<vmem>>, vector<1x16xf32>,
          %get3A_308 = arith.index_cast %add3A_292 : i32 to index
          %get3A_309 = arith.constant 16 : index
          %get3A_310 = tpu.vector_load %arg14[%get3A_308, %get3A_309] {strides = array<i32>} : memref<128x128xf32, #tpu.memory_space<vmem>>, vector<1x16xf32>,
          %get3A_311 = vector.shape_cast %get3A_310 : vector<1x16xf32> to vector<16xf32>
          %add3A_312 = arith.constant 64 : i32
          %add3A_313 = arith.addi %add3A_312, %add3A_292 : i32
          %get3A_314 = arith.index_cast %add3A_313 : i32 to index
          %get3A_315 = arith.constant 16 : index
          %get3A_316 = tpu.vector_load %arg14[%get3A_314, %get3A_315] {strides = array<i32>} : memref<128x128xf32, #tpu.memory_space<vmem>>, vector<1x16xf32>,
          %get3A_317 = vector.shape_cast %get3A_316 : vector<1x16xf32> to vector<16xf32>
          %add3A_318 = arith.addf %get3A_311, %get3A_317 : vector<16xf32>
          %swap3A_319 = arith.index_cast %add3A_292 : i32 to index
          %swap3A_320 = arith.constant 16 : index
          %swap3A_321 = tpu.vector_load %arg14[%swap3A_319, %swap3A_320] {strides = array<i32>} : memref<128x128xf32, #tpu.memory_space<vmem>>, vector<1x16xf32>,
          %swap3A_322 = vector.shape_cast %swap3A_321 : vector<1x16xf32> to vector<16xf32>
          %swap3A_323 = vector.shape_cast %add3A_318 : vector<16xf32> to vector<1x16xf32>
          tpu.vector_store %arg14[%swap3A_319, %swap3A_320], %swap3A_323 {strides = array<i32>} : memref<128x128xf32, #tpu.memory_space<vmem>>, vector<1x16xf32>,
          %get3A_324 = arith.index_cast %add3A_292 : i32 to index
          %get3A_325 = arith.constant 32 : index
          %get3A_326 = tpu.vector_load %arg14[%get3A_324, %get3A_325] {strides = array<i32>} : memref<128x128xf32, #tpu.memory_space<vmem>>, vector<1x16xf32>,
          %get3A_327 = vector.shape_cast %get3A_326 : vector<1x16xf32> to vector<16xf32>
          %add3A_328 = arith.constant 64 : i32
          %add3A_329 = arith.addi %add3A_328, %add3A_292 : i32
          %get3A_330 = arith.index_cast %add3A_329 : i32 to index
          %get3A_331 = arith.constant 32 : index
          %get3A_332 = tpu.vector_load %arg14[%get3A_330, %get3A_331] {strides = array<i32>} : memref<128x128xf32, #tpu.memory_space<vmem>>, vector<1x16xf32>,
          %get3A_333 = vector.shape_cast %get3A_332 : vector<1x16xf32> to vector<16xf32>
          %add3A_334 = arith.addf %get3A_327, %get3A_333 : vector<16xf32>
          %swap3A_335 = arith.index_cast %add3A_292 : i32 to index
          %swap3A_336 = arith.constant 32 : index
          %swap3A_337 = tpu.vector_load %arg14[%swap3A_335, %swap3A_336] {strides = array<i32>} : memref<128x128xf32, #tpu.memory_space<vmem>>, vector<1x16xf32>,
          %swap3A_338 = vector.shape_cast %swap3A_337 : vector<1x16xf32> to vector<16xf32>
          %swap3A_339 = vector.shape_cast %add3A_334 : vector<16xf32> to vector<1x16xf32>
          tpu.vector_store %arg14[%swap3A_335, %swap3A_336], %swap3A_339 {strides = array<i32>} : memref<128x128xf32, #tpu.memory_space<vmem>>, vector<1x16xf32>,
          %get3A_340 = arith.index_cast %add3A_292 : i32 to index
          %get3A_341 = arith.constant 48 : index
          %get3A_342 = tpu.vector_load %arg14[%get3A_340, %get3A_341] {strides = array<i32>} : memref<128x128xf32, #tpu.memory_space<vmem>>, vector<1x16xf32>,
          %get3A_343 = vector.shape_cast %get3A_342 : vector<1x16xf32> to vector<16xf32>
          %add3A_344 = arith.constant 64 : i32
          %add3A_345 = arith.addi %add3A_344, %add3A_292 : i32
          %get3A_346 = arith.index_cast %add3A_345 : i32 to index
          %get3A_347 = arith.constant 48 : index
          %get3A_348 = tpu.vector_load %arg14[%get3A_346, %get3A_347] {strides = array<i32>} : memref<128x128xf32, #tpu.memory_space<vmem>>, vector<1x16xf32>,
          %get3A_349 = vector.shape_cast %get3A_348 : vector<1x16xf32> to vector<16xf32>
          %add3A_350 = arith.addf %get3A_343, %get3A_349 : vector<16xf32>
          %swap3A_351 = arith.index_cast %add3A_292 : i32 to index
          %swap3A_352 = arith.constant 48 : index
          %swap3A_353 = tpu.vector_load %arg14[%swap3A_351, %swap3A_352] {strides = array<i32>} : memref<128x128xf32, #tpu.memory_space<vmem>>, vector<1x16xf32>,
          %swap3A_354 = vector.shape_cast %swap3A_353 : vector<1x16xf32> to vector<16xf32>
          %swap3A_355 = vector.shape_cast %add3A_350 : vector<16xf32> to vector<1x16xf32>
          tpu.vector_store %arg14[%swap3A_351, %swap3A_352], %swap3A_355 {strides = array<i32>} : memref<128x128xf32, #tpu.memory_space<vmem>>, vector<1x16xf32>,
          %get3A_356 = arith.index_cast %add3A_292 : i32 to index
          %get3A_357 = arith.constant 64 : index
          %get3A_358 = tpu.vector_load %arg14[%get3A_356, %get3A_357] {strides = array<i32>} : memref<128x128xf32, #tpu.memory_space<vmem>>, vector<1x16xf32>,
          %get3A_359 = vector.shape_cast %get3A_358 : vector<1x16xf32> to vector<16xf32>
          %add3A_360 = arith.constant 64 : i32
          %add3A_361 = arith.addi %add3A_360, %add3A_292 : i32
          %get3A_362 = arith.index_cast %add3A_361 : i32 to index
          %get3A_363 = arith.constant 64 : index
          %get3A_364 = tpu.vector_load %arg14[%get3A_362, %get3A_363] {strides = array<i32>} : memref<128x128xf32, #tpu.memory_space<vmem>>, vector<1x16xf32>,
          %get3A_365 = vector.shape_cast %get3A_364 : vector<1x16xf32> to vector<16xf32>
          %add3A_366 = arith.addf %get3A_359, %get3A_365 : vector<16xf32>
          %swap3A_367 = arith.index_cast %add3A_292 : i32 to index
          %swap3A_368 = arith.constant 64 : index
          %swap3A_369 = tpu.vector_load %arg14[%swap3A_367, %swap3A_368] {strides = array<i32>} : memref<128x128xf32, #tpu.memory_space<vmem>>, vector<1x16xf32>,
          %swap3A_370 = vector.shape_cast %swap3A_369 : vector<1x16xf32> to vector<16xf32>
          %swap3A_371 = vector.shape_cast %add3A_366 : vector<16xf32> to vector<1x16xf32>
          tpu.vector_store %arg14[%swap3A_367, %swap3A_368], %swap3A_371 {strides = array<i32>} : memref<128x128xf32, #tpu.memory_space<vmem>>, vector<1x16xf32>,
          %get3A_372 = arith.index_cast %add3A_292 : i32 to index
          %get3A_373 = arith.constant 80 : index
          %get3A_374 = tpu.vector_load %arg14[%get3A_372, %get3A_373] {strides = array<i32>} : memref<128x128xf32, #tpu.memory_space<vmem>>, vector<1x16xf32>,
          %get3A_375 = vector.shape_cast %get3A_374 : vector<1x16xf32> to vector<16xf32>
          %add3A_376 = arith.constant 64 : i32
          %add3A_377 = arith.addi %add3A_376, %add3A_292 : i32
          %get3A_378 = arith.index_cast %add3A_377 : i32 to index
          %get3A_379 = arith.constant 80 : index
          %get3A_380 = tpu.vector_load %arg14[%get3A_378, %get3A_379] {strides = array<i32>} : memref<128x128xf32, #tpu.memory_space<vmem>>, vector<1x16xf32>,
          %get3A_381 = vector.shape_cast %get3A_380 : vector<1x16xf32> to vector<16xf32>
          %add3A_382 = arith.addf %get3A_375, %get3A_381 : vector<16xf32>
          %swap3A_383 = arith.index_cast %add3A_292 : i32 to index
          %swap3A_384 = arith.constant 80 : index
          %swap3A_385 = tpu.vector_load %arg14[%swap3A_383, %swap3A_384] {strides = array<i32>} : memref<128x128xf32, #tpu.memory_space<vmem>>, vector<1x16xf32>,
          %swap3A_386 = vector.shape_cast %swap3A_385 : vector<1x16xf32> to vector<16xf32>
          %swap3A_387 = vector.shape_cast %add3A_382 : vector<16xf32> to vector<1x16xf32>
          tpu.vector_store %arg14[%swap3A_383, %swap3A_384], %swap3A_387 {strides = array<i32>} : memref<128x128xf32, #tpu.memory_space<vmem>>, vector<1x16xf32>,
          %get3A_388 = arith.index_cast %add3A_292 : i32 to index
          %get3A_389 = arith.constant 96 : index
          %get3A_390 = tpu.vector_load %arg14[%get3A_388, %get3A_389] {strides = array<i32>} : memref<128x128xf32, #tpu.memory_space<vmem>>, vector<1x16xf32>,
          %get3A_391 = vector.shape_cast %get3A_390 : vector<1x16xf32> to vector<16xf32>
          %add3A_392 = arith.constant 64 : i32
          %add3A_393 = arith.addi %add3A_392, %add3A_292 : i32
          %get3A_394 = arith.index_cast %add3A_393 : i32 to index
          %get3A_395 = arith.constant 96 : index
          %get3A_396 = tpu.vector_load %arg14[%get3A_394, %get3A_395] {strides = array<i32>} : memref<128x128xf32, #tpu.memory_space<vmem>>, vector<1x16xf32>,
          %get3A_397 = vector.shape_cast %get3A_396 : vector<1x16xf32> to vector<16xf32>
          %add3A_398 = arith.addf %get3A_391, %get3A_397 : vector<16xf32>
          %swap3A_399 = arith.index_cast %add3A_292 : i32 to index
          %swap3A_400 = arith.constant 96 : index
          %swap3A_401 = tpu.vector_load %arg14[%swap3A_399, %swap3A_400] {strides = array<i32>} : memref<128x128xf32, #tpu.memory_space<vmem>>, vector<1x16xf32>,
          %swap3A_402 = vector.shape_cast %swap3A_401 : vector<1x16xf32> to vector<16xf32>
          %swap3A_403 = vector.shape_cast %add3A_398 : vector<16xf32> to vector<1x16xf32>
          tpu.vector_store %arg14[%swap3A_399, %swap3A_400], %swap3A_403 {strides = array<i32>} : memref<128x128xf32, #tpu.memory_space<vmem>>, vector<1x16xf32>,
          %get3A_404 = arith.index_cast %add3A_292 : i32 to index
          %get3A_405 = arith.constant 112 : index
          %get3A_406 = tpu.vector_load %arg14[%get3A_404, %get3A_405] {strides = array<i32>} : memref<128x128xf32, #tpu.memory_space<vmem>>, vector<1x16xf32>,
          %get3A_407 = vector.shape_cast %get3A_406 : vector<1x16xf32> to vector<16xf32>
          %add3A_408 = arith.constant 64 : i32
          %add3A_409 = arith.addi %add3A_408, %add3A_292 : i32
          %get3A_410 = arith.index_cast %add3A_409 : i32 to index
          %get3A_411 = arith.constant 112 : index
          %get3A_412 = tpu.vector_load %arg14[%get3A_410, %get3A_411] {strides = array<i32>} : memref<128x128xf32, #tpu.memory_space<vmem>>, vector<1x16xf32>,
          %get3A_413 = vector.shape_cast %get3A_412 : vector<1x16xf32> to vector<16xf32>
          %add3A_414 = arith.addf %get3A_407, %get3A_413 : vector<16xf32>
          %swap3A_415 = arith.index_cast %add3A_292 : i32 to index
          %swap3A_416 = arith.constant 112 : index
          %swap3A_417 = tpu.vector_load %arg14[%swap3A_415, %swap3A_416] {strides = array<i32>} : memref<128x128xf32, #tpu.memory_space<vmem>>, vector<1x16xf32>,
          %swap3A_418 = vector.shape_cast %swap3A_417 : vector<1x16xf32> to vector<16xf32>
          %swap3A_419 = vector.shape_cast %add3A_414 : vector<16xf32> to vector<1x16xf32>
          tpu.vector_store %arg14[%swap3A_415, %swap3A_416], %swap3A_419 {strides = array<i32>} : memref<128x128xf32, #tpu.memory_space<vmem>>, vector<1x16xf32>,
        }
        %scan3A_280 = arith.constant 32 : i32
        %add3A_281 = arith.constant 64 : i32
        %add3A_282 = arith.addi %add3A_259, %add3A_281 : i32
        %le3A_283 = arith.constant 100000 : i32
        %le3A_284 = arith.cmpi sle, %add3A_282, %le3A_283 : i32
        %convert_element_type3A_285 = arith.extui %le3A_284 : i1 to i32
        %cond3A_286 = arith.constant 0 : i32
        %cond3A_287 = arith.cmpi ne, %convert_element_type3A_285, %cond3A_286 : i32
        scf.if %cond3A_287 {
          %add3A_288 = arith.constant 32 : i32
          %add3A_289 = arith.addi %add3A_259, %add3A_288 : i32
          %multiple_of3A_290 = tpu.assume_multiple %add3A_289, 32 : i32
          %dma_start3A_291 = arith.constant 32 : i32
          %dma_start3A_292 = arith.constant 0 : i32
          %dma_start3A_293 = tpu.memref_slice %arg14[%dma_start3A_291, %dma_start3A_292] : memref<128x128xf32, #tpu.memory_space<vmem>> -> memref<32x128xf32, #tpu.memory_space<vmem>>
          %dma_start3A_294 = arith.constant 0 : i32
          %dma_start3A_295 = tpu.memref_slice %arg6[%multiple_of3A_290, %dma_start3A_294] : memref<100000x128xf32, #tpu.memory_space<hbm>> -> memref<32x128xf32, #tpu.memory_space<hbm>>
          %dma_start3A_296 = arith.constant 0 : i32
          %dma_start3A_297 = tpu.memref_slice %arg6[%multiple_of3A_290, %dma_start3A_296] : memref<100000x128xf32, #tpu.memory_space<hbm>> -> memref<32x128xf32, #tpu.memory_space<hbm>>
          %dma_start3A_298 = arith.constant 32 : i32
          %dma_start3A_299 = arith.constant 0 : i32
          %dma_start3A_300 = tpu.memref_slice %arg14[%dma_start3A_298, %dma_start3A_299] : memref<128x128xf32, #tpu.memory_space<vmem>> -> memref<32x128xf32, #tpu.memory_space<vmem>>
          tpu.enqueue_dma source(%dma_start3A_300 : memref<32x128xf32, #tpu.memory_space<vmem>>) target(%dma_start3A_297 : memref<32x128xf32, #tpu.memory_space<hbm>>) target_semaphore(%arg29 : memref<!tpu.dma_semaphore, #tpu.memory_space<semaphore_mem>>)
        } else {
        }
      } else {
      }
      %add3A_238 = arith.constant 5 : i32
      %add3A_239 = arith.addi %add3A_155, %add3A_238 : i32
      %lt3A_240 = arith.constant 49 : i32
      %lt3A_241 = arith.cmpi slt, %add3A_239, %lt3A_240 : i32
      %convert_element_type3A_242 = arith.extui %lt3A_241 : i1 to i32
      %cond3A_243 = arith.constant 0 : i32
      %cond3A_244 = arith.cmpi ne, %convert_element_type3A_242, %cond3A_243 : i32
      scf.if %cond3A_244 {
        %ge3A_255 = arith.constant 6 : i32
        %ge3A_256 = arith.cmpi sge, %add3A_239, %ge3A_255 : i32
        %convert_element_type3A_257 = arith.extui %ge3A_256 : i1 to i32
        %cond3A_258 = arith.constant 0 : i32
        %cond3A_259 = arith.cmpi ne, %convert_element_type3A_257, %cond3A_258 : i32
        scf.if %cond3A_259 {
          %dma_wait3A_269 = arith.constant 0 : i32
          %dma_wait3A_270 = arith.constant 0 : i32
          %dma_wait3A_271 = tpu.memref_slice %arg14[%dma_wait3A_269, %dma_wait3A_270] : memref<128x128xf32, #tpu.memory_space<vmem>> -> memref<32x128xf32, #tpu.memory_space<vmem>>
          %dma_wait3A_272 = arith.constant 0 : i32
          %dma_wait3A_273 = arith.constant 0 : i32
          %dma_wait3A_274 = tpu.memref_slice %arg6[%dma_wait3A_272, %dma_wait3A_273] : memref<100000x128xf32, #tpu.memory_space<hbm>> -> memref<32x128xf32, #tpu.memory_space<hbm>>
          %dma_wait3A_275 = arith.constant 0 : i32
          %dma_wait3A_276 = arith.constant 0 : i32
          %dma_wait3A_277 = tpu.memref_slice %arg6[%dma_wait3A_275, %dma_wait3A_276] : memref<100000x128xf32, #tpu.memory_space<hbm>> -> memref<32x128xf32, #tpu.memory_space<hbm>>
          %dma_wait3A_278 = arith.constant 0 : i32
          %dma_wait3A_279 = arith.constant 0 : i32
          %dma_wait3A_280 = tpu.memref_slice %arg14[%dma_wait3A_278, %dma_wait3A_279] : memref<128x128xf32, #tpu.memory_space<vmem>> -> memref<32x128xf32, #tpu.memory_space<vmem>>
          tpu.wait_dma2 semaphore(%arg29 : memref<!tpu.dma_semaphore, #tpu.memory_space<semaphore_mem>>) src(%dma_wait3A_280 : memref<32x128xf32, #tpu.memory_space<vmem>>) dst(%dma_wait3A_277 : memref<32x128xf32, #tpu.memory_space<hbm>>)
          %dma_wait3A_281 = arith.constant 0 : i32
          %dma_wait3A_282 = arith.constant 0 : i32
          %dma_wait3A_283 = tpu.memref_slice %arg14[%dma_wait3A_281, %dma_wait3A_282] : memref<128x128xf32, #tpu.memory_space<vmem>> -> memref<32x128xf32, #tpu.memory_space<vmem>>
          %dma_wait3A_284 = arith.constant 0 : i32
          %dma_wait3A_285 = arith.constant 0 : i32
          %dma_wait3A_286 = tpu.memref_slice %arg6[%dma_wait3A_284, %dma_wait3A_285] : memref<100000x128xf32, #tpu.memory_space<hbm>> -> memref<32x128xf32, #tpu.memory_space<hbm>>
          %dma_wait3A_287 = arith.constant 0 : i32
          %dma_wait3A_288 = arith.constant 0 : i32
          %dma_wait3A_289 = tpu.memref_slice %arg6[%dma_wait3A_287, %dma_wait3A_288] : memref<100000x128xf32, #tpu.memory_space<hbm>> -> memref<32x128xf32, #tpu.memory_space<hbm>>
          %dma_wait3A_290 = arith.constant 0 : i32
          %dma_wait3A_291 = arith.constant 0 : i32
          %dma_wait3A_292 = tpu.memref_slice %arg14[%dma_wait3A_290, %dma_wait3A_291] : memref<128x128xf32, #tpu.memory_space<vmem>> -> memref<32x128xf32, #tpu.memory_space<vmem>>
          tpu.wait_dma2 semaphore(%arg29 : memref<!tpu.dma_semaphore, #tpu.memory_space<semaphore_mem>>) src(%dma_wait3A_292 : memref<32x128xf32, #tpu.memory_space<vmem>>) dst(%dma_wait3A_289 : memref<32x128xf32, #tpu.memory_space<hbm>>)
        } else {
        }
        %mul3A_260 = arith.constant 2 : i32
        %mul3A_261 = arith.muli %add3A_239, %mul3A_260 : i32
        %mul3A_262 = arith.constant 64 : i32
        %mul3A_263 = arith.muli %mul3A_261, %mul3A_262 : i32
        %multiple_of3A_264 = tpu.assume_multiple %mul3A_263, 128 : i32
        %dma_start3A_265 = tpu.memref_slice %arg8[%multiple_of3A_264] : memref<6272xi32, #tpu.memory_space<vmem>> -> memref<128xi32, #tpu.memory_space<vmem>>
        %dma_start3A_266 = arith.constant 0 : i32
        %dma_start3A_267 = arith.constant 0 : i32
        %dma_start3A_268 = tpu.memref_slice %arg16[%dma_start3A_266, %dma_start3A_267] : memref<1040x128xf32, #tpu.memory_space<vmem_shared>> -> memref<1040x128xf32, #tpu.memory_space<vmem_shared>>
        tpu.enqueue_indirect_dma source(%dma_start3A_268 : memref<1040x128xf32, #tpu.memory_space<vmem_shared>>) target(%arg14 : memref<128x128xf32, #tpu.memory_space<vmem>>) offsets(%dma_start3A_265 : memref<128xi32, #tpu.memory_space<vmem>>) semaphore(%arg23 : memref<!tpu.dma_semaphore, #tpu.memory_space<semaphore_mem>>)
      } else {
      }
      %sub3A_245 = arith.constant 5 : i32
      %sub3A_246 = arith.subi %add3A_239, %sub3A_245 : i32
      %ge3A_247 = arith.constant 0 : i32
      %ge3A_248 = arith.cmpi sge, %sub3A_246, %ge3A_247 : i32
      %lt3A_249 = arith.constant 49 : i32
      %lt3A_250 = arith.cmpi slt, %sub3A_246, %lt3A_249 : i32
      %and3A_251 = arith.andi %ge3A_248, %lt3A_250 : i1
      %convert_element_type3A_252 = arith.extui %and3A_251 : i1 to i32
      %cond3A_253 = arith.constant 0 : i32
      %cond3A_254 = arith.cmpi ne, %convert_element_type3A_252, %cond3A_253 : i32
      scf.if %cond3A_254 {
        %mul3A_255 = arith.constant 3136 : i32
        %mul3A_256 = arith.muli %add3A, %mul3A_255 : i32
        %mul3A_257 = arith.constant 64 : i32
        %mul3A_258 = arith.muli %sub3A_246, %mul3A_257 : i32
        %add3A_259 = arith.addi %mul3A_256, %mul3A_258 : i32
        %dma_wait3A_260 = arith.constant 0 : i32
        %dma_wait3A_261 = tpu.memref_slice %arg8[%dma_wait3A_260] : memref<6272xi32, #tpu.memory_space<vmem>> -> memref<128xi32, #tpu.memory_space<vmem>>
        %dma_wait3A_262 = arith.constant 0 : i32
        %dma_wait3A_263 = arith.constant 0 : i32
        %dma_wait3A_264 = tpu.memref_slice %arg16[%dma_wait3A_262, %dma_wait3A_263] : memref<1040x128xf32, #tpu.memory_space<vmem_shared>> -> memref<1040x128xf32, #tpu.memory_space<vmem_shared>>
        tpu.wait_indirect_dma semaphore(%arg18 : memref<!tpu.dma_semaphore, #tpu.memory_space<semaphore_mem>>) src(%dma_wait3A_264 : memref<1040x128xf32, #tpu.memory_space<vmem_shared>>) dst(%arg9 : memref<128x128xf32, #tpu.memory_space<vmem>>)
        %scan3A_265 = arith.constant 0 : i32
        %scan3A_266 = arith.constant 32 : i32
        %scan3A_267 = arith.addi %scan3A_265, %scan3A_266 : i32
        %scan3A_268 = arith.constant 1 : i32
        scf.for %scan3A_288 = %scan3A_265 to %scan3A_267 step %scan3A_268  : i32 {
          %mul3A_289 = arith.constant 1 : i32
          %mul3A_290 = arith.muli %scan3A_288, %mul3A_289 : i32
          %add3A_291 = arith.constant 0 : i32
          %add3A_292 = arith.addi %add3A_291, %mul3A_290 : i32
          %get3A_293 = arith.index_cast %add3A_292 : i32 to index
          %get3A_294 = arith.constant 0 : index
          %get3A_295 = tpu.vector_load %arg9[%get3A_293, %get3A_294] {strides = array<i32>} : memref<128x128xf32, #tpu.memory_space<vmem>>, vector<1x16xf32>,
          %get3A_296 = vector.shape_cast %get3A_295 : vector<1x16xf32> to vector<16xf32>
          %add3A_297 = arith.constant 64 : i32
          %add3A_298 = arith.addi %add3A_297, %add3A_292 : i32
          %get3A_299 = arith.index_cast %add3A_298 : i32 to index
          %get3A_300 = arith.constant 0 : index
          %get3A_301 = tpu.vector_load %arg9[%get3A_299, %get3A_300] {strides = array<i32>} : memref<128x128xf32, #tpu.memory_space<vmem>>, vector<1x16xf32>,
          %get3A_302 = vector.shape_cast %get3A_301 : vector<1x16xf32> to vector<16xf32>
          %add3A_303 = arith.addf %get3A_296, %get3A_302 : vector<16xf32>
          %swap3A = arith.index_cast %add3A_292 : i32 to index
          %swap3A_304 = arith.constant 0 : index
          %swap3A_305 = tpu.vector_load %arg9[%swap3A, %swap3A_304] {strides = array<i32>} : memref<128x128xf32, #tpu.memory_space<vmem>>, vector<1x16xf32>,
          %swap3A_306 = vector.shape_cast %swap3A_305 : vector<1x16xf32> to vector<16xf32>
          %swap3A_307 = vector.shape_cast %add3A_303 : vector<16xf32> to vector<1x16xf32>
          tpu.vector_store %arg9[%swap3A, %swap3A_304], %swap3A_307 {strides = array<i32>} : memref<128x128xf32, #tpu.memory_space<vmem>>, vector<1x16xf32>,
          %get3A_308 = arith.index_cast %add3A_292 : i32 to index
          %get3A_309 = arith.constant 16 : index
          %get3A_310 = tpu.vector_load %arg9[%get3A_308, %get3A_309] {strides = array<i32>} : memref<128x128xf32, #tpu.memory_space<vmem>>, vector<1x16xf32>,
          %get3A_311 = vector.shape_cast %get3A_310 : vector<1x16xf32> to vector<16xf32>
          %add3A_312 = arith.constant 64 : i32
          %add3A_313 = arith.addi %add3A_312, %add3A_292 : i32
          %get3A_314 = arith.index_cast %add3A_313 : i32 to index
          %get3A_315 = arith.constant 16 : index
          %get3A_316 = tpu.vector_load %arg9[%get3A_314, %get3A_315] {strides = array<i32>} : memref<128x128xf32, #tpu.memory_space<vmem>>, vector<1x16xf32>,
          %get3A_317 = vector.shape_cast %get3A_316 : vector<1x16xf32> to vector<16xf32>
          %add3A_318 = arith.addf %get3A_311, %get3A_317 : vector<16xf32>
          %swap3A_319 = arith.index_cast %add3A_292 : i32 to index
          %swap3A_320 = arith.constant 16 : index
          %swap3A_321 = tpu.vector_load %arg9[%swap3A_319, %swap3A_320] {strides = array<i32>} : memref<128x128xf32, #tpu.memory_space<vmem>>, vector<1x16xf32>,
          %swap3A_322 = vector.shape_cast %swap3A_321 : vector<1x16xf32> to vector<16xf32>
          %swap3A_323 = vector.shape_cast %add3A_318 : vector<16xf32> to vector<1x16xf32>
          tpu.vector_store %arg9[%swap3A_319, %swap3A_320], %swap3A_323 {strides = array<i32>} : memref<128x128xf32, #tpu.memory_space<vmem>>, vector<1x16xf32>,
          %get3A_324 = arith.index_cast %add3A_292 : i32 to index
          %get3A_325 = arith.constant 32 : index
          %get3A_326 = tpu.vector_load %arg9[%get3A_324, %get3A_325] {strides = array<i32>} : memref<128x128xf32, #tpu.memory_space<vmem>>, vector<1x16xf32>,
          %get3A_327 = vector.shape_cast %get3A_326 : vector<1x16xf32> to vector<16xf32>
          %add3A_328 = arith.constant 64 : i32
          %add3A_329 = arith.addi %add3A_328, %add3A_292 : i32
          %get3A_330 = arith.index_cast %add3A_329 : i32 to index
          %get3A_331 = arith.constant 32 : index
          %get3A_332 = tpu.vector_load %arg9[%get3A_330, %get3A_331] {strides = array<i32>} : memref<128x128xf32, #tpu.memory_space<vmem>>, vector<1x16xf32>,
          %get3A_333 = vector.shape_cast %get3A_332 : vector<1x16xf32> to vector<16xf32>
          %add3A_334 = arith.addf %get3A_327, %get3A_333 : vector<16xf32>
          %swap3A_335 = arith.index_cast %add3A_292 : i32 to index
          %swap3A_336 = arith.constant 32 : index
          %swap3A_337 = tpu.vector_load %arg9[%swap3A_335, %swap3A_336] {strides = array<i32>} : memref<128x128xf32, #tpu.memory_space<vmem>>, vector<1x16xf32>,
          %swap3A_338 = vector.shape_cast %swap3A_337 : vector<1x16xf32> to vector<16xf32>
          %swap3A_339 = vector.shape_cast %add3A_334 : vector<16xf32> to vector<1x16xf32>
          tpu.vector_store %arg9[%swap3A_335, %swap3A_336], %swap3A_339 {strides = array<i32>} : memref<128x128xf32, #tpu.memory_space<vmem>>, vector<1x16xf32>,
          %get3A_340 = arith.index_cast %add3A_292 : i32 to index
          %get3A_341 = arith.constant 48 : index
          %get3A_342 = tpu.vector_load %arg9[%get3A_340, %get3A_341] {strides = array<i32>} : memref<128x128xf32, #tpu.memory_space<vmem>>, vector<1x16xf32>,
          %get3A_343 = vector.shape_cast %get3A_342 : vector<1x16xf32> to vector<16xf32>
          %add3A_344 = arith.constant 64 : i32
          %add3A_345 = arith.addi %add3A_344, %add3A_292 : i32
          %get3A_346 = arith.index_cast %add3A_345 : i32 to index
          %get3A_347 = arith.constant 48 : index
          %get3A_348 = tpu.vector_load %arg9[%get3A_346, %get3A_347] {strides = array<i32>} : memref<128x128xf32, #tpu.memory_space<vmem>>, vector<1x16xf32>,
          %get3A_349 = vector.shape_cast %get3A_348 : vector<1x16xf32> to vector<16xf32>
          %add3A_350 = arith.addf %get3A_343, %get3A_349 : vector<16xf32>
          %swap3A_351 = arith.index_cast %add3A_292 : i32 to index
          %swap3A_352 = arith.constant 48 : index
          %swap3A_353 = tpu.vector_load %arg9[%swap3A_351, %swap3A_352] {strides = array<i32>} : memref<128x128xf32, #tpu.memory_space<vmem>>, vector<1x16xf32>,
          %swap3A_354 = vector.shape_cast %swap3A_353 : vector<1x16xf32> to vector<16xf32>
          %swap3A_355 = vector.shape_cast %add3A_350 : vector<16xf32> to vector<1x16xf32>
          tpu.vector_store %arg9[%swap3A_351, %swap3A_352], %swap3A_355 {strides = array<i32>} : memref<128x128xf32, #tpu.memory_space<vmem>>, vector<1x16xf32>,
          %get3A_356 = arith.index_cast %add3A_292 : i32 to index
          %get3A_357 = arith.constant 64 : index
          %get3A_358 = tpu.vector_load %arg9[%get3A_356, %get3A_357] {strides = array<i32>} : memref<128x128xf32, #tpu.memory_space<vmem>>, vector<1x16xf32>,
          %get3A_359 = vector.shape_cast %get3A_358 : vector<1x16xf32> to vector<16xf32>
          %add3A_360 = arith.constant 64 : i32
          %add3A_361 = arith.addi %add3A_360, %add3A_292 : i32
          %get3A_362 = arith.index_cast %add3A_361 : i32 to index
          %get3A_363 = arith.constant 64 : index
          %get3A_364 = tpu.vector_load %arg9[%get3A_362, %get3A_363] {strides = array<i32>} : memref<128x128xf32, #tpu.memory_space<vmem>>, vector<1x16xf32>,
          %get3A_365 = vector.shape_cast %get3A_364 : vector<1x16xf32> to vector<16xf32>
          %add3A_366 = arith.addf %get3A_359, %get3A_365 : vector<16xf32>
          %swap3A_367 = arith.index_cast %add3A_292 : i32 to index
          %swap3A_368 = arith.constant 64 : index
          %swap3A_369 = tpu.vector_load %arg9[%swap3A_367, %swap3A_368] {strides = array<i32>} : memref<128x128xf32, #tpu.memory_space<vmem>>, vector<1x16xf32>,
          %swap3A_370 = vector.shape_cast %swap3A_369 : vector<1x16xf32> to vector<16xf32>
          %swap3A_371 = vector.shape_cast %add3A_366 : vector<16xf32> to vector<1x16xf32>
          tpu.vector_store %arg9[%swap3A_367, %swap3A_368], %swap3A_371 {strides = array<i32>} : memref<128x128xf32, #tpu.memory_space<vmem>>, vector<1x16xf32>,
          %get3A_372 = arith.index_cast %add3A_292 : i32 to index
          %get3A_373 = arith.constant 80 : index
          %get3A_374 = tpu.vector_load %arg9[%get3A_372, %get3A_373] {strides = array<i32>} : memref<128x128xf32, #tpu.memory_space<vmem>>, vector<1x16xf32>,
          %get3A_375 = vector.shape_cast %get3A_374 : vector<1x16xf32> to vector<16xf32>
          %add3A_376 = arith.constant 64 : i32
          %add3A_377 = arith.addi %add3A_376, %add3A_292 : i32
          %get3A_378 = arith.index_cast %add3A_377 : i32 to index
          %get3A_379 = arith.constant 80 : index
          %get3A_380 = tpu.vector_load %arg9[%get3A_378, %get3A_379] {strides = array<i32>} : memref<128x128xf32, #tpu.memory_space<vmem>>, vector<1x16xf32>,
          %get3A_381 = vector.shape_cast %get3A_380 : vector<1x16xf32> to vector<16xf32>
          %add3A_382 = arith.addf %get3A_375, %get3A_381 : vector<16xf32>
          %swap3A_383 = arith.index_cast %add3A_292 : i32 to index
          %swap3A_384 = arith.constant 80 : index
          %swap3A_385 = tpu.vector_load %arg9[%swap3A_383, %swap3A_384] {strides = array<i32>} : memref<128x128xf32, #tpu.memory_space<vmem>>, vector<1x16xf32>,
          %swap3A_386 = vector.shape_cast %swap3A_385 : vector<1x16xf32> to vector<16xf32>
          %swap3A_387 = vector.shape_cast %add3A_382 : vector<16xf32> to vector<1x16xf32>
          tpu.vector_store %arg9[%swap3A_383, %swap3A_384], %swap3A_387 {strides = array<i32>} : memref<128x128xf32, #tpu.memory_space<vmem>>, vector<1x16xf32>,
          %get3A_388 = arith.index_cast %add3A_292 : i32 to index
          %get3A_389 = arith.constant 96 : index
          %get3A_390 = tpu.vector_load %arg9[%get3A_388, %get3A_389] {strides = array<i32>} : memref<128x128xf32, #tpu.memory_space<vmem>>, vector<1x16xf32>,
          %get3A_391 = vector.shape_cast %get3A_390 : vector<1x16xf32> to vector<16xf32>
          %add3A_392 = arith.constant 64 : i32
          %add3A_393 = arith.addi %add3A_392, %add3A_292 : i32
          %get3A_394 = arith.index_cast %add3A_393 : i32 to index
          %get3A_395 = arith.constant 96 : index
          %get3A_396 = tpu.vector_load %arg9[%get3A_394, %get3A_395] {strides = array<i32>} : memref<128x128xf32, #tpu.memory_space<vmem>>, vector<1x16xf32>,
          %get3A_397 = vector.shape_cast %get3A_396 : vector<1x16xf32> to vector<16xf32>
          %add3A_398 = arith.addf %get3A_391, %get3A_397 : vector<16xf32>
          %swap3A_399 = arith.index_cast %add3A_292 : i32 to index
          %swap3A_400 = arith.constant 96 : index
          %swap3A_401 = tpu.vector_load %arg9[%swap3A_399, %swap3A_400] {strides = array<i32>} : memref<128x128xf32, #tpu.memory_space<vmem>>, vector<1x16xf32>,
          %swap3A_402 = vector.shape_cast %swap3A_401 : vector<1x16xf32> to vector<16xf32>
          %swap3A_403 = vector.shape_cast %add3A_398 : vector<16xf32> to vector<1x16xf32>
          tpu.vector_store %arg9[%swap3A_399, %swap3A_400], %swap3A_403 {strides = array<i32>} : memref<128x128xf32, #tpu.memory_space<vmem>>, vector<1x16xf32>,
          %get3A_404 = arith.index_cast %add3A_292 : i32 to index
          %get3A_405 = arith.constant 112 : index
          %get3A_406 = tpu.vector_load %arg9[%get3A_404, %get3A_405] {strides = array<i32>} : memref<128x128xf32, #tpu.memory_space<vmem>>, vector<1x16xf32>,
          %get3A_407 = vector.shape_cast %get3A_406 : vector<1x16xf32> to vector<16xf32>
          %add3A_408 = arith.constant 64 : i32
          %add3A_409 = arith.addi %add3A_408, %add3A_292 : i32
          %get3A_410 = arith.index_cast %add3A_409 : i32 to index
          %get3A_411 = arith.constant 112 : index
          %get3A_412 = tpu.vector_load %arg9[%get3A_410, %get3A_411] {strides = array<i32>} : memref<128x128xf32, #tpu.memory_space<vmem>>, vector<1x16xf32>,
          %get3A_413 = vector.shape_cast %get3A_412 : vector<1x16xf32> to vector<16xf32>
          %add3A_414 = arith.addf %get3A_407, %get3A_413 : vector<16xf32>
          %swap3A_415 = arith.index_cast %add3A_292 : i32 to index
          %swap3A_416 = arith.constant 112 : index
          %swap3A_417 = tpu.vector_load %arg9[%swap3A_415, %swap3A_416] {strides = array<i32>} : memref<128x128xf32, #tpu.memory_space<vmem>>, vector<1x16xf32>,
          %swap3A_418 = vector.shape_cast %swap3A_417 : vector<1x16xf32> to vector<16xf32>
          %swap3A_419 = vector.shape_cast %add3A_414 : vector<16xf32> to vector<1x16xf32>
          tpu.vector_store %arg9[%swap3A_415, %swap3A_416], %swap3A_419 {strides = array<i32>} : memref<128x128xf32, #tpu.memory_space<vmem>>, vector<1x16xf32>,
        }
        %scan3A_269 = arith.constant 32 : i32
        %add3A_270 = arith.constant 32 : i32
        %add3A_271 = arith.addi %add3A_259, %add3A_270 : i32
        %le3A = arith.constant 100000 : i32
        %le3A_272 = arith.cmpi sle, %add3A_271, %le3A : i32
        %convert_element_type3A_273 = arith.extui %le3A_272 : i1 to i32
        %cond3A_274 = arith.constant 0 : i32
        %cond3A_275 = arith.cmpi ne, %convert_element_type3A_273, %cond3A_274 : i32
        scf.if %cond3A_275 {
          %add3A_288 = arith.constant 0 : i32
          %add3A_289 = arith.addi %add3A_259, %add3A_288 : i32
          %multiple_of3A_290 = tpu.assume_multiple %add3A_289, 32 : i32
          %dma_start3A_291 = arith.constant 0 : i32
          %dma_start3A_292 = arith.constant 0 : i32
          %dma_start3A_293 = tpu.memref_slice %arg9[%dma_start3A_291, %dma_start3A_292] : memref<128x128xf32, #tpu.memory_space<vmem>> -> memref<32x128xf32, #tpu.memory_space<vmem>>
          %dma_start3A_294 = arith.constant 0 : i32
          %dma_start3A_295 = tpu.memref_slice %arg6[%multiple_of3A_290, %dma_start3A_294] : memref<100000x128xf32, #tpu.memory_space<hbm>> -> memref<32x128xf32, #tpu.memory_space<hbm>>
          %dma_start3A_296 = arith.constant 0 : i32
          %dma_start3A_297 = tpu.memref_slice %arg6[%multiple_of3A_290, %dma_start3A_296] : memref<100000x128xf32, #tpu.memory_space<hbm>> -> memref<32x128xf32, #tpu.memory_space<hbm>>
          %dma_start3A_298 = arith.constant 0 : i32
          %dma_start3A_299 = arith.constant 0 : i32
          %dma_start3A_300 = tpu.memref_slice %arg9[%dma_start3A_298, %dma_start3A_299] : memref<128x128xf32, #tpu.memory_space<vmem>> -> memref<32x128xf32, #tpu.memory_space<vmem>>
          tpu.enqueue_dma source(%dma_start3A_300 : memref<32x128xf32, #tpu.memory_space<vmem>>) target(%dma_start3A_297 : memref<32x128xf32, #tpu.memory_space<hbm>>) target_semaphore(%arg24 : memref<!tpu.dma_semaphore, #tpu.memory_space<semaphore_mem>>)
        } else {
        }
        %scan3A_276 = arith.constant 0 : i32
        %scan3A_277 = arith.constant 32 : i32
        %scan3A_278 = arith.addi %scan3A_276, %scan3A_277 : i32
        %scan3A_279 = arith.constant 1 : i32
        scf.for %scan3A_288 = %scan3A_276 to %scan3A_278 step %scan3A_279  : i32 {
          %mul3A_289 = arith.constant 1 : i32
          %mul3A_290 = arith.muli %scan3A_288, %mul3A_289 : i32
          %add3A_291 = arith.constant 32 : i32
          %add3A_292 = arith.addi %add3A_291, %mul3A_290 : i32
          %get3A_293 = arith.index_cast %add3A_292 : i32 to index
          %get3A_294 = arith.constant 0 : index
          %get3A_295 = tpu.vector_load %arg9[%get3A_293, %get3A_294] {strides = array<i32>} : memref<128x128xf32, #tpu.memory_space<vmem>>, vector<1x16xf32>,
          %get3A_296 = vector.shape_cast %get3A_295 : vector<1x16xf32> to vector<16xf32>
          %add3A_297 = arith.constant 64 : i32
          %add3A_298 = arith.addi %add3A_297, %add3A_292 : i32
          %get3A_299 = arith.index_cast %add3A_298 : i32 to index
          %get3A_300 = arith.constant 0 : index
          %get3A_301 = tpu.vector_load %arg9[%get3A_299, %get3A_300] {strides = array<i32>} : memref<128x128xf32, #tpu.memory_space<vmem>>, vector<1x16xf32>,
          %get3A_302 = vector.shape_cast %get3A_301 : vector<1x16xf32> to vector<16xf32>
          %add3A_303 = arith.addf %get3A_296, %get3A_302 : vector<16xf32>
          %swap3A = arith.index_cast %add3A_292 : i32 to index
          %swap3A_304 = arith.constant 0 : index
          %swap3A_305 = tpu.vector_load %arg9[%swap3A, %swap3A_304] {strides = array<i32>} : memref<128x128xf32, #tpu.memory_space<vmem>>, vector<1x16xf32>,
          %swap3A_306 = vector.shape_cast %swap3A_305 : vector<1x16xf32> to vector<16xf32>
          %swap3A_307 = vector.shape_cast %add3A_303 : vector<16xf32> to vector<1x16xf32>
          tpu.vector_store %arg9[%swap3A, %swap3A_304], %swap3A_307 {strides = array<i32>} : memref<128x128xf32, #tpu.memory_space<vmem>>, vector<1x16xf32>,
          %get3A_308 = arith.index_cast %add3A_292 : i32 to index
          %get3A_309 = arith.constant 16 : index
          %get3A_310 = tpu.vector_load %arg9[%get3A_308, %get3A_309] {strides = array<i32>} : memref<128x128xf32, #tpu.memory_space<vmem>>, vector<1x16xf32>,
          %get3A_311 = vector.shape_cast %get3A_310 : vector<1x16xf32> to vector<16xf32>
          %add3A_312 = arith.constant 64 : i32
          %add3A_313 = arith.addi %add3A_312, %add3A_292 : i32
          %get3A_314 = arith.index_cast %add3A_313 : i32 to index
          %get3A_315 = arith.constant 16 : index
          %get3A_316 = tpu.vector_load %arg9[%get3A_314, %get3A_315] {strides = array<i32>} : memref<128x128xf32, #tpu.memory_space<vmem>>, vector<1x16xf32>,
          %get3A_317 = vector.shape_cast %get3A_316 : vector<1x16xf32> to vector<16xf32>
          %add3A_318 = arith.addf %get3A_311, %get3A_317 : vector<16xf32>
          %swap3A_319 = arith.index_cast %add3A_292 : i32 to index
          %swap3A_320 = arith.constant 16 : index
          %swap3A_321 = tpu.vector_load %arg9[%swap3A_319, %swap3A_320] {strides = array<i32>} : memref<128x128xf32, #tpu.memory_space<vmem>>, vector<1x16xf32>,
          %swap3A_322 = vector.shape_cast %swap3A_321 : vector<1x16xf32> to vector<16xf32>
          %swap3A_323 = vector.shape_cast %add3A_318 : vector<16xf32> to vector<1x16xf32>
          tpu.vector_store %arg9[%swap3A_319, %swap3A_320], %swap3A_323 {strides = array<i32>} : memref<128x128xf32, #tpu.memory_space<vmem>>, vector<1x16xf32>,
          %get3A_324 = arith.index_cast %add3A_292 : i32 to index
          %get3A_325 = arith.constant 32 : index
          %get3A_326 = tpu.vector_load %arg9[%get3A_324, %get3A_325] {strides = array<i32>} : memref<128x128xf32, #tpu.memory_space<vmem>>, vector<1x16xf32>,
          %get3A_327 = vector.shape_cast %get3A_326 : vector<1x16xf32> to vector<16xf32>
          %add3A_328 = arith.constant 64 : i32
          %add3A_329 = arith.addi %add3A_328, %add3A_292 : i32
          %get3A_330 = arith.index_cast %add3A_329 : i32 to index
          %get3A_331 = arith.constant 32 : index
          %get3A_332 = tpu.vector_load %arg9[%get3A_330, %get3A_331] {strides = array<i32>} : memref<128x128xf32, #tpu.memory_space<vmem>>, vector<1x16xf32>,
          %get3A_333 = vector.shape_cast %get3A_332 : vector<1x16xf32> to vector<16xf32>
          %add3A_334 = arith.addf %get3A_327, %get3A_333 : vector<16xf32>
          %swap3A_335 = arith.index_cast %add3A_292 : i32 to index
          %swap3A_336 = arith.constant 32 : index
          %swap3A_337 = tpu.vector_load %arg9[%swap3A_335, %swap3A_336] {strides = array<i32>} : memref<128x128xf32, #tpu.memory_space<vmem>>, vector<1x16xf32>,
          %swap3A_338 = vector.shape_cast %swap3A_337 : vector<1x16xf32> to vector<16xf32>
          %swap3A_339 = vector.shape_cast %add3A_334 : vector<16xf32> to vector<1x16xf32>
          tpu.vector_store %arg9[%swap3A_335, %swap3A_336], %swap3A_339 {strides = array<i32>} : memref<128x128xf32, #tpu.memory_space<vmem>>, vector<1x16xf32>,
          %get3A_340 = arith.index_cast %add3A_292 : i32 to index
          %get3A_341 = arith.constant 48 : index
          %get3A_342 = tpu.vector_load %arg9[%get3A_340, %get3A_341] {strides = array<i32>} : memref<128x128xf32, #tpu.memory_space<vmem>>, vector<1x16xf32>,
          %get3A_343 = vector.shape_cast %get3A_342 : vector<1x16xf32> to vector<16xf32>
          %add3A_344 = arith.constant 64 : i32
          %add3A_345 = arith.addi %add3A_344, %add3A_292 : i32
          %get3A_346 = arith.index_cast %add3A_345 : i32 to index
          %get3A_347 = arith.constant 48 : index
          %get3A_348 = tpu.vector_load %arg9[%get3A_346, %get3A_347] {strides = array<i32>} : memref<128x128xf32, #tpu.memory_space<vmem>>, vector<1x16xf32>,
          %get3A_349 = vector.shape_cast %get3A_348 : vector<1x16xf32> to vector<16xf32>
          %add3A_350 = arith.addf %get3A_343, %get3A_349 : vector<16xf32>
          %swap3A_351 = arith.index_cast %add3A_292 : i32 to index
          %swap3A_352 = arith.constant 48 : index
          %swap3A_353 = tpu.vector_load %arg9[%swap3A_351, %swap3A_352] {strides = array<i32>} : memref<128x128xf32, #tpu.memory_space<vmem>>, vector<1x16xf32>,
          %swap3A_354 = vector.shape_cast %swap3A_353 : vector<1x16xf32> to vector<16xf32>
          %swap3A_355 = vector.shape_cast %add3A_350 : vector<16xf32> to vector<1x16xf32>
          tpu.vector_store %arg9[%swap3A_351, %swap3A_352], %swap3A_355 {strides = array<i32>} : memref<128x128xf32, #tpu.memory_space<vmem>>, vector<1x16xf32>,
          %get3A_356 = arith.index_cast %add3A_292 : i32 to index
          %get3A_357 = arith.constant 64 : index
          %get3A_358 = tpu.vector_load %arg9[%get3A_356, %get3A_357] {strides = array<i32>} : memref<128x128xf32, #tpu.memory_space<vmem>>, vector<1x16xf32>,
          %get3A_359 = vector.shape_cast %get3A_358 : vector<1x16xf32> to vector<16xf32>
          %add3A_360 = arith.constant 64 : i32
          %add3A_361 = arith.addi %add3A_360, %add3A_292 : i32
          %get3A_362 = arith.index_cast %add3A_361 : i32 to index
          %get3A_363 = arith.constant 64 : index
          %get3A_364 = tpu.vector_load %arg9[%get3A_362, %get3A_363] {strides = array<i32>} : memref<128x128xf32, #tpu.memory_space<vmem>>, vector<1x16xf32>,
          %get3A_365 = vector.shape_cast %get3A_364 : vector<1x16xf32> to vector<16xf32>
          %add3A_366 = arith.addf %get3A_359, %get3A_365 : vector<16xf32>
          %swap3A_367 = arith.index_cast %add3A_292 : i32 to index
          %swap3A_368 = arith.constant 64 : index
          %swap3A_369 = tpu.vector_load %arg9[%swap3A_367, %swap3A_368] {strides = array<i32>} : memref<128x128xf32, #tpu.memory_space<vmem>>, vector<1x16xf32>,
          %swap3A_370 = vector.shape_cast %swap3A_369 : vector<1x16xf32> to vector<16xf32>
          %swap3A_371 = vector.shape_cast %add3A_366 : vector<16xf32> to vector<1x16xf32>
          tpu.vector_store %arg9[%swap3A_367, %swap3A_368], %swap3A_371 {strides = array<i32>} : memref<128x128xf32, #tpu.memory_space<vmem>>, vector<1x16xf32>,
          %get3A_372 = arith.index_cast %add3A_292 : i32 to index
          %get3A_373 = arith.constant 80 : index
          %get3A_374 = tpu.vector_load %arg9[%get3A_372, %get3A_373] {strides = array<i32>} : memref<128x128xf32, #tpu.memory_space<vmem>>, vector<1x16xf32>,
          %get3A_375 = vector.shape_cast %get3A_374 : vector<1x16xf32> to vector<16xf32>
          %add3A_376 = arith.constant 64 : i32
          %add3A_377 = arith.addi %add3A_376, %add3A_292 : i32
          %get3A_378 = arith.index_cast %add3A_377 : i32 to index
          %get3A_379 = arith.constant 80 : index
          %get3A_380 = tpu.vector_load %arg9[%get3A_378, %get3A_379] {strides = array<i32>} : memref<128x128xf32, #tpu.memory_space<vmem>>, vector<1x16xf32>,
          %get3A_381 = vector.shape_cast %get3A_380 : vector<1x16xf32> to vector<16xf32>
          %add3A_382 = arith.addf %get3A_375, %get3A_381 : vector<16xf32>
          %swap3A_383 = arith.index_cast %add3A_292 : i32 to index
          %swap3A_384 = arith.constant 80 : index
          %swap3A_385 = tpu.vector_load %arg9[%swap3A_383, %swap3A_384] {strides = array<i32>} : memref<128x128xf32, #tpu.memory_space<vmem>>, vector<1x16xf32>,
          %swap3A_386 = vector.shape_cast %swap3A_385 : vector<1x16xf32> to vector<16xf32>
          %swap3A_387 = vector.shape_cast %add3A_382 : vector<16xf32> to vector<1x16xf32>
          tpu.vector_store %arg9[%swap3A_383, %swap3A_384], %swap3A_387 {strides = array<i32>} : memref<128x128xf32, #tpu.memory_space<vmem>>, vector<1x16xf32>,
          %get3A_388 = arith.index_cast %add3A_292 : i32 to index
          %get3A_389 = arith.constant 96 : index
          %get3A_390 = tpu.vector_load %arg9[%get3A_388, %get3A_389] {strides = array<i32>} : memref<128x128xf32, #tpu.memory_space<vmem>>, vector<1x16xf32>,
          %get3A_391 = vector.shape_cast %get3A_390 : vector<1x16xf32> to vector<16xf32>
          %add3A_392 = arith.constant 64 : i32
          %add3A_393 = arith.addi %add3A_392, %add3A_292 : i32
          %get3A_394 = arith.index_cast %add3A_393 : i32 to index
          %get3A_395 = arith.constant 96 : index
          %get3A_396 = tpu.vector_load %arg9[%get3A_394, %get3A_395] {strides = array<i32>} : memref<128x128xf32, #tpu.memory_space<vmem>>, vector<1x16xf32>,
          %get3A_397 = vector.shape_cast %get3A_396 : vector<1x16xf32> to vector<16xf32>
          %add3A_398 = arith.addf %get3A_391, %get3A_397 : vector<16xf32>
          %swap3A_399 = arith.index_cast %add3A_292 : i32 to index
          %swap3A_400 = arith.constant 96 : index
          %swap3A_401 = tpu.vector_load %arg9[%swap3A_399, %swap3A_400] {strides = array<i32>} : memref<128x128xf32, #tpu.memory_space<vmem>>, vector<1x16xf32>,
          %swap3A_402 = vector.shape_cast %swap3A_401 : vector<1x16xf32> to vector<16xf32>
          %swap3A_403 = vector.shape_cast %add3A_398 : vector<16xf32> to vector<1x16xf32>
          tpu.vector_store %arg9[%swap3A_399, %swap3A_400], %swap3A_403 {strides = array<i32>} : memref<128x128xf32, #tpu.memory_space<vmem>>, vector<1x16xf32>,
          %get3A_404 = arith.index_cast %add3A_292 : i32 to index
          %get3A_405 = arith.constant 112 : index
          %get3A_406 = tpu.vector_load %arg9[%get3A_404, %get3A_405] {strides = array<i32>} : memref<128x128xf32, #tpu.memory_space<vmem>>, vector<1x16xf32>,
          %get3A_407 = vector.shape_cast %get3A_406 : vector<1x16xf32> to vector<16xf32>
          %add3A_408 = arith.constant 64 : i32
          %add3A_409 = arith.addi %add3A_408, %add3A_292 : i32
          %get3A_410 = arith.index_cast %add3A_409 : i32 to index
          %get3A_411 = arith.constant 112 : index
          %get3A_412 = tpu.vector_load %arg9[%get3A_410, %get3A_411] {strides = array<i32>} : memref<128x128xf32, #tpu.memory_space<vmem>>, vector<1x16xf32>,
          %get3A_413 = vector.shape_cast %get3A_412 : vector<1x16xf32> to vector<16xf32>
          %add3A_414 = arith.addf %get3A_407, %get3A_413 : vector<16xf32>
          %swap3A_415 = arith.index_cast %add3A_292 : i32 to index
          %swap3A_416 = arith.constant 112 : index
          %swap3A_417 = tpu.vector_load %arg9[%swap3A_415, %swap3A_416] {strides = array<i32>} : memref<128x128xf32, #tpu.memory_space<vmem>>, vector<1x16xf32>,
          %swap3A_418 = vector.shape_cast %swap3A_417 : vector<1x16xf32> to vector<16xf32>
          %swap3A_419 = vector.shape_cast %add3A_414 : vector<16xf32> to vector<1x16xf32>
          tpu.vector_store %arg9[%swap3A_415, %swap3A_416], %swap3A_419 {strides = array<i32>} : memref<128x128xf32, #tpu.memory_space<vmem>>, vector<1x16xf32>,
        }
        %scan3A_280 = arith.constant 32 : i32
        %add3A_281 = arith.constant 64 : i32
        %add3A_282 = arith.addi %add3A_259, %add3A_281 : i32
        %le3A_283 = arith.constant 100000 : i32
        %le3A_284 = arith.cmpi sle, %add3A_282, %le3A_283 : i32
        %convert_element_type3A_285 = arith.extui %le3A_284 : i1 to i32
        %cond3A_286 = arith.constant 0 : i32
        %cond3A_287 = arith.cmpi ne, %convert_element_type3A_285, %cond3A_286 : i32
        scf.if %cond3A_287 {
          %add3A_288 = arith.constant 32 : i32
          %add3A_289 = arith.addi %add3A_259, %add3A_288 : i32
          %multiple_of3A_290 = tpu.assume_multiple %add3A_289, 32 : i32
          %dma_start3A_291 = arith.constant 32 : i32
          %dma_start3A_292 = arith.constant 0 : i32
          %dma_start3A_293 = tpu.memref_slice %arg9[%dma_start3A_291, %dma_start3A_292] : memref<128x128xf32, #tpu.memory_space<vmem>> -> memref<32x128xf32, #tpu.memory_space<vmem>>
          %dma_start3A_294 = arith.constant 0 : i32
          %dma_start3A_295 = tpu.memref_slice %arg6[%multiple_of3A_290, %dma_start3A_294] : memref<100000x128xf32, #tpu.memory_space<hbm>> -> memref<32x128xf32, #tpu.memory_space<hbm>>
          %dma_start3A_296 = arith.constant 0 : i32
          %dma_start3A_297 = tpu.memref_slice %arg6[%multiple_of3A_290, %dma_start3A_296] : memref<100000x128xf32, #tpu.memory_space<hbm>> -> memref<32x128xf32, #tpu.memory_space<hbm>>
          %dma_start3A_298 = arith.constant 32 : i32
          %dma_start3A_299 = arith.constant 0 : i32
          %dma_start3A_300 = tpu.memref_slice %arg9[%dma_start3A_298, %dma_start3A_299] : memref<128x128xf32, #tpu.memory_space<vmem>> -> memref<32x128xf32, #tpu.memory_space<vmem>>
          tpu.enqueue_dma source(%dma_start3A_300 : memref<32x128xf32, #tpu.memory_space<vmem>>) target(%dma_start3A_297 : memref<32x128xf32, #tpu.memory_space<hbm>>) target_semaphore(%arg24 : memref<!tpu.dma_semaphore, #tpu.memory_space<semaphore_mem>>)
        } else {
        }
      } else {
      }
    }
    %scan3A_91 = arith.constant 9 : i32
    %eq3A_92 = arith.constant 31 : i32
    %eq3A_93 = arith.cmpi eq, %add3A, %eq3A_92 : i32
    %convert_element_type3A_94 = arith.extui %eq3A_93 : i1 to i32
    %cond3A_95 = arith.constant 0 : i32
    %cond3A_96 = arith.cmpi ne, %convert_element_type3A_94, %cond3A_95 : i32
    scf.if %cond3A_96 {
    } else {
    }
    %ne3A = arith.constant 31 : i32
    %ne3A_97 = arith.cmpi ne, %add3A, %ne3A : i32
    %convert_element_type3A_98 = arith.extui %ne3A_97 : i1 to i32
    %cond3A_99 = arith.constant 0 : i32
    %cond3A_100 = arith.cmpi ne, %convert_element_type3A_98, %cond3A_99 : i32
    scf.if %cond3A_100 {
      %dma_wait3A_151 = arith.constant 0 : i32
      %dma_wait3A_152 = arith.constant 0 : i32
      %dma_wait3A_153 = tpu.memref_slice %arg9[%dma_wait3A_151, %dma_wait3A_152] : memref<128x128xf32, #tpu.memory_space<vmem>> -> memref<32x128xf32, #tpu.memory_space<vmem>>
      %dma_wait3A_154 = arith.constant 0 : i32
      %dma_wait3A_155 = arith.constant 0 : i32
      %dma_wait3A_156 = tpu.memref_slice %arg6[%dma_wait3A_154, %dma_wait3A_155] : memref<100000x128xf32, #tpu.memory_space<hbm>> -> memref<32x128xf32, #tpu.memory_space<hbm>>
      %dma_wait3A_157 = arith.constant 0 : i32
      %dma_wait3A_158 = arith.constant 0 : i32
      %dma_wait3A_159 = tpu.memref_slice %arg6[%dma_wait3A_157, %dma_wait3A_158] : memref<100000x128xf32, #tpu.memory_space<hbm>> -> memref<32x128xf32, #tpu.memory_space<hbm>>
      %dma_wait3A_160 = arith.constant 0 : i32
      %dma_wait3A_161 = arith.constant 0 : i32
      %dma_wait3A_162 = tpu.memref_slice %arg9[%dma_wait3A_160, %dma_wait3A_161] : memref<128x128xf32, #tpu.memory_space<vmem>> -> memref<32x128xf32, #tpu.memory_space<vmem>>
      tpu.wait_dma2 semaphore(%arg24 : memref<!tpu.dma_semaphore, #tpu.memory_space<semaphore_mem>>) src(%dma_wait3A_162 : memref<32x128xf32, #tpu.memory_space<vmem>>) dst(%dma_wait3A_159 : memref<32x128xf32, #tpu.memory_space<hbm>>)
      %dma_wait3A_163 = arith.constant 0 : i32
      %dma_wait3A_164 = arith.constant 0 : i32
      %dma_wait3A_165 = tpu.memref_slice %arg9[%dma_wait3A_163, %dma_wait3A_164] : memref<128x128xf32, #tpu.memory_space<vmem>> -> memref<32x128xf32, #tpu.memory_space<vmem>>
      %dma_wait3A_166 = arith.constant 0 : i32
      %dma_wait3A_167 = arith.constant 0 : i32
      %dma_wait3A_168 = tpu.memref_slice %arg6[%dma_wait3A_166, %dma_wait3A_167] : memref<100000x128xf32, #tpu.memory_space<hbm>> -> memref<32x128xf32, #tpu.memory_space<hbm>>
      %dma_wait3A_169 = arith.constant 0 : i32
      %dma_wait3A_170 = arith.constant 0 : i32
      %dma_wait3A_171 = tpu.memref_slice %arg6[%dma_wait3A_169, %dma_wait3A_170] : memref<100000x128xf32, #tpu.memory_space<hbm>> -> memref<32x128xf32, #tpu.memory_space<hbm>>
      %dma_wait3A_172 = arith.constant 0 : i32
      %dma_wait3A_173 = arith.constant 0 : i32
      %dma_wait3A_174 = tpu.memref_slice %arg9[%dma_wait3A_172, %dma_wait3A_173] : memref<128x128xf32, #tpu.memory_space<vmem>> -> memref<32x128xf32, #tpu.memory_space<vmem>>
      tpu.wait_dma2 semaphore(%arg24 : memref<!tpu.dma_semaphore, #tpu.memory_space<semaphore_mem>>) src(%dma_wait3A_174 : memref<32x128xf32, #tpu.memory_space<vmem>>) dst(%dma_wait3A_171 : memref<32x128xf32, #tpu.memory_space<hbm>>)
    } else {
    }
    %eq3A_101 = arith.constant 31 : i32
    %eq3A_102 = arith.cmpi eq, %add3A, %eq3A_101 : i32
    %convert_element_type3A_103 = arith.extui %eq3A_102 : i1 to i32
    %cond3A_104 = arith.constant 0 : i32
    %cond3A_105 = arith.cmpi ne, %convert_element_type3A_103, %cond3A_104 : i32
    scf.if %cond3A_105 {
      %dma_wait3A_151 = arith.constant 0 : i32
      %dma_wait3A_152 = arith.constant 0 : i32
      %dma_wait3A_153 = tpu.memref_slice %arg10[%dma_wait3A_151, %dma_wait3A_152] : memref<128x128xf32, #tpu.memory_space<vmem>> -> memref<32x128xf32, #tpu.memory_space<vmem>>
      %dma_wait3A_154 = arith.constant 0 : i32
      %dma_wait3A_155 = arith.constant 0 : i32
      %dma_wait3A_156 = tpu.memref_slice %arg6[%dma_wait3A_154, %dma_wait3A_155] : memref<100000x128xf32, #tpu.memory_space<hbm>> -> memref<32x128xf32, #tpu.memory_space<hbm>>
      %dma_wait3A_157 = arith.constant 0 : i32
      %dma_wait3A_158 = arith.constant 0 : i32
      %dma_wait3A_159 = tpu.memref_slice %arg6[%dma_wait3A_157, %dma_wait3A_158] : memref<100000x128xf32, #tpu.memory_space<hbm>> -> memref<32x128xf32, #tpu.memory_space<hbm>>
      %dma_wait3A_160 = arith.constant 0 : i32
      %dma_wait3A_161 = arith.constant 0 : i32
      %dma_wait3A_162 = tpu.memref_slice %arg10[%dma_wait3A_160, %dma_wait3A_161] : memref<128x128xf32, #tpu.memory_space<vmem>> -> memref<32x128xf32, #tpu.memory_space<vmem>>
      tpu.wait_dma2 semaphore(%arg25 : memref<!tpu.dma_semaphore, #tpu.memory_space<semaphore_mem>>) src(%dma_wait3A_162 : memref<32x128xf32, #tpu.memory_space<vmem>>) dst(%dma_wait3A_159 : memref<32x128xf32, #tpu.memory_space<hbm>>)
    } else {
    }
    %ne3A_106 = arith.constant 31 : i32
    %ne3A_107 = arith.cmpi ne, %add3A, %ne3A_106 : i32
    %convert_element_type3A_108 = arith.extui %ne3A_107 : i1 to i32
    %cond3A_109 = arith.constant 0 : i32
    %cond3A_110 = arith.cmpi ne, %convert_element_type3A_108, %cond3A_109 : i32
    scf.if %cond3A_110 {
      %dma_wait3A_151 = arith.constant 0 : i32
      %dma_wait3A_152 = arith.constant 0 : i32
      %dma_wait3A_153 = tpu.memref_slice %arg10[%dma_wait3A_151, %dma_wait3A_152] : memref<128x128xf32, #tpu.memory_space<vmem>> -> memref<32x128xf32, #tpu.memory_space<vmem>>
      %dma_wait3A_154 = arith.constant 0 : i32
      %dma_wait3A_155 = arith.constant 0 : i32
      %dma_wait3A_156 = tpu.memref_slice %arg6[%dma_wait3A_154, %dma_wait3A_155] : memref<100000x128xf32, #tpu.memory_space<hbm>> -> memref<32x128xf32, #tpu.memory_space<hbm>>
      %dma_wait3A_157 = arith.constant 0 : i32
      %dma_wait3A_158 = arith.constant 0 : i32
      %dma_wait3A_159 = tpu.memref_slice %arg6[%dma_wait3A_157, %dma_wait3A_158] : memref<100000x128xf32, #tpu.memory_space<hbm>> -> memref<32x128xf32, #tpu.memory_space<hbm>>
      %dma_wait3A_160 = arith.constant 0 : i32
      %dma_wait3A_161 = arith.constant 0 : i32
      %dma_wait3A_162 = tpu.memref_slice %arg10[%dma_wait3A_160, %dma_wait3A_161] : memref<128x128xf32, #tpu.memory_space<vmem>> -> memref<32x128xf32, #tpu.memory_space<vmem>>
      tpu.wait_dma2 semaphore(%arg25 : memref<!tpu.dma_semaphore, #tpu.memory_space<semaphore_mem>>) src(%dma_wait3A_162 : memref<32x128xf32, #tpu.memory_space<vmem>>) dst(%dma_wait3A_159 : memref<32x128xf32, #tpu.memory_space<hbm>>)
      %dma_wait3A_163 = arith.constant 0 : i32
      %dma_wait3A_164 = arith.constant 0 : i32
      %dma_wait3A_165 = tpu.memref_slice %arg10[%dma_wait3A_163, %dma_wait3A_164] : memref<128x128xf32, #tpu.memory_space<vmem>> -> memref<32x128xf32, #tpu.memory_space<vmem>>
      %dma_wait3A_166 = arith.constant 0 : i32
      %dma_wait3A_167 = arith.constant 0 : i32
      %dma_wait3A_168 = tpu.memref_slice %arg6[%dma_wait3A_166, %dma_wait3A_167] : memref<100000x128xf32, #tpu.memory_space<hbm>> -> memref<32x128xf32, #tpu.memory_space<hbm>>
      %dma_wait3A_169 = arith.constant 0 : i32
      %dma_wait3A_170 = arith.constant 0 : i32
      %dma_wait3A_171 = tpu.memref_slice %arg6[%dma_wait3A_169, %dma_wait3A_170] : memref<100000x128xf32, #tpu.memory_space<hbm>> -> memref<32x128xf32, #tpu.memory_space<hbm>>
      %dma_wait3A_172 = arith.constant 0 : i32
      %dma_wait3A_173 = arith.constant 0 : i32
      %dma_wait3A_174 = tpu.memref_slice %arg10[%dma_wait3A_172, %dma_wait3A_173] : memref<128x128xf32, #tpu.memory_space<vmem>> -> memref<32x128xf32, #tpu.memory_space<vmem>>
      tpu.wait_dma2 semaphore(%arg25 : memref<!tpu.dma_semaphore, #tpu.memory_space<semaphore_mem>>) src(%dma_wait3A_174 : memref<32x128xf32, #tpu.memory_space<vmem>>) dst(%dma_wait3A_171 : memref<32x128xf32, #tpu.memory_space<hbm>>)
    } else {
    }
    %eq3A_111 = arith.constant 31 : i32
    %eq3A_112 = arith.cmpi eq, %add3A, %eq3A_111 : i32
    %convert_element_type3A_113 = arith.extui %eq3A_112 : i1 to i32
    %cond3A_114 = arith.constant 0 : i32
    %cond3A_115 = arith.cmpi ne, %convert_element_type3A_113, %cond3A_114 : i32
    scf.if %cond3A_115 {
    } else {
    }
    %ne3A_116 = arith.constant 31 : i32
    %ne3A_117 = arith.cmpi ne, %add3A, %ne3A_116 : i32
    %convert_element_type3A_118 = arith.extui %ne3A_117 : i1 to i32
    %cond3A_119 = arith.constant 0 : i32
    %cond3A_120 = arith.cmpi ne, %convert_element_type3A_118, %cond3A_119 : i32
    scf.if %cond3A_120 {
      %dma_wait3A_151 = arith.constant 0 : i32
      %dma_wait3A_152 = arith.constant 0 : i32
      %dma_wait3A_153 = tpu.memref_slice %arg11[%dma_wait3A_151, %dma_wait3A_152] : memref<128x128xf32, #tpu.memory_space<vmem>> -> memref<32x128xf32, #tpu.memory_space<vmem>>
      %dma_wait3A_154 = arith.constant 0 : i32
      %dma_wait3A_155 = arith.constant 0 : i32
      %dma_wait3A_156 = tpu.memref_slice %arg6[%dma_wait3A_154, %dma_wait3A_155] : memref<100000x128xf32, #tpu.memory_space<hbm>> -> memref<32x128xf32, #tpu.memory_space<hbm>>
      %dma_wait3A_157 = arith.constant 0 : i32
      %dma_wait3A_158 = arith.constant 0 : i32
      %dma_wait3A_159 = tpu.memref_slice %arg6[%dma_wait3A_157, %dma_wait3A_158] : memref<100000x128xf32, #tpu.memory_space<hbm>> -> memref<32x128xf32, #tpu.memory_space<hbm>>
      %dma_wait3A_160 = arith.constant 0 : i32
      %dma_wait3A_161 = arith.constant 0 : i32
      %dma_wait3A_162 = tpu.memref_slice %arg11[%dma_wait3A_160, %dma_wait3A_161] : memref<128x128xf32, #tpu.memory_space<vmem>> -> memref<32x128xf32, #tpu.memory_space<vmem>>
      tpu.wait_dma2 semaphore(%arg26 : memref<!tpu.dma_semaphore, #tpu.memory_space<semaphore_mem>>) src(%dma_wait3A_162 : memref<32x128xf32, #tpu.memory_space<vmem>>) dst(%dma_wait3A_159 : memref<32x128xf32, #tpu.memory_space<hbm>>)
      %dma_wait3A_163 = arith.constant 0 : i32
      %dma_wait3A_164 = arith.constant 0 : i32
      %dma_wait3A_165 = tpu.memref_slice %arg11[%dma_wait3A_163, %dma_wait3A_164] : memref<128x128xf32, #tpu.memory_space<vmem>> -> memref<32x128xf32, #tpu.memory_space<vmem>>
      %dma_wait3A_166 = arith.constant 0 : i32
      %dma_wait3A_167 = arith.constant 0 : i32
      %dma_wait3A_168 = tpu.memref_slice %arg6[%dma_wait3A_166, %dma_wait3A_167] : memref<100000x128xf32, #tpu.memory_space<hbm>> -> memref<32x128xf32, #tpu.memory_space<hbm>>
      %dma_wait3A_169 = arith.constant 0 : i32
      %dma_wait3A_170 = arith.constant 0 : i32
      %dma_wait3A_171 = tpu.memref_slice %arg6[%dma_wait3A_169, %dma_wait3A_170] : memref<100000x128xf32, #tpu.memory_space<hbm>> -> memref<32x128xf32, #tpu.memory_space<hbm>>
      %dma_wait3A_172 = arith.constant 0 : i32
      %dma_wait3A_173 = arith.constant 0 : i32
      %dma_wait3A_174 = tpu.memref_slice %arg11[%dma_wait3A_172, %dma_wait3A_173] : memref<128x128xf32, #tpu.memory_space<vmem>> -> memref<32x128xf32, #tpu.memory_space<vmem>>
      tpu.wait_dma2 semaphore(%arg26 : memref<!tpu.dma_semaphore, #tpu.memory_space<semaphore_mem>>) src(%dma_wait3A_174 : memref<32x128xf32, #tpu.memory_space<vmem>>) dst(%dma_wait3A_171 : memref<32x128xf32, #tpu.memory_space<hbm>>)
    } else {
    }
    %eq3A_121 = arith.constant 31 : i32
    %eq3A_122 = arith.cmpi eq, %add3A, %eq3A_121 : i32
    %convert_element_type3A_123 = arith.extui %eq3A_122 : i1 to i32
    %cond3A_124 = arith.constant 0 : i32
    %cond3A_125 = arith.cmpi ne, %convert_element_type3A_123, %cond3A_124 : i32
    scf.if %cond3A_125 {
    } else {
    }
    %ne3A_126 = arith.constant 31 : i32
    %ne3A_127 = arith.cmpi ne, %add3A, %ne3A_126 : i32
    %convert_element_type3A_128 = arith.extui %ne3A_127 : i1 to i32
    %cond3A_129 = arith.constant 0 : i32
    %cond3A_130 = arith.cmpi ne, %convert_element_type3A_128, %cond3A_129 : i32
    scf.if %cond3A_130 {
      %dma_wait3A_151 = arith.constant 0 : i32
      %dma_wait3A_152 = arith.constant 0 : i32
      %dma_wait3A_153 = tpu.memref_slice %arg12[%dma_wait3A_151, %dma_wait3A_152] : memref<128x128xf32, #tpu.memory_space<vmem>> -> memref<32x128xf32, #tpu.memory_space<vmem>>
      %dma_wait3A_154 = arith.constant 0 : i32
      %dma_wait3A_155 = arith.constant 0 : i32
      %dma_wait3A_156 = tpu.memref_slice %arg6[%dma_wait3A_154, %dma_wait3A_155] : memref<100000x128xf32, #tpu.memory_space<hbm>> -> memref<32x128xf32, #tpu.memory_space<hbm>>
      %dma_wait3A_157 = arith.constant 0 : i32
      %dma_wait3A_158 = arith.constant 0 : i32
      %dma_wait3A_159 = tpu.memref_slice %arg6[%dma_wait3A_157, %dma_wait3A_158] : memref<100000x128xf32, #tpu.memory_space<hbm>> -> memref<32x128xf32, #tpu.memory_space<hbm>>
      %dma_wait3A_160 = arith.constant 0 : i32
      %dma_wait3A_161 = arith.constant 0 : i32
      %dma_wait3A_162 = tpu.memref_slice %arg12[%dma_wait3A_160, %dma_wait3A_161] : memref<128x128xf32, #tpu.memory_space<vmem>> -> memref<32x128xf32, #tpu.memory_space<vmem>>
      tpu.wait_dma2 semaphore(%arg27 : memref<!tpu.dma_semaphore, #tpu.memory_space<semaphore_mem>>) src(%dma_wait3A_162 : memref<32x128xf32, #tpu.memory_space<vmem>>) dst(%dma_wait3A_159 : memref<32x128xf32, #tpu.memory_space<hbm>>)
      %dma_wait3A_163 = arith.constant 0 : i32
      %dma_wait3A_164 = arith.constant 0 : i32
      %dma_wait3A_165 = tpu.memref_slice %arg12[%dma_wait3A_163, %dma_wait3A_164] : memref<128x128xf32, #tpu.memory_space<vmem>> -> memref<32x128xf32, #tpu.memory_space<vmem>>
      %dma_wait3A_166 = arith.constant 0 : i32
      %dma_wait3A_167 = arith.constant 0 : i32
      %dma_wait3A_168 = tpu.memref_slice %arg6[%dma_wait3A_166, %dma_wait3A_167] : memref<100000x128xf32, #tpu.memory_space<hbm>> -> memref<32x128xf32, #tpu.memory_space<hbm>>
      %dma_wait3A_169 = arith.constant 0 : i32
      %dma_wait3A_170 = arith.constant 0 : i32
      %dma_wait3A_171 = tpu.memref_slice %arg6[%dma_wait3A_169, %dma_wait3A_170] : memref<100000x128xf32, #tpu.memory_space<hbm>> -> memref<32x128xf32, #tpu.memory_space<hbm>>
      %dma_wait3A_172 = arith.constant 0 : i32
      %dma_wait3A_173 = arith.constant 0 : i32
      %dma_wait3A_174 = tpu.memref_slice %arg12[%dma_wait3A_172, %dma_wait3A_173] : memref<128x128xf32, #tpu.memory_space<vmem>> -> memref<32x128xf32, #tpu.memory_space<vmem>>
      tpu.wait_dma2 semaphore(%arg27 : memref<!tpu.dma_semaphore, #tpu.memory_space<semaphore_mem>>) src(%dma_wait3A_174 : memref<32x128xf32, #tpu.memory_space<vmem>>) dst(%dma_wait3A_171 : memref<32x128xf32, #tpu.memory_space<hbm>>)
    } else {
    }
    %eq3A_131 = arith.constant 31 : i32
    %eq3A_132 = arith.cmpi eq, %add3A, %eq3A_131 : i32
    %convert_element_type3A_133 = arith.extui %eq3A_132 : i1 to i32
    %cond3A_134 = arith.constant 0 : i32
    %cond3A_135 = arith.cmpi ne, %convert_element_type3A_133, %cond3A_134 : i32
    scf.if %cond3A_135 {
    } else {
    }
    %ne3A_136 = arith.constant 31 : i32
    %ne3A_137 = arith.cmpi ne, %add3A, %ne3A_136 : i32
    %convert_element_type3A_138 = arith.extui %ne3A_137 : i1 to i32
    %cond3A_139 = arith.constant 0 : i32
    %cond3A_140 = arith.cmpi ne, %convert_element_type3A_138, %cond3A_139 : i32
    scf.if %cond3A_140 {
      %dma_wait3A_151 = arith.constant 0 : i32
      %dma_wait3A_152 = arith.constant 0 : i32
      %dma_wait3A_153 = tpu.memref_slice %arg13[%dma_wait3A_151, %dma_wait3A_152] : memref<128x128xf32, #tpu.memory_space<vmem>> -> memref<32x128xf32, #tpu.memory_space<vmem>>
      %dma_wait3A_154 = arith.constant 0 : i32
      %dma_wait3A_155 = arith.constant 0 : i32
      %dma_wait3A_156 = tpu.memref_slice %arg6[%dma_wait3A_154, %dma_wait3A_155] : memref<100000x128xf32, #tpu.memory_space<hbm>> -> memref<32x128xf32, #tpu.memory_space<hbm>>
      %dma_wait3A_157 = arith.constant 0 : i32
      %dma_wait3A_158 = arith.constant 0 : i32
      %dma_wait3A_159 = tpu.memref_slice %arg6[%dma_wait3A_157, %dma_wait3A_158] : memref<100000x128xf32, #tpu.memory_space<hbm>> -> memref<32x128xf32, #tpu.memory_space<hbm>>
      %dma_wait3A_160 = arith.constant 0 : i32
      %dma_wait3A_161 = arith.constant 0 : i32
      %dma_wait3A_162 = tpu.memref_slice %arg13[%dma_wait3A_160, %dma_wait3A_161] : memref<128x128xf32, #tpu.memory_space<vmem>> -> memref<32x128xf32, #tpu.memory_space<vmem>>
      tpu.wait_dma2 semaphore(%arg28 : memref<!tpu.dma_semaphore, #tpu.memory_space<semaphore_mem>>) src(%dma_wait3A_162 : memref<32x128xf32, #tpu.memory_space<vmem>>) dst(%dma_wait3A_159 : memref<32x128xf32, #tpu.memory_space<hbm>>)
      %dma_wait3A_163 = arith.constant 0 : i32
      %dma_wait3A_164 = arith.constant 0 : i32
      %dma_wait3A_165 = tpu.memref_slice %arg13[%dma_wait3A_163, %dma_wait3A_164] : memref<128x128xf32, #tpu.memory_space<vmem>> -> memref<32x128xf32, #tpu.memory_space<vmem>>
      %dma_wait3A_166 = arith.constant 0 : i32
      %dma_wait3A_167 = arith.constant 0 : i32
      %dma_wait3A_168 = tpu.memref_slice %arg6[%dma_wait3A_166, %dma_wait3A_167] : memref<100000x128xf32, #tpu.memory_space<hbm>> -> memref<32x128xf32, #tpu.memory_space<hbm>>
      %dma_wait3A_169 = arith.constant 0 : i32
      %dma_wait3A_170 = arith.constant 0 : i32
      %dma_wait3A_171 = tpu.memref_slice %arg6[%dma_wait3A_169, %dma_wait3A_170] : memref<100000x128xf32, #tpu.memory_space<hbm>> -> memref<32x128xf32, #tpu.memory_space<hbm>>
      %dma_wait3A_172 = arith.constant 0 : i32
      %dma_wait3A_173 = arith.constant 0 : i32
      %dma_wait3A_174 = tpu.memref_slice %arg13[%dma_wait3A_172, %dma_wait3A_173] : memref<128x128xf32, #tpu.memory_space<vmem>> -> memref<32x128xf32, #tpu.memory_space<vmem>>
      tpu.wait_dma2 semaphore(%arg28 : memref<!tpu.dma_semaphore, #tpu.memory_space<semaphore_mem>>) src(%dma_wait3A_174 : memref<32x128xf32, #tpu.memory_space<vmem>>) dst(%dma_wait3A_171 : memref<32x128xf32, #tpu.memory_space<hbm>>)
    } else {
    }
    %eq3A_141 = arith.constant 31 : i32
    %eq3A_142 = arith.cmpi eq, %add3A, %eq3A_141 : i32
    %convert_element_type3A_143 = arith.extui %eq3A_142 : i1 to i32
    %cond3A_144 = arith.constant 0 : i32
    %cond3A_145 = arith.cmpi ne, %convert_element_type3A_143, %cond3A_144 : i32
    scf.if %cond3A_145 {
    } else {
    }
    %ne3A_146 = arith.constant 31 : i32
    %ne3A_147 = arith.cmpi ne, %add3A, %ne3A_146 : i32
    %convert_element_type3A_148 = arith.extui %ne3A_147 : i1 to i32
    %cond3A_149 = arith.constant 0 : i32
    %cond3A_150 = arith.cmpi ne, %convert_element_type3A_148, %cond3A_149 : i32
    scf.if %cond3A_150 {
      %dma_wait3A_151 = arith.constant 0 : i32
      %dma_wait3A_152 = arith.constant 0 : i32
      %dma_wait3A_153 = tpu.memref_slice %arg14[%dma_wait3A_151, %dma_wait3A_152] : memref<128x128xf32, #tpu.memory_space<vmem>> -> memref<32x128xf32, #tpu.memory_space<vmem>>
      %dma_wait3A_154 = arith.constant 0 : i32
      %dma_wait3A_155 = arith.constant 0 : i32
      %dma_wait3A_156 = tpu.memref_slice %arg6[%dma_wait3A_154, %dma_wait3A_155] : memref<100000x128xf32, #tpu.memory_space<hbm>> -> memref<32x128xf32, #tpu.memory_space<hbm>>
      %dma_wait3A_157 = arith.constant 0 : i32
      %dma_wait3A_158 = arith.constant 0 : i32
      %dma_wait3A_159 = tpu.memref_slice %arg6[%dma_wait3A_157, %dma_wait3A_158] : memref<100000x128xf32, #tpu.memory_space<hbm>> -> memref<32x128xf32, #tpu.memory_space<hbm>>
      %dma_wait3A_160 = arith.constant 0 : i32
      %dma_wait3A_161 = arith.constant 0 : i32
      %dma_wait3A_162 = tpu.memref_slice %arg14[%dma_wait3A_160, %dma_wait3A_161] : memref<128x128xf32, #tpu.memory_space<vmem>> -> memref<32x128xf32, #tpu.memory_space<vmem>>
      tpu.wait_dma2 semaphore(%arg29 : memref<!tpu.dma_semaphore, #tpu.memory_space<semaphore_mem>>) src(%dma_wait3A_162 : memref<32x128xf32, #tpu.memory_space<vmem>>) dst(%dma_wait3A_159 : memref<32x128xf32, #tpu.memory_space<hbm>>)
      %dma_wait3A_163 = arith.constant 0 : i32
      %dma_wait3A_164 = arith.constant 0 : i32
      %dma_wait3A_165 = tpu.memref_slice %arg14[%dma_wait3A_163, %dma_wait3A_164] : memref<128x128xf32, #tpu.memory_space<vmem>> -> memref<32x128xf32, #tpu.memory_space<vmem>>
      %dma_wait3A_166 = arith.constant 0 : i32
      %dma_wait3A_167 = arith.constant 0 : i32
      %dma_wait3A_168 = tpu.memref_slice %arg6[%dma_wait3A_166, %dma_wait3A_167] : memref<100000x128xf32, #tpu.memory_space<hbm>> -> memref<32x128xf32, #tpu.memory_space<hbm>>
      %dma_wait3A_169 = arith.constant 0 : i32
      %dma_wait3A_170 = arith.constant 0 : i32
      %dma_wait3A_171 = tpu.memref_slice %arg6[%dma_wait3A_169, %dma_wait3A_170] : memref<100000x128xf32, #tpu.memory_space<hbm>> -> memref<32x128xf32, #tpu.memory_space<hbm>>
      %dma_wait3A_172 = arith.constant 0 : i32
      %dma_wait3A_173 = arith.constant 0 : i32
      %dma_wait3A_174 = tpu.memref_slice %arg14[%dma_wait3A_172, %dma_wait3A_173] : memref<128x128xf32, #tpu.memory_space<vmem>> -> memref<32x128xf32, #tpu.memory_space<vmem>>
      tpu.wait_dma2 semaphore(%arg29 : memref<!tpu.dma_semaphore, #tpu.memory_space<semaphore_mem>>) src(%dma_wait3A_174 : memref<32x128xf32, #tpu.memory_space<vmem>>) dst(%dma_wait3A_171 : memref<32x128xf32, #tpu.memory_space<hbm>>)
    } else {
    }
    return
  }
}

#map = affine_map<(d0, d1) -> (0, 0)>
#map1 = affine_map<(d0, d1) -> (0)>
module attributes {stable_mosaic.version = 14 : i64} {
  func.func @_hist_body(%arg0: i32, %arg1: i32, %arg2: memref<2x1600000xi32, #tpu.memory_space<hbm>>, %arg3: memref<401408xi32, #tpu.memory_space<hbm>>, %arg4: memref<6272xi32, #tpu.memory_space<vmem>>, %arg5: memref<4096xi32, #tpu.memory_space<vmem>>, %arg6: memref<4096xi32, #tpu.memory_space<vmem>>, %arg7: memref<512xi32, #tpu.memory_space<vmem>>, %arg8: memref<128xi32, #tpu.memory_space<vmem>>, %arg9: memref<100352xi32, #tpu.memory_space<vmem_shared>>, %arg10: memref<100352xi32, #tpu.memory_space<vmem_shared>>, %arg11: memref<!tpu.dma_semaphore, #tpu.memory_space<semaphore_mem>>, %arg12: memref<!tpu.dma_semaphore, #tpu.memory_space<semaphore_mem>>) attributes {dimension_semantics = [#tpu.dimension_semantics<core_parallel>, #tpu.dimension_semantics<subcore_parallel>], iteration_bounds = array<i64: 2, 16>, scalar_prefetch = 0 : i64, scratch_operands = 9 : i64, tpu.core_type = #tpu.core_type<sc_vector_subcore>, window_params = [{transform_indices = #map}, {transform_indices = #map1}]} {
    %mul3A = arith.constant 2 : i32
    %mul3A_0 = arith.muli %arg1, %mul3A : i32
    %add3A = arith.addi %mul3A_0, %arg0 : i32
    %scan3A = arith.constant 0 : i32
    %scan3A_1 = arith.constant 392 : i32
    %scan3A_2 = arith.addi %scan3A, %scan3A_1 : i32
    %scan3A_3 = arith.constant 1 : i32
    scf.for %scan3A_252 = %scan3A to %scan3A_2 step %scan3A_3  : i32 {
      %mul3A_253 = arith.constant 1 : i32
      %mul3A_254 = arith.muli %scan3A_252, %mul3A_253 : i32
      %add3A_255 = arith.constant 0 : i32
      %add3A_256 = arith.addi %add3A_255, %mul3A_254 : i32
      %broadcast_in_dim3A_257 = arith.constant 0 : i32
      %broadcast_in_dim3A_258 = vector.broadcast %broadcast_in_dim3A_257 : i32 to vector<16xi32>
      %mul3A_259 = arith.constant 16 : i32
      %mul3A_260 = arith.muli %add3A_256, %mul3A_259 : i32
      %swap3A_261 = arith.index_cast %mul3A_260 : i32 to index
      %swap3A_262 = tpu.vector_load %arg4[%swap3A_261] {strides = array<i32>} : memref<6272xi32, #tpu.memory_space<vmem>>, vector<16xi32>,
      %swap3A_263 = vector.shape_cast %swap3A_262 : vector<16xi32> to vector<16xi32>
      %swap3A_264 = vector.shape_cast %broadcast_in_dim3A_258 : vector<16xi32> to vector<16xi32>
      tpu.vector_store %arg4[%swap3A_261], %swap3A_264 {strides = array<i32>} : memref<6272xi32, #tpu.memory_space<vmem>>, vector<16xi32>,
    }
    %scan3A_4 = arith.constant 392 : i32
    %broadcast_in_dim3A = arith.constant 1 : i32
    %broadcast_in_dim3A_5 = vector.broadcast %broadcast_in_dim3A : i32 to vector<16xi32>
    %swap3A = arith.constant 0 : index
    %swap3A_6 = tpu.vector_load %arg7[%swap3A] {strides = array<i32>} : memref<512xi32, #tpu.memory_space<vmem>>, vector<16xi32>,
    %swap3A_7 = vector.shape_cast %swap3A_6 : vector<16xi32> to vector<16xi32>
    %swap3A_8 = vector.shape_cast %broadcast_in_dim3A_5 : vector<16xi32> to vector<16xi32>
    tpu.vector_store %arg7[%swap3A], %swap3A_8 {strides = array<i32>} : memref<512xi32, #tpu.memory_space<vmem>>, vector<16xi32>,
    %broadcast_in_dim3A_9 = arith.constant 1 : i32
    %broadcast_in_dim3A_10 = vector.broadcast %broadcast_in_dim3A_9 : i32 to vector<16xi32>
    %swap3A_11 = arith.constant 16 : index
    %swap3A_12 = tpu.vector_load %arg7[%swap3A_11] {strides = array<i32>} : memref<512xi32, #tpu.memory_space<vmem>>, vector<16xi32>,
    %swap3A_13 = vector.shape_cast %swap3A_12 : vector<16xi32> to vector<16xi32>
    %swap3A_14 = vector.shape_cast %broadcast_in_dim3A_10 : vector<16xi32> to vector<16xi32>
    tpu.vector_store %arg7[%swap3A_11], %swap3A_14 {strides = array<i32>} : memref<512xi32, #tpu.memory_space<vmem>>, vector<16xi32>,
    %broadcast_in_dim3A_15 = arith.constant 1 : i32
    %broadcast_in_dim3A_16 = vector.broadcast %broadcast_in_dim3A_15 : i32 to vector<16xi32>
    %swap3A_17 = arith.constant 32 : index
    %swap3A_18 = tpu.vector_load %arg7[%swap3A_17] {strides = array<i32>} : memref<512xi32, #tpu.memory_space<vmem>>, vector<16xi32>,
    %swap3A_19 = vector.shape_cast %swap3A_18 : vector<16xi32> to vector<16xi32>
    %swap3A_20 = vector.shape_cast %broadcast_in_dim3A_16 : vector<16xi32> to vector<16xi32>
    tpu.vector_store %arg7[%swap3A_17], %swap3A_20 {strides = array<i32>} : memref<512xi32, #tpu.memory_space<vmem>>, vector<16xi32>,
    %broadcast_in_dim3A_21 = arith.constant 1 : i32
    %broadcast_in_dim3A_22 = vector.broadcast %broadcast_in_dim3A_21 : i32 to vector<16xi32>
    %swap3A_23 = arith.constant 48 : index
    %swap3A_24 = tpu.vector_load %arg7[%swap3A_23] {strides = array<i32>} : memref<512xi32, #tpu.memory_space<vmem>>, vector<16xi32>,
    %swap3A_25 = vector.shape_cast %swap3A_24 : vector<16xi32> to vector<16xi32>
    %swap3A_26 = vector.shape_cast %broadcast_in_dim3A_22 : vector<16xi32> to vector<16xi32>
    tpu.vector_store %arg7[%swap3A_23], %swap3A_26 {strides = array<i32>} : memref<512xi32, #tpu.memory_space<vmem>>, vector<16xi32>,
    %broadcast_in_dim3A_27 = arith.constant 1 : i32
    %broadcast_in_dim3A_28 = vector.broadcast %broadcast_in_dim3A_27 : i32 to vector<16xi32>
    %swap3A_29 = arith.constant 64 : index
    %swap3A_30 = tpu.vector_load %arg7[%swap3A_29] {strides = array<i32>} : memref<512xi32, #tpu.memory_space<vmem>>, vector<16xi32>,
    %swap3A_31 = vector.shape_cast %swap3A_30 : vector<16xi32> to vector<16xi32>
    %swap3A_32 = vector.shape_cast %broadcast_in_dim3A_28 : vector<16xi32> to vector<16xi32>
    tpu.vector_store %arg7[%swap3A_29], %swap3A_32 {strides = array<i32>} : memref<512xi32, #tpu.memory_space<vmem>>, vector<16xi32>,
    %broadcast_in_dim3A_33 = arith.constant 1 : i32
    %broadcast_in_dim3A_34 = vector.broadcast %broadcast_in_dim3A_33 : i32 to vector<16xi32>
    %swap3A_35 = arith.constant 80 : index
    %swap3A_36 = tpu.vector_load %arg7[%swap3A_35] {strides = array<i32>} : memref<512xi32, #tpu.memory_space<vmem>>, vector<16xi32>,
    %swap3A_37 = vector.shape_cast %swap3A_36 : vector<16xi32> to vector<16xi32>
    %swap3A_38 = vector.shape_cast %broadcast_in_dim3A_34 : vector<16xi32> to vector<16xi32>
    tpu.vector_store %arg7[%swap3A_35], %swap3A_38 {strides = array<i32>} : memref<512xi32, #tpu.memory_space<vmem>>, vector<16xi32>,
    %broadcast_in_dim3A_39 = arith.constant 1 : i32
    %broadcast_in_dim3A_40 = vector.broadcast %broadcast_in_dim3A_39 : i32 to vector<16xi32>
    %swap3A_41 = arith.constant 96 : index
    %swap3A_42 = tpu.vector_load %arg7[%swap3A_41] {strides = array<i32>} : memref<512xi32, #tpu.memory_space<vmem>>, vector<16xi32>,
    %swap3A_43 = vector.shape_cast %swap3A_42 : vector<16xi32> to vector<16xi32>
    %swap3A_44 = vector.shape_cast %broadcast_in_dim3A_40 : vector<16xi32> to vector<16xi32>
    tpu.vector_store %arg7[%swap3A_41], %swap3A_44 {strides = array<i32>} : memref<512xi32, #tpu.memory_space<vmem>>, vector<16xi32>,
    %broadcast_in_dim3A_45 = arith.constant 1 : i32
    %broadcast_in_dim3A_46 = vector.broadcast %broadcast_in_dim3A_45 : i32 to vector<16xi32>
    %swap3A_47 = arith.constant 112 : index
    %swap3A_48 = tpu.vector_load %arg7[%swap3A_47] {strides = array<i32>} : memref<512xi32, #tpu.memory_space<vmem>>, vector<16xi32>,
    %swap3A_49 = vector.shape_cast %swap3A_48 : vector<16xi32> to vector<16xi32>
    %swap3A_50 = vector.shape_cast %broadcast_in_dim3A_46 : vector<16xi32> to vector<16xi32>
    tpu.vector_store %arg7[%swap3A_47], %swap3A_50 {strides = array<i32>} : memref<512xi32, #tpu.memory_space<vmem>>, vector<16xi32>,
    %broadcast_in_dim3A_51 = arith.constant 1 : i32
    %broadcast_in_dim3A_52 = vector.broadcast %broadcast_in_dim3A_51 : i32 to vector<16xi32>
    %swap3A_53 = arith.constant 128 : index
    %swap3A_54 = tpu.vector_load %arg7[%swap3A_53] {strides = array<i32>} : memref<512xi32, #tpu.memory_space<vmem>>, vector<16xi32>,
    %swap3A_55 = vector.shape_cast %swap3A_54 : vector<16xi32> to vector<16xi32>
    %swap3A_56 = vector.shape_cast %broadcast_in_dim3A_52 : vector<16xi32> to vector<16xi32>
    tpu.vector_store %arg7[%swap3A_53], %swap3A_56 {strides = array<i32>} : memref<512xi32, #tpu.memory_space<vmem>>, vector<16xi32>,
    %broadcast_in_dim3A_57 = arith.constant 1 : i32
    %broadcast_in_dim3A_58 = vector.broadcast %broadcast_in_dim3A_57 : i32 to vector<16xi32>
    %swap3A_59 = arith.constant 144 : index
    %swap3A_60 = tpu.vector_load %arg7[%swap3A_59] {strides = array<i32>} : memref<512xi32, #tpu.memory_space<vmem>>, vector<16xi32>,
    %swap3A_61 = vector.shape_cast %swap3A_60 : vector<16xi32> to vector<16xi32>
    %swap3A_62 = vector.shape_cast %broadcast_in_dim3A_58 : vector<16xi32> to vector<16xi32>
    tpu.vector_store %arg7[%swap3A_59], %swap3A_62 {strides = array<i32>} : memref<512xi32, #tpu.memory_space<vmem>>, vector<16xi32>,
    %broadcast_in_dim3A_63 = arith.constant 1 : i32
    %broadcast_in_dim3A_64 = vector.broadcast %broadcast_in_dim3A_63 : i32 to vector<16xi32>
    %swap3A_65 = arith.constant 160 : index
    %swap3A_66 = tpu.vector_load %arg7[%swap3A_65] {strides = array<i32>} : memref<512xi32, #tpu.memory_space<vmem>>, vector<16xi32>,
    %swap3A_67 = vector.shape_cast %swap3A_66 : vector<16xi32> to vector<16xi32>
    %swap3A_68 = vector.shape_cast %broadcast_in_dim3A_64 : vector<16xi32> to vector<16xi32>
    tpu.vector_store %arg7[%swap3A_65], %swap3A_68 {strides = array<i32>} : memref<512xi32, #tpu.memory_space<vmem>>, vector<16xi32>,
    %broadcast_in_dim3A_69 = arith.constant 1 : i32
    %broadcast_in_dim3A_70 = vector.broadcast %broadcast_in_dim3A_69 : i32 to vector<16xi32>
    %swap3A_71 = arith.constant 176 : index
    %swap3A_72 = tpu.vector_load %arg7[%swap3A_71] {strides = array<i32>} : memref<512xi32, #tpu.memory_space<vmem>>, vector<16xi32>,
    %swap3A_73 = vector.shape_cast %swap3A_72 : vector<16xi32> to vector<16xi32>
    %swap3A_74 = vector.shape_cast %broadcast_in_dim3A_70 : vector<16xi32> to vector<16xi32>
    tpu.vector_store %arg7[%swap3A_71], %swap3A_74 {strides = array<i32>} : memref<512xi32, #tpu.memory_space<vmem>>, vector<16xi32>,
    %broadcast_in_dim3A_75 = arith.constant 1 : i32
    %broadcast_in_dim3A_76 = vector.broadcast %broadcast_in_dim3A_75 : i32 to vector<16xi32>
    %swap3A_77 = arith.constant 192 : index
    %swap3A_78 = tpu.vector_load %arg7[%swap3A_77] {strides = array<i32>} : memref<512xi32, #tpu.memory_space<vmem>>, vector<16xi32>,
    %swap3A_79 = vector.shape_cast %swap3A_78 : vector<16xi32> to vector<16xi32>
    %swap3A_80 = vector.shape_cast %broadcast_in_dim3A_76 : vector<16xi32> to vector<16xi32>
    tpu.vector_store %arg7[%swap3A_77], %swap3A_80 {strides = array<i32>} : memref<512xi32, #tpu.memory_space<vmem>>, vector<16xi32>,
    %broadcast_in_dim3A_81 = arith.constant 1 : i32
    %broadcast_in_dim3A_82 = vector.broadcast %broadcast_in_dim3A_81 : i32 to vector<16xi32>
    %swap3A_83 = arith.constant 208 : index
    %swap3A_84 = tpu.vector_load %arg7[%swap3A_83] {strides = array<i32>} : memref<512xi32, #tpu.memory_space<vmem>>, vector<16xi32>,
    %swap3A_85 = vector.shape_cast %swap3A_84 : vector<16xi32> to vector<16xi32>
    %swap3A_86 = vector.shape_cast %broadcast_in_dim3A_82 : vector<16xi32> to vector<16xi32>
    tpu.vector_store %arg7[%swap3A_83], %swap3A_86 {strides = array<i32>} : memref<512xi32, #tpu.memory_space<vmem>>, vector<16xi32>,
    %broadcast_in_dim3A_87 = arith.constant 1 : i32
    %broadcast_in_dim3A_88 = vector.broadcast %broadcast_in_dim3A_87 : i32 to vector<16xi32>
    %swap3A_89 = arith.constant 224 : index
    %swap3A_90 = tpu.vector_load %arg7[%swap3A_89] {strides = array<i32>} : memref<512xi32, #tpu.memory_space<vmem>>, vector<16xi32>,
    %swap3A_91 = vector.shape_cast %swap3A_90 : vector<16xi32> to vector<16xi32>
    %swap3A_92 = vector.shape_cast %broadcast_in_dim3A_88 : vector<16xi32> to vector<16xi32>
    tpu.vector_store %arg7[%swap3A_89], %swap3A_92 {strides = array<i32>} : memref<512xi32, #tpu.memory_space<vmem>>, vector<16xi32>,
    %broadcast_in_dim3A_93 = arith.constant 1 : i32
    %broadcast_in_dim3A_94 = vector.broadcast %broadcast_in_dim3A_93 : i32 to vector<16xi32>
    %swap3A_95 = arith.constant 240 : index
    %swap3A_96 = tpu.vector_load %arg7[%swap3A_95] {strides = array<i32>} : memref<512xi32, #tpu.memory_space<vmem>>, vector<16xi32>,
    %swap3A_97 = vector.shape_cast %swap3A_96 : vector<16xi32> to vector<16xi32>
    %swap3A_98 = vector.shape_cast %broadcast_in_dim3A_94 : vector<16xi32> to vector<16xi32>
    tpu.vector_store %arg7[%swap3A_95], %swap3A_98 {strides = array<i32>} : memref<512xi32, #tpu.memory_space<vmem>>, vector<16xi32>,
    %broadcast_in_dim3A_99 = arith.constant 1 : i32
    %broadcast_in_dim3A_100 = vector.broadcast %broadcast_in_dim3A_99 : i32 to vector<16xi32>
    %swap3A_101 = arith.constant 256 : index
    %swap3A_102 = tpu.vector_load %arg7[%swap3A_101] {strides = array<i32>} : memref<512xi32, #tpu.memory_space<vmem>>, vector<16xi32>,
    %swap3A_103 = vector.shape_cast %swap3A_102 : vector<16xi32> to vector<16xi32>
    %swap3A_104 = vector.shape_cast %broadcast_in_dim3A_100 : vector<16xi32> to vector<16xi32>
    tpu.vector_store %arg7[%swap3A_101], %swap3A_104 {strides = array<i32>} : memref<512xi32, #tpu.memory_space<vmem>>, vector<16xi32>,
    %broadcast_in_dim3A_105 = arith.constant 1 : i32
    %broadcast_in_dim3A_106 = vector.broadcast %broadcast_in_dim3A_105 : i32 to vector<16xi32>
    %swap3A_107 = arith.constant 272 : index
    %swap3A_108 = tpu.vector_load %arg7[%swap3A_107] {strides = array<i32>} : memref<512xi32, #tpu.memory_space<vmem>>, vector<16xi32>,
    %swap3A_109 = vector.shape_cast %swap3A_108 : vector<16xi32> to vector<16xi32>
    %swap3A_110 = vector.shape_cast %broadcast_in_dim3A_106 : vector<16xi32> to vector<16xi32>
    tpu.vector_store %arg7[%swap3A_107], %swap3A_110 {strides = array<i32>} : memref<512xi32, #tpu.memory_space<vmem>>, vector<16xi32>,
    %broadcast_in_dim3A_111 = arith.constant 1 : i32
    %broadcast_in_dim3A_112 = vector.broadcast %broadcast_in_dim3A_111 : i32 to vector<16xi32>
    %swap3A_113 = arith.constant 288 : index
    %swap3A_114 = tpu.vector_load %arg7[%swap3A_113] {strides = array<i32>} : memref<512xi32, #tpu.memory_space<vmem>>, vector<16xi32>,
    %swap3A_115 = vector.shape_cast %swap3A_114 : vector<16xi32> to vector<16xi32>
    %swap3A_116 = vector.shape_cast %broadcast_in_dim3A_112 : vector<16xi32> to vector<16xi32>
    tpu.vector_store %arg7[%swap3A_113], %swap3A_116 {strides = array<i32>} : memref<512xi32, #tpu.memory_space<vmem>>, vector<16xi32>,
    %broadcast_in_dim3A_117 = arith.constant 1 : i32
    %broadcast_in_dim3A_118 = vector.broadcast %broadcast_in_dim3A_117 : i32 to vector<16xi32>
    %swap3A_119 = arith.constant 304 : index
    %swap3A_120 = tpu.vector_load %arg7[%swap3A_119] {strides = array<i32>} : memref<512xi32, #tpu.memory_space<vmem>>, vector<16xi32>,
    %swap3A_121 = vector.shape_cast %swap3A_120 : vector<16xi32> to vector<16xi32>
    %swap3A_122 = vector.shape_cast %broadcast_in_dim3A_118 : vector<16xi32> to vector<16xi32>
    tpu.vector_store %arg7[%swap3A_119], %swap3A_122 {strides = array<i32>} : memref<512xi32, #tpu.memory_space<vmem>>, vector<16xi32>,
    %broadcast_in_dim3A_123 = arith.constant 1 : i32
    %broadcast_in_dim3A_124 = vector.broadcast %broadcast_in_dim3A_123 : i32 to vector<16xi32>
    %swap3A_125 = arith.constant 320 : index
    %swap3A_126 = tpu.vector_load %arg7[%swap3A_125] {strides = array<i32>} : memref<512xi32, #tpu.memory_space<vmem>>, vector<16xi32>,
    %swap3A_127 = vector.shape_cast %swap3A_126 : vector<16xi32> to vector<16xi32>
    %swap3A_128 = vector.shape_cast %broadcast_in_dim3A_124 : vector<16xi32> to vector<16xi32>
    tpu.vector_store %arg7[%swap3A_125], %swap3A_128 {strides = array<i32>} : memref<512xi32, #tpu.memory_space<vmem>>, vector<16xi32>,
    %broadcast_in_dim3A_129 = arith.constant 1 : i32
    %broadcast_in_dim3A_130 = vector.broadcast %broadcast_in_dim3A_129 : i32 to vector<16xi32>
    %swap3A_131 = arith.constant 336 : index
    %swap3A_132 = tpu.vector_load %arg7[%swap3A_131] {strides = array<i32>} : memref<512xi32, #tpu.memory_space<vmem>>, vector<16xi32>,
    %swap3A_133 = vector.shape_cast %swap3A_132 : vector<16xi32> to vector<16xi32>
    %swap3A_134 = vector.shape_cast %broadcast_in_dim3A_130 : vector<16xi32> to vector<16xi32>
    tpu.vector_store %arg7[%swap3A_131], %swap3A_134 {strides = array<i32>} : memref<512xi32, #tpu.memory_space<vmem>>, vector<16xi32>,
    %broadcast_in_dim3A_135 = arith.constant 1 : i32
    %broadcast_in_dim3A_136 = vector.broadcast %broadcast_in_dim3A_135 : i32 to vector<16xi32>
    %swap3A_137 = arith.constant 352 : index
    %swap3A_138 = tpu.vector_load %arg7[%swap3A_137] {strides = array<i32>} : memref<512xi32, #tpu.memory_space<vmem>>, vector<16xi32>,
    %swap3A_139 = vector.shape_cast %swap3A_138 : vector<16xi32> to vector<16xi32>
    %swap3A_140 = vector.shape_cast %broadcast_in_dim3A_136 : vector<16xi32> to vector<16xi32>
    tpu.vector_store %arg7[%swap3A_137], %swap3A_140 {strides = array<i32>} : memref<512xi32, #tpu.memory_space<vmem>>, vector<16xi32>,
    %broadcast_in_dim3A_141 = arith.constant 1 : i32
    %broadcast_in_dim3A_142 = vector.broadcast %broadcast_in_dim3A_141 : i32 to vector<16xi32>
    %swap3A_143 = arith.constant 368 : index
    %swap3A_144 = tpu.vector_load %arg7[%swap3A_143] {strides = array<i32>} : memref<512xi32, #tpu.memory_space<vmem>>, vector<16xi32>,
    %swap3A_145 = vector.shape_cast %swap3A_144 : vector<16xi32> to vector<16xi32>
    %swap3A_146 = vector.shape_cast %broadcast_in_dim3A_142 : vector<16xi32> to vector<16xi32>
    tpu.vector_store %arg7[%swap3A_143], %swap3A_146 {strides = array<i32>} : memref<512xi32, #tpu.memory_space<vmem>>, vector<16xi32>,
    %broadcast_in_dim3A_147 = arith.constant 1 : i32
    %broadcast_in_dim3A_148 = vector.broadcast %broadcast_in_dim3A_147 : i32 to vector<16xi32>
    %swap3A_149 = arith.constant 384 : index
    %swap3A_150 = tpu.vector_load %arg7[%swap3A_149] {strides = array<i32>} : memref<512xi32, #tpu.memory_space<vmem>>, vector<16xi32>,
    %swap3A_151 = vector.shape_cast %swap3A_150 : vector<16xi32> to vector<16xi32>
    %swap3A_152 = vector.shape_cast %broadcast_in_dim3A_148 : vector<16xi32> to vector<16xi32>
    tpu.vector_store %arg7[%swap3A_149], %swap3A_152 {strides = array<i32>} : memref<512xi32, #tpu.memory_space<vmem>>, vector<16xi32>,
    %broadcast_in_dim3A_153 = arith.constant 1 : i32
    %broadcast_in_dim3A_154 = vector.broadcast %broadcast_in_dim3A_153 : i32 to vector<16xi32>
    %swap3A_155 = arith.constant 400 : index
    %swap3A_156 = tpu.vector_load %arg7[%swap3A_155] {strides = array<i32>} : memref<512xi32, #tpu.memory_space<vmem>>, vector<16xi32>,
    %swap3A_157 = vector.shape_cast %swap3A_156 : vector<16xi32> to vector<16xi32>
    %swap3A_158 = vector.shape_cast %broadcast_in_dim3A_154 : vector<16xi32> to vector<16xi32>
    tpu.vector_store %arg7[%swap3A_155], %swap3A_158 {strides = array<i32>} : memref<512xi32, #tpu.memory_space<vmem>>, vector<16xi32>,
    %broadcast_in_dim3A_159 = arith.constant 1 : i32
    %broadcast_in_dim3A_160 = vector.broadcast %broadcast_in_dim3A_159 : i32 to vector<16xi32>
    %swap3A_161 = arith.constant 416 : index
    %swap3A_162 = tpu.vector_load %arg7[%swap3A_161] {strides = array<i32>} : memref<512xi32, #tpu.memory_space<vmem>>, vector<16xi32>,
    %swap3A_163 = vector.shape_cast %swap3A_162 : vector<16xi32> to vector<16xi32>
    %swap3A_164 = vector.shape_cast %broadcast_in_dim3A_160 : vector<16xi32> to vector<16xi32>
    tpu.vector_store %arg7[%swap3A_161], %swap3A_164 {strides = array<i32>} : memref<512xi32, #tpu.memory_space<vmem>>, vector<16xi32>,
    %broadcast_in_dim3A_165 = arith.constant 1 : i32
    %broadcast_in_dim3A_166 = vector.broadcast %broadcast_in_dim3A_165 : i32 to vector<16xi32>
    %swap3A_167 = arith.constant 432 : index
    %swap3A_168 = tpu.vector_load %arg7[%swap3A_167] {strides = array<i32>} : memref<512xi32, #tpu.memory_space<vmem>>, vector<16xi32>,
    %swap3A_169 = vector.shape_cast %swap3A_168 : vector<16xi32> to vector<16xi32>
    %swap3A_170 = vector.shape_cast %broadcast_in_dim3A_166 : vector<16xi32> to vector<16xi32>
    tpu.vector_store %arg7[%swap3A_167], %swap3A_170 {strides = array<i32>} : memref<512xi32, #tpu.memory_space<vmem>>, vector<16xi32>,
    %broadcast_in_dim3A_171 = arith.constant 1 : i32
    %broadcast_in_dim3A_172 = vector.broadcast %broadcast_in_dim3A_171 : i32 to vector<16xi32>
    %swap3A_173 = arith.constant 448 : index
    %swap3A_174 = tpu.vector_load %arg7[%swap3A_173] {strides = array<i32>} : memref<512xi32, #tpu.memory_space<vmem>>, vector<16xi32>,
    %swap3A_175 = vector.shape_cast %swap3A_174 : vector<16xi32> to vector<16xi32>
    %swap3A_176 = vector.shape_cast %broadcast_in_dim3A_172 : vector<16xi32> to vector<16xi32>
    tpu.vector_store %arg7[%swap3A_173], %swap3A_176 {strides = array<i32>} : memref<512xi32, #tpu.memory_space<vmem>>, vector<16xi32>,
    %broadcast_in_dim3A_177 = arith.constant 1 : i32
    %broadcast_in_dim3A_178 = vector.broadcast %broadcast_in_dim3A_177 : i32 to vector<16xi32>
    %swap3A_179 = arith.constant 464 : index
    %swap3A_180 = tpu.vector_load %arg7[%swap3A_179] {strides = array<i32>} : memref<512xi32, #tpu.memory_space<vmem>>, vector<16xi32>,
    %swap3A_181 = vector.shape_cast %swap3A_180 : vector<16xi32> to vector<16xi32>
    %swap3A_182 = vector.shape_cast %broadcast_in_dim3A_178 : vector<16xi32> to vector<16xi32>
    tpu.vector_store %arg7[%swap3A_179], %swap3A_182 {strides = array<i32>} : memref<512xi32, #tpu.memory_space<vmem>>, vector<16xi32>,
    %broadcast_in_dim3A_183 = arith.constant 1 : i32
    %broadcast_in_dim3A_184 = vector.broadcast %broadcast_in_dim3A_183 : i32 to vector<16xi32>
    %swap3A_185 = arith.constant 480 : index
    %swap3A_186 = tpu.vector_load %arg7[%swap3A_185] {strides = array<i32>} : memref<512xi32, #tpu.memory_space<vmem>>, vector<16xi32>,
    %swap3A_187 = vector.shape_cast %swap3A_186 : vector<16xi32> to vector<16xi32>
    %swap3A_188 = vector.shape_cast %broadcast_in_dim3A_184 : vector<16xi32> to vector<16xi32>
    tpu.vector_store %arg7[%swap3A_185], %swap3A_188 {strides = array<i32>} : memref<512xi32, #tpu.memory_space<vmem>>, vector<16xi32>,
    %broadcast_in_dim3A_189 = arith.constant 1 : i32
    %broadcast_in_dim3A_190 = vector.broadcast %broadcast_in_dim3A_189 : i32 to vector<16xi32>
    %swap3A_191 = arith.constant 496 : index
    %swap3A_192 = tpu.vector_load %arg7[%swap3A_191] {strides = array<i32>} : memref<512xi32, #tpu.memory_space<vmem>>, vector<16xi32>,
    %swap3A_193 = vector.shape_cast %swap3A_192 : vector<16xi32> to vector<16xi32>
    %swap3A_194 = vector.shape_cast %broadcast_in_dim3A_190 : vector<16xi32> to vector<16xi32>
    tpu.vector_store %arg7[%swap3A_191], %swap3A_194 {strides = array<i32>} : memref<512xi32, #tpu.memory_space<vmem>>, vector<16xi32>,
    %mul3A_195 = arith.constant 6272 : i32
    %mul3A_196 = arith.muli %arg1, %mul3A_195 : i32
    "tpu.region"() ({
      %run_scoped3A = tpu.sem_alloc : memref<!tpu.dma_semaphore, #tpu.memory_space<semaphore_mem>>
      %dma_start3A = tpu.memref_slice %arg9[%mul3A_196] : memref<100352xi32, #tpu.memory_space<vmem_shared>> -> memref<6272xi32, #tpu.memory_space<vmem_shared>>
      %dma_start3A_252 = tpu.memref_slice %arg9[%mul3A_196] : memref<100352xi32, #tpu.memory_space<vmem_shared>> -> memref<6272xi32, #tpu.memory_space<vmem_shared>>
      tpu.enqueue_dma source(%arg4 : memref<6272xi32, #tpu.memory_space<vmem>>) target(%dma_start3A_252 : memref<6272xi32, #tpu.memory_space<vmem_shared>>) target_semaphore(%run_scoped3A : memref<!tpu.dma_semaphore, #tpu.memory_space<semaphore_mem>>)
      %dma_wait3A = tpu.memref_slice %arg9[%mul3A_196] : memref<100352xi32, #tpu.memory_space<vmem_shared>> -> memref<6272xi32, #tpu.memory_space<vmem_shared>>
      %dma_wait3A_253 = tpu.memref_slice %arg9[%mul3A_196] : memref<100352xi32, #tpu.memory_space<vmem_shared>> -> memref<6272xi32, #tpu.memory_space<vmem_shared>>
      tpu.wait_dma2 semaphore(%run_scoped3A : memref<!tpu.dma_semaphore, #tpu.memory_space<semaphore_mem>>) src(%arg4 : memref<6272xi32, #tpu.memory_space<vmem>>) dst(%dma_wait3A_253 : memref<6272xi32, #tpu.memory_space<vmem_shared>>)
      tpu.yield
    }) : () -> ()
    %mul3A_197 = arith.constant 6272 : i32
    %mul3A_198 = arith.muli %arg1, %mul3A_197 : i32
    "tpu.region"() ({
      %run_scoped3A = tpu.sem_alloc : memref<!tpu.dma_semaphore, #tpu.memory_space<semaphore_mem>>
      %dma_start3A = tpu.memref_slice %arg10[%mul3A_198] : memref<100352xi32, #tpu.memory_space<vmem_shared>> -> memref<6272xi32, #tpu.memory_space<vmem_shared>>
      %dma_start3A_252 = tpu.memref_slice %arg10[%mul3A_198] : memref<100352xi32, #tpu.memory_space<vmem_shared>> -> memref<6272xi32, #tpu.memory_space<vmem_shared>>
      tpu.enqueue_dma source(%arg4 : memref<6272xi32, #tpu.memory_space<vmem>>) target(%dma_start3A_252 : memref<6272xi32, #tpu.memory_space<vmem_shared>>) target_semaphore(%run_scoped3A : memref<!tpu.dma_semaphore, #tpu.memory_space<semaphore_mem>>)
      %dma_wait3A = tpu.memref_slice %arg10[%mul3A_198] : memref<100352xi32, #tpu.memory_space<vmem_shared>> -> memref<6272xi32, #tpu.memory_space<vmem_shared>>
      %dma_wait3A_253 = tpu.memref_slice %arg10[%mul3A_198] : memref<100352xi32, #tpu.memory_space<vmem_shared>> -> memref<6272xi32, #tpu.memory_space<vmem_shared>>
      tpu.wait_dma2 semaphore(%run_scoped3A : memref<!tpu.dma_semaphore, #tpu.memory_space<semaphore_mem>>) src(%arg4 : memref<6272xi32, #tpu.memory_space<vmem>>) dst(%dma_wait3A_253 : memref<6272xi32, #tpu.memory_space<vmem_shared>>)
      tpu.yield
    }) : () -> ()
    %barrier3A = arith.constant 0 : index
    tpu.barrier barrier_id(%barrier3A)
    %lt3A = arith.constant 6 : i32
    %lt3A_199 = arith.cmpi slt, %add3A, %lt3A : i32
    %jit3A = arith.constant 13 : i32
    %jit3A_200 = arith.constant 12 : i32
    %select_n3A = arith.select %lt3A_199, %jit3A, %jit3A_200 : i32
    %gt3A = arith.constant 0 : i32
    %gt3A_201 = arith.cmpi sgt, %select_n3A, %gt3A : i32
    %convert_element_type3A = arith.extui %gt3A_201 : i1 to i32
    %cond3A = arith.constant 0 : i32
    %cond3A_202 = arith.cmpi ne, %convert_element_type3A, %cond3A : i32
    scf.if %cond3A_202 {
      %mul3A_252 = arith.constant 4096 : i32
      %mul3A_253 = arith.muli %add3A, %mul3A_252 : i32
      %multiple_of3A_254 = tpu.assume_multiple %mul3A_253, 4096 : i32
      %dma_start3A = arith.constant 0 : i32
      %dma_start3A_255 = tpu.memref_slice %arg2[%dma_start3A, %multiple_of3A_254] : memref<2x1600000xi32, #tpu.memory_space<hbm>> -> memref<1x4096xi32, #tpu.memory_space<hbm>>
      %dma_start3A_256 = tpu.memref_squeeze %dma_start3A_255 : memref<1x4096xi32, #tpu.memory_space<hbm>> -> memref<4096xi32, #tpu.memory_space<hbm>>
      %dma_start3A_257 = tpu.memref_slice %arg2[%dma_start3A, %multiple_of3A_254] : memref<2x1600000xi32, #tpu.memory_space<hbm>> -> memref<1x4096xi32, #tpu.memory_space<hbm>>
      %dma_start3A_258 = tpu.memref_squeeze %dma_start3A_257 : memref<1x4096xi32, #tpu.memory_space<hbm>> -> memref<4096xi32, #tpu.memory_space<hbm>>
      tpu.enqueue_dma source(%dma_start3A_258 : memref<4096xi32, #tpu.memory_space<hbm>>) target(%arg5 : memref<4096xi32, #tpu.memory_space<vmem>>) target_semaphore(%arg11 : memref<!tpu.dma_semaphore, #tpu.memory_space<semaphore_mem>>)
    } else {
    }
    %scan3A_203 = arith.constant 0 : i32
    %scan3A_204 = arith.constant 7 : i32
    %scan3A_205 = arith.addi %scan3A_203, %scan3A_204 : i32
    %scan3A_206 = arith.constant 1 : i32
    scf.for %scan3A_252 = %scan3A_203 to %scan3A_205 step %scan3A_206  : i32 {
      %mul3A_253 = arith.constant 2 : i32
      %mul3A_254 = arith.muli %scan3A_252, %mul3A_253 : i32
      %add3A_255 = arith.constant 0 : i32
      %add3A_256 = arith.addi %add3A_255, %mul3A_254 : i32
      %add3A_257 = arith.constant 0 : i32
      %add3A_258 = arith.addi %add3A_256, %add3A_257 : i32
      %lt3A_259 = arith.cmpi slt, %add3A_258, %select_n3A : i32
      %convert_element_type3A_260 = arith.extui %lt3A_259 : i1 to i32
      %cond3A_261 = arith.constant 0 : i32
      %cond3A_262 = arith.cmpi ne, %convert_element_type3A_260, %cond3A_261 : i32
      scf.if %cond3A_262 {
        %dma_wait3A = arith.constant 0 : i32
        %dma_wait3A_269 = arith.constant 0 : i32
        %dma_wait3A_270 = tpu.memref_slice %arg2[%dma_wait3A, %dma_wait3A_269] : memref<2x1600000xi32, #tpu.memory_space<hbm>> -> memref<1x4096xi32, #tpu.memory_space<hbm>>
        %dma_wait3A_271 = tpu.memref_squeeze %dma_wait3A_270 : memref<1x4096xi32, #tpu.memory_space<hbm>> -> memref<4096xi32, #tpu.memory_space<hbm>>
        %dma_wait3A_272 = arith.constant 0 : i32
        %dma_wait3A_273 = tpu.memref_slice %arg2[%dma_wait3A, %dma_wait3A_272] : memref<2x1600000xi32, #tpu.memory_space<hbm>> -> memref<1x4096xi32, #tpu.memory_space<hbm>>
        %dma_wait3A_274 = tpu.memref_squeeze %dma_wait3A_273 : memref<1x4096xi32, #tpu.memory_space<hbm>> -> memref<4096xi32, #tpu.memory_space<hbm>>
        tpu.wait_dma2 semaphore(%arg11 : memref<!tpu.dma_semaphore, #tpu.memory_space<semaphore_mem>>) src(%dma_wait3A_274 : memref<4096xi32, #tpu.memory_space<hbm>>) dst(%arg5 : memref<4096xi32, #tpu.memory_space<vmem>>)
        %add3A_275 = arith.constant 1 : i32
        %add3A_276 = arith.addi %add3A_258, %add3A_275 : i32
        %lt3A_277 = arith.cmpi slt, %add3A_276, %select_n3A : i32
        %convert_element_type3A_278 = arith.extui %lt3A_277 : i1 to i32
        %cond3A_279 = arith.constant 0 : i32
        %cond3A_280 = arith.cmpi ne, %convert_element_type3A_278, %cond3A_279 : i32
        scf.if %cond3A_280 {
          %add3A_344 = arith.constant 1 : i32
          %add3A_345 = arith.addi %add3A_258, %add3A_344 : i32
          %mul3A_346 = arith.constant 32 : i32
          %mul3A_347 = arith.muli %add3A_345, %mul3A_346 : i32
          %add3A_348 = arith.addi %add3A, %mul3A_347 : i32
          %mul3A_349 = arith.constant 4096 : i32
          %mul3A_350 = arith.muli %add3A_348, %mul3A_349 : i32
          %multiple_of3A_351 = tpu.assume_multiple %mul3A_350, 4096 : i32
          %dma_start3A_352 = arith.constant 0 : i32
          %dma_start3A_353 = tpu.memref_slice %arg2[%dma_start3A_352, %multiple_of3A_351] : memref<2x1600000xi32, #tpu.memory_space<hbm>> -> memref<1x4096xi32, #tpu.memory_space<hbm>>
          %dma_start3A_354 = tpu.memref_squeeze %dma_start3A_353 : memref<1x4096xi32, #tpu.memory_space<hbm>> -> memref<4096xi32, #tpu.memory_space<hbm>>
          %dma_start3A_355 = tpu.memref_slice %arg2[%dma_start3A_352, %multiple_of3A_351] : memref<2x1600000xi32, #tpu.memory_space<hbm>> -> memref<1x4096xi32, #tpu.memory_space<hbm>>
          %dma_start3A_356 = tpu.memref_squeeze %dma_start3A_355 : memref<1x4096xi32, #tpu.memory_space<hbm>> -> memref<4096xi32, #tpu.memory_space<hbm>>
          tpu.enqueue_dma source(%dma_start3A_356 : memref<4096xi32, #tpu.memory_space<hbm>>) target(%arg6 : memref<4096xi32, #tpu.memory_space<vmem>>) target_semaphore(%arg11 : memref<!tpu.dma_semaphore, #tpu.memory_space<semaphore_mem>>)
        } else {
        }
        %dma_start3A = arith.constant 0 : i32
        %dma_start3A_281 = tpu.memref_slice %arg5[%dma_start3A] : memref<4096xi32, #tpu.memory_space<vmem>> -> memref<512xi32, #tpu.memory_space<vmem>>
        %dma_start3A_282 = arith.constant 0 : i32
        %dma_start3A_283 = tpu.memref_slice %arg9[%dma_start3A_282] : memref<100352xi32, #tpu.memory_space<vmem_shared>> -> memref<100352xi32, #tpu.memory_space<vmem_shared>>
        tpu.enqueue_indirect_dma source(%arg7 : memref<512xi32, #tpu.memory_space<vmem>>) target(%dma_start3A_283 : memref<100352xi32, #tpu.memory_space<vmem_shared>>) offsets(%dma_start3A_281 : memref<512xi32, #tpu.memory_space<vmem>>) semaphore(%arg12 : memref<!tpu.dma_semaphore, #tpu.memory_space<semaphore_mem>>) {add = true}
        %dma_start3A_284 = arith.constant 512 : i32
        %dma_start3A_285 = tpu.memref_slice %arg5[%dma_start3A_284] : memref<4096xi32, #tpu.memory_space<vmem>> -> memref<512xi32, #tpu.memory_space<vmem>>
        %dma_start3A_286 = arith.constant 0 : i32
        %dma_start3A_287 = tpu.memref_slice %arg9[%dma_start3A_286] : memref<100352xi32, #tpu.memory_space<vmem_shared>> -> memref<100352xi32, #tpu.memory_space<vmem_shared>>
        tpu.enqueue_indirect_dma source(%arg7 : memref<512xi32, #tpu.memory_space<vmem>>) target(%dma_start3A_287 : memref<100352xi32, #tpu.memory_space<vmem_shared>>) offsets(%dma_start3A_285 : memref<512xi32, #tpu.memory_space<vmem>>) semaphore(%arg12 : memref<!tpu.dma_semaphore, #tpu.memory_space<semaphore_mem>>) {add = true}
        %dma_start3A_288 = arith.constant 1024 : i32
        %dma_start3A_289 = tpu.memref_slice %arg5[%dma_start3A_288] : memref<4096xi32, #tpu.memory_space<vmem>> -> memref<512xi32, #tpu.memory_space<vmem>>
        %dma_start3A_290 = arith.constant 0 : i32
        %dma_start3A_291 = tpu.memref_slice %arg9[%dma_start3A_290] : memref<100352xi32, #tpu.memory_space<vmem_shared>> -> memref<100352xi32, #tpu.memory_space<vmem_shared>>
        tpu.enqueue_indirect_dma source(%arg7 : memref<512xi32, #tpu.memory_space<vmem>>) target(%dma_start3A_291 : memref<100352xi32, #tpu.memory_space<vmem_shared>>) offsets(%dma_start3A_289 : memref<512xi32, #tpu.memory_space<vmem>>) semaphore(%arg12 : memref<!tpu.dma_semaphore, #tpu.memory_space<semaphore_mem>>) {add = true}
        %dma_start3A_292 = arith.constant 1536 : i32
        %dma_start3A_293 = tpu.memref_slice %arg5[%dma_start3A_292] : memref<4096xi32, #tpu.memory_space<vmem>> -> memref<512xi32, #tpu.memory_space<vmem>>
        %dma_start3A_294 = arith.constant 0 : i32
        %dma_start3A_295 = tpu.memref_slice %arg9[%dma_start3A_294] : memref<100352xi32, #tpu.memory_space<vmem_shared>> -> memref<100352xi32, #tpu.memory_space<vmem_shared>>
        tpu.enqueue_indirect_dma source(%arg7 : memref<512xi32, #tpu.memory_space<vmem>>) target(%dma_start3A_295 : memref<100352xi32, #tpu.memory_space<vmem_shared>>) offsets(%dma_start3A_293 : memref<512xi32, #tpu.memory_space<vmem>>) semaphore(%arg12 : memref<!tpu.dma_semaphore, #tpu.memory_space<semaphore_mem>>) {add = true}
        %dma_start3A_296 = arith.constant 2048 : i32
        %dma_start3A_297 = tpu.memref_slice %arg5[%dma_start3A_296] : memref<4096xi32, #tpu.memory_space<vmem>> -> memref<512xi32, #tpu.memory_space<vmem>>
        %dma_start3A_298 = arith.constant 0 : i32
        %dma_start3A_299 = tpu.memref_slice %arg9[%dma_start3A_298] : memref<100352xi32, #tpu.memory_space<vmem_shared>> -> memref<100352xi32, #tpu.memory_space<vmem_shared>>
        tpu.enqueue_indirect_dma source(%arg7 : memref<512xi32, #tpu.memory_space<vmem>>) target(%dma_start3A_299 : memref<100352xi32, #tpu.memory_space<vmem_shared>>) offsets(%dma_start3A_297 : memref<512xi32, #tpu.memory_space<vmem>>) semaphore(%arg12 : memref<!tpu.dma_semaphore, #tpu.memory_space<semaphore_mem>>) {add = true}
        %dma_start3A_300 = arith.constant 2560 : i32
        %dma_start3A_301 = tpu.memref_slice %arg5[%dma_start3A_300] : memref<4096xi32, #tpu.memory_space<vmem>> -> memref<512xi32, #tpu.memory_space<vmem>>
        %dma_start3A_302 = arith.constant 0 : i32
        %dma_start3A_303 = tpu.memref_slice %arg9[%dma_start3A_302] : memref<100352xi32, #tpu.memory_space<vmem_shared>> -> memref<100352xi32, #tpu.memory_space<vmem_shared>>
        tpu.enqueue_indirect_dma source(%arg7 : memref<512xi32, #tpu.memory_space<vmem>>) target(%dma_start3A_303 : memref<100352xi32, #tpu.memory_space<vmem_shared>>) offsets(%dma_start3A_301 : memref<512xi32, #tpu.memory_space<vmem>>) semaphore(%arg12 : memref<!tpu.dma_semaphore, #tpu.memory_space<semaphore_mem>>) {add = true}
        %dma_start3A_304 = arith.constant 3072 : i32
        %dma_start3A_305 = tpu.memref_slice %arg5[%dma_start3A_304] : memref<4096xi32, #tpu.memory_space<vmem>> -> memref<512xi32, #tpu.memory_space<vmem>>
        %dma_start3A_306 = arith.constant 0 : i32
        %dma_start3A_307 = tpu.memref_slice %arg9[%dma_start3A_306] : memref<100352xi32, #tpu.memory_space<vmem_shared>> -> memref<100352xi32, #tpu.memory_space<vmem_shared>>
        tpu.enqueue_indirect_dma source(%arg7 : memref<512xi32, #tpu.memory_space<vmem>>) target(%dma_start3A_307 : memref<100352xi32, #tpu.memory_space<vmem_shared>>) offsets(%dma_start3A_305 : memref<512xi32, #tpu.memory_space<vmem>>) semaphore(%arg12 : memref<!tpu.dma_semaphore, #tpu.memory_space<semaphore_mem>>) {add = true}
        %dma_start3A_308 = arith.constant 3584 : i32
        %dma_start3A_309 = tpu.memref_slice %arg5[%dma_start3A_308] : memref<4096xi32, #tpu.memory_space<vmem>> -> memref<512xi32, #tpu.memory_space<vmem>>
        %dma_start3A_310 = arith.constant 0 : i32
        %dma_start3A_311 = tpu.memref_slice %arg9[%dma_start3A_310] : memref<100352xi32, #tpu.memory_space<vmem_shared>> -> memref<100352xi32, #tpu.memory_space<vmem_shared>>
        tpu.enqueue_indirect_dma source(%arg7 : memref<512xi32, #tpu.memory_space<vmem>>) target(%dma_start3A_311 : memref<100352xi32, #tpu.memory_space<vmem_shared>>) offsets(%dma_start3A_309 : memref<512xi32, #tpu.memory_space<vmem>>) semaphore(%arg12 : memref<!tpu.dma_semaphore, #tpu.memory_space<semaphore_mem>>) {add = true}
        %dma_wait3A_312 = arith.constant 0 : i32
        %dma_wait3A_313 = tpu.memref_slice %arg5[%dma_wait3A_312] : memref<4096xi32, #tpu.memory_space<vmem>> -> memref<512xi32, #tpu.memory_space<vmem>>
        %dma_wait3A_314 = arith.constant 0 : i32
        %dma_wait3A_315 = tpu.memref_slice %arg9[%dma_wait3A_314] : memref<100352xi32, #tpu.memory_space<vmem_shared>> -> memref<100352xi32, #tpu.memory_space<vmem_shared>>
        tpu.wait_indirect_dma semaphore(%arg12 : memref<!tpu.dma_semaphore, #tpu.memory_space<semaphore_mem>>) src(%arg7 : memref<512xi32, #tpu.memory_space<vmem>>) dst(%dma_wait3A_315 : memref<100352xi32, #tpu.memory_space<vmem_shared>>)
        %dma_wait3A_316 = arith.constant 0 : i32
        %dma_wait3A_317 = tpu.memref_slice %arg5[%dma_wait3A_316] : memref<4096xi32, #tpu.memory_space<vmem>> -> memref<512xi32, #tpu.memory_space<vmem>>
        %dma_wait3A_318 = arith.constant 0 : i32
        %dma_wait3A_319 = tpu.memref_slice %arg9[%dma_wait3A_318] : memref<100352xi32, #tpu.memory_space<vmem_shared>> -> memref<100352xi32, #tpu.memory_space<vmem_shared>>
        tpu.wait_indirect_dma semaphore(%arg12 : memref<!tpu.dma_semaphore, #tpu.memory_space<semaphore_mem>>) src(%arg7 : memref<512xi32, #tpu.memory_space<vmem>>) dst(%dma_wait3A_319 : memref<100352xi32, #tpu.memory_space<vmem_shared>>)
        %dma_wait3A_320 = arith.constant 0 : i32
        %dma_wait3A_321 = tpu.memref_slice %arg5[%dma_wait3A_320] : memref<4096xi32, #tpu.memory_space<vmem>> -> memref<512xi32, #tpu.memory_space<vmem>>
        %dma_wait3A_322 = arith.constant 0 : i32
        %dma_wait3A_323 = tpu.memref_slice %arg9[%dma_wait3A_322] : memref<100352xi32, #tpu.memory_space<vmem_shared>> -> memref<100352xi32, #tpu.memory_space<vmem_shared>>
        tpu.wait_indirect_dma semaphore(%arg12 : memref<!tpu.dma_semaphore, #tpu.memory_space<semaphore_mem>>) src(%arg7 : memref<512xi32, #tpu.memory_space<vmem>>) dst(%dma_wait3A_323 : memref<100352xi32, #tpu.memory_space<vmem_shared>>)
        %dma_wait3A_324 = arith.constant 0 : i32
        %dma_wait3A_325 = tpu.memref_slice %arg5[%dma_wait3A_324] : memref<4096xi32, #tpu.memory_space<vmem>> -> memref<512xi32, #tpu.memory_space<vmem>>
        %dma_wait3A_326 = arith.constant 0 : i32
        %dma_wait3A_327 = tpu.memref_slice %arg9[%dma_wait3A_326] : memref<100352xi32, #tpu.memory_space<vmem_shared>> -> memref<100352xi32, #tpu.memory_space<vmem_shared>>
        tpu.wait_indirect_dma semaphore(%arg12 : memref<!tpu.dma_semaphore, #tpu.memory_space<semaphore_mem>>) src(%arg7 : memref<512xi32, #tpu.memory_space<vmem>>) dst(%dma_wait3A_327 : memref<100352xi32, #tpu.memory_space<vmem_shared>>)
        %dma_wait3A_328 = arith.constant 0 : i32
        %dma_wait3A_329 = tpu.memref_slice %arg5[%dma_wait3A_328] : memref<4096xi32, #tpu.memory_space<vmem>> -> memref<512xi32, #tpu.memory_space<vmem>>
        %dma_wait3A_330 = arith.constant 0 : i32
        %dma_wait3A_331 = tpu.memref_slice %arg9[%dma_wait3A_330] : memref<100352xi32, #tpu.memory_space<vmem_shared>> -> memref<100352xi32, #tpu.memory_space<vmem_shared>>
        tpu.wait_indirect_dma semaphore(%arg12 : memref<!tpu.dma_semaphore, #tpu.memory_space<semaphore_mem>>) src(%arg7 : memref<512xi32, #tpu.memory_space<vmem>>) dst(%dma_wait3A_331 : memref<100352xi32, #tpu.memory_space<vmem_shared>>)
        %dma_wait3A_332 = arith.constant 0 : i32
        %dma_wait3A_333 = tpu.memref_slice %arg5[%dma_wait3A_332] : memref<4096xi32, #tpu.memory_space<vmem>> -> memref<512xi32, #tpu.memory_space<vmem>>
        %dma_wait3A_334 = arith.constant 0 : i32
        %dma_wait3A_335 = tpu.memref_slice %arg9[%dma_wait3A_334] : memref<100352xi32, #tpu.memory_space<vmem_shared>> -> memref<100352xi32, #tpu.memory_space<vmem_shared>>
        tpu.wait_indirect_dma semaphore(%arg12 : memref<!tpu.dma_semaphore, #tpu.memory_space<semaphore_mem>>) src(%arg7 : memref<512xi32, #tpu.memory_space<vmem>>) dst(%dma_wait3A_335 : memref<100352xi32, #tpu.memory_space<vmem_shared>>)
        %dma_wait3A_336 = arith.constant 0 : i32
        %dma_wait3A_337 = tpu.memref_slice %arg5[%dma_wait3A_336] : memref<4096xi32, #tpu.memory_space<vmem>> -> memref<512xi32, #tpu.memory_space<vmem>>
        %dma_wait3A_338 = arith.constant 0 : i32
        %dma_wait3A_339 = tpu.memref_slice %arg9[%dma_wait3A_338] : memref<100352xi32, #tpu.memory_space<vmem_shared>> -> memref<100352xi32, #tpu.memory_space<vmem_shared>>
        tpu.wait_indirect_dma semaphore(%arg12 : memref<!tpu.dma_semaphore, #tpu.memory_space<semaphore_mem>>) src(%arg7 : memref<512xi32, #tpu.memory_space<vmem>>) dst(%dma_wait3A_339 : memref<100352xi32, #tpu.memory_space<vmem_shared>>)
        %dma_wait3A_340 = arith.constant 0 : i32
        %dma_wait3A_341 = tpu.memref_slice %arg5[%dma_wait3A_340] : memref<4096xi32, #tpu.memory_space<vmem>> -> memref<512xi32, #tpu.memory_space<vmem>>
        %dma_wait3A_342 = arith.constant 0 : i32
        %dma_wait3A_343 = tpu.memref_slice %arg9[%dma_wait3A_342] : memref<100352xi32, #tpu.memory_space<vmem_shared>> -> memref<100352xi32, #tpu.memory_space<vmem_shared>>
        tpu.wait_indirect_dma semaphore(%arg12 : memref<!tpu.dma_semaphore, #tpu.memory_space<semaphore_mem>>) src(%arg7 : memref<512xi32, #tpu.memory_space<vmem>>) dst(%dma_wait3A_343 : memref<100352xi32, #tpu.memory_space<vmem_shared>>)
      } else {
      }
      %add3A_263 = arith.constant 1 : i32
      %add3A_264 = arith.addi %add3A_256, %add3A_263 : i32
      %lt3A_265 = arith.cmpi slt, %add3A_264, %select_n3A : i32
      %convert_element_type3A_266 = arith.extui %lt3A_265 : i1 to i32
      %cond3A_267 = arith.constant 0 : i32
      %cond3A_268 = arith.cmpi ne, %convert_element_type3A_266, %cond3A_267 : i32
      scf.if %cond3A_268 {
        %dma_wait3A = arith.constant 0 : i32
        %dma_wait3A_269 = arith.constant 0 : i32
        %dma_wait3A_270 = tpu.memref_slice %arg2[%dma_wait3A, %dma_wait3A_269] : memref<2x1600000xi32, #tpu.memory_space<hbm>> -> memref<1x4096xi32, #tpu.memory_space<hbm>>
        %dma_wait3A_271 = tpu.memref_squeeze %dma_wait3A_270 : memref<1x4096xi32, #tpu.memory_space<hbm>> -> memref<4096xi32, #tpu.memory_space<hbm>>
        %dma_wait3A_272 = arith.constant 0 : i32
        %dma_wait3A_273 = tpu.memref_slice %arg2[%dma_wait3A, %dma_wait3A_272] : memref<2x1600000xi32, #tpu.memory_space<hbm>> -> memref<1x4096xi32, #tpu.memory_space<hbm>>
        %dma_wait3A_274 = tpu.memref_squeeze %dma_wait3A_273 : memref<1x4096xi32, #tpu.memory_space<hbm>> -> memref<4096xi32, #tpu.memory_space<hbm>>
        tpu.wait_dma2 semaphore(%arg11 : memref<!tpu.dma_semaphore, #tpu.memory_space<semaphore_mem>>) src(%dma_wait3A_274 : memref<4096xi32, #tpu.memory_space<hbm>>) dst(%arg6 : memref<4096xi32, #tpu.memory_space<vmem>>)
        %add3A_275 = arith.constant 1 : i32
        %add3A_276 = arith.addi %add3A_264, %add3A_275 : i32
        %lt3A_277 = arith.cmpi slt, %add3A_276, %select_n3A : i32
        %convert_element_type3A_278 = arith.extui %lt3A_277 : i1 to i32
        %cond3A_279 = arith.constant 0 : i32
        %cond3A_280 = arith.cmpi ne, %convert_element_type3A_278, %cond3A_279 : i32
        scf.if %cond3A_280 {
          %add3A_344 = arith.constant 1 : i32
          %add3A_345 = arith.addi %add3A_264, %add3A_344 : i32
          %mul3A_346 = arith.constant 32 : i32
          %mul3A_347 = arith.muli %add3A_345, %mul3A_346 : i32
          %add3A_348 = arith.addi %add3A, %mul3A_347 : i32
          %mul3A_349 = arith.constant 4096 : i32
          %mul3A_350 = arith.muli %add3A_348, %mul3A_349 : i32
          %multiple_of3A_351 = tpu.assume_multiple %mul3A_350, 4096 : i32
          %dma_start3A_352 = arith.constant 0 : i32
          %dma_start3A_353 = tpu.memref_slice %arg2[%dma_start3A_352, %multiple_of3A_351] : memref<2x1600000xi32, #tpu.memory_space<hbm>> -> memref<1x4096xi32, #tpu.memory_space<hbm>>
          %dma_start3A_354 = tpu.memref_squeeze %dma_start3A_353 : memref<1x4096xi32, #tpu.memory_space<hbm>> -> memref<4096xi32, #tpu.memory_space<hbm>>
          %dma_start3A_355 = tpu.memref_slice %arg2[%dma_start3A_352, %multiple_of3A_351] : memref<2x1600000xi32, #tpu.memory_space<hbm>> -> memref<1x4096xi32, #tpu.memory_space<hbm>>
          %dma_start3A_356 = tpu.memref_squeeze %dma_start3A_355 : memref<1x4096xi32, #tpu.memory_space<hbm>> -> memref<4096xi32, #tpu.memory_space<hbm>>
          tpu.enqueue_dma source(%dma_start3A_356 : memref<4096xi32, #tpu.memory_space<hbm>>) target(%arg5 : memref<4096xi32, #tpu.memory_space<vmem>>) target_semaphore(%arg11 : memref<!tpu.dma_semaphore, #tpu.memory_space<semaphore_mem>>)
        } else {
        }
        %dma_start3A = arith.constant 0 : i32
        %dma_start3A_281 = tpu.memref_slice %arg6[%dma_start3A] : memref<4096xi32, #tpu.memory_space<vmem>> -> memref<512xi32, #tpu.memory_space<vmem>>
        %dma_start3A_282 = arith.constant 0 : i32
        %dma_start3A_283 = tpu.memref_slice %arg9[%dma_start3A_282] : memref<100352xi32, #tpu.memory_space<vmem_shared>> -> memref<100352xi32, #tpu.memory_space<vmem_shared>>
        tpu.enqueue_indirect_dma source(%arg7 : memref<512xi32, #tpu.memory_space<vmem>>) target(%dma_start3A_283 : memref<100352xi32, #tpu.memory_space<vmem_shared>>) offsets(%dma_start3A_281 : memref<512xi32, #tpu.memory_space<vmem>>) semaphore(%arg12 : memref<!tpu.dma_semaphore, #tpu.memory_space<semaphore_mem>>) {add = true}
        %dma_start3A_284 = arith.constant 512 : i32
        %dma_start3A_285 = tpu.memref_slice %arg6[%dma_start3A_284] : memref<4096xi32, #tpu.memory_space<vmem>> -> memref<512xi32, #tpu.memory_space<vmem>>
        %dma_start3A_286 = arith.constant 0 : i32
        %dma_start3A_287 = tpu.memref_slice %arg9[%dma_start3A_286] : memref<100352xi32, #tpu.memory_space<vmem_shared>> -> memref<100352xi32, #tpu.memory_space<vmem_shared>>
        tpu.enqueue_indirect_dma source(%arg7 : memref<512xi32, #tpu.memory_space<vmem>>) target(%dma_start3A_287 : memref<100352xi32, #tpu.memory_space<vmem_shared>>) offsets(%dma_start3A_285 : memref<512xi32, #tpu.memory_space<vmem>>) semaphore(%arg12 : memref<!tpu.dma_semaphore, #tpu.memory_space<semaphore_mem>>) {add = true}
        %dma_start3A_288 = arith.constant 1024 : i32
        %dma_start3A_289 = tpu.memref_slice %arg6[%dma_start3A_288] : memref<4096xi32, #tpu.memory_space<vmem>> -> memref<512xi32, #tpu.memory_space<vmem>>
        %dma_start3A_290 = arith.constant 0 : i32
        %dma_start3A_291 = tpu.memref_slice %arg9[%dma_start3A_290] : memref<100352xi32, #tpu.memory_space<vmem_shared>> -> memref<100352xi32, #tpu.memory_space<vmem_shared>>
        tpu.enqueue_indirect_dma source(%arg7 : memref<512xi32, #tpu.memory_space<vmem>>) target(%dma_start3A_291 : memref<100352xi32, #tpu.memory_space<vmem_shared>>) offsets(%dma_start3A_289 : memref<512xi32, #tpu.memory_space<vmem>>) semaphore(%arg12 : memref<!tpu.dma_semaphore, #tpu.memory_space<semaphore_mem>>) {add = true}
        %dma_start3A_292 = arith.constant 1536 : i32
        %dma_start3A_293 = tpu.memref_slice %arg6[%dma_start3A_292] : memref<4096xi32, #tpu.memory_space<vmem>> -> memref<512xi32, #tpu.memory_space<vmem>>
        %dma_start3A_294 = arith.constant 0 : i32
        %dma_start3A_295 = tpu.memref_slice %arg9[%dma_start3A_294] : memref<100352xi32, #tpu.memory_space<vmem_shared>> -> memref<100352xi32, #tpu.memory_space<vmem_shared>>
        tpu.enqueue_indirect_dma source(%arg7 : memref<512xi32, #tpu.memory_space<vmem>>) target(%dma_start3A_295 : memref<100352xi32, #tpu.memory_space<vmem_shared>>) offsets(%dma_start3A_293 : memref<512xi32, #tpu.memory_space<vmem>>) semaphore(%arg12 : memref<!tpu.dma_semaphore, #tpu.memory_space<semaphore_mem>>) {add = true}
        %dma_start3A_296 = arith.constant 2048 : i32
        %dma_start3A_297 = tpu.memref_slice %arg6[%dma_start3A_296] : memref<4096xi32, #tpu.memory_space<vmem>> -> memref<512xi32, #tpu.memory_space<vmem>>
        %dma_start3A_298 = arith.constant 0 : i32
        %dma_start3A_299 = tpu.memref_slice %arg9[%dma_start3A_298] : memref<100352xi32, #tpu.memory_space<vmem_shared>> -> memref<100352xi32, #tpu.memory_space<vmem_shared>>
        tpu.enqueue_indirect_dma source(%arg7 : memref<512xi32, #tpu.memory_space<vmem>>) target(%dma_start3A_299 : memref<100352xi32, #tpu.memory_space<vmem_shared>>) offsets(%dma_start3A_297 : memref<512xi32, #tpu.memory_space<vmem>>) semaphore(%arg12 : memref<!tpu.dma_semaphore, #tpu.memory_space<semaphore_mem>>) {add = true}
        %dma_start3A_300 = arith.constant 2560 : i32
        %dma_start3A_301 = tpu.memref_slice %arg6[%dma_start3A_300] : memref<4096xi32, #tpu.memory_space<vmem>> -> memref<512xi32, #tpu.memory_space<vmem>>
        %dma_start3A_302 = arith.constant 0 : i32
        %dma_start3A_303 = tpu.memref_slice %arg9[%dma_start3A_302] : memref<100352xi32, #tpu.memory_space<vmem_shared>> -> memref<100352xi32, #tpu.memory_space<vmem_shared>>
        tpu.enqueue_indirect_dma source(%arg7 : memref<512xi32, #tpu.memory_space<vmem>>) target(%dma_start3A_303 : memref<100352xi32, #tpu.memory_space<vmem_shared>>) offsets(%dma_start3A_301 : memref<512xi32, #tpu.memory_space<vmem>>) semaphore(%arg12 : memref<!tpu.dma_semaphore, #tpu.memory_space<semaphore_mem>>) {add = true}
        %dma_start3A_304 = arith.constant 3072 : i32
        %dma_start3A_305 = tpu.memref_slice %arg6[%dma_start3A_304] : memref<4096xi32, #tpu.memory_space<vmem>> -> memref<512xi32, #tpu.memory_space<vmem>>
        %dma_start3A_306 = arith.constant 0 : i32
        %dma_start3A_307 = tpu.memref_slice %arg9[%dma_start3A_306] : memref<100352xi32, #tpu.memory_space<vmem_shared>> -> memref<100352xi32, #tpu.memory_space<vmem_shared>>
        tpu.enqueue_indirect_dma source(%arg7 : memref<512xi32, #tpu.memory_space<vmem>>) target(%dma_start3A_307 : memref<100352xi32, #tpu.memory_space<vmem_shared>>) offsets(%dma_start3A_305 : memref<512xi32, #tpu.memory_space<vmem>>) semaphore(%arg12 : memref<!tpu.dma_semaphore, #tpu.memory_space<semaphore_mem>>) {add = true}
        %dma_start3A_308 = arith.constant 3584 : i32
        %dma_start3A_309 = tpu.memref_slice %arg6[%dma_start3A_308] : memref<4096xi32, #tpu.memory_space<vmem>> -> memref<512xi32, #tpu.memory_space<vmem>>
        %dma_start3A_310 = arith.constant 0 : i32
        %dma_start3A_311 = tpu.memref_slice %arg9[%dma_start3A_310] : memref<100352xi32, #tpu.memory_space<vmem_shared>> -> memref<100352xi32, #tpu.memory_space<vmem_shared>>
        tpu.enqueue_indirect_dma source(%arg7 : memref<512xi32, #tpu.memory_space<vmem>>) target(%dma_start3A_311 : memref<100352xi32, #tpu.memory_space<vmem_shared>>) offsets(%dma_start3A_309 : memref<512xi32, #tpu.memory_space<vmem>>) semaphore(%arg12 : memref<!tpu.dma_semaphore, #tpu.memory_space<semaphore_mem>>) {add = true}
        %dma_wait3A_312 = arith.constant 0 : i32
        %dma_wait3A_313 = tpu.memref_slice %arg6[%dma_wait3A_312] : memref<4096xi32, #tpu.memory_space<vmem>> -> memref<512xi32, #tpu.memory_space<vmem>>
        %dma_wait3A_314 = arith.constant 0 : i32
        %dma_wait3A_315 = tpu.memref_slice %arg9[%dma_wait3A_314] : memref<100352xi32, #tpu.memory_space<vmem_shared>> -> memref<100352xi32, #tpu.memory_space<vmem_shared>>
        tpu.wait_indirect_dma semaphore(%arg12 : memref<!tpu.dma_semaphore, #tpu.memory_space<semaphore_mem>>) src(%arg7 : memref<512xi32, #tpu.memory_space<vmem>>) dst(%dma_wait3A_315 : memref<100352xi32, #tpu.memory_space<vmem_shared>>)
        %dma_wait3A_316 = arith.constant 0 : i32
        %dma_wait3A_317 = tpu.memref_slice %arg6[%dma_wait3A_316] : memref<4096xi32, #tpu.memory_space<vmem>> -> memref<512xi32, #tpu.memory_space<vmem>>
        %dma_wait3A_318 = arith.constant 0 : i32
        %dma_wait3A_319 = tpu.memref_slice %arg9[%dma_wait3A_318] : memref<100352xi32, #tpu.memory_space<vmem_shared>> -> memref<100352xi32, #tpu.memory_space<vmem_shared>>
        tpu.wait_indirect_dma semaphore(%arg12 : memref<!tpu.dma_semaphore, #tpu.memory_space<semaphore_mem>>) src(%arg7 : memref<512xi32, #tpu.memory_space<vmem>>) dst(%dma_wait3A_319 : memref<100352xi32, #tpu.memory_space<vmem_shared>>)
        %dma_wait3A_320 = arith.constant 0 : i32
        %dma_wait3A_321 = tpu.memref_slice %arg6[%dma_wait3A_320] : memref<4096xi32, #tpu.memory_space<vmem>> -> memref<512xi32, #tpu.memory_space<vmem>>
        %dma_wait3A_322 = arith.constant 0 : i32
        %dma_wait3A_323 = tpu.memref_slice %arg9[%dma_wait3A_322] : memref<100352xi32, #tpu.memory_space<vmem_shared>> -> memref<100352xi32, #tpu.memory_space<vmem_shared>>
        tpu.wait_indirect_dma semaphore(%arg12 : memref<!tpu.dma_semaphore, #tpu.memory_space<semaphore_mem>>) src(%arg7 : memref<512xi32, #tpu.memory_space<vmem>>) dst(%dma_wait3A_323 : memref<100352xi32, #tpu.memory_space<vmem_shared>>)
        %dma_wait3A_324 = arith.constant 0 : i32
        %dma_wait3A_325 = tpu.memref_slice %arg6[%dma_wait3A_324] : memref<4096xi32, #tpu.memory_space<vmem>> -> memref<512xi32, #tpu.memory_space<vmem>>
        %dma_wait3A_326 = arith.constant 0 : i32
        %dma_wait3A_327 = tpu.memref_slice %arg9[%dma_wait3A_326] : memref<100352xi32, #tpu.memory_space<vmem_shared>> -> memref<100352xi32, #tpu.memory_space<vmem_shared>>
        tpu.wait_indirect_dma semaphore(%arg12 : memref<!tpu.dma_semaphore, #tpu.memory_space<semaphore_mem>>) src(%arg7 : memref<512xi32, #tpu.memory_space<vmem>>) dst(%dma_wait3A_327 : memref<100352xi32, #tpu.memory_space<vmem_shared>>)
        %dma_wait3A_328 = arith.constant 0 : i32
        %dma_wait3A_329 = tpu.memref_slice %arg6[%dma_wait3A_328] : memref<4096xi32, #tpu.memory_space<vmem>> -> memref<512xi32, #tpu.memory_space<vmem>>
        %dma_wait3A_330 = arith.constant 0 : i32
        %dma_wait3A_331 = tpu.memref_slice %arg9[%dma_wait3A_330] : memref<100352xi32, #tpu.memory_space<vmem_shared>> -> memref<100352xi32, #tpu.memory_space<vmem_shared>>
        tpu.wait_indirect_dma semaphore(%arg12 : memref<!tpu.dma_semaphore, #tpu.memory_space<semaphore_mem>>) src(%arg7 : memref<512xi32, #tpu.memory_space<vmem>>) dst(%dma_wait3A_331 : memref<100352xi32, #tpu.memory_space<vmem_shared>>)
        %dma_wait3A_332 = arith.constant 0 : i32
        %dma_wait3A_333 = tpu.memref_slice %arg6[%dma_wait3A_332] : memref<4096xi32, #tpu.memory_space<vmem>> -> memref<512xi32, #tpu.memory_space<vmem>>
        %dma_wait3A_334 = arith.constant 0 : i32
        %dma_wait3A_335 = tpu.memref_slice %arg9[%dma_wait3A_334] : memref<100352xi32, #tpu.memory_space<vmem_shared>> -> memref<100352xi32, #tpu.memory_space<vmem_shared>>
        tpu.wait_indirect_dma semaphore(%arg12 : memref<!tpu.dma_semaphore, #tpu.memory_space<semaphore_mem>>) src(%arg7 : memref<512xi32, #tpu.memory_space<vmem>>) dst(%dma_wait3A_335 : memref<100352xi32, #tpu.memory_space<vmem_shared>>)
        %dma_wait3A_336 = arith.constant 0 : i32
        %dma_wait3A_337 = tpu.memref_slice %arg6[%dma_wait3A_336] : memref<4096xi32, #tpu.memory_space<vmem>> -> memref<512xi32, #tpu.memory_space<vmem>>
        %dma_wait3A_338 = arith.constant 0 : i32
        %dma_wait3A_339 = tpu.memref_slice %arg9[%dma_wait3A_338] : memref<100352xi32, #tpu.memory_space<vmem_shared>> -> memref<100352xi32, #tpu.memory_space<vmem_shared>>
        tpu.wait_indirect_dma semaphore(%arg12 : memref<!tpu.dma_semaphore, #tpu.memory_space<semaphore_mem>>) src(%arg7 : memref<512xi32, #tpu.memory_space<vmem>>) dst(%dma_wait3A_339 : memref<100352xi32, #tpu.memory_space<vmem_shared>>)
        %dma_wait3A_340 = arith.constant 0 : i32
        %dma_wait3A_341 = tpu.memref_slice %arg6[%dma_wait3A_340] : memref<4096xi32, #tpu.memory_space<vmem>> -> memref<512xi32, #tpu.memory_space<vmem>>
        %dma_wait3A_342 = arith.constant 0 : i32
        %dma_wait3A_343 = tpu.memref_slice %arg9[%dma_wait3A_342] : memref<100352xi32, #tpu.memory_space<vmem_shared>> -> memref<100352xi32, #tpu.memory_space<vmem_shared>>
        tpu.wait_indirect_dma semaphore(%arg12 : memref<!tpu.dma_semaphore, #tpu.memory_space<semaphore_mem>>) src(%arg7 : memref<512xi32, #tpu.memory_space<vmem>>) dst(%dma_wait3A_343 : memref<100352xi32, #tpu.memory_space<vmem_shared>>)
      } else {
      }
    }
    %scan3A_207 = arith.constant 7 : i32
    %lt3A_208 = arith.constant 20 : i32
    %lt3A_209 = arith.cmpi slt, %add3A, %lt3A_208 : i32
    %convert_element_type3A_210 = arith.extui %lt3A_209 : i1 to i32
    %cond3A_211 = arith.constant 0 : i32
    %cond3A_212 = arith.cmpi ne, %convert_element_type3A_210, %cond3A_211 : i32
    scf.if %cond3A_212 {
      %add3A_252 = arith.constant 12480 : i32
      %add3A_253 = arith.addi %add3A_252, %add3A : i32
      %mul3A_254 = arith.constant 128 : i32
      %mul3A_255 = arith.muli %add3A_253, %mul3A_254 : i32
      %multiple_of3A_256 = tpu.assume_multiple %mul3A_255, 128 : i32
      %run_scoped3A = arith.constant 0 : i32
      "tpu.region"() ({
        %run_scoped3A_257 = tpu.sem_alloc : memref<!tpu.dma_semaphore, #tpu.memory_space<semaphore_mem>>
        %dma_start3A = tpu.memref_slice %arg2[%run_scoped3A, %multiple_of3A_256] : memref<2x1600000xi32, #tpu.memory_space<hbm>> -> memref<1x128xi32, #tpu.memory_space<hbm>>
        %dma_start3A_258 = tpu.memref_squeeze %dma_start3A : memref<1x128xi32, #tpu.memory_space<hbm>> -> memref<128xi32, #tpu.memory_space<hbm>>
        %dma_start3A_259 = tpu.memref_slice %arg2[%run_scoped3A, %multiple_of3A_256] : memref<2x1600000xi32, #tpu.memory_space<hbm>> -> memref<1x128xi32, #tpu.memory_space<hbm>>
        %dma_start3A_260 = tpu.memref_squeeze %dma_start3A_259 : memref<1x128xi32, #tpu.memory_space<hbm>> -> memref<128xi32, #tpu.memory_space<hbm>>
        tpu.enqueue_dma source(%dma_start3A_260 : memref<128xi32, #tpu.memory_space<hbm>>) target(%arg8 : memref<128xi32, #tpu.memory_space<vmem>>) target_semaphore(%run_scoped3A_257 : memref<!tpu.dma_semaphore, #tpu.memory_space<semaphore_mem>>)
        %dma_wait3A = tpu.memref_slice %arg2[%run_scoped3A, %multiple_of3A_256] : memref<2x1600000xi32, #tpu.memory_space<hbm>> -> memref<1x128xi32, #tpu.memory_space<hbm>>
        %dma_wait3A_261 = tpu.memref_squeeze %dma_wait3A : memref<1x128xi32, #tpu.memory_space<hbm>> -> memref<128xi32, #tpu.memory_space<hbm>>
        %dma_wait3A_262 = tpu.memref_slice %arg2[%run_scoped3A, %multiple_of3A_256] : memref<2x1600000xi32, #tpu.memory_space<hbm>> -> memref<1x128xi32, #tpu.memory_space<hbm>>
        %dma_wait3A_263 = tpu.memref_squeeze %dma_wait3A_262 : memref<1x128xi32, #tpu.memory_space<hbm>> -> memref<128xi32, #tpu.memory_space<hbm>>
        tpu.wait_dma2 semaphore(%run_scoped3A_257 : memref<!tpu.dma_semaphore, #tpu.memory_space<semaphore_mem>>) src(%dma_wait3A_263 : memref<128xi32, #tpu.memory_space<hbm>>) dst(%arg8 : memref<128xi32, #tpu.memory_space<vmem>>)
        tpu.yield
      }) : () -> ()
      "tpu.region"() ({
        %run_scoped3A_257 = tpu.sem_alloc : memref<!tpu.dma_semaphore, #tpu.memory_space<semaphore_mem>>
        %dma_start3A = arith.constant 0 : i32
        %dma_start3A_258 = tpu.memref_slice %arg7[%dma_start3A] : memref<512xi32, #tpu.memory_space<vmem>> -> memref<128xi32, #tpu.memory_space<vmem>>
        %dma_start3A_259 = arith.constant 0 : i32
        %dma_start3A_260 = tpu.memref_slice %arg9[%dma_start3A_259] : memref<100352xi32, #tpu.memory_space<vmem_shared>> -> memref<100352xi32, #tpu.memory_space<vmem_shared>>
        tpu.enqueue_indirect_dma source(%dma_start3A_258 : memref<128xi32, #tpu.memory_space<vmem>>) target(%dma_start3A_260 : memref<100352xi32, #tpu.memory_space<vmem_shared>>) offsets(%arg8 : memref<128xi32, #tpu.memory_space<vmem>>) semaphore(%run_scoped3A_257 : memref<!tpu.dma_semaphore, #tpu.memory_space<semaphore_mem>>) {add = true}
        %dma_wait3A = arith.constant 0 : i32
        %dma_wait3A_261 = tpu.memref_slice %arg7[%dma_wait3A] : memref<512xi32, #tpu.memory_space<vmem>> -> memref<128xi32, #tpu.memory_space<vmem>>
        %dma_wait3A_262 = arith.constant 0 : i32
        %dma_wait3A_263 = tpu.memref_slice %arg9[%dma_wait3A_262] : memref<100352xi32, #tpu.memory_space<vmem_shared>> -> memref<100352xi32, #tpu.memory_space<vmem_shared>>
        tpu.wait_indirect_dma semaphore(%run_scoped3A_257 : memref<!tpu.dma_semaphore, #tpu.memory_space<semaphore_mem>>) src(%dma_wait3A_261 : memref<128xi32, #tpu.memory_space<vmem>>) dst(%dma_wait3A_263 : memref<100352xi32, #tpu.memory_space<vmem_shared>>)
        tpu.yield
      }) : () -> ()
    } else {
    }
    %gt3A_213 = arith.constant 0 : i32
    %gt3A_214 = arith.cmpi sgt, %select_n3A, %gt3A_213 : i32
    %convert_element_type3A_215 = arith.extui %gt3A_214 : i1 to i32
    %cond3A_216 = arith.constant 0 : i32
    %cond3A_217 = arith.cmpi ne, %convert_element_type3A_215, %cond3A_216 : i32
    scf.if %cond3A_217 {
      %mul3A_252 = arith.constant 4096 : i32
      %mul3A_253 = arith.muli %add3A, %mul3A_252 : i32
      %multiple_of3A_254 = tpu.assume_multiple %mul3A_253, 4096 : i32
      %dma_start3A = arith.constant 1 : i32
      %dma_start3A_255 = tpu.memref_slice %arg2[%dma_start3A, %multiple_of3A_254] : memref<2x1600000xi32, #tpu.memory_space<hbm>> -> memref<1x4096xi32, #tpu.memory_space<hbm>>
      %dma_start3A_256 = tpu.memref_squeeze %dma_start3A_255 : memref<1x4096xi32, #tpu.memory_space<hbm>> -> memref<4096xi32, #tpu.memory_space<hbm>>
      %dma_start3A_257 = tpu.memref_slice %arg2[%dma_start3A, %multiple_of3A_254] : memref<2x1600000xi32, #tpu.memory_space<hbm>> -> memref<1x4096xi32, #tpu.memory_space<hbm>>
      %dma_start3A_258 = tpu.memref_squeeze %dma_start3A_257 : memref<1x4096xi32, #tpu.memory_space<hbm>> -> memref<4096xi32, #tpu.memory_space<hbm>>
      tpu.enqueue_dma source(%dma_start3A_258 : memref<4096xi32, #tpu.memory_space<hbm>>) target(%arg5 : memref<4096xi32, #tpu.memory_space<vmem>>) target_semaphore(%arg11 : memref<!tpu.dma_semaphore, #tpu.memory_space<semaphore_mem>>)
    } else {
    }
    %scan3A_218 = arith.constant 0 : i32
    %scan3A_219 = arith.constant 7 : i32
    %scan3A_220 = arith.addi %scan3A_218, %scan3A_219 : i32
    %scan3A_221 = arith.constant 1 : i32
    scf.for %scan3A_252 = %scan3A_218 to %scan3A_220 step %scan3A_221  : i32 {
      %mul3A_253 = arith.constant 2 : i32
      %mul3A_254 = arith.muli %scan3A_252, %mul3A_253 : i32
      %add3A_255 = arith.constant 0 : i32
      %add3A_256 = arith.addi %add3A_255, %mul3A_254 : i32
      %add3A_257 = arith.constant 0 : i32
      %add3A_258 = arith.addi %add3A_256, %add3A_257 : i32
      %lt3A_259 = arith.cmpi slt, %add3A_258, %select_n3A : i32
      %convert_element_type3A_260 = arith.extui %lt3A_259 : i1 to i32
      %cond3A_261 = arith.constant 0 : i32
      %cond3A_262 = arith.cmpi ne, %convert_element_type3A_260, %cond3A_261 : i32
      scf.if %cond3A_262 {
        %dma_wait3A = arith.constant 1 : i32
        %dma_wait3A_269 = arith.constant 0 : i32
        %dma_wait3A_270 = tpu.memref_slice %arg2[%dma_wait3A, %dma_wait3A_269] : memref<2x1600000xi32, #tpu.memory_space<hbm>> -> memref<1x4096xi32, #tpu.memory_space<hbm>>
        %dma_wait3A_271 = tpu.memref_squeeze %dma_wait3A_270 : memref<1x4096xi32, #tpu.memory_space<hbm>> -> memref<4096xi32, #tpu.memory_space<hbm>>
        %dma_wait3A_272 = arith.constant 0 : i32
        %dma_wait3A_273 = tpu.memref_slice %arg2[%dma_wait3A, %dma_wait3A_272] : memref<2x1600000xi32, #tpu.memory_space<hbm>> -> memref<1x4096xi32, #tpu.memory_space<hbm>>
        %dma_wait3A_274 = tpu.memref_squeeze %dma_wait3A_273 : memref<1x4096xi32, #tpu.memory_space<hbm>> -> memref<4096xi32, #tpu.memory_space<hbm>>
        tpu.wait_dma2 semaphore(%arg11 : memref<!tpu.dma_semaphore, #tpu.memory_space<semaphore_mem>>) src(%dma_wait3A_274 : memref<4096xi32, #tpu.memory_space<hbm>>) dst(%arg5 : memref<4096xi32, #tpu.memory_space<vmem>>)
        %add3A_275 = arith.constant 1 : i32
        %add3A_276 = arith.addi %add3A_258, %add3A_275 : i32
        %lt3A_277 = arith.cmpi slt, %add3A_276, %select_n3A : i32
        %convert_element_type3A_278 = arith.extui %lt3A_277 : i1 to i32
        %cond3A_279 = arith.constant 0 : i32
        %cond3A_280 = arith.cmpi ne, %convert_element_type3A_278, %cond3A_279 : i32
        scf.if %cond3A_280 {
          %add3A_344 = arith.constant 1 : i32
          %add3A_345 = arith.addi %add3A_258, %add3A_344 : i32
          %mul3A_346 = arith.constant 32 : i32
          %mul3A_347 = arith.muli %add3A_345, %mul3A_346 : i32
          %add3A_348 = arith.addi %add3A, %mul3A_347 : i32
          %mul3A_349 = arith.constant 4096 : i32
          %mul3A_350 = arith.muli %add3A_348, %mul3A_349 : i32
          %multiple_of3A_351 = tpu.assume_multiple %mul3A_350, 4096 : i32
          %dma_start3A_352 = arith.constant 1 : i32
          %dma_start3A_353 = tpu.memref_slice %arg2[%dma_start3A_352, %multiple_of3A_351] : memref<2x1600000xi32, #tpu.memory_space<hbm>> -> memref<1x4096xi32, #tpu.memory_space<hbm>>
          %dma_start3A_354 = tpu.memref_squeeze %dma_start3A_353 : memref<1x4096xi32, #tpu.memory_space<hbm>> -> memref<4096xi32, #tpu.memory_space<hbm>>
          %dma_start3A_355 = tpu.memref_slice %arg2[%dma_start3A_352, %multiple_of3A_351] : memref<2x1600000xi32, #tpu.memory_space<hbm>> -> memref<1x4096xi32, #tpu.memory_space<hbm>>
          %dma_start3A_356 = tpu.memref_squeeze %dma_start3A_355 : memref<1x4096xi32, #tpu.memory_space<hbm>> -> memref<4096xi32, #tpu.memory_space<hbm>>
          tpu.enqueue_dma source(%dma_start3A_356 : memref<4096xi32, #tpu.memory_space<hbm>>) target(%arg6 : memref<4096xi32, #tpu.memory_space<vmem>>) target_semaphore(%arg11 : memref<!tpu.dma_semaphore, #tpu.memory_space<semaphore_mem>>)
        } else {
        }
        %dma_start3A = arith.constant 0 : i32
        %dma_start3A_281 = tpu.memref_slice %arg5[%dma_start3A] : memref<4096xi32, #tpu.memory_space<vmem>> -> memref<512xi32, #tpu.memory_space<vmem>>
        %dma_start3A_282 = arith.constant 0 : i32
        %dma_start3A_283 = tpu.memref_slice %arg10[%dma_start3A_282] : memref<100352xi32, #tpu.memory_space<vmem_shared>> -> memref<100352xi32, #tpu.memory_space<vmem_shared>>
        tpu.enqueue_indirect_dma source(%arg7 : memref<512xi32, #tpu.memory_space<vmem>>) target(%dma_start3A_283 : memref<100352xi32, #tpu.memory_space<vmem_shared>>) offsets(%dma_start3A_281 : memref<512xi32, #tpu.memory_space<vmem>>) semaphore(%arg12 : memref<!tpu.dma_semaphore, #tpu.memory_space<semaphore_mem>>) {add = true}
        %dma_start3A_284 = arith.constant 512 : i32
        %dma_start3A_285 = tpu.memref_slice %arg5[%dma_start3A_284] : memref<4096xi32, #tpu.memory_space<vmem>> -> memref<512xi32, #tpu.memory_space<vmem>>
        %dma_start3A_286 = arith.constant 0 : i32
        %dma_start3A_287 = tpu.memref_slice %arg10[%dma_start3A_286] : memref<100352xi32, #tpu.memory_space<vmem_shared>> -> memref<100352xi32, #tpu.memory_space<vmem_shared>>
        tpu.enqueue_indirect_dma source(%arg7 : memref<512xi32, #tpu.memory_space<vmem>>) target(%dma_start3A_287 : memref<100352xi32, #tpu.memory_space<vmem_shared>>) offsets(%dma_start3A_285 : memref<512xi32, #tpu.memory_space<vmem>>) semaphore(%arg12 : memref<!tpu.dma_semaphore, #tpu.memory_space<semaphore_mem>>) {add = true}
        %dma_start3A_288 = arith.constant 1024 : i32
        %dma_start3A_289 = tpu.memref_slice %arg5[%dma_start3A_288] : memref<4096xi32, #tpu.memory_space<vmem>> -> memref<512xi32, #tpu.memory_space<vmem>>
        %dma_start3A_290 = arith.constant 0 : i32
        %dma_start3A_291 = tpu.memref_slice %arg10[%dma_start3A_290] : memref<100352xi32, #tpu.memory_space<vmem_shared>> -> memref<100352xi32, #tpu.memory_space<vmem_shared>>
        tpu.enqueue_indirect_dma source(%arg7 : memref<512xi32, #tpu.memory_space<vmem>>) target(%dma_start3A_291 : memref<100352xi32, #tpu.memory_space<vmem_shared>>) offsets(%dma_start3A_289 : memref<512xi32, #tpu.memory_space<vmem>>) semaphore(%arg12 : memref<!tpu.dma_semaphore, #tpu.memory_space<semaphore_mem>>) {add = true}
        %dma_start3A_292 = arith.constant 1536 : i32
        %dma_start3A_293 = tpu.memref_slice %arg5[%dma_start3A_292] : memref<4096xi32, #tpu.memory_space<vmem>> -> memref<512xi32, #tpu.memory_space<vmem>>
        %dma_start3A_294 = arith.constant 0 : i32
        %dma_start3A_295 = tpu.memref_slice %arg10[%dma_start3A_294] : memref<100352xi32, #tpu.memory_space<vmem_shared>> -> memref<100352xi32, #tpu.memory_space<vmem_shared>>
        tpu.enqueue_indirect_dma source(%arg7 : memref<512xi32, #tpu.memory_space<vmem>>) target(%dma_start3A_295 : memref<100352xi32, #tpu.memory_space<vmem_shared>>) offsets(%dma_start3A_293 : memref<512xi32, #tpu.memory_space<vmem>>) semaphore(%arg12 : memref<!tpu.dma_semaphore, #tpu.memory_space<semaphore_mem>>) {add = true}
        %dma_start3A_296 = arith.constant 2048 : i32
        %dma_start3A_297 = tpu.memref_slice %arg5[%dma_start3A_296] : memref<4096xi32, #tpu.memory_space<vmem>> -> memref<512xi32, #tpu.memory_space<vmem>>
        %dma_start3A_298 = arith.constant 0 : i32
        %dma_start3A_299 = tpu.memref_slice %arg10[%dma_start3A_298] : memref<100352xi32, #tpu.memory_space<vmem_shared>> -> memref<100352xi32, #tpu.memory_space<vmem_shared>>
        tpu.enqueue_indirect_dma source(%arg7 : memref<512xi32, #tpu.memory_space<vmem>>) target(%dma_start3A_299 : memref<100352xi32, #tpu.memory_space<vmem_shared>>) offsets(%dma_start3A_297 : memref<512xi32, #tpu.memory_space<vmem>>) semaphore(%arg12 : memref<!tpu.dma_semaphore, #tpu.memory_space<semaphore_mem>>) {add = true}
        %dma_start3A_300 = arith.constant 2560 : i32
        %dma_start3A_301 = tpu.memref_slice %arg5[%dma_start3A_300] : memref<4096xi32, #tpu.memory_space<vmem>> -> memref<512xi32, #tpu.memory_space<vmem>>
        %dma_start3A_302 = arith.constant 0 : i32
        %dma_start3A_303 = tpu.memref_slice %arg10[%dma_start3A_302] : memref<100352xi32, #tpu.memory_space<vmem_shared>> -> memref<100352xi32, #tpu.memory_space<vmem_shared>>
        tpu.enqueue_indirect_dma source(%arg7 : memref<512xi32, #tpu.memory_space<vmem>>) target(%dma_start3A_303 : memref<100352xi32, #tpu.memory_space<vmem_shared>>) offsets(%dma_start3A_301 : memref<512xi32, #tpu.memory_space<vmem>>) semaphore(%arg12 : memref<!tpu.dma_semaphore, #tpu.memory_space<semaphore_mem>>) {add = true}
        %dma_start3A_304 = arith.constant 3072 : i32
        %dma_start3A_305 = tpu.memref_slice %arg5[%dma_start3A_304] : memref<4096xi32, #tpu.memory_space<vmem>> -> memref<512xi32, #tpu.memory_space<vmem>>
        %dma_start3A_306 = arith.constant 0 : i32
        %dma_start3A_307 = tpu.memref_slice %arg10[%dma_start3A_306] : memref<100352xi32, #tpu.memory_space<vmem_shared>> -> memref<100352xi32, #tpu.memory_space<vmem_shared>>
        tpu.enqueue_indirect_dma source(%arg7 : memref<512xi32, #tpu.memory_space<vmem>>) target(%dma_start3A_307 : memref<100352xi32, #tpu.memory_space<vmem_shared>>) offsets(%dma_start3A_305 : memref<512xi32, #tpu.memory_space<vmem>>) semaphore(%arg12 : memref<!tpu.dma_semaphore, #tpu.memory_space<semaphore_mem>>) {add = true}
        %dma_start3A_308 = arith.constant 3584 : i32
        %dma_start3A_309 = tpu.memref_slice %arg5[%dma_start3A_308] : memref<4096xi32, #tpu.memory_space<vmem>> -> memref<512xi32, #tpu.memory_space<vmem>>
        %dma_start3A_310 = arith.constant 0 : i32
        %dma_start3A_311 = tpu.memref_slice %arg10[%dma_start3A_310] : memref<100352xi32, #tpu.memory_space<vmem_shared>> -> memref<100352xi32, #tpu.memory_space<vmem_shared>>
        tpu.enqueue_indirect_dma source(%arg7 : memref<512xi32, #tpu.memory_space<vmem>>) target(%dma_start3A_311 : memref<100352xi32, #tpu.memory_space<vmem_shared>>) offsets(%dma_start3A_309 : memref<512xi32, #tpu.memory_space<vmem>>) semaphore(%arg12 : memref<!tpu.dma_semaphore, #tpu.memory_space<semaphore_mem>>) {add = true}
        %dma_wait3A_312 = arith.constant 0 : i32
        %dma_wait3A_313 = tpu.memref_slice %arg5[%dma_wait3A_312] : memref<4096xi32, #tpu.memory_space<vmem>> -> memref<512xi32, #tpu.memory_space<vmem>>
        %dma_wait3A_314 = arith.constant 0 : i32
        %dma_wait3A_315 = tpu.memref_slice %arg10[%dma_wait3A_314] : memref<100352xi32, #tpu.memory_space<vmem_shared>> -> memref<100352xi32, #tpu.memory_space<vmem_shared>>
        tpu.wait_indirect_dma semaphore(%arg12 : memref<!tpu.dma_semaphore, #tpu.memory_space<semaphore_mem>>) src(%arg7 : memref<512xi32, #tpu.memory_space<vmem>>) dst(%dma_wait3A_315 : memref<100352xi32, #tpu.memory_space<vmem_shared>>)
        %dma_wait3A_316 = arith.constant 0 : i32
        %dma_wait3A_317 = tpu.memref_slice %arg5[%dma_wait3A_316] : memref<4096xi32, #tpu.memory_space<vmem>> -> memref<512xi32, #tpu.memory_space<vmem>>
        %dma_wait3A_318 = arith.constant 0 : i32
        %dma_wait3A_319 = tpu.memref_slice %arg10[%dma_wait3A_318] : memref<100352xi32, #tpu.memory_space<vmem_shared>> -> memref<100352xi32, #tpu.memory_space<vmem_shared>>
        tpu.wait_indirect_dma semaphore(%arg12 : memref<!tpu.dma_semaphore, #tpu.memory_space<semaphore_mem>>) src(%arg7 : memref<512xi32, #tpu.memory_space<vmem>>) dst(%dma_wait3A_319 : memref<100352xi32, #tpu.memory_space<vmem_shared>>)
        %dma_wait3A_320 = arith.constant 0 : i32
        %dma_wait3A_321 = tpu.memref_slice %arg5[%dma_wait3A_320] : memref<4096xi32, #tpu.memory_space<vmem>> -> memref<512xi32, #tpu.memory_space<vmem>>
        %dma_wait3A_322 = arith.constant 0 : i32
        %dma_wait3A_323 = tpu.memref_slice %arg10[%dma_wait3A_322] : memref<100352xi32, #tpu.memory_space<vmem_shared>> -> memref<100352xi32, #tpu.memory_space<vmem_shared>>
        tpu.wait_indirect_dma semaphore(%arg12 : memref<!tpu.dma_semaphore, #tpu.memory_space<semaphore_mem>>) src(%arg7 : memref<512xi32, #tpu.memory_space<vmem>>) dst(%dma_wait3A_323 : memref<100352xi32, #tpu.memory_space<vmem_shared>>)
        %dma_wait3A_324 = arith.constant 0 : i32
        %dma_wait3A_325 = tpu.memref_slice %arg5[%dma_wait3A_324] : memref<4096xi32, #tpu.memory_space<vmem>> -> memref<512xi32, #tpu.memory_space<vmem>>
        %dma_wait3A_326 = arith.constant 0 : i32
        %dma_wait3A_327 = tpu.memref_slice %arg10[%dma_wait3A_326] : memref<100352xi32, #tpu.memory_space<vmem_shared>> -> memref<100352xi32, #tpu.memory_space<vmem_shared>>
        tpu.wait_indirect_dma semaphore(%arg12 : memref<!tpu.dma_semaphore, #tpu.memory_space<semaphore_mem>>) src(%arg7 : memref<512xi32, #tpu.memory_space<vmem>>) dst(%dma_wait3A_327 : memref<100352xi32, #tpu.memory_space<vmem_shared>>)
        %dma_wait3A_328 = arith.constant 0 : i32
        %dma_wait3A_329 = tpu.memref_slice %arg5[%dma_wait3A_328] : memref<4096xi32, #tpu.memory_space<vmem>> -> memref<512xi32, #tpu.memory_space<vmem>>
        %dma_wait3A_330 = arith.constant 0 : i32
        %dma_wait3A_331 = tpu.memref_slice %arg10[%dma_wait3A_330] : memref<100352xi32, #tpu.memory_space<vmem_shared>> -> memref<100352xi32, #tpu.memory_space<vmem_shared>>
        tpu.wait_indirect_dma semaphore(%arg12 : memref<!tpu.dma_semaphore, #tpu.memory_space<semaphore_mem>>) src(%arg7 : memref<512xi32, #tpu.memory_space<vmem>>) dst(%dma_wait3A_331 : memref<100352xi32, #tpu.memory_space<vmem_shared>>)
        %dma_wait3A_332 = arith.constant 0 : i32
        %dma_wait3A_333 = tpu.memref_slice %arg5[%dma_wait3A_332] : memref<4096xi32, #tpu.memory_space<vmem>> -> memref<512xi32, #tpu.memory_space<vmem>>
        %dma_wait3A_334 = arith.constant 0 : i32
        %dma_wait3A_335 = tpu.memref_slice %arg10[%dma_wait3A_334] : memref<100352xi32, #tpu.memory_space<vmem_shared>> -> memref<100352xi32, #tpu.memory_space<vmem_shared>>
        tpu.wait_indirect_dma semaphore(%arg12 : memref<!tpu.dma_semaphore, #tpu.memory_space<semaphore_mem>>) src(%arg7 : memref<512xi32, #tpu.memory_space<vmem>>) dst(%dma_wait3A_335 : memref<100352xi32, #tpu.memory_space<vmem_shared>>)
        %dma_wait3A_336 = arith.constant 0 : i32
        %dma_wait3A_337 = tpu.memref_slice %arg5[%dma_wait3A_336] : memref<4096xi32, #tpu.memory_space<vmem>> -> memref<512xi32, #tpu.memory_space<vmem>>
        %dma_wait3A_338 = arith.constant 0 : i32
        %dma_wait3A_339 = tpu.memref_slice %arg10[%dma_wait3A_338] : memref<100352xi32, #tpu.memory_space<vmem_shared>> -> memref<100352xi32, #tpu.memory_space<vmem_shared>>
        tpu.wait_indirect_dma semaphore(%arg12 : memref<!tpu.dma_semaphore, #tpu.memory_space<semaphore_mem>>) src(%arg7 : memref<512xi32, #tpu.memory_space<vmem>>) dst(%dma_wait3A_339 : memref<100352xi32, #tpu.memory_space<vmem_shared>>)
        %dma_wait3A_340 = arith.constant 0 : i32
        %dma_wait3A_341 = tpu.memref_slice %arg5[%dma_wait3A_340] : memref<4096xi32, #tpu.memory_space<vmem>> -> memref<512xi32, #tpu.memory_space<vmem>>
        %dma_wait3A_342 = arith.constant 0 : i32
        %dma_wait3A_343 = tpu.memref_slice %arg10[%dma_wait3A_342] : memref<100352xi32, #tpu.memory_space<vmem_shared>> -> memref<100352xi32, #tpu.memory_space<vmem_shared>>
        tpu.wait_indirect_dma semaphore(%arg12 : memref<!tpu.dma_semaphore, #tpu.memory_space<semaphore_mem>>) src(%arg7 : memref<512xi32, #tpu.memory_space<vmem>>) dst(%dma_wait3A_343 : memref<100352xi32, #tpu.memory_space<vmem_shared>>)
      } else {
      }
      %add3A_263 = arith.constant 1 : i32
      %add3A_264 = arith.addi %add3A_256, %add3A_263 : i32
      %lt3A_265 = arith.cmpi slt, %add3A_264, %select_n3A : i32
      %convert_element_type3A_266 = arith.extui %lt3A_265 : i1 to i32
      %cond3A_267 = arith.constant 0 : i32
      %cond3A_268 = arith.cmpi ne, %convert_element_type3A_266, %cond3A_267 : i32
      scf.if %cond3A_268 {
        %dma_wait3A = arith.constant 1 : i32
        %dma_wait3A_269 = arith.constant 0 : i32
        %dma_wait3A_270 = tpu.memref_slice %arg2[%dma_wait3A, %dma_wait3A_269] : memref<2x1600000xi32, #tpu.memory_space<hbm>> -> memref<1x4096xi32, #tpu.memory_space<hbm>>
        %dma_wait3A_271 = tpu.memref_squeeze %dma_wait3A_270 : memref<1x4096xi32, #tpu.memory_space<hbm>> -> memref<4096xi32, #tpu.memory_space<hbm>>
        %dma_wait3A_272 = arith.constant 0 : i32
        %dma_wait3A_273 = tpu.memref_slice %arg2[%dma_wait3A, %dma_wait3A_272] : memref<2x1600000xi32, #tpu.memory_space<hbm>> -> memref<1x4096xi32, #tpu.memory_space<hbm>>
        %dma_wait3A_274 = tpu.memref_squeeze %dma_wait3A_273 : memref<1x4096xi32, #tpu.memory_space<hbm>> -> memref<4096xi32, #tpu.memory_space<hbm>>
        tpu.wait_dma2 semaphore(%arg11 : memref<!tpu.dma_semaphore, #tpu.memory_space<semaphore_mem>>) src(%dma_wait3A_274 : memref<4096xi32, #tpu.memory_space<hbm>>) dst(%arg6 : memref<4096xi32, #tpu.memory_space<vmem>>)
        %add3A_275 = arith.constant 1 : i32
        %add3A_276 = arith.addi %add3A_264, %add3A_275 : i32
        %lt3A_277 = arith.cmpi slt, %add3A_276, %select_n3A : i32
        %convert_element_type3A_278 = arith.extui %lt3A_277 : i1 to i32
        %cond3A_279 = arith.constant 0 : i32
        %cond3A_280 = arith.cmpi ne, %convert_element_type3A_278, %cond3A_279 : i32
        scf.if %cond3A_280 {
          %add3A_344 = arith.constant 1 : i32
          %add3A_345 = arith.addi %add3A_264, %add3A_344 : i32
          %mul3A_346 = arith.constant 32 : i32
          %mul3A_347 = arith.muli %add3A_345, %mul3A_346 : i32
          %add3A_348 = arith.addi %add3A, %mul3A_347 : i32
          %mul3A_349 = arith.constant 4096 : i32
          %mul3A_350 = arith.muli %add3A_348, %mul3A_349 : i32
          %multiple_of3A_351 = tpu.assume_multiple %mul3A_350, 4096 : i32
          %dma_start3A_352 = arith.constant 1 : i32
          %dma_start3A_353 = tpu.memref_slice %arg2[%dma_start3A_352, %multiple_of3A_351] : memref<2x1600000xi32, #tpu.memory_space<hbm>> -> memref<1x4096xi32, #tpu.memory_space<hbm>>
          %dma_start3A_354 = tpu.memref_squeeze %dma_start3A_353 : memref<1x4096xi32, #tpu.memory_space<hbm>> -> memref<4096xi32, #tpu.memory_space<hbm>>
          %dma_start3A_355 = tpu.memref_slice %arg2[%dma_start3A_352, %multiple_of3A_351] : memref<2x1600000xi32, #tpu.memory_space<hbm>> -> memref<1x4096xi32, #tpu.memory_space<hbm>>
          %dma_start3A_356 = tpu.memref_squeeze %dma_start3A_355 : memref<1x4096xi32, #tpu.memory_space<hbm>> -> memref<4096xi32, #tpu.memory_space<hbm>>
          tpu.enqueue_dma source(%dma_start3A_356 : memref<4096xi32, #tpu.memory_space<hbm>>) target(%arg5 : memref<4096xi32, #tpu.memory_space<vmem>>) target_semaphore(%arg11 : memref<!tpu.dma_semaphore, #tpu.memory_space<semaphore_mem>>)
        } else {
        }
        %dma_start3A = arith.constant 0 : i32
        %dma_start3A_281 = tpu.memref_slice %arg6[%dma_start3A] : memref<4096xi32, #tpu.memory_space<vmem>> -> memref<512xi32, #tpu.memory_space<vmem>>
        %dma_start3A_282 = arith.constant 0 : i32
        %dma_start3A_283 = tpu.memref_slice %arg10[%dma_start3A_282] : memref<100352xi32, #tpu.memory_space<vmem_shared>> -> memref<100352xi32, #tpu.memory_space<vmem_shared>>
        tpu.enqueue_indirect_dma source(%arg7 : memref<512xi32, #tpu.memory_space<vmem>>) target(%dma_start3A_283 : memref<100352xi32, #tpu.memory_space<vmem_shared>>) offsets(%dma_start3A_281 : memref<512xi32, #tpu.memory_space<vmem>>) semaphore(%arg12 : memref<!tpu.dma_semaphore, #tpu.memory_space<semaphore_mem>>) {add = true}
        %dma_start3A_284 = arith.constant 512 : i32
        %dma_start3A_285 = tpu.memref_slice %arg6[%dma_start3A_284] : memref<4096xi32, #tpu.memory_space<vmem>> -> memref<512xi32, #tpu.memory_space<vmem>>
        %dma_start3A_286 = arith.constant 0 : i32
        %dma_start3A_287 = tpu.memref_slice %arg10[%dma_start3A_286] : memref<100352xi32, #tpu.memory_space<vmem_shared>> -> memref<100352xi32, #tpu.memory_space<vmem_shared>>
        tpu.enqueue_indirect_dma source(%arg7 : memref<512xi32, #tpu.memory_space<vmem>>) target(%dma_start3A_287 : memref<100352xi32, #tpu.memory_space<vmem_shared>>) offsets(%dma_start3A_285 : memref<512xi32, #tpu.memory_space<vmem>>) semaphore(%arg12 : memref<!tpu.dma_semaphore, #tpu.memory_space<semaphore_mem>>) {add = true}
        %dma_start3A_288 = arith.constant 1024 : i32
        %dma_start3A_289 = tpu.memref_slice %arg6[%dma_start3A_288] : memref<4096xi32, #tpu.memory_space<vmem>> -> memref<512xi32, #tpu.memory_space<vmem>>
        %dma_start3A_290 = arith.constant 0 : i32
        %dma_start3A_291 = tpu.memref_slice %arg10[%dma_start3A_290] : memref<100352xi32, #tpu.memory_space<vmem_shared>> -> memref<100352xi32, #tpu.memory_space<vmem_shared>>
        tpu.enqueue_indirect_dma source(%arg7 : memref<512xi32, #tpu.memory_space<vmem>>) target(%dma_start3A_291 : memref<100352xi32, #tpu.memory_space<vmem_shared>>) offsets(%dma_start3A_289 : memref<512xi32, #tpu.memory_space<vmem>>) semaphore(%arg12 : memref<!tpu.dma_semaphore, #tpu.memory_space<semaphore_mem>>) {add = true}
        %dma_start3A_292 = arith.constant 1536 : i32
        %dma_start3A_293 = tpu.memref_slice %arg6[%dma_start3A_292] : memref<4096xi32, #tpu.memory_space<vmem>> -> memref<512xi32, #tpu.memory_space<vmem>>
        %dma_start3A_294 = arith.constant 0 : i32
        %dma_start3A_295 = tpu.memref_slice %arg10[%dma_start3A_294] : memref<100352xi32, #tpu.memory_space<vmem_shared>> -> memref<100352xi32, #tpu.memory_space<vmem_shared>>
        tpu.enqueue_indirect_dma source(%arg7 : memref<512xi32, #tpu.memory_space<vmem>>) target(%dma_start3A_295 : memref<100352xi32, #tpu.memory_space<vmem_shared>>) offsets(%dma_start3A_293 : memref<512xi32, #tpu.memory_space<vmem>>) semaphore(%arg12 : memref<!tpu.dma_semaphore, #tpu.memory_space<semaphore_mem>>) {add = true}
        %dma_start3A_296 = arith.constant 2048 : i32
        %dma_start3A_297 = tpu.memref_slice %arg6[%dma_start3A_296] : memref<4096xi32, #tpu.memory_space<vmem>> -> memref<512xi32, #tpu.memory_space<vmem>>
        %dma_start3A_298 = arith.constant 0 : i32
        %dma_start3A_299 = tpu.memref_slice %arg10[%dma_start3A_298] : memref<100352xi32, #tpu.memory_space<vmem_shared>> -> memref<100352xi32, #tpu.memory_space<vmem_shared>>
        tpu.enqueue_indirect_dma source(%arg7 : memref<512xi32, #tpu.memory_space<vmem>>) target(%dma_start3A_299 : memref<100352xi32, #tpu.memory_space<vmem_shared>>) offsets(%dma_start3A_297 : memref<512xi32, #tpu.memory_space<vmem>>) semaphore(%arg12 : memref<!tpu.dma_semaphore, #tpu.memory_space<semaphore_mem>>) {add = true}
        %dma_start3A_300 = arith.constant 2560 : i32
        %dma_start3A_301 = tpu.memref_slice %arg6[%dma_start3A_300] : memref<4096xi32, #tpu.memory_space<vmem>> -> memref<512xi32, #tpu.memory_space<vmem>>
        %dma_start3A_302 = arith.constant 0 : i32
        %dma_start3A_303 = tpu.memref_slice %arg10[%dma_start3A_302] : memref<100352xi32, #tpu.memory_space<vmem_shared>> -> memref<100352xi32, #tpu.memory_space<vmem_shared>>
        tpu.enqueue_indirect_dma source(%arg7 : memref<512xi32, #tpu.memory_space<vmem>>) target(%dma_start3A_303 : memref<100352xi32, #tpu.memory_space<vmem_shared>>) offsets(%dma_start3A_301 : memref<512xi32, #tpu.memory_space<vmem>>) semaphore(%arg12 : memref<!tpu.dma_semaphore, #tpu.memory_space<semaphore_mem>>) {add = true}
        %dma_start3A_304 = arith.constant 3072 : i32
        %dma_start3A_305 = tpu.memref_slice %arg6[%dma_start3A_304] : memref<4096xi32, #tpu.memory_space<vmem>> -> memref<512xi32, #tpu.memory_space<vmem>>
        %dma_start3A_306 = arith.constant 0 : i32
        %dma_start3A_307 = tpu.memref_slice %arg10[%dma_start3A_306] : memref<100352xi32, #tpu.memory_space<vmem_shared>> -> memref<100352xi32, #tpu.memory_space<vmem_shared>>
        tpu.enqueue_indirect_dma source(%arg7 : memref<512xi32, #tpu.memory_space<vmem>>) target(%dma_start3A_307 : memref<100352xi32, #tpu.memory_space<vmem_shared>>) offsets(%dma_start3A_305 : memref<512xi32, #tpu.memory_space<vmem>>) semaphore(%arg12 : memref<!tpu.dma_semaphore, #tpu.memory_space<semaphore_mem>>) {add = true}
        %dma_start3A_308 = arith.constant 3584 : i32
        %dma_start3A_309 = tpu.memref_slice %arg6[%dma_start3A_308] : memref<4096xi32, #tpu.memory_space<vmem>> -> memref<512xi32, #tpu.memory_space<vmem>>
        %dma_start3A_310 = arith.constant 0 : i32
        %dma_start3A_311 = tpu.memref_slice %arg10[%dma_start3A_310] : memref<100352xi32, #tpu.memory_space<vmem_shared>> -> memref<100352xi32, #tpu.memory_space<vmem_shared>>
        tpu.enqueue_indirect_dma source(%arg7 : memref<512xi32, #tpu.memory_space<vmem>>) target(%dma_start3A_311 : memref<100352xi32, #tpu.memory_space<vmem_shared>>) offsets(%dma_start3A_309 : memref<512xi32, #tpu.memory_space<vmem>>) semaphore(%arg12 : memref<!tpu.dma_semaphore, #tpu.memory_space<semaphore_mem>>) {add = true}
        %dma_wait3A_312 = arith.constant 0 : i32
        %dma_wait3A_313 = tpu.memref_slice %arg6[%dma_wait3A_312] : memref<4096xi32, #tpu.memory_space<vmem>> -> memref<512xi32, #tpu.memory_space<vmem>>
        %dma_wait3A_314 = arith.constant 0 : i32
        %dma_wait3A_315 = tpu.memref_slice %arg10[%dma_wait3A_314] : memref<100352xi32, #tpu.memory_space<vmem_shared>> -> memref<100352xi32, #tpu.memory_space<vmem_shared>>
        tpu.wait_indirect_dma semaphore(%arg12 : memref<!tpu.dma_semaphore, #tpu.memory_space<semaphore_mem>>) src(%arg7 : memref<512xi32, #tpu.memory_space<vmem>>) dst(%dma_wait3A_315 : memref<100352xi32, #tpu.memory_space<vmem_shared>>)
        %dma_wait3A_316 = arith.constant 0 : i32
        %dma_wait3A_317 = tpu.memref_slice %arg6[%dma_wait3A_316] : memref<4096xi32, #tpu.memory_space<vmem>> -> memref<512xi32, #tpu.memory_space<vmem>>
        %dma_wait3A_318 = arith.constant 0 : i32
        %dma_wait3A_319 = tpu.memref_slice %arg10[%dma_wait3A_318] : memref<100352xi32, #tpu.memory_space<vmem_shared>> -> memref<100352xi32, #tpu.memory_space<vmem_shared>>
        tpu.wait_indirect_dma semaphore(%arg12 : memref<!tpu.dma_semaphore, #tpu.memory_space<semaphore_mem>>) src(%arg7 : memref<512xi32, #tpu.memory_space<vmem>>) dst(%dma_wait3A_319 : memref<100352xi32, #tpu.memory_space<vmem_shared>>)
        %dma_wait3A_320 = arith.constant 0 : i32
        %dma_wait3A_321 = tpu.memref_slice %arg6[%dma_wait3A_320] : memref<4096xi32, #tpu.memory_space<vmem>> -> memref<512xi32, #tpu.memory_space<vmem>>
        %dma_wait3A_322 = arith.constant 0 : i32
        %dma_wait3A_323 = tpu.memref_slice %arg10[%dma_wait3A_322] : memref<100352xi32, #tpu.memory_space<vmem_shared>> -> memref<100352xi32, #tpu.memory_space<vmem_shared>>
        tpu.wait_indirect_dma semaphore(%arg12 : memref<!tpu.dma_semaphore, #tpu.memory_space<semaphore_mem>>) src(%arg7 : memref<512xi32, #tpu.memory_space<vmem>>) dst(%dma_wait3A_323 : memref<100352xi32, #tpu.memory_space<vmem_shared>>)
        %dma_wait3A_324 = arith.constant 0 : i32
        %dma_wait3A_325 = tpu.memref_slice %arg6[%dma_wait3A_324] : memref<4096xi32, #tpu.memory_space<vmem>> -> memref<512xi32, #tpu.memory_space<vmem>>
        %dma_wait3A_326 = arith.constant 0 : i32
        %dma_wait3A_327 = tpu.memref_slice %arg10[%dma_wait3A_326] : memref<100352xi32, #tpu.memory_space<vmem_shared>> -> memref<100352xi32, #tpu.memory_space<vmem_shared>>
        tpu.wait_indirect_dma semaphore(%arg12 : memref<!tpu.dma_semaphore, #tpu.memory_space<semaphore_mem>>) src(%arg7 : memref<512xi32, #tpu.memory_space<vmem>>) dst(%dma_wait3A_327 : memref<100352xi32, #tpu.memory_space<vmem_shared>>)
        %dma_wait3A_328 = arith.constant 0 : i32
        %dma_wait3A_329 = tpu.memref_slice %arg6[%dma_wait3A_328] : memref<4096xi32, #tpu.memory_space<vmem>> -> memref<512xi32, #tpu.memory_space<vmem>>
        %dma_wait3A_330 = arith.constant 0 : i32
        %dma_wait3A_331 = tpu.memref_slice %arg10[%dma_wait3A_330] : memref<100352xi32, #tpu.memory_space<vmem_shared>> -> memref<100352xi32, #tpu.memory_space<vmem_shared>>
        tpu.wait_indirect_dma semaphore(%arg12 : memref<!tpu.dma_semaphore, #tpu.memory_space<semaphore_mem>>) src(%arg7 : memref<512xi32, #tpu.memory_space<vmem>>) dst(%dma_wait3A_331 : memref<100352xi32, #tpu.memory_space<vmem_shared>>)
        %dma_wait3A_332 = arith.constant 0 : i32
        %dma_wait3A_333 = tpu.memref_slice %arg6[%dma_wait3A_332] : memref<4096xi32, #tpu.memory_space<vmem>> -> memref<512xi32, #tpu.memory_space<vmem>>
        %dma_wait3A_334 = arith.constant 0 : i32
        %dma_wait3A_335 = tpu.memref_slice %arg10[%dma_wait3A_334] : memref<100352xi32, #tpu.memory_space<vmem_shared>> -> memref<100352xi32, #tpu.memory_space<vmem_shared>>
        tpu.wait_indirect_dma semaphore(%arg12 : memref<!tpu.dma_semaphore, #tpu.memory_space<semaphore_mem>>) src(%arg7 : memref<512xi32, #tpu.memory_space<vmem>>) dst(%dma_wait3A_335 : memref<100352xi32, #tpu.memory_space<vmem_shared>>)
        %dma_wait3A_336 = arith.constant 0 : i32
        %dma_wait3A_337 = tpu.memref_slice %arg6[%dma_wait3A_336] : memref<4096xi32, #tpu.memory_space<vmem>> -> memref<512xi32, #tpu.memory_space<vmem>>
        %dma_wait3A_338 = arith.constant 0 : i32
        %dma_wait3A_339 = tpu.memref_slice %arg10[%dma_wait3A_338] : memref<100352xi32, #tpu.memory_space<vmem_shared>> -> memref<100352xi32, #tpu.memory_space<vmem_shared>>
        tpu.wait_indirect_dma semaphore(%arg12 : memref<!tpu.dma_semaphore, #tpu.memory_space<semaphore_mem>>) src(%arg7 : memref<512xi32, #tpu.memory_space<vmem>>) dst(%dma_wait3A_339 : memref<100352xi32, #tpu.memory_space<vmem_shared>>)
        %dma_wait3A_340 = arith.constant 0 : i32
        %dma_wait3A_341 = tpu.memref_slice %arg6[%dma_wait3A_340] : memref<4096xi32, #tpu.memory_space<vmem>> -> memref<512xi32, #tpu.memory_space<vmem>>
        %dma_wait3A_342 = arith.constant 0 : i32
        %dma_wait3A_343 = tpu.memref_slice %arg10[%dma_wait3A_342] : memref<100352xi32, #tpu.memory_space<vmem_shared>> -> memref<100352xi32, #tpu.memory_space<vmem_shared>>
        tpu.wait_indirect_dma semaphore(%arg12 : memref<!tpu.dma_semaphore, #tpu.memory_space<semaphore_mem>>) src(%arg7 : memref<512xi32, #tpu.memory_space<vmem>>) dst(%dma_wait3A_343 : memref<100352xi32, #tpu.memory_space<vmem_shared>>)
      } else {
      }
    }
    %scan3A_222 = arith.constant 7 : i32
    %lt3A_223 = arith.constant 20 : i32
    %lt3A_224 = arith.cmpi slt, %add3A, %lt3A_223 : i32
    %convert_element_type3A_225 = arith.extui %lt3A_224 : i1 to i32
    %cond3A_226 = arith.constant 0 : i32
    %cond3A_227 = arith.cmpi ne, %convert_element_type3A_225, %cond3A_226 : i32
    scf.if %cond3A_227 {
      %add3A_252 = arith.constant 12480 : i32
      %add3A_253 = arith.addi %add3A_252, %add3A : i32
      %mul3A_254 = arith.constant 128 : i32
      %mul3A_255 = arith.muli %add3A_253, %mul3A_254 : i32
      %multiple_of3A_256 = tpu.assume_multiple %mul3A_255, 128 : i32
      %run_scoped3A = arith.constant 1 : i32
      "tpu.region"() ({
        %run_scoped3A_257 = tpu.sem_alloc : memref<!tpu.dma_semaphore, #tpu.memory_space<semaphore_mem>>
        %dma_start3A = tpu.memref_slice %arg2[%run_scoped3A, %multiple_of3A_256] : memref<2x1600000xi32, #tpu.memory_space<hbm>> -> memref<1x128xi32, #tpu.memory_space<hbm>>
        %dma_start3A_258 = tpu.memref_squeeze %dma_start3A : memref<1x128xi32, #tpu.memory_space<hbm>> -> memref<128xi32, #tpu.memory_space<hbm>>
        %dma_start3A_259 = tpu.memref_slice %arg2[%run_scoped3A, %multiple_of3A_256] : memref<2x1600000xi32, #tpu.memory_space<hbm>> -> memref<1x128xi32, #tpu.memory_space<hbm>>
        %dma_start3A_260 = tpu.memref_squeeze %dma_start3A_259 : memref<1x128xi32, #tpu.memory_space<hbm>> -> memref<128xi32, #tpu.memory_space<hbm>>
        tpu.enqueue_dma source(%dma_start3A_260 : memref<128xi32, #tpu.memory_space<hbm>>) target(%arg8 : memref<128xi32, #tpu.memory_space<vmem>>) target_semaphore(%run_scoped3A_257 : memref<!tpu.dma_semaphore, #tpu.memory_space<semaphore_mem>>)
        %dma_wait3A = tpu.memref_slice %arg2[%run_scoped3A, %multiple_of3A_256] : memref<2x1600000xi32, #tpu.memory_space<hbm>> -> memref<1x128xi32, #tpu.memory_space<hbm>>
        %dma_wait3A_261 = tpu.memref_squeeze %dma_wait3A : memref<1x128xi32, #tpu.memory_space<hbm>> -> memref<128xi32, #tpu.memory_space<hbm>>
        %dma_wait3A_262 = tpu.memref_slice %arg2[%run_scoped3A, %multiple_of3A_256] : memref<2x1600000xi32, #tpu.memory_space<hbm>> -> memref<1x128xi32, #tpu.memory_space<hbm>>
        %dma_wait3A_263 = tpu.memref_squeeze %dma_wait3A_262 : memref<1x128xi32, #tpu.memory_space<hbm>> -> memref<128xi32, #tpu.memory_space<hbm>>
        tpu.wait_dma2 semaphore(%run_scoped3A_257 : memref<!tpu.dma_semaphore, #tpu.memory_space<semaphore_mem>>) src(%dma_wait3A_263 : memref<128xi32, #tpu.memory_space<hbm>>) dst(%arg8 : memref<128xi32, #tpu.memory_space<vmem>>)
        tpu.yield
      }) : () -> ()
      "tpu.region"() ({
        %run_scoped3A_257 = tpu.sem_alloc : memref<!tpu.dma_semaphore, #tpu.memory_space<semaphore_mem>>
        %dma_start3A = arith.constant 0 : i32
        %dma_start3A_258 = tpu.memref_slice %arg7[%dma_start3A] : memref<512xi32, #tpu.memory_space<vmem>> -> memref<128xi32, #tpu.memory_space<vmem>>
        %dma_start3A_259 = arith.constant 0 : i32
        %dma_start3A_260 = tpu.memref_slice %arg10[%dma_start3A_259] : memref<100352xi32, #tpu.memory_space<vmem_shared>> -> memref<100352xi32, #tpu.memory_space<vmem_shared>>
        tpu.enqueue_indirect_dma source(%dma_start3A_258 : memref<128xi32, #tpu.memory_space<vmem>>) target(%dma_start3A_260 : memref<100352xi32, #tpu.memory_space<vmem_shared>>) offsets(%arg8 : memref<128xi32, #tpu.memory_space<vmem>>) semaphore(%run_scoped3A_257 : memref<!tpu.dma_semaphore, #tpu.memory_space<semaphore_mem>>) {add = true}
        %dma_wait3A = arith.constant 0 : i32
        %dma_wait3A_261 = tpu.memref_slice %arg7[%dma_wait3A] : memref<512xi32, #tpu.memory_space<vmem>> -> memref<128xi32, #tpu.memory_space<vmem>>
        %dma_wait3A_262 = arith.constant 0 : i32
        %dma_wait3A_263 = tpu.memref_slice %arg10[%dma_wait3A_262] : memref<100352xi32, #tpu.memory_space<vmem_shared>> -> memref<100352xi32, #tpu.memory_space<vmem_shared>>
        tpu.wait_indirect_dma semaphore(%run_scoped3A_257 : memref<!tpu.dma_semaphore, #tpu.memory_space<semaphore_mem>>) src(%dma_wait3A_261 : memref<128xi32, #tpu.memory_space<vmem>>) dst(%dma_wait3A_263 : memref<100352xi32, #tpu.memory_space<vmem_shared>>)
        tpu.yield
      }) : () -> ()
    } else {
    }
    %barrier3A_228 = arith.constant 0 : index
    tpu.barrier barrier_id(%barrier3A_228)
    %mul3A_229 = arith.constant 6272 : i32
    %mul3A_230 = arith.muli %arg1, %mul3A_229 : i32
    %mul3A_231 = arith.constant 2 : i32
    %mul3A_232 = arith.muli %mul3A_231, %arg0 : i32
    %add3A_233 = arith.constant 0 : i32
    %add3A_234 = arith.addi %mul3A_232, %add3A_233 : i32
    %mul3A_235 = arith.constant 100352 : i32
    %mul3A_236 = arith.muli %add3A_234, %mul3A_235 : i32
    %mul3A_237 = arith.constant 6272 : i32
    %mul3A_238 = arith.muli %arg1, %mul3A_237 : i32
    %add3A_239 = arith.addi %mul3A_236, %mul3A_238 : i32
    %multiple_of3A = tpu.assume_multiple %add3A_239, 6272 : i32
    "tpu.region"() ({
      %run_scoped3A = tpu.sem_alloc : memref<!tpu.dma_semaphore, #tpu.memory_space<semaphore_mem>>
      %dma_start3A = tpu.memref_slice %arg3[%multiple_of3A] : memref<401408xi32, #tpu.memory_space<hbm>> -> memref<6272xi32, #tpu.memory_space<hbm>>
      %dma_start3A_252 = tpu.memref_slice %arg9[%mul3A_230] : memref<100352xi32, #tpu.memory_space<vmem_shared>> -> memref<6272xi32, #tpu.memory_space<vmem_shared>>
      tpu.enqueue_dma source(%dma_start3A_252 : memref<6272xi32, #tpu.memory_space<vmem_shared>>) target(%dma_start3A : memref<6272xi32, #tpu.memory_space<hbm>>) target_semaphore(%run_scoped3A : memref<!tpu.dma_semaphore, #tpu.memory_space<semaphore_mem>>)
      %dma_wait3A = tpu.memref_slice %arg3[%multiple_of3A] : memref<401408xi32, #tpu.memory_space<hbm>> -> memref<6272xi32, #tpu.memory_space<hbm>>
      %dma_wait3A_253 = tpu.memref_slice %arg9[%mul3A_230] : memref<100352xi32, #tpu.memory_space<vmem_shared>> -> memref<6272xi32, #tpu.memory_space<vmem_shared>>
      tpu.wait_dma2 semaphore(%run_scoped3A : memref<!tpu.dma_semaphore, #tpu.memory_space<semaphore_mem>>) src(%dma_wait3A_253 : memref<6272xi32, #tpu.memory_space<vmem_shared>>) dst(%dma_wait3A : memref<6272xi32, #tpu.memory_space<hbm>>)
      tpu.yield
    }) : () -> ()
    %mul3A_240 = arith.constant 6272 : i32
    %mul3A_241 = arith.muli %arg1, %mul3A_240 : i32
    %mul3A_242 = arith.constant 2 : i32
    %mul3A_243 = arith.muli %mul3A_242, %arg0 : i32
    %add3A_244 = arith.constant 1 : i32
    %add3A_245 = arith.addi %mul3A_243, %add3A_244 : i32
    %mul3A_246 = arith.constant 100352 : i32
    %mul3A_247 = arith.muli %add3A_245, %mul3A_246 : i32
    %mul3A_248 = arith.constant 6272 : i32
    %mul3A_249 = arith.muli %arg1, %mul3A_248 : i32
    %add3A_250 = arith.addi %mul3A_247, %mul3A_249 : i32
    %multiple_of3A_251 = tpu.assume_multiple %add3A_250, 6272 : i32
    "tpu.region"() ({
      %run_scoped3A = tpu.sem_alloc : memref<!tpu.dma_semaphore, #tpu.memory_space<semaphore_mem>>
      %dma_start3A = tpu.memref_slice %arg3[%multiple_of3A_251] : memref<401408xi32, #tpu.memory_space<hbm>> -> memref<6272xi32, #tpu.memory_space<hbm>>
      %dma_start3A_252 = tpu.memref_slice %arg10[%mul3A_241] : memref<100352xi32, #tpu.memory_space<vmem_shared>> -> memref<6272xi32, #tpu.memory_space<vmem_shared>>
      tpu.enqueue_dma source(%dma_start3A_252 : memref<6272xi32, #tpu.memory_space<vmem_shared>>) target(%dma_start3A : memref<6272xi32, #tpu.memory_space<hbm>>) target_semaphore(%run_scoped3A : memref<!tpu.dma_semaphore, #tpu.memory_space<semaphore_mem>>)
      %dma_wait3A = tpu.memref_slice %arg3[%multiple_of3A_251] : memref<401408xi32, #tpu.memory_space<hbm>> -> memref<6272xi32, #tpu.memory_space<hbm>>
      %dma_wait3A_253 = tpu.memref_slice %arg10[%mul3A_241] : memref<100352xi32, #tpu.memory_space<vmem_shared>> -> memref<6272xi32, #tpu.memory_space<vmem_shared>>
      tpu.wait_dma2 semaphore(%run_scoped3A : memref<!tpu.dma_semaphore, #tpu.memory_space<semaphore_mem>>) src(%dma_wait3A_253 : memref<6272xi32, #tpu.memory_space<vmem_shared>>) dst(%dma_wait3A : memref<6272xi32, #tpu.memory_space<hbm>>)
      tpu.yield
    }) : () -> ()
    return
  }
}

</mosaic_0001>

<sc_bundles>
// kernel: kernel.4.cloned.1.call-start
scs
__scs_entry_jumppad:
0x0: {  	(pc) =	sbr.rel $0x88, $3  }
0x1: {  	(tag) =	ssettag $0x0;
	lr =	simm.s32 $0x1  }
0x2: {  	[smem:$0x3F9D] =	sst lr;
	_ =	strace $0xD0000000  }
0x3: {  	_ = 	snop  }
0x4: {  	_ = 	snop  }
0x5: {  	_ = 	snop  }
0x6: {  	_ = 	snop  }
0x7: {  	_ = 	snop  }
__scs_overlays_trampoline_lowered:
0x8: {  	[smem:$0x3FAC] =	sst s0  }
0x9: {  	[smem:$0x3FAD] =	sst s1  }
0xa: {  	[smem:$0x3FAE] =	sst s2  }
0xb: {  	[smem:$0x3FAF] =	sst s3  }
0xc: {  	[smem:$0x3FB0] =	sst s4  }
0xd: {  	[smem:$0x3FB1] =	sst s5  }
0xe: {  	[smem:$0x3FB2] =	sst s6  }
0xf: {  	[smem:$0x3FB3] =	sst s7  }
0x10: {  	[smem:$0x3FB4] =	sst s8  }
0x11: {  	[smem:$0x3FB5] =	sst s9;
	s0 =	simm.s32 @!p0 $0x0  }
0x12: {  	s1 =	sld [smem:$0x3F9B];
	s0 =	simm.s32 @p0 $0x1  }
0x13: {  	[smem:$0x3FB6] =	sst s0;
	s0 =	simm.s32 @!p1 $0x0  }
0x14: {  	s2 =	sld [smem:$0x3F9A];
	s0 =	simm.s32 @p1 $0x1  }
0x15: {  	[smem:$0x3FB7] =	sst s0;
	s0 =	simm.s32 @!p2 $0x0  }
0x16: {  	s3 =	sld [smem:$0x3FDB];
	s0 =	simm.s32 @p2 $0x1  }
0x17: {  	s4 =	simm.s32 $0x1BF5;
	[smem:$0x3FB9] =	sst s0  }
0x18: {  	s0 =	sld [smem:$0x3F9C];
	_ =	swait.ge [sflag:s4], $0x0  }
0x19: {  	s7 =	sld [smem:$0x3F9D]  }
0x1a: {  	s8 =	sadd.s32 $0xFFFFE003, lr  }
0x1b: {  	s9 =	sadd.s32 $0xFFFFFEF7, lr;
	s5 =	simm.s32 $0xFFFFFFFF;
	p2 =	slt.u32 s8, $0xFFFFF086  }
0x1c: {  	p1 =	slt.u32 s9, $0xF7A;
	s5 =	simm.s32 @!p2 $0x0  }
0x1d: {  	s5 =	simm.s32 @p1 $0x1;
	p0 =	seq.s32 s7, s2  }
0x1e: {  	s7 =	smul.u32 @!p0 $0xF7A, s2;
	p2 =	seq.s32 @!p0 s5, $0x0  }
0x1f: {  	s9 =	smul.u32 $0xF7A, s1;
	s8 =	simm.s32 @!p0 $0x1BF5;
	p2 =	por !p2, p0  }
0x20: {  	[sflag:s8] =	ssyncset.s32 @!p0 $0xFFFFF086;
	s6 =	sadd.s32 @!p0 s3, s7;
	s7 =	simm.s32 @!p0 $0x108  }
0x21: {  	s3 =	sadd.s32 s3, s9;
	s6 =	sadd.s32 @!p0 $0x88, s6;
	s7 =	simm.s32 @p2 $0x1082  }
0x22: {  	[simem:s7], [sflag:s8] =	dma.local @!p0 [hbm:s6], $0xF7A  }
0x23: {  	s9 =	sor.u32 $0xD0000000, s2;
	s6 =	simm.s32 $0x108;
	_ =	swait.ge @!p0 [sflag:s8], $0x0  }
0x24: {  	s3 =	sadd.s32 $0x88, s3;
	s6 =	simm.s32 @!p1 $0x1082;
	[sflag:s4] =	ssyncset.s32 $0xFFFFF086  }
0x25: {  	[simem:s6], [sflag:s4] =	dma.local [hbm:s3], $0xF7A  }
0x26: {  	[smem:$0x3F9D] =	sst s1;
	(tag) =	ssettag s2;
	_ =	strace s9  }
0x27: {  	s1 =	sld [smem:$0x3FAD]  }
0x28: {  	s2 =	sld [smem:$0x3FAE]  }
0x29: {  	s4 =	sld [smem:$0x3FB0]  }
0x2a: {  	p0 =	seq.s32 s5, $0x0;
	s5 =	sld [smem:$0x3FB1]  }
0x2b: {  	s6 =	sld [smem:$0x3FB2]  }
0x2c: {  	s7 =	sld [smem:$0x3FB3]  }
0x2d: {  	s3 =	simm.s32 $0x108;
	s8 =	sld [smem:$0x3FB4]  }
0x2e: {  	s3 =	simm.s32 @!p0 $0x1082;
	s9 =	sld [smem:$0x3FB5]  }
0x2f: {  	lr =	sadd.s32 s0, s3;
	s0 =	sld [smem:$0x3FAC]  }
0x30: {  	s3 =	sld [smem:$0x3FAF]  }
0x31: {  	[smem:$0x3FB8] =	sst s10  }
0x32: {  	s10 =	sld [smem:$0x3FB6];
	_ =	sdelay $0x3  }
0x33: {  	p0 =	seq.s32 s10, $0x1;
	s10 =	sld [smem:$0x3FB8];
	_ =	sdelay $0x3  }
0x34: {  	[smem:$0x3FB8] =	sst s10  }
0x35: {  	s10 =	sld [smem:$0x3FB7];
	_ =	sdelay $0x3  }
0x36: {  	p1 =	seq.s32 s10, $0x1;
	s10 =	sld [smem:$0x3FB8];
	_ =	sdelay $0x3  }
0x37: {  	[smem:$0x3FB8] =	sst s10  }
0x38: {  	s10 =	sld [smem:$0x3FB9]  }
0x39: {  	_ = 	snop;
	(pc) =	sbr.ind lr, $3  }
0x3a: {  	_ = 	snop  }
0x3b: {  	_ = 	snop  }
0x3c: {  	p2 =	seq.s32 s10, $0x1;
	s10 =	sld [smem:$0x3FB8]  }
0x3d: {  	_ =	shalt  }
0x3e: {  	_ =	shalt  }
0x3f: {  	_ =	shalt  }
0x40: {  	_ =	shalt  }
0x41: {  	_ =	shalt  }
0x42: {  	_ =	shalt  }
0x43: {  	_ =	shalt  }
0x44: {  	_ =	shalt  }
0x45: {  	_ =	shalt  }
0x46: {  	_ =	shalt  }
0x47: {  	_ =	shalt  }
0x48: {  	_ =	shalt  }
0x49: {  	_ =	shalt  }
0x4a: {  	_ =	shalt  }
0x4b: {  	_ =	shalt  }
0x4c: {  	_ =	shalt  }
0x4d: {  	_ =	shalt  }
0x4e: {  	_ =	shalt  }
0x4f: {  	_ =	shalt  }
0x50: {  	_ =	shalt  }
0x51: {  	_ =	shalt  }
0x52: {  	_ =	shalt  }
0x53: {  	_ =	shalt  }
0x54: {  	_ =	shalt  }
0x55: {  	_ =	shalt  }
0x56: {  	_ =	shalt  }
0x57: {  	_ =	shalt  }
0x58: {  	_ =	shalt  }
0x59: {  	_ =	shalt  }
0x5a: {  	_ =	shalt  }
0x5b: {  	_ =	shalt  }
0x5c: {  	_ =	shalt  }
0x5d: {  	_ =	shalt  }
0x5e: {  	_ =	shalt  }
0x5f: {  	_ =	shalt  }
0x60: {  	_ =	shalt  }
0x61: {  	_ =	shalt  }
0x62: {  	_ =	shalt  }
0x63: {  	_ =	shalt  }
0x64: {  	_ =	shalt  }
0x65: {  	_ =	shalt  }
0x66: {  	_ =	shalt  }
0x67: {  	_ =	shalt  }
0x68: {  	_ =	shalt  }
0x69: {  	_ =	shalt  }
0x6a: {  	_ =	shalt  }
0x6b: {  	_ =	shalt  }
0x6c: {  	_ =	shalt  }
0x6d: {  	_ =	shalt  }
0x6e: {  	_ =	shalt  }
0x6f: {  	_ =	shalt  }
0x70: {  	_ =	shalt  }
0x71: {  	_ =	shalt  }
0x72: {  	_ =	shalt  }
0x73: {  	_ =	shalt  }
0x74: {  	_ =	shalt  }
0x75: {  	_ =	shalt  }
0x76: {  	_ =	shalt  }
0x77: {  	_ =	shalt  }
0x78: {  	_ =	shalt  }
0x79: {  	_ =	shalt  }
0x7a: {  	_ =	shalt  }
0x7b: {  	_ =	shalt  }
0x7c: {  	_ =	shalt  }
0x7d: {  	_ =	shalt  }
0x7e: {  	_ =	shalt  }
0x7f: {  	_ =	shalt  }
0x80: {  	_ =	shalt  }
0x81: {  	_ =	shalt  }
0x82: {  	_ =	shalt  }
0x83: {  	_ =	shalt  }
0x84: {  	_ =	shalt  }
0x85: {  	_ =	shalt  }
0x86: {  	_ =	shalt  }
0x87: {  	_ =	shalt  }
.Lfunc_end0:
.L_simem_size_0:
called_computation_lowered:
.L_overlay_start_0:
0x88: {  	s2 =	sld [smem:$0x3FD9]  }
0x89: {  	s3 =	sld [smem:$0x3FFE];
	_ =	sdelay $0x1  }
0x8a: {  	s1 =	srdreg.scid  }
0x8b: {  	s0 =	sand.u32 $0x1, s1  }
0x8c: {  	s17 =	sshll.u32 s0, $0xA;
	s2 =	sadd.s32 s3, s2  }
0x8d: {  	s2 =	sadd.s32 s2, s17  }
0x8e: {  	[smem:$0x3FC4] =	sst s2  }
0x8f: {  	_ = 	snop  }
0x90: {  	s2 =	sld [smem:$0x3FC9];
	(tm) =	ssettm $0x1  }
0x91: {  	s18 =	sld [smem:$0x3FFB];
	_ =	sdelay $0x3  }
0x92: {  	_ =	strace s18  }
0x93: {  	s3 =	sld [smem:$0x3FFC];
	_ =	sdelay $0x3  }
0x94: {  	_ =	strace s3  }
0x95: {  	s3 =	sld [smem:$0x3FFD];
	_ =	sdelay $0x3  }
0x96: {  	_ =	strace s3  }
0x97: {  	_ =	strace $0x8FFFFFFF  }
0x98: {  	s19 =	sld [smem:$0x3FDB];
	_ =	sdelay $0x1  }
0x99: {  	s4 =	simm.s32 $_scs_section_size  }
0x9a: {  	s5 =	simm.s32 $_size__tile_overlayer_lowered;
	s6 =	simm.s32 $_tile_overlayer_lowered  }
0x9b: {  	s22 =	simm.s32 $0x1BFF;
	s21 =	sshll.u32 s6, $0x1;
	s3 =	sadd.s32 s4, s19  }
0x9c: {  	s7 =	simm.s32 $0x0;
	s20 =	sshll.u32 s5, $0x1;
	s5 =	sadd.s32 s21, s3  }
0x9d: {  	[timem:s7], [sflag:s22] =	dma.local [hbm:s5], s20  }
0x9e: {  	_ =	swait.ge [sflag:s22], s20  }
0x9f: {  	s4 =	ssub.s32 $0x0, s20;
	[sflag:s22] =	ssyncset.done $0x0  }
0xa0: {  	[sflag:s22] =	ssyncadd.s32 s4;
	_ =	sdelay $0x1  }
0xa1: {  	s23 =	simm.s32 $0x1B8B  }
0xa2: {  	_ =	swait.ge [sflag:s23], $0x1  }
0xa3: {  	[sflag:s23] =	ssyncset.done $0x0  }
0xa4: {  	s25 =	simm.s32 $0x1B8E;
	s24 =	sld [smem:$0x3FFE];
	[sflag:s23] =	ssyncadd.s32 $0xFFFFFFFF  }
0xa5: {  	s26 =	simm.s32 $execute0_lowered;
	[smem:$0x3FD2] =	sst s25  }
0xa6: {  	s5 =	sshll.u32 s26, $0x1;
	_ =	strace $0x80000046;
	[dreg:$0x1] =	wrdreg $0xFFFFFFFF  }
0xa7: {  	s28 =	simm.s32 $_size_execute0_lowered;
	s3 =	sadd.s32 s3, s5;
	[dreg:$0x0] =	wrdreg $0x0  }
0xa8: {  	s5 =	sshll.u32 s28, $0x1;
	[dreg:$0x2] =	wrdreg s3  }
0xa9: {  	[dreg:$0x3] =	wrdreg s5  }
0xaa: {  	[dreg:$0x4] =	wrdreg $0xC0  }
0xab: {  	_ =	task [dreg:s7], $0x5FFFF  }
0xac: {  	[dreg:$0x1] =	wrdreg $0xFFFFFFFF  }
0xad: {  	[dreg:$0x0] =	wrdreg $0x60  }
0xae: {  	[dreg:$0x2] =	wrdreg s2  }
0xaf: {  	[dreg:$0x3] =	wrdreg s24  }
0xb0: {  	[dreg:$0x4] =	wrdreg $0x3B000  }
0xb1: {  	[dreg:$0x5] =	wrdreg $0x53800  }
0xb2: {  	[dreg:$0x6] =	wrdreg $0x9  }
0xb3: {  	_ =	task.clear_ibuf [dreg:s7], $0x7FFFF;
	_ =	strace $0x90000046  }
0xb4: {  	s29 =	simm.s32 $0x9;
	_ =	strace $0x80000048  }
0xb5: {  	_ =	swait.ge [sflag:s29], $0x1  }
0xb6: {  	[sflag:s29] =	ssyncadd.s32 $0xFFFFFFFF  }
0xb7: {  	_ =	strace $0x90000048  }
0xb8: {  	_ =	sfence  }
0xb9: {  	s30 =	sld [smem:$0x0];
	_ =	sdelay $0x2  }
0xba: {  	s31 =	sshll.u32 s1, $0xD;
	s1 =	sshrl.u32 s1, $0x2  }
0xbb: {  	s3 =	sand.u32 $0x4000, s31;
	s1 =	sadd.s32 s1, s30  }
0xbc: {  	s0 =	sor.u32 s3, s0;
	s1 =	sshll.u32 s1, $0x11  }
0xbd: {  	s0 =	sor.u32 s1, s0  }
0xbe: {  	s0 =	sadd.s32 $0x8F2B, s0  }
0xbf: {  	[sflag:s0] =	ssyncadd.remote.s32 $0x1  }
0xc0: {  	_ =	sfence.sel $0xFFFF  }
0xc1: {  	[dreg:$0x0] =	wrdreg $0xFFFFFFFF;
	(pc) =	sbr.abs _section_cstart, $3  }
0xc2: {  	[dreg:$0x1] =	wrdreg $0xFFFFFFFF  }
0xc3: {  	_ =	task.clear_ibuf [dreg:s7], $0x2FFFF;
	_ =	strace $0x9FFFFFFF  }
0xc4: {  	(tm) =	ssettm $0x7FFFFFFF  }
0xc5: {  	_ =	shalt  }
tec
execute0_lowered:
.L_overlay_start_1:
0x0: {  	(tag) =	ssettag $0x1  }
0x1: {  	s13 =	rddreg [dreg:$0x0]  }
0x2: {  	s5 =	rddreg [dreg:$0x1]  }
0x3: {  	s1 =	srdreg.scid;
	s2 =	rddreg [dreg:$0x2]  }
0x4: {  	s0 =	stileid.u32;
	s3 =	rddreg [dreg:$0x3]  }
0x5: {  	s28 =	simm.s32 $0x0;
	s19 =	simm.s32 $0x80;
	s20 =	simm.s32 $0x100  }
0x6: {  	s21 =	simm.s32 $0x1880;
	s22 =	simm.s32 $0x0;
	s14 =	sand.u32 $0x1, s1  }
0x7: {  	s6 =	smul.u32 $0x1880, s0;
	[smem:$0x7FF] =	sst s28;
	s30 =	sshll.u32 s0, $0x1  }
0x8: {  	p0 =	slt.u32 s0, $0x3;
	s17 =	sshll.u32 s0, $0xB;
	s7 =	smul.u32 $0x31000, s14  }
0x9: {  	_ =	strace $0x80000047;
	s8 =	ssub.s32 $0x2, s14;
	s31 =	sor.u32 s14, s30  }
0xa: {  	s17 =	sadd.s32 s17, s13;
	s18 =	sshll.u32 s14, $0xA;
	s29 =	sshrl.u32 s8, $0x1  }
0xb: {  	s9 =	sshll.u32 s31, $0xA;
	s10 =	sshll.u32 s31, $0x5;
	s17 =	sadd.s32 s18, s17  }
0xc: {  	s18 =	simm.s32 $0x3;
	s7 =	sadd.s32 s6, s7;
	s16 =	ssub.s32 s8, s29  }
0xd: {  	s8 =	sadd.s32 s13, s9;
	s12 =	sadd.s32 s10, s13;
	s7 =	sshrl.u32 s7, $0x3  }
0xe: {  	s10 =	sadd.s32 $0x61800, s12;
	s11 =	sadd.s32 $0x10, s8;
	s12 =	sadd.s32 $0x61810, s12  }
0xf: {  	s15 =	sadd.s32 s7, s5;
	s5 =	sadd.s32 s6, s2;
	s7 =	simm.s32 $0xD  }
0x10: {  	s6 =	sadd.s32 s6, s3;
	s7 =	simm.s32 @!p0 $0xC;
	s13 =	sadd.s32 $0x800, s15  }
0x11: {  	s14 =	sadd.s32 $0x3900, s15;
	s15 =	smax.u32 s16, $0x1;
	s16 =	sadd.s32 $0x10000, s17  }
0x12: {  	v0 =	vimm.s32 $0x0;
	v1 =	vimm.s32 $0x1;
	s17 =	sadd.s32 $0x10010, s17;
	p0 =	sgt.u32 s0, $0x9;
	s9 =	sadd.s32 $0xFFFFFFFF, s7  }
.LBB2_1:
0x13: {  	s23 =	simm.s32 $0x40;
	s24 =	simm.s32 $0x0  }
.LBB2_2:
0x14: {  	p1 =	sne.s32 s23, $0x61C0;
	[tilespmem:s24+$0x0] =	vst v0;
	s24 =	smov.u32 s23;
	s23 =	sadd.s32 $0x40, s23  }
.Ltmp0:
0x15: {  	(pc) =	sbr.rel @p1 .LBB2_2-.Ltmp0, $2  }
0x16: {  	_ =	sdelay $0x2  }
0x17: {  	s24 =	sshra.s32 s24, $0x2  }
0x18: {  	[tilespmem:s24+$0x0] =	vst v0  }
0x19: {  	[tilespmem:$0x3880] =	vst v1  }
0x1a: {  	[tilespmem:$0x3890] =	vst v1  }
0x1b: {  	[tilespmem:$0x38A0] =	vst v1  }
0x1c: {  	[tilespmem:$0x38B0] =	vst v1  }
0x1d: {  	[tilespmem:$0x38C0] =	vst v1  }
0x1e: {  	[tilespmem:$0x38D0] =	vst v1  }
0x1f: {  	[tilespmem:$0x38E0] =	vst v1  }
0x20: {  	[tilespmem:$0x38F0] =	vst v1  }
0x21: {  	[tilespmem:$0x3900] =	vst v1  }
0x22: {  	[tilespmem:$0x3910] =	vst v1  }
0x23: {  	[tilespmem:$0x3920] =	vst v1  }
0x24: {  	[tilespmem:$0x3930] =	vst v1  }
0x25: {  	[tilespmem:$0x3940] =	vst v1  }
0x26: {  	[tilespmem:$0x3950] =	vst v1  }
0x27: {  	[tilespmem:$0x3960] =	vst v1  }
0x28: {  	[tilespmem:$0x3970] =	vst v1  }
0x29: {  	[tilespmem:$0x3980] =	vst v1  }
0x2a: {  	[tilespmem:$0x3990] =	vst v1  }
0x2b: {  	[tilespmem:$0x39A0] =	vst v1  }
0x2c: {  	[tilespmem:$0x39B0] =	vst v1  }
0x2d: {  	[tilespmem:$0x39C0] =	vst v1  }
0x2e: {  	[tilespmem:$0x39D0] =	vst v1  }
0x2f: {  	[tilespmem:$0x39E0] =	vst v1  }
0x30: {  	[tilespmem:$0x39F0] =	vst v1  }
0x31: {  	[tilespmem:$0x3A00] =	vst v1  }
0x32: {  	[tilespmem:$0x3A10] =	vst v1  }
0x33: {  	[tilespmem:$0x3A20] =	vst v1  }
0x34: {  	[tilespmem:$0x3A30] =	vst v1  }
0x35: {  	[tilespmem:$0x3A40] =	vst v1  }
0x36: {  	[tilespmem:$0x3A50] =	vst v1  }
0x37: {  	[tilespmem:$0x3A60] =	vst v1  }
0x38: {  	s0 =	simm.s32 $0x0;
	[tilespmem:$0x3A70] =	vst v1  }
0x39: {  	[spmem:s5] =	stream.linear.scatter [tilespmem:s0], [sflag:$0x3], $0x1880, $0x38;
	[tilespmem:$0x6C00] =	vst v63  }
0x3a: {  	_ =	swait.ge [sflag:s18], $0x1880  }
0x3b: {  	[sflag:s18] =	ssyncset.done $0x0  }
0x3c: {  	[sflag:s18] =	ssyncadd.s32 $0xFFFFE780  }
0x3d: {  	[spmem:s6] =	stream.linear.scatter [tilespmem:s0], [sflag:$0x3], $0x1880, $0x38;
	[tilespmem:$0x6C00] =	vst v63  }
0x3e: {  	_ =	swait.ge [sflag:s18], $0x1880  }
0x3f: {  	[sflag:s18] =	ssyncset.done $0x0  }
0x40: {  	p1 =	sle.u32 s7, $0x0;
	[sflag:s18] =	ssyncadd.s32 $0xFFFFE780  }
0x41: {  	s23 =	simm.s32 @!p1 $0x1;
	p2 =	sle.u32 @!p1 s7, $0x1;
	[bflag:$0x0] =	sbarrier.arrive $0xFFFF  }
0x42: {  	[tilespmem:s21], [sflag:$0x1] =	stream.strided.gather [hbm4b:s8+s19], $0x1000, s20, s19, $0x38;
	[tilespmem:$0x6C00] =	vst v63  }
0x43: {  	p2 =	por p2, p1;
	_ =	swait.ge @!p1 [sflag:s23], $0x1000  }
0x44: {  	s24 =	sadd.s32 @!p2 $0xFFFF8000, s16;
	s25 =	simm.s32 @!p2 $0x80;
	[sflag:s23] =	ssyncset.done @!p1 $0x0  }
0x45: {  	s26 =	simm.s32 @!p2 $0x2880;
	[sflag:s23] =	ssyncadd.s32 @!p1 $0xFFFFF000;
	s23 =	simm.s32 @!p2 $0x100  }
0x46: {  	[tilespmem:s26], [sflag:$0x1] =	stream.strided.gather @!p2 [hbm4b:s24+s25], $0x1000, s23, s25, $0x38;
	[tilespmem:$0x6C00] =	vst v63  }
0x47: {  	s23 =	simm.s32 @!p1 $0x1880;
	s24 =	simm.s32 @!p1 $0x200;
	s25 =	simm.s32 @!p1 $0x3880  }
0x48: {  	[spmem:s2] =	stream.indirect.scatter.add.s32 @!p1 [tilespmem:s25], [sflag:$0x2], $0x1, s23, s24, $0xb8;
	[tilespmem:$0x6C00] =	vst v63  }
0x49: {  	s23 =	simm.s32 @!p1 $0x1A80  }
0x4a: {  	[spmem:s2] =	stream.indirect.scatter.add.s32 @!p1 [tilespmem:s25], [sflag:$0x2], $0x1, s23, s24, $0xb8;
	[tilespmem:$0x6C00] =	vst v63  }
0x4b: {  	s23 =	simm.s32 @!p1 $0x1C80  }
0x4c: {  	[spmem:s2] =	stream.indirect.scatter.add.s32 @!p1 [tilespmem:s25], [sflag:$0x2], $0x1, s23, s24, $0xb8;
	[tilespmem:$0x6C00] =	vst v63  }
0x4d: {  	s23 =	simm.s32 @!p1 $0x1E80  }
0x4e: {  	[spmem:s2] =	stream.indirect.scatter.add.s32 @!p1 [tilespmem:s25], [sflag:$0x2], $0x1, s23, s24, $0xb8;
	[tilespmem:$0x6C00] =	vst v63  }
0x4f: {  	s23 =	simm.s32 @!p1 $0x2080  }
0x50: {  	[spmem:s2] =	stream.indirect.scatter.add.s32 @!p1 [tilespmem:s25], [sflag:$0x2], $0x1, s23, s24, $0xb8;
	[tilespmem:$0x6C00] =	vst v63  }
0x51: {  	s23 =	simm.s32 @!p1 $0x2280  }
0x52: {  	[spmem:s2] =	stream.indirect.scatter.add.s32 @!p1 [tilespmem:s25], [sflag:$0x2], $0x1, s23, s24, $0xb8;
	[tilespmem:$0x6C00] =	vst v63  }
0x53: {  	s23 =	simm.s32 @!p1 $0x2480  }
0x54: {  	[spmem:s2] =	stream.indirect.scatter.add.s32 @!p1 [tilespmem:s25], [sflag:$0x2], $0x1, s23, s24, $0xb8;
	[tilespmem:$0x6C00] =	vst v63  }
0x55: {  	s26 =	simm.s32 @!p1 $0x2;
	s23 =	simm.s32 @!p1 $0x2680  }
0x56: {  	[spmem:s2] =	stream.indirect.scatter.add.s32 @!p1 [tilespmem:s25], [sflag:$0x2], $0x1, s23, s24, $0xb8;
	[tilespmem:$0x6C00] =	vst v63  }
0x57: {  	_ =	swait.ge @!p1 [sflag:s26], $0x200  }
0x58: {  	[sflag:s26] =	ssyncset.done @!p1 $0x0  }
0x59: {  	[sflag:s26] =	ssyncadd.s32 @!p1 $0xFFFFFE00  }
0x5a: {  	_ =	swait.ge @!p1 [sflag:s26], $0x200  }
0x5b: {  	[sflag:s26] =	ssyncset.done @!p1 $0x0  }
0x5c: {  	[sflag:s26] =	ssyncadd.s32 @!p1 $0xFFFFFE00  }
0x5d: {  	_ =	swait.ge @!p1 [sflag:s26], $0x200  }
0x5e: {  	[sflag:s26] =	ssyncset.done @!p1 $0x0  }
0x5f: {  	[sflag:s26] =	ssyncadd.s32 @!p1 $0xFFFFFE00  }
0x60: {  	_ =	swait.ge @!p1 [sflag:s26], $0x200  }
0x61: {  	[sflag:s26] =	ssyncset.done @!p1 $0x0  }
0x62: {  	[sflag:s26] =	ssyncadd.s32 @!p1 $0xFFFFFE00  }
0x63: {  	_ =	swait.ge @!p1 [sflag:s26], $0x200  }
0x64: {  	[sflag:s26] =	ssyncset.done @!p1 $0x0  }
0x65: {  	[sflag:s26] =	ssyncadd.s32 @!p1 $0xFFFFFE00  }
0x66: {  	_ =	swait.ge @!p1 [sflag:s26], $0x200  }
0x67: {  	[sflag:s26] =	ssyncset.done @!p1 $0x0  }
0x68: {  	[sflag:s26] =	ssyncadd.s32 @!p1 $0xFFFFFE00  }
0x69: {  	_ =	swait.ge @!p1 [sflag:s26], $0x200  }
0x6a: {  	[sflag:s26] =	ssyncset.done @!p1 $0x0  }
0x6b: {  	[sflag:s26] =	ssyncadd.s32 @!p1 $0xFFFFFE00  }
0x6c: {  	_ =	swait.ge @!p1 [sflag:s26], $0x200  }
0x6d: {  	p2 =	sle.u32 s9, $0x0;
	[sflag:s26] =	ssyncset.done @!p1 $0x0  }
0x6e: {  	p3 =	sle.u32 @!p2 s7, $0x2;
	s23 =	simm.s32 @!p2 $0x1;
	[sflag:s26] =	ssyncadd.s32 @!p1 $0xFFFFFE00  }
0x6f: {  	p1 =	por p3, p2;
	_ =	swait.ge @!p2 [sflag:s23], $0x1000  }
0x70: {  	s24 =	simm.s32 @!p1 $0x1880;
	[sflag:s23] =	ssyncset.done @!p2 $0x0  }
0x71: {  	s25 =	simm.s32 @!p1 $0x80;
	s26 =	simm.s32 @!p1 $0x100;
	[sflag:s23] =	ssyncadd.s32 @!p2 $0xFFFFF000  }
0x72: {  	[tilespmem:s24], [sflag:$0x1] =	stream.strided.gather @!p1 [hbm4b:s16+s25], $0x1000, s26, s25, $0x38;
	[tilespmem:$0x6C00] =	vst v63  }
0x73: {  	s23 =	simm.s32 @!p2 $0x3880;
	s24 =	simm.s32 @!p2 $0x200;
	s25 =	simm.s32 @!p2 $0x2880  }
0x74: {  	[spmem:s2] =	stream.indirect.scatter.add.s32 @!p2 [tilespmem:s23], [sflag:$0x2], $0x1, s25, s24, $0xb8;
	[tilespmem:$0x6C00] =	vst v63  }
0x75: {  	s25 =	simm.s32 @!p2 $0x2A80  }
0x76: {  	[spmem:s2] =	stream.indirect.scatter.add.s32 @!p2 [tilespmem:s23], [sflag:$0x2], $0x1, s25, s24, $0xb8;
	[tilespmem:$0x6C00] =	vst v63  }
0x77: {  	s25 =	simm.s32 @!p2 $0x2C80  }
0x78: {  	[spmem:s2] =	stream.indirect.scatter.add.s32 @!p2 [tilespmem:s23], [sflag:$0x2], $0x1, s25, s24, $0xb8;
	[tilespmem:$0x6C00] =	vst v63  }
0x79: {  	s25 =	simm.s32 @!p2 $0x2E80  }
0x7a: {  	[spmem:s2] =	stream.indirect.scatter.add.s32 @!p2 [tilespmem:s23], [sflag:$0x2], $0x1, s25, s24, $0xb8;
	[tilespmem:$0x6C00] =	vst v63  }
0x7b: {  	s25 =	simm.s32 @!p2 $0x3080  }
0x7c: {  	[spmem:s2] =	stream.indirect.scatter.add.s32 @!p2 [tilespmem:s23], [sflag:$0x2], $0x1, s25, s24, $0xb8;
	[tilespmem:$0x6C00] =	vst v63  }
0x7d: {  	s25 =	simm.s32 @!p2 $0x3280  }
0x7e: {  	[spmem:s2] =	stream.indirect.scatter.add.s32 @!p2 [tilespmem:s23], [sflag:$0x2], $0x1, s25, s24, $0xb8;
	[tilespmem:$0x6C00] =	vst v63  }
0x7f: {  	s25 =	simm.s32 @!p2 $0x3480  }
0x80: {  	[spmem:s2] =	stream.indirect.scatter.add.s32 @!p2 [tilespmem:s23], [sflag:$0x2], $0x1, s25, s24, $0xb8;
	[tilespmem:$0x6C00] =	vst v63  }
0x81: {  	s29 =	simm.s32 @!p2 $0x2;
	s25 =	simm.s32 @!p2 $0x3680  }
0x82: {  	[spmem:s2] =	stream.indirect.scatter.add.s32 @!p2 [tilespmem:s23], [sflag:$0x2], $0x1, s25, s24, $0xb8;
	[tilespmem:$0x6C00] =	vst v63  }
0x83: {  	_ =	swait.ge @!p2 [sflag:s29], $0x200  }
0x84: {  	[sflag:s29] =	ssyncset.done @!p2 $0x0  }
0x85: {  	[sflag:s29] =	ssyncadd.s32 @!p2 $0xFFFFFE00  }
0x86: {  	_ =	swait.ge @!p2 [sflag:s29], $0x200  }
0x87: {  	[sflag:s29] =	ssyncset.done @!p2 $0x0  }
0x88: {  	[sflag:s29] =	ssyncadd.s32 @!p2 $0xFFFFFE00  }
0x89: {  	_ =	swait.ge @!p2 [sflag:s29], $0x200  }
0x8a: {  	[sflag:s29] =	ssyncset.done @!p2 $0x0  }
0x8b: {  	[sflag:s29] =	ssyncadd.s32 @!p2 $0xFFFFFE00  }
0x8c: {  	_ =	swait.ge @!p2 [sflag:s29], $0x200  }
0x8d: {  	[sflag:s29] =	ssyncset.done @!p2 $0x0  }
0x8e: {  	[sflag:s29] =	ssyncadd.s32 @!p2 $0xFFFFFE00  }
0x8f: {  	_ =	swait.ge @!p2 [sflag:s29], $0x200  }
0x90: {  	[sflag:s29] =	ssyncset.done @!p2 $0x0  }
0x91: {  	[sflag:s29] =	ssyncadd.s32 @!p2 $0xFFFFFE00  }
0x92: {  	_ =	swait.ge @!p2 [sflag:s29], $0x200  }
0x93: {  	[sflag:s29] =	ssyncset.done @!p2 $0x0  }
0x94: {  	[sflag:s29] =	ssyncadd.s32 @!p2 $0xFFFFFE00  }
0x95: {  	_ =	swait.ge @!p2 [sflag:s29], $0x200  }
0x96: {  	s26 =	simm.s32 $0x2;
	[sflag:s29] =	ssyncset.done @!p2 $0x0  }
0x97: {  	p1 =	sle.u32 s7, $0x2;
	s24 =	simm.s32 $0x4;
	[sflag:s29] =	ssyncadd.s32 @!p2 $0xFFFFFE00  }
0x98: {  	s25 =	simm.s32 $0x6;
	s23 =	sadd.s32 $0x10000, s16;
	_ =	swait.ge @!p2 [sflag:s29], $0x200  }
.LBB2_4:
0x99: {  	s30 =	simm.s32 @!p1 $0x1  }
0x9a: {  	s31 =	sadd.s32 @!p1 $0xFFFFFFFF, s24;
	[sflag:s29] =	ssyncset.done @!p2 $0x0;
	s28 =	smov.u32 s25  }
0x9b: {  	p3 =	sge.u32 @!p1 s31, s7;
	s31 =	simm.s32 @!p1 $0x1880;
	[sflag:s29] =	ssyncadd.s32 @!p2 $0xFFFFFE00  }
0x9c: {  	s29 =	simm.s32 @!p1 $0x200;
	_ =	swait.ge @!p1 [sflag:s30], $0x1000;
	p2 =	por p3, p1  }
0x9d: {  	[sflag:s30] =	ssyncset.done @!p1 $0x0;
	s1 =	sadd.s32 @!p2 $0xFFFF8000, s23;
	s0 =	simm.s32 @!p2 $0x80  }
0x9e: {  	s4 =	simm.s32 @!p2 $0x2880;
	[sflag:s30] =	ssyncadd.s32 @!p1 $0xFFFFF000;
	s30 =	simm.s32 @!p2 $0x100  }
0x9f: {  	[tilespmem:s4], [sflag:$0x1] =	stream.strided.gather @!p2 [hbm4b:s1+s0], $0x1000, s30, s0, $0x38;
	[tilespmem:$0x6C00] =	vst v63  }
0xa0: {  	s25 =	sadd.s32 $0x2, s25;
	s0 =	simm.s32 @!p1 $0x3880;
	s1 =	simm.s32 @!p1 $0x1A80  }
0xa1: {  	[spmem:s2] =	stream.indirect.scatter.add.s32 @!p1 [tilespmem:s0], [sflag:$0x2], $0x1, s31, s29, $0xb8;
	[tilespmem:$0x6C00] =	vst v63  }
0xa2: {  	p3 =	sne.s32 s25, $0x10;
	s4 =	simm.s32 @!p1 $0x1C80  }
0xa3: {  	[spmem:s2] =	stream.indirect.scatter.add.s32 @!p1 [tilespmem:s0], [sflag:$0x2], $0x1, s1, s29, $0xb8;
	[tilespmem:$0x6C00] =	vst v63  }
0xa4: {  	s1 =	simm.s32 @!p1 $0x1E80  }
0xa5: {  	[spmem:s2] =	stream.indirect.scatter.add.s32 @!p1 [tilespmem:s0], [sflag:$0x2], $0x1, s4, s29, $0xb8;
	[tilespmem:$0x6C00] =	vst v63  }
0xa6: {  	s4 =	simm.s32 @!p1 $0x2080  }
0xa7: {  	[spmem:s2] =	stream.indirect.scatter.add.s32 @!p1 [tilespmem:s0], [sflag:$0x2], $0x1, s1, s29, $0xb8;
	[tilespmem:$0x6C00] =	vst v63  }
0xa8: {  	s1 =	simm.s32 @!p1 $0x2280  }
0xa9: {  	[spmem:s2] =	stream.indirect.scatter.add.s32 @!p1 [tilespmem:s0], [sflag:$0x2], $0x1, s4, s29, $0xb8;
	[tilespmem:$0x6C00] =	vst v63  }
0xaa: {  	s4 =	simm.s32 @!p1 $0x2480  }
0xab: {  	[spmem:s2] =	stream.indirect.scatter.add.s32 @!p1 [tilespmem:s0], [sflag:$0x2], $0x1, s1, s29, $0xb8;
	[tilespmem:$0x6C00] =	vst v63  }
0xac: {  	s1 =	simm.s32 @!p1 $0x2680  }
0xad: {  	[spmem:s2] =	stream.indirect.scatter.add.s32 @!p1 [tilespmem:s0], [sflag:$0x2], $0x1, s4, s29, $0xb8;
	[tilespmem:$0x6C00] =	vst v63  }
0xae: {  	s4 =	simm.s32 @!p1 $0x2  }
0xaf: {  	[spmem:s2] =	stream.indirect.scatter.add.s32 @!p1 [tilespmem:s0], [sflag:$0x2], $0x1, s1, s29, $0xb8;
	[tilespmem:$0x6C00] =	vst v63  }
0xb0: {  	_ =	swait.ge @!p1 [sflag:s4], $0x200  }
0xb1: {  	[sflag:s4] =	ssyncset.done @!p1 $0x0  }
0xb2: {  	[sflag:s4] =	ssyncadd.s32 @!p1 $0xFFFFFE00  }
0xb3: {  	_ =	swait.ge @!p1 [sflag:s4], $0x200  }
0xb4: {  	[sflag:s4] =	ssyncset.done @!p1 $0x0  }
0xb5: {  	[sflag:s4] =	ssyncadd.s32 @!p1 $0xFFFFFE00  }
0xb6: {  	_ =	swait.ge @!p1 [sflag:s4], $0x200  }
0xb7: {  	[sflag:s4] =	ssyncset.done @!p1 $0x0  }
0xb8: {  	[sflag:s4] =	ssyncadd.s32 @!p1 $0xFFFFFE00  }
0xb9: {  	_ =	swait.ge @!p1 [sflag:s4], $0x200  }
0xba: {  	[sflag:s4] =	ssyncset.done @!p1 $0x0  }
0xbb: {  	[sflag:s4] =	ssyncadd.s32 @!p1 $0xFFFFFE00  }
0xbc: {  	_ =	swait.ge @!p1 [sflag:s4], $0x200  }
0xbd: {  	[sflag:s4] =	ssyncset.done @!p1 $0x0  }
0xbe: {  	[sflag:s4] =	ssyncadd.s32 @!p1 $0xFFFFFE00  }
0xbf: {  	_ =	swait.ge @!p1 [sflag:s4], $0x200  }
0xc0: {  	[sflag:s4] =	ssyncset.done @!p1 $0x0  }
0xc1: {  	[sflag:s4] =	ssyncadd.s32 @!p1 $0xFFFFFE00  }
0xc2: {  	_ =	swait.ge @!p1 [sflag:s4], $0x200  }
0xc3: {  	[sflag:s4] =	ssyncset.done @!p1 $0x0  }
0xc4: {  	[sflag:s4] =	ssyncadd.s32 @!p1 $0xFFFFFE00  }
0xc5: {  	p2 =	sge.u32 s26, s9;
	_ =	swait.ge @!p1 [sflag:s4], $0x200  }
0xc6: {  	p4 =	sge.u32 @!p2 s24, s7;
	s0 =	simm.s32 @!p2 $0x1;
	[sflag:s4] =	ssyncset.done @!p1 $0x0  }
0xc7: {  	s24 =	smov.u32 s28;
	[sflag:s4] =	ssyncadd.s32 @!p1 $0xFFFFFE00;
	p1 =	por p4, p2  }
0xc8: {  	s4 =	simm.s32 @!p2 $0x3880;
	_ =	swait.ge @!p2 [sflag:s0], $0x1000;
	s1 =	simm.s32 @!p1 $0x1880  }
0xc9: {  	s26 =	simm.s32 @!p1 $0x80;
	s28 =	simm.s32 @!p1 $0x100;
	[sflag:s0] =	ssyncset.done @!p2 $0x0  }
0xca: {  	s29 =	simm.s32 @!p2 $0x2880;
	[sflag:s0] =	ssyncadd.s32 @!p2 $0xFFFFF000;
	s0 =	simm.s32 @!p2 $0x200  }
0xcb: {  	[tilespmem:s1], [sflag:$0x1] =	stream.strided.gather @!p1 [hbm4b:s23+s26], $0x1000, s28, s26, $0x38;
	[tilespmem:$0x6C00] =	vst v63  }
0xcc: {  	s1 =	simm.s32 @!p2 $0x2A80  }
0xcd: {  	[spmem:s2] =	stream.indirect.scatter.add.s32 @!p2 [tilespmem:s4], [sflag:$0x2], $0x1, s29, s0, $0xb8;
	[tilespmem:$0x6C00] =	vst v63  }
0xce: {  	s26 =	simm.s32 @!p2 $0x2C80  }
0xcf: {  	[spmem:s2] =	stream.indirect.scatter.add.s32 @!p2 [tilespmem:s4], [sflag:$0x2], $0x1, s1, s0, $0xb8;
	[tilespmem:$0x6C00] =	vst v63  }
0xd0: {  	s1 =	simm.s32 @!p2 $0x2E80  }
0xd1: {  	[spmem:s2] =	stream.indirect.scatter.add.s32 @!p2 [tilespmem:s4], [sflag:$0x2], $0x1, s26, s0, $0xb8;
	[tilespmem:$0x6C00] =	vst v63  }
0xd2: {  	s26 =	simm.s32 @!p2 $0x3080  }
0xd3: {  	[spmem:s2] =	stream.indirect.scatter.add.s32 @!p2 [tilespmem:s4], [sflag:$0x2], $0x1, s1, s0, $0xb8;
	[tilespmem:$0x6C00] =	vst v63  }
0xd4: {  	s1 =	simm.s32 @!p2 $0x3280  }
0xd5: {  	[spmem:s2] =	stream.indirect.scatter.add.s32 @!p2 [tilespmem:s4], [sflag:$0x2], $0x1, s26, s0, $0xb8;
	[tilespmem:$0x6C00] =	vst v63  }
0xd6: {  	s26 =	simm.s32 @!p2 $0x3480  }
0xd7: {  	[spmem:s2] =	stream.indirect.scatter.add.s32 @!p2 [tilespmem:s4], [sflag:$0x2], $0x1, s1, s0, $0xb8;
	[tilespmem:$0x6C00] =	vst v63  }
0xd8: {  	s1 =	simm.s32 @!p2 $0x3680  }
0xd9: {  	[spmem:s2] =	stream.indirect.scatter.add.s32 @!p2 [tilespmem:s4], [sflag:$0x2], $0x1, s26, s0, $0xb8;
	[tilespmem:$0x6C00] =	vst v63  }
0xda: {  	s29 =	simm.s32 @!p2 $0x2  }
0xdb: {  	[spmem:s2] =	stream.indirect.scatter.add.s32 @!p2 [tilespmem:s4], [sflag:$0x2], $0x1, s1, s0, $0xb8;
	[tilespmem:$0x6C00] =	vst v63  }
0xdc: {  	_ =	swait.ge @!p2 [sflag:s29], $0x200  }
0xdd: {  	[sflag:s29] =	ssyncset.done @!p2 $0x0  }
0xde: {  	[sflag:s29] =	ssyncadd.s32 @!p2 $0xFFFFFE00  }
0xdf: {  	_ =	swait.ge @!p2 [sflag:s29], $0x200  }
0xe0: {  	[sflag:s29] =	ssyncset.done @!p2 $0x0  }
0xe1: {  	[sflag:s29] =	ssyncadd.s32 @!p2 $0xFFFFFE00  }
0xe2: {  	_ =	swait.ge @!p2 [sflag:s29], $0x200  }
0xe3: {  	[sflag:s29] =	ssyncset.done @!p2 $0x0  }
0xe4: {  	[sflag:s29] =	ssyncadd.s32 @!p2 $0xFFFFFE00  }
0xe5: {  	_ =	swait.ge @!p2 [sflag:s29], $0x200  }
0xe6: {  	[sflag:s29] =	ssyncset.done @!p2 $0x0  }
0xe7: {  	[sflag:s29] =	ssyncadd.s32 @!p2 $0xFFFFFE00  }
0xe8: {  	_ =	swait.ge @!p2 [sflag:s29], $0x200  }
0xe9: {  	[sflag:s29] =	ssyncset.done @!p2 $0x0  }
0xea: {  	[sflag:s29] =	ssyncadd.s32 @!p2 $0xFFFFFE00  }
0xeb: {  	_ =	swait.ge @!p2 [sflag:s29], $0x200  }
0xec: {  	[sflag:s29] =	ssyncset.done @!p2 $0x0  }
.Ltmp1:
0xed: {  	[sflag:s29] =	ssyncadd.s32 @!p2 $0xFFFFFE00;
	(pc) =	sbr.rel @p3 .LBB2_4-.Ltmp1, $4  }
0xee: {  	_ =	swait.ge @!p2 [sflag:s29], $0x200  }
0xef: {  	[sflag:s29] =	ssyncset.done @!p2 $0x0  }
0xf0: {  	s26 =	sadd.s32 $0xFFFFFFFE, s24;
	[sflag:s29] =	ssyncadd.s32 @!p2 $0xFFFFFE00  }
0xf1: {  	s23 =	sadd.s32 $0x10000, s23;
	p1 =	sge.u32 s26, s7;
	_ =	swait.ge @!p2 [sflag:s29], $0x200  }
0xf2: {  	s0 =	sadd.s32 @!p1 $0xFFFFFFFF, s24;
	[sflag:s29] =	ssyncset.done @!p2 $0x0  }
0xf3: {  	s1 =	simm.s32 @!p1 $0x1;
	p3 =	sge.u32 @!p1 s0, s7;
	[sflag:s29] =	ssyncadd.s32 @!p2 $0xFFFFFE00  }
0xf4: {  	_ =	swait.ge @!p1 [sflag:s1], $0x1000;
	p2 =	por p3, p1  }
0xf5: {  	[sflag:s1] =	ssyncset.done @!p1 $0x0;
	s0 =	sadd.s32 @!p2 $0xFFFF8000, s23;
	s4 =	simm.s32 @!p2 $0x80  }
0xf6: {  	s25 =	simm.s32 @!p2 $0x2880;
	[sflag:s1] =	ssyncadd.s32 @!p1 $0xFFFFF000;
	s1 =	simm.s32 @!p2 $0x100  }
0xf7: {  	[tilespmem:s25], [sflag:$0x1] =	stream.strided.gather @!p2 [hbm4b:s0+s4], $0x1000, s1, s4, $0x38;
	[tilespmem:$0x6C00] =	vst v63  }
0xf8: {  	s0 =	simm.s32 @!p1 $0x1880;
	s1 =	simm.s32 @!p1 $0x200;
	s4 =	simm.s32 @!p1 $0x3880  }
0xf9: {  	[spmem:s2] =	stream.indirect.scatter.add.s32 @!p1 [tilespmem:s4], [sflag:$0x2], $0x1, s0, s1, $0xb8;
	[tilespmem:$0x6C00] =	vst v63  }
0xfa: {  	s0 =	simm.s32 @!p1 $0x1A80  }
0xfb: {  	[spmem:s2] =	stream.indirect.scatter.add.s32 @!p1 [tilespmem:s4], [sflag:$0x2], $0x1, s0, s1, $0xb8;
	[tilespmem:$0x6C00] =	vst v63  }
0xfc: {  	s0 =	simm.s32 @!p1 $0x1C80  }
0xfd: {  	[spmem:s2] =	stream.indirect.scatter.add.s32 @!p1 [tilespmem:s4], [sflag:$0x2], $0x1, s0, s1, $0xb8;
	[tilespmem:$0x6C00] =	vst v63  }
0xfe: {  	s0 =	simm.s32 @!p1 $0x1E80  }
0xff: {  	[spmem:s2] =	stream.indirect.scatter.add.s32 @!p1 [tilespmem:s4], [sflag:$0x2], $0x1, s0, s1, $0xb8;
	[tilespmem:$0x6C00] =	vst v63  }
0x100: {  	s0 =	simm.s32 @!p1 $0x2080  }
0x101: {  	[spmem:s2] =	stream.indirect.scatter.add.s32 @!p1 [tilespmem:s4], [sflag:$0x2], $0x1, s0, s1, $0xb8;
	[tilespmem:$0x6C00] =	vst v63  }
0x102: {  	s0 =	simm.s32 @!p1 $0x2280  }
0x103: {  	[spmem:s2] =	stream.indirect.scatter.add.s32 @!p1 [tilespmem:s4], [sflag:$0x2], $0x1, s0, s1, $0xb8;
	[tilespmem:$0x6C00] =	vst v63  }
0x104: {  	s0 =	simm.s32 @!p1 $0x2480  }
0x105: {  	[spmem:s2] =	stream.indirect.scatter.add.s32 @!p1 [tilespmem:s4], [sflag:$0x2], $0x1, s0, s1, $0xb8;
	[tilespmem:$0x6C00] =	vst v63  }
0x106: {  	s25 =	simm.s32 @!p1 $0x2;
	s0 =	simm.s32 @!p1 $0x2680  }
0x107: {  	[spmem:s2] =	stream.indirect.scatter.add.s32 @!p1 [tilespmem:s4], [sflag:$0x2], $0x1, s0, s1, $0xb8;
	[tilespmem:$0x6C00] =	vst v63  }
0x108: {  	_ =	swait.ge @!p1 [sflag:s25], $0x200  }
0x109: {  	[sflag:s25] =	ssyncset.done @!p1 $0x0  }
0x10a: {  	[sflag:s25] =	ssyncadd.s32 @!p1 $0xFFFFFE00  }
0x10b: {  	_ =	swait.ge @!p1 [sflag:s25], $0x200  }
0x10c: {  	[sflag:s25] =	ssyncset.done @!p1 $0x0  }
0x10d: {  	[sflag:s25] =	ssyncadd.s32 @!p1 $0xFFFFFE00  }
0x10e: {  	_ =	swait.ge @!p1 [sflag:s25], $0x200  }
0x10f: {  	[sflag:s25] =	ssyncset.done @!p1 $0x0  }
0x110: {  	[sflag:s25] =	ssyncadd.s32 @!p1 $0xFFFFFE00  }
0x111: {  	_ =	swait.ge @!p1 [sflag:s25], $0x200  }
0x112: {  	[sflag:s25] =	ssyncset.done @!p1 $0x0  }
0x113: {  	[sflag:s25] =	ssyncadd.s32 @!p1 $0xFFFFFE00  }
0x114: {  	_ =	swait.ge @!p1 [sflag:s25], $0x200  }
0x115: {  	[sflag:s25] =	ssyncset.done @!p1 $0x0  }
0x116: {  	[sflag:s25] =	ssyncadd.s32 @!p1 $0xFFFFFE00  }
0x117: {  	_ =	swait.ge @!p1 [sflag:s25], $0x200  }
0x118: {  	[sflag:s25] =	ssyncset.done @!p1 $0x0  }
0x119: {  	[sflag:s25] =	ssyncadd.s32 @!p1 $0xFFFFFE00  }
0x11a: {  	_ =	swait.ge @!p1 [sflag:s25], $0x200  }
0x11b: {  	[sflag:s25] =	ssyncset.done @!p1 $0x0  }
0x11c: {  	[sflag:s25] =	ssyncadd.s32 @!p1 $0xFFFFFE00  }
0x11d: {  	_ =	swait.ge @!p1 [sflag:s25], $0x200  }
0x11e: {  	p2 =	sge.u32 s26, s9;
	[sflag:s25] =	ssyncset.done @!p1 $0x0  }
0x11f: {  	p3 =	sge.u32 @!p2 s24, s7;
	s0 =	simm.s32 @!p2 $0x1;
	[sflag:s25] =	ssyncadd.s32 @!p1 $0xFFFFFE00  }
0x120: {  	p1 =	por p3, p2;
	_ =	swait.ge @!p2 [sflag:s0], $0x1000  }
0x121: {  	s1 =	simm.s32 @!p1 $0x1880;
	[sflag:s0] =	ssyncset.done @!p2 $0x0  }
0x122: {  	s4 =	simm.s32 @!p1 $0x80;
	s24 =	simm.s32 @!p1 $0x100;
	[sflag:s0] =	ssyncadd.s32 @!p2 $0xFFFFF000  }
0x123: {  	[tilespmem:s1], [sflag:$0x1] =	stream.strided.gather @!p1 [hbm4b:s23+s4], $0x1000, s24, s4, $0x38;
	[tilespmem:$0x6C00] =	vst v63  }
0x124: {  	s0 =	simm.s32 @!p2 $0x3880;
	s1 =	simm.s32 @!p2 $0x200;
	s4 =	simm.s32 @!p2 $0x2880  }
0x125: {  	[spmem:s2] =	stream.indirect.scatter.add.s32 @!p2 [tilespmem:s0], [sflag:$0x2], $0x1, s4, s1, $0xb8;
	[tilespmem:$0x6C00] =	vst v63  }
0x126: {  	s4 =	simm.s32 @!p2 $0x2A80  }
0x127: {  	[spmem:s2] =	stream.indirect.scatter.add.s32 @!p2 [tilespmem:s0], [sflag:$0x2], $0x1, s4, s1, $0xb8;
	[tilespmem:$0x6C00] =	vst v63  }
0x128: {  	s4 =	simm.s32 @!p2 $0x2C80  }
0x129: {  	[spmem:s2] =	stream.indirect.scatter.add.s32 @!p2 [tilespmem:s0], [sflag:$0x2], $0x1, s4, s1, $0xb8;
	[tilespmem:$0x6C00] =	vst v63  }
0x12a: {  	s4 =	simm.s32 @!p2 $0x2E80  }
0x12b: {  	[spmem:s2] =	stream.indirect.scatter.add.s32 @!p2 [tilespmem:s0], [sflag:$0x2], $0x1, s4, s1, $0xb8;
	[tilespmem:$0x6C00] =	vst v63  }
0x12c: {  	s4 =	simm.s32 @!p2 $0x3080  }
0x12d: {  	[spmem:s2] =	stream.indirect.scatter.add.s32 @!p2 [tilespmem:s0], [sflag:$0x2], $0x1, s4, s1, $0xb8;
	[tilespmem:$0x6C00] =	vst v63  }
0x12e: {  	s4 =	simm.s32 @!p2 $0x3280  }
0x12f: {  	[spmem:s2] =	stream.indirect.scatter.add.s32 @!p2 [tilespmem:s0], [sflag:$0x2], $0x1, s4, s1, $0xb8;
	[tilespmem:$0x6C00] =	vst v63  }
0x130: {  	s4 =	simm.s32 @!p2 $0x3480  }
0x131: {  	[spmem:s2] =	stream.indirect.scatter.add.s32 @!p2 [tilespmem:s0], [sflag:$0x2], $0x1, s4, s1, $0xb8;
	[tilespmem:$0x6C00] =	vst v63  }
0x132: {  	s23 =	simm.s32 @!p2 $0x2;
	s4 =	simm.s32 @!p2 $0x3680  }
0x133: {  	[spmem:s2] =	stream.indirect.scatter.add.s32 @!p2 [tilespmem:s0], [sflag:$0x2], $0x1, s4, s1, $0xb8;
	[tilespmem:$0x6C00] =	vst v63  }
0x134: {  	_ =	swait.ge @!p2 [sflag:s23], $0x200  }
0x135: {  	[sflag:s23] =	ssyncset.done @!p2 $0x0  }
0x136: {  	[sflag:s23] =	ssyncadd.s32 @!p2 $0xFFFFFE00  }
0x137: {  	_ =	swait.ge @!p2 [sflag:s23], $0x200  }
0x138: {  	[sflag:s23] =	ssyncset.done @!p2 $0x0  }
0x139: {  	[sflag:s23] =	ssyncadd.s32 @!p2 $0xFFFFFE00  }
0x13a: {  	_ =	swait.ge @!p2 [sflag:s23], $0x200  }
0x13b: {  	[sflag:s23] =	ssyncset.done @!p2 $0x0  }
0x13c: {  	[sflag:s23] =	ssyncadd.s32 @!p2 $0xFFFFFE00  }
0x13d: {  	_ =	swait.ge @!p2 [sflag:s23], $0x200  }
0x13e: {  	[sflag:s23] =	ssyncset.done @!p2 $0x0  }
0x13f: {  	[sflag:s23] =	ssyncadd.s32 @!p2 $0xFFFFFE00  }
0x140: {  	_ =	swait.ge @!p2 [sflag:s23], $0x200  }
0x141: {  	[sflag:s23] =	ssyncset.done @!p2 $0x0  }
0x142: {  	[sflag:s23] =	ssyncadd.s32 @!p2 $0xFFFFFE00  }
0x143: {  	_ =	swait.ge @!p2 [sflag:s23], $0x200  }
0x144: {  	[sflag:s23] =	ssyncset.done @!p2 $0x0  }
0x145: {  	[sflag:s23] =	ssyncadd.s32 @!p2 $0xFFFFFE00  }
0x146: {  	_ =	swait.ge @!p2 [sflag:s23], $0x200  }
0x147: {  	[sflag:s23] =	ssyncset.done @!p2 $0x0  }
0x148: {  	[sflag:s23] =	ssyncadd.s32 @!p2 $0xFFFFFE00  }
0x149: {  	_ =	swait.ge @!p2 [sflag:s23], $0x200  }
0x14a: {  	[sflag:s23] =	ssyncset.done @!p2 $0x0  }
0x14b: {  	s0 =	simm.s32 @!p0 $0x0;
	s1 =	simm.s32 @!p0 $0x3A80;
	[sflag:s23] =	ssyncadd.s32 @!p2 $0xFFFFFE00  }
0x14c: {  	[tilespmem:s1], [sflag:$0x3] =	stream.linear.gather @!p0 [hbm4b:s10+s0], $0x80, $0x38;
	[tilespmem:$0x6C00] =	vst v63  }
0x14d: {  	s0 =	simm.s32 @!p0 $0x3  }
0x14e: {  	_ =	swait.ge @!p0 [sflag:s0], $0x80  }
0x14f: {  	[sflag:s0] =	ssyncset.done @!p0 $0x0  }
0x150: {  	s4 =	simm.s32 @!p0 $0x80;
	s23 =	simm.s32 @!p0 $0x3880;
	[sflag:s0] =	ssyncadd.s32 @!p0 $0xFFFFFF80  }
0x151: {  	[spmem:s2] =	stream.indirect.scatter.add.s32 @!p0 [tilespmem:s23], [sflag:$0x3], $0x1, s1, s4, $0xb8;
	[tilespmem:$0x6C00] =	vst v63  }
0x152: {  	_ =	swait.ge @!p0 [sflag:s0], $0x80  }
0x153: {  	p1 =	sle.u32 s7, $0x0;
	[sflag:s0] =	ssyncset.done @!p0 $0x0  }
0x154: {  	p2 =	sle.u32 @!p1 s7, $0x1;
	[sflag:s0] =	ssyncadd.s32 @!p0 $0xFFFFFF80;
	s0 =	simm.s32 @!p1 $0x1  }
0x155: {  	[tilespmem:s21], [sflag:$0x1] =	stream.strided.gather [hbm4b:s11+s19], $0x1000, s20, s19, $0x38;
	[tilespmem:$0x6C00] =	vst v63  }
0x156: {  	p2 =	por p2, p1;
	_ =	swait.ge @!p1 [sflag:s0], $0x1000  }
0x157: {  	s1 =	sadd.s32 @!p2 $0xFFFF8000, s17;
	s4 =	simm.s32 @!p2 $0x80;
	[sflag:s0] =	ssyncset.done @!p1 $0x0  }
0x158: {  	s23 =	simm.s32 @!p2 $0x2880;
	[sflag:s0] =	ssyncadd.s32 @!p1 $0xFFFFF000;
	s0 =	simm.s32 @!p2 $0x100  }
0x159: {  	[tilespmem:s23], [sflag:$0x1] =	stream.strided.gather @!p2 [hbm4b:s1+s4], $0x1000, s0, s4, $0x38;
	[tilespmem:$0x6C00] =	vst v63  }
0x15a: {  	s0 =	simm.s32 @!p1 $0x1880;
	s1 =	simm.s32 @!p1 $0x200;
	s4 =	simm.s32 @!p1 $0x3880  }
0x15b: {  	[spmem:s3] =	stream.indirect.scatter.add.s32 @!p1 [tilespmem:s4], [sflag:$0x2], $0x1, s0, s1, $0xb8;
	[tilespmem:$0x6C00] =	vst v63  }
0x15c: {  	s0 =	simm.s32 @!p1 $0x1A80  }
0x15d: {  	[spmem:s3] =	stream.indirect.scatter.add.s32 @!p1 [tilespmem:s4], [sflag:$0x2], $0x1, s0, s1, $0xb8;
	[tilespmem:$0x6C00] =	vst v63  }
0x15e: {  	s0 =	simm.s32 @!p1 $0x1C80  }
0x15f: {  	[spmem:s3] =	stream.indirect.scatter.add.s32 @!p1 [tilespmem:s4], [sflag:$0x2], $0x1, s0, s1, $0xb8;
	[tilespmem:$0x6C00] =	vst v63  }
0x160: {  	s0 =	simm.s32 @!p1 $0x1E80  }
0x161: {  	[spmem:s3] =	stream.indirect.scatter.add.s32 @!p1 [tilespmem:s4], [sflag:$0x2], $0x1, s0, s1, $0xb8;
	[tilespmem:$0x6C00] =	vst v63  }
0x162: {  	s0 =	simm.s32 @!p1 $0x2080  }
0x163: {  	[spmem:s3] =	stream.indirect.scatter.add.s32 @!p1 [tilespmem:s4], [sflag:$0x2], $0x1, s0, s1, $0xb8;
	[tilespmem:$0x6C00] =	vst v63  }
0x164: {  	s0 =	simm.s32 @!p1 $0x2280  }
0x165: {  	[spmem:s3] =	stream.indirect.scatter.add.s32 @!p1 [tilespmem:s4], [sflag:$0x2], $0x1, s0, s1, $0xb8;
	[tilespmem:$0x6C00] =	vst v63  }
0x166: {  	s0 =	simm.s32 @!p1 $0x2480  }
0x167: {  	[spmem:s3] =	stream.indirect.scatter.add.s32 @!p1 [tilespmem:s4], [sflag:$0x2], $0x1, s0, s1, $0xb8;
	[tilespmem:$0x6C00] =	vst v63  }
0x168: {  	s23 =	simm.s32 @!p1 $0x2;
	s0 =	simm.s32 @!p1 $0x2680  }
0x169: {  	[spmem:s3] =	stream.indirect.scatter.add.s32 @!p1 [tilespmem:s4], [sflag:$0x2], $0x1, s0, s1, $0xb8;
	[tilespmem:$0x6C00] =	vst v63  }
0x16a: {  	_ =	swait.ge @!p1 [sflag:s23], $0x200  }
0x16b: {  	[sflag:s23] =	ssyncset.done @!p1 $0x0  }
0x16c: {  	[sflag:s23] =	ssyncadd.s32 @!p1 $0xFFFFFE00  }
0x16d: {  	_ =	swait.ge @!p1 [sflag:s23], $0x200  }
0x16e: {  	[sflag:s23] =	ssyncset.done @!p1 $0x0  }
0x16f: {  	[sflag:s23] =	ssyncadd.s32 @!p1 $0xFFFFFE00  }
0x170: {  	_ =	swait.ge @!p1 [sflag:s23], $0x200  }
0x171: {  	[sflag:s23] =	ssyncset.done @!p1 $0x0  }
0x172: {  	[sflag:s23] =	ssyncadd.s32 @!p1 $0xFFFFFE00  }
0x173: {  	_ =	swait.ge @!p1 [sflag:s23], $0x200  }
0x174: {  	[sflag:s23] =	ssyncset.done @!p1 $0x0  }
0x175: {  	[sflag:s23] =	ssyncadd.s32 @!p1 $0xFFFFFE00  }
0x176: {  	_ =	swait.ge @!p1 [sflag:s23], $0x200  }
0x177: {  	[sflag:s23] =	ssyncset.done @!p1 $0x0  }
0x178: {  	[sflag:s23] =	ssyncadd.s32 @!p1 $0xFFFFFE00  }
0x179: {  	_ =	swait.ge @!p1 [sflag:s23], $0x200  }
0x17a: {  	[sflag:s23] =	ssyncset.done @!p1 $0x0  }
0x17b: {  	[sflag:s23] =	ssyncadd.s32 @!p1 $0xFFFFFE00  }
0x17c: {  	_ =	swait.ge @!p1 [sflag:s23], $0x200  }
0x17d: {  	[sflag:s23] =	ssyncset.done @!p1 $0x0  }
0x17e: {  	[sflag:s23] =	ssyncadd.s32 @!p1 $0xFFFFFE00  }
0x17f: {  	_ =	swait.ge @!p1 [sflag:s23], $0x200  }
0x180: {  	p2 =	sle.u32 s9, $0x0;
	[sflag:s23] =	ssyncset.done @!p1 $0x0  }
0x181: {  	p3 =	sle.u32 @!p2 s7, $0x2;
	s0 =	simm.s32 @!p2 $0x1;
	[sflag:s23] =	ssyncadd.s32 @!p1 $0xFFFFFE00  }
0x182: {  	p1 =	por p3, p2;
	_ =	swait.ge @!p2 [sflag:s0], $0x1000  }
0x183: {  	s1 =	simm.s32 @!p1 $0x1880;
	[sflag:s0] =	ssyncset.done @!p2 $0x0  }
0x184: {  	s4 =	simm.s32 @!p1 $0x80;
	s23 =	simm.s32 @!p1 $0x100;
	[sflag:s0] =	ssyncadd.s32 @!p2 $0xFFFFF000  }
0x185: {  	[tilespmem:s1], [sflag:$0x1] =	stream.strided.gather @!p1 [hbm4b:s17+s4], $0x1000, s23, s4, $0x38;
	[tilespmem:$0x6C00] =	vst v63  }
0x186: {  	s0 =	simm.s32 @!p2 $0x3880;
	s1 =	simm.s32 @!p2 $0x200;
	s4 =	simm.s32 @!p2 $0x2880  }
0x187: {  	[spmem:s3] =	stream.indirect.scatter.add.s32 @!p2 [tilespmem:s0], [sflag:$0x2], $0x1, s4, s1, $0xb8;
	[tilespmem:$0x6C00] =	vst v63  }
0x188: {  	s4 =	simm.s32 @!p2 $0x2A80  }
0x189: {  	[spmem:s3] =	stream.indirect.scatter.add.s32 @!p2 [tilespmem:s0], [sflag:$0x2], $0x1, s4, s1, $0xb8;
	[tilespmem:$0x6C00] =	vst v63  }
0x18a: {  	s4 =	simm.s32 @!p2 $0x2C80  }
0x18b: {  	[spmem:s3] =	stream.indirect.scatter.add.s32 @!p2 [tilespmem:s0], [sflag:$0x2], $0x1, s4, s1, $0xb8;
	[tilespmem:$0x6C00] =	vst v63  }
0x18c: {  	s4 =	simm.s32 @!p2 $0x2E80  }
0x18d: {  	[spmem:s3] =	stream.indirect.scatter.add.s32 @!p2 [tilespmem:s0], [sflag:$0x2], $0x1, s4, s1, $0xb8;
	[tilespmem:$0x6C00] =	vst v63  }
0x18e: {  	s4 =	simm.s32 @!p2 $0x3080  }
0x18f: {  	[spmem:s3] =	stream.indirect.scatter.add.s32 @!p2 [tilespmem:s0], [sflag:$0x2], $0x1, s4, s1, $0xb8;
	[tilespmem:$0x6C00] =	vst v63  }
0x190: {  	s4 =	simm.s32 @!p2 $0x3280  }
0x191: {  	[spmem:s3] =	stream.indirect.scatter.add.s32 @!p2 [tilespmem:s0], [sflag:$0x2], $0x1, s4, s1, $0xb8;
	[tilespmem:$0x6C00] =	vst v63  }
0x192: {  	s4 =	simm.s32 @!p2 $0x3480  }
0x193: {  	[spmem:s3] =	stream.indirect.scatter.add.s32 @!p2 [tilespmem:s0], [sflag:$0x2], $0x1, s4, s1, $0xb8;
	[tilespmem:$0x6C00] =	vst v63  }
0x194: {  	s29 =	simm.s32 @!p2 $0x2;
	s4 =	simm.s32 @!p2 $0x3680  }
0x195: {  	[spmem:s3] =	stream.indirect.scatter.add.s32 @!p2 [tilespmem:s0], [sflag:$0x2], $0x1, s4, s1, $0xb8;
	[tilespmem:$0x6C00] =	vst v63  }
0x196: {  	_ =	swait.ge @!p2 [sflag:s29], $0x200  }
0x197: {  	[sflag:s29] =	ssyncset.done @!p2 $0x0  }
0x198: {  	[sflag:s29] =	ssyncadd.s32 @!p2 $0xFFFFFE00  }
0x199: {  	_ =	swait.ge @!p2 [sflag:s29], $0x200  }
0x19a: {  	[sflag:s29] =	ssyncset.done @!p2 $0x0  }
0x19b: {  	[sflag:s29] =	ssyncadd.s32 @!p2 $0xFFFFFE00  }
0x19c: {  	_ =	swait.ge @!p2 [sflag:s29], $0x200  }
0x19d: {  	[sflag:s29] =	ssyncset.done @!p2 $0x0  }
0x19e: {  	[sflag:s29] =	ssyncadd.s32 @!p2 $0xFFFFFE00  }
0x19f: {  	_ =	swait.ge @!p2 [sflag:s29], $0x200  }
0x1a0: {  	[sflag:s29] =	ssyncset.done @!p2 $0x0  }
0x1a1: {  	[sflag:s29] =	ssyncadd.s32 @!p2 $0xFFFFFE00  }
0x1a2: {  	_ =	swait.ge @!p2 [sflag:s29], $0x200  }
0x1a3: {  	[sflag:s29] =	ssyncset.done @!p2 $0x0  }
0x1a4: {  	[sflag:s29] =	ssyncadd.s32 @!p2 $0xFFFFFE00  }
0x1a5: {  	_ =	swait.ge @!p2 [sflag:s29], $0x200  }
0x1a6: {  	[sflag:s29] =	ssyncset.done @!p2 $0x0  }
0x1a7: {  	[sflag:s29] =	ssyncadd.s32 @!p2 $0xFFFFFE00  }
0x1a8: {  	_ =	swait.ge @!p2 [sflag:s29], $0x200  }
0x1a9: {  	s26 =	simm.s32 $0x2;
	[sflag:s29] =	ssyncset.done @!p2 $0x0  }
0x1aa: {  	s25 =	simm.s32 $0x6;
	s24 =	simm.s32 $0x4;
	[sflag:s29] =	ssyncadd.s32 @!p2 $0xFFFFFE00  }
0x1ab: {  	p1 =	sle.u32 s7, $0x2;
	s23 =	sadd.s32 $0x10000, s17;
	_ =	swait.ge @!p2 [sflag:s29], $0x200  }
.LBB2_6:
0x1ac: {  	s0 =	simm.s32 @!p1 $0x1  }
0x1ad: {  	s1 =	sadd.s32 @!p1 $0xFFFFFFFF, s24;
	[sflag:s29] =	ssyncset.done @!p2 $0x0;
	s28 =	smov.u32 s25  }
0x1ae: {  	p3 =	sge.u32 @!p1 s1, s7;
	s1 =	simm.s32 @!p1 $0x1880;
	[sflag:s29] =	ssyncadd.s32 @!p2 $0xFFFFFE00  }
0x1af: {  	s4 =	simm.s32 @!p1 $0x200;
	_ =	swait.ge @!p1 [sflag:s0], $0x1000;
	p2 =	por p3, p1  }
0x1b0: {  	[sflag:s0] =	ssyncset.done @!p1 $0x0;
	s29 =	sadd.s32 @!p2 $0xFFFF8000, s23;
	s30 =	simm.s32 @!p2 $0x80  }
0x1b1: {  	s31 =	simm.s32 @!p2 $0x2880;
	[sflag:s0] =	ssyncadd.s32 @!p1 $0xFFFFF000;
	s0 =	simm.s32 @!p2 $0x100  }
0x1b2: {  	[tilespmem:s31], [sflag:$0x1] =	stream.strided.gather @!p2 [hbm4b:s29+s30], $0x1000, s0, s30, $0x38;
	[tilespmem:$0x6C00] =	vst v63  }
0x1b3: {  	s25 =	sadd.s32 $0x2, s25;
	s0 =	simm.s32 @!p1 $0x3880;
	s29 =	simm.s32 @!p1 $0x1A80  }
0x1b4: {  	[spmem:s3] =	stream.indirect.scatter.add.s32 @!p1 [tilespmem:s0], [sflag:$0x2], $0x1, s1, s4, $0xb8;
	[tilespmem:$0x6C00] =	vst v63  }
0x1b5: {  	p3 =	sne.s32 s25, $0x10;
	s1 =	simm.s32 @!p1 $0x1C80  }
0x1b6: {  	[spmem:s3] =	stream.indirect.scatter.add.s32 @!p1 [tilespmem:s0], [sflag:$0x2], $0x1, s29, s4, $0xb8;
	[tilespmem:$0x6C00] =	vst v63  }
0x1b7: {  	s29 =	simm.s32 @!p1 $0x1E80  }
0x1b8: {  	[spmem:s3] =	stream.indirect.scatter.add.s32 @!p1 [tilespmem:s0], [sflag:$0x2], $0x1, s1, s4, $0xb8;
	[tilespmem:$0x6C00] =	vst v63  }
0x1b9: {  	s1 =	simm.s32 @!p1 $0x2080  }
0x1ba: {  	[spmem:s3] =	stream.indirect.scatter.add.s32 @!p1 [tilespmem:s0], [sflag:$0x2], $0x1, s29, s4, $0xb8;
	[tilespmem:$0x6C00] =	vst v63  }
0x1bb: {  	s29 =	simm.s32 @!p1 $0x2280  }
0x1bc: {  	[spmem:s3] =	stream.indirect.scatter.add.s32 @!p1 [tilespmem:s0], [sflag:$0x2], $0x1, s1, s4, $0xb8;
	[tilespmem:$0x6C00] =	vst v63  }
0x1bd: {  	s1 =	simm.s32 @!p1 $0x2480  }
0x1be: {  	[spmem:s3] =	stream.indirect.scatter.add.s32 @!p1 [tilespmem:s0], [sflag:$0x2], $0x1, s29, s4, $0xb8;
	[tilespmem:$0x6C00] =	vst v63  }
0x1bf: {  	s29 =	simm.s32 @!p1 $0x2680  }
0x1c0: {  	[spmem:s3] =	stream.indirect.scatter.add.s32 @!p1 [tilespmem:s0], [sflag:$0x2], $0x1, s1, s4, $0xb8;
	[tilespmem:$0x6C00] =	vst v63  }
0x1c1: {  	s1 =	simm.s32 @!p1 $0x2  }
0x1c2: {  	[spmem:s3] =	stream.indirect.scatter.add.s32 @!p1 [tilespmem:s0], [sflag:$0x2], $0x1, s29, s4, $0xb8;
	[tilespmem:$0x6C00] =	vst v63  }
0x1c3: {  	_ =	swait.ge @!p1 [sflag:s1], $0x200  }
0x1c4: {  	[sflag:s1] =	ssyncset.done @!p1 $0x0  }
0x1c5: {  	[sflag:s1] =	ssyncadd.s32 @!p1 $0xFFFFFE00  }
0x1c6: {  	_ =	swait.ge @!p1 [sflag:s1], $0x200  }
0x1c7: {  	[sflag:s1] =	ssyncset.done @!p1 $0x0  }
0x1c8: {  	[sflag:s1] =	ssyncadd.s32 @!p1 $0xFFFFFE00  }
0x1c9: {  	_ =	swait.ge @!p1 [sflag:s1], $0x200  }
0x1ca: {  	[sflag:s1] =	ssyncset.done @!p1 $0x0  }
0x1cb: {  	[sflag:s1] =	ssyncadd.s32 @!p1 $0xFFFFFE00  }
0x1cc: {  	_ =	swait.ge @!p1 [sflag:s1], $0x200  }
0x1cd: {  	[sflag:s1] =	ssyncset.done @!p1 $0x0  }
0x1ce: {  	[sflag:s1] =	ssyncadd.s32 @!p1 $0xFFFFFE00  }
0x1cf: {  	_ =	swait.ge @!p1 [sflag:s1], $0x200  }
0x1d0: {  	[sflag:s1] =	ssyncset.done @!p1 $0x0  }
0x1d1: {  	[sflag:s1] =	ssyncadd.s32 @!p1 $0xFFFFFE00  }
0x1d2: {  	_ =	swait.ge @!p1 [sflag:s1], $0x200  }
0x1d3: {  	[sflag:s1] =	ssyncset.done @!p1 $0x0  }
0x1d4: {  	[sflag:s1] =	ssyncadd.s32 @!p1 $0xFFFFFE00  }
0x1d5: {  	_ =	swait.ge @!p1 [sflag:s1], $0x200  }
0x1d6: {  	[sflag:s1] =	ssyncset.done @!p1 $0x0  }
0x1d7: {  	[sflag:s1] =	ssyncadd.s32 @!p1 $0xFFFFFE00  }
0x1d8: {  	p2 =	sge.u32 s26, s9;
	_ =	swait.ge @!p1 [sflag:s1], $0x200  }
0x1d9: {  	p4 =	sge.u32 @!p2 s24, s7;
	s0 =	simm.s32 @!p2 $0x1;
	[sflag:s1] =	ssyncset.done @!p1 $0x0  }
0x1da: {  	s24 =	smov.u32 s28;
	[sflag:s1] =	ssyncadd.s32 @!p1 $0xFFFFFE00;
	p1 =	por p4, p2  }
0x1db: {  	s4 =	simm.s32 @!p2 $0x3880;
	_ =	swait.ge @!p2 [sflag:s0], $0x1000;
	s1 =	simm.s32 @!p1 $0x1880  }
0x1dc: {  	s26 =	simm.s32 @!p1 $0x80;
	s28 =	simm.s32 @!p1 $0x100;
	[sflag:s0] =	ssyncset.done @!p2 $0x0  }
0x1dd: {  	s29 =	simm.s32 @!p2 $0x2880;
	[sflag:s0] =	ssyncadd.s32 @!p2 $0xFFFFF000;
	s0 =	simm.s32 @!p2 $0x200  }
0x1de: {  	[tilespmem:s1], [sflag:$0x1] =	stream.strided.gather @!p1 [hbm4b:s23+s26], $0x1000, s28, s26, $0x38;
	[tilespmem:$0x6C00] =	vst v63  }
0x1df: {  	s1 =	simm.s32 @!p2 $0x2A80  }
0x1e0: {  	[spmem:s3] =	stream.indirect.scatter.add.s32 @!p2 [tilespmem:s4], [sflag:$0x2], $0x1, s29, s0, $0xb8;
	[tilespmem:$0x6C00] =	vst v63  }
0x1e1: {  	s26 =	simm.s32 @!p2 $0x2C80  }
0x1e2: {  	[spmem:s3] =	stream.indirect.scatter.add.s32 @!p2 [tilespmem:s4], [sflag:$0x2], $0x1, s1, s0, $0xb8;
	[tilespmem:$0x6C00] =	vst v63  }
0x1e3: {  	s1 =	simm.s32 @!p2 $0x2E80  }
0x1e4: {  	[spmem:s3] =	stream.indirect.scatter.add.s32 @!p2 [tilespmem:s4], [sflag:$0x2], $0x1, s26, s0, $0xb8;
	[tilespmem:$0x6C00] =	vst v63  }
0x1e5: {  	s26 =	simm.s32 @!p2 $0x3080  }
0x1e6: {  	[spmem:s3] =	stream.indirect.scatter.add.s32 @!p2 [tilespmem:s4], [sflag:$0x2], $0x1, s1, s0, $0xb8;
	[tilespmem:$0x6C00] =	vst v63  }
0x1e7: {  	s1 =	simm.s32 @!p2 $0x3280  }
0x1e8: {  	[spmem:s3] =	stream.indirect.scatter.add.s32 @!p2 [tilespmem:s4], [sflag:$0x2], $0x1, s26, s0, $0xb8;
	[tilespmem:$0x6C00] =	vst v63  }
0x1e9: {  	s26 =	simm.s32 @!p2 $0x3480  }
0x1ea: {  	[spmem:s3] =	stream.indirect.scatter.add.s32 @!p2 [tilespmem:s4], [sflag:$0x2], $0x1, s1, s0, $0xb8;
	[tilespmem:$0x6C00] =	vst v63  }
0x1eb: {  	s1 =	simm.s32 @!p2 $0x3680  }
0x1ec: {  	[spmem:s3] =	stream.indirect.scatter.add.s32 @!p2 [tilespmem:s4], [sflag:$0x2], $0x1, s26, s0, $0xb8;
	[tilespmem:$0x6C00] =	vst v63  }
0x1ed: {  	s29 =	simm.s32 @!p2 $0x2  }
0x1ee: {  	[spmem:s3] =	stream.indirect.scatter.add.s32 @!p2 [tilespmem:s4], [sflag:$0x2], $0x1, s1, s0, $0xb8;
	[tilespmem:$0x6C00] =	vst v63  }
0x1ef: {  	_ =	swait.ge @!p2 [sflag:s29], $0x200  }
0x1f0: {  	[sflag:s29] =	ssyncset.done @!p2 $0x0  }
0x1f1: {  	[sflag:s29] =	ssyncadd.s32 @!p2 $0xFFFFFE00  }
0x1f2: {  	_ =	swait.ge @!p2 [sflag:s29], $0x200  }
0x1f3: {  	[sflag:s29] =	ssyncset.done @!p2 $0x0  }
0x1f4: {  	[sflag:s29] =	ssyncadd.s32 @!p2 $0xFFFFFE00  }
0x1f5: {  	_ =	swait.ge @!p2 [sflag:s29], $0x200  }
0x1f6: {  	[sflag:s29] =	ssyncset.done @!p2 $0x0  }
0x1f7: {  	[sflag:s29] =	ssyncadd.s32 @!p2 $0xFFFFFE00  }
0x1f8: {  	_ =	swait.ge @!p2 [sflag:s29], $0x200  }
0x1f9: {  	[sflag:s29] =	ssyncset.done @!p2 $0x0  }
0x1fa: {  	[sflag:s29] =	ssyncadd.s32 @!p2 $0xFFFFFE00  }
0x1fb: {  	_ =	swait.ge @!p2 [sflag:s29], $0x200  }
0x1fc: {  	[sflag:s29] =	ssyncset.done @!p2 $0x0  }
0x1fd: {  	[sflag:s29] =	ssyncadd.s32 @!p2 $0xFFFFFE00  }
0x1fe: {  	_ =	swait.ge @!p2 [sflag:s29], $0x200  }
0x1ff: {  	[sflag:s29] =	ssyncset.done @!p2 $0x0  }
.Ltmp2:
0x200: {  	[sflag:s29] =	ssyncadd.s32 @!p2 $0xFFFFFE00;
	(pc) =	sbr.rel @p3 .LBB2_6-.Ltmp2, $4  }
0x201: {  	_ =	swait.ge @!p2 [sflag:s29], $0x200  }
0x202: {  	[sflag:s29] =	ssyncset.done @!p2 $0x0  }
0x203: {  	s26 =	sadd.s32 $0xFFFFFFFE, s24;
	[sflag:s29] =	ssyncadd.s32 @!p2 $0xFFFFFE00  }
0x204: {  	s23 =	sadd.s32 $0x10000, s23;
	p1 =	sge.u32 s26, s7;
	_ =	swait.ge @!p2 [sflag:s29], $0x200  }
0x205: {  	s0 =	sadd.s32 @!p1 $0xFFFFFFFF, s24;
	[sflag:s29] =	ssyncset.done @!p2 $0x0  }
0x206: {  	s1 =	simm.s32 @!p1 $0x1;
	p3 =	sge.u32 @!p1 s0, s7;
	[sflag:s29] =	ssyncadd.s32 @!p2 $0xFFFFFE00  }
0x207: {  	_ =	swait.ge @!p1 [sflag:s1], $0x1000;
	p2 =	por p3, p1  }
0x208: {  	[sflag:s1] =	ssyncset.done @!p1 $0x0;
	s0 =	sadd.s32 @!p2 $0xFFFF8000, s23;
	s4 =	simm.s32 @!p2 $0x80  }
0x209: {  	s25 =	simm.s32 @!p2 $0x2880;
	[sflag:s1] =	ssyncadd.s32 @!p1 $0xFFFFF000;
	s1 =	simm.s32 @!p2 $0x100  }
0x20a: {  	[tilespmem:s25], [sflag:$0x1] =	stream.strided.gather @!p2 [hbm4b:s0+s4], $0x1000, s1, s4, $0x38;
	[tilespmem:$0x6C00] =	vst v63  }
0x20b: {  	s0 =	simm.s32 @!p1 $0x1880;
	s1 =	simm.s32 @!p1 $0x200;
	s4 =	simm.s32 @!p1 $0x3880  }
0x20c: {  	[spmem:s3] =	stream.indirect.scatter.add.s32 @!p1 [tilespmem:s4], [sflag:$0x2], $0x1, s0, s1, $0xb8;
	[tilespmem:$0x6C00] =	vst v63  }
0x20d: {  	s0 =	simm.s32 @!p1 $0x1A80  }
0x20e: {  	[spmem:s3] =	stream.indirect.scatter.add.s32 @!p1 [tilespmem:s4], [sflag:$0x2], $0x1, s0, s1, $0xb8;
	[tilespmem:$0x6C00] =	vst v63  }
0x20f: {  	s0 =	simm.s32 @!p1 $0x1C80  }
0x210: {  	[spmem:s3] =	stream.indirect.scatter.add.s32 @!p1 [tilespmem:s4], [sflag:$0x2], $0x1, s0, s1, $0xb8;
	[tilespmem:$0x6C00] =	vst v63  }
0x211: {  	s0 =	simm.s32 @!p1 $0x1E80  }
0x212: {  	[spmem:s3] =	stream.indirect.scatter.add.s32 @!p1 [tilespmem:s4], [sflag:$0x2], $0x1, s0, s1, $0xb8;
	[tilespmem:$0x6C00] =	vst v63  }
0x213: {  	s0 =	simm.s32 @!p1 $0x2080  }
0x214: {  	[spmem:s3] =	stream.indirect.scatter.add.s32 @!p1 [tilespmem:s4], [sflag:$0x2], $0x1, s0, s1, $0xb8;
	[tilespmem:$0x6C00] =	vst v63  }
0x215: {  	s0 =	simm.s32 @!p1 $0x2280  }
0x216: {  	[spmem:s3] =	stream.indirect.scatter.add.s32 @!p1 [tilespmem:s4], [sflag:$0x2], $0x1, s0, s1, $0xb8;
	[tilespmem:$0x6C00] =	vst v63  }
0x217: {  	s0 =	simm.s32 @!p1 $0x2480  }
0x218: {  	[spmem:s3] =	stream.indirect.scatter.add.s32 @!p1 [tilespmem:s4], [sflag:$0x2], $0x1, s0, s1, $0xb8;
	[tilespmem:$0x6C00] =	vst v63  }
0x219: {  	s25 =	simm.s32 @!p1 $0x2;
	s0 =	simm.s32 @!p1 $0x2680  }
0x21a: {  	[spmem:s3] =	stream.indirect.scatter.add.s32 @!p1 [tilespmem:s4], [sflag:$0x2], $0x1, s0, s1, $0xb8;
	[tilespmem:$0x6C00] =	vst v63  }
0x21b: {  	_ =	swait.ge @!p1 [sflag:s25], $0x200  }
0x21c: {  	[sflag:s25] =	ssyncset.done @!p1 $0x0  }
0x21d: {  	[sflag:s25] =	ssyncadd.s32 @!p1 $0xFFFFFE00  }
0x21e: {  	_ =	swait.ge @!p1 [sflag:s25], $0x200  }
0x21f: {  	[sflag:s25] =	ssyncset.done @!p1 $0x0  }
0x220: {  	[sflag:s25] =	ssyncadd.s32 @!p1 $0xFFFFFE00  }
0x221: {  	_ =	swait.ge @!p1 [sflag:s25], $0x200  }
0x222: {  	[sflag:s25] =	ssyncset.done @!p1 $0x0  }
0x223: {  	[sflag:s25] =	ssyncadd.s32 @!p1 $0xFFFFFE00  }
0x224: {  	_ =	swait.ge @!p1 [sflag:s25], $0x200  }
0x225: {  	[sflag:s25] =	ssyncset.done @!p1 $0x0  }
0x226: {  	[sflag:s25] =	ssyncadd.s32 @!p1 $0xFFFFFE00  }
0x227: {  	_ =	swait.ge @!p1 [sflag:s25], $0x200  }
0x228: {  	[sflag:s25] =	ssyncset.done @!p1 $0x0  }
0x229: {  	[sflag:s25] =	ssyncadd.s32 @!p1 $0xFFFFFE00  }
0x22a: {  	_ =	swait.ge @!p1 [sflag:s25], $0x200  }
0x22b: {  	[sflag:s25] =	ssyncset.done @!p1 $0x0  }
0x22c: {  	[sflag:s25] =	ssyncadd.s32 @!p1 $0xFFFFFE00  }
0x22d: {  	_ =	swait.ge @!p1 [sflag:s25], $0x200  }
0x22e: {  	[sflag:s25] =	ssyncset.done @!p1 $0x0  }
0x22f: {  	[sflag:s25] =	ssyncadd.s32 @!p1 $0xFFFFFE00  }
0x230: {  	_ =	swait.ge @!p1 [sflag:s25], $0x200  }
0x231: {  	p2 =	sge.u32 s26, s9;
	[sflag:s25] =	ssyncset.done @!p1 $0x0  }
0x232: {  	p3 =	sge.u32 @!p2 s24, s7;
	s0 =	simm.s32 @!p2 $0x1;
	[sflag:s25] =	ssyncadd.s32 @!p1 $0xFFFFFE00  }
0x233: {  	p1 =	por p3, p2;
	_ =	swait.ge @!p2 [sflag:s0], $0x1000  }
0x234: {  	s1 =	simm.s32 @!p1 $0x1880;
	[sflag:s0] =	ssyncset.done @!p2 $0x0  }
0x235: {  	s4 =	simm.s32 @!p1 $0x80;
	s24 =	simm.s32 @!p1 $0x100;
	[sflag:s0] =	ssyncadd.s32 @!p2 $0xFFFFF000  }
0x236: {  	[tilespmem:s1], [sflag:$0x1] =	stream.strided.gather @!p1 [hbm4b:s23+s4], $0x1000, s24, s4, $0x38;
	[tilespmem:$0x6C00] =	vst v63  }
0x237: {  	s0 =	simm.s32 @!p2 $0x3880;
	s1 =	simm.s32 @!p2 $0x200;
	s4 =	simm.s32 @!p2 $0x2880  }
0x238: {  	[spmem:s3] =	stream.indirect.scatter.add.s32 @!p2 [tilespmem:s0], [sflag:$0x2], $0x1, s4, s1, $0xb8;
	[tilespmem:$0x6C00] =	vst v63  }
0x239: {  	s4 =	simm.s32 @!p2 $0x2A80  }
0x23a: {  	[spmem:s3] =	stream.indirect.scatter.add.s32 @!p2 [tilespmem:s0], [sflag:$0x2], $0x1, s4, s1, $0xb8;
	[tilespmem:$0x6C00] =	vst v63  }
0x23b: {  	s4 =	simm.s32 @!p2 $0x2C80  }
0x23c: {  	[spmem:s3] =	stream.indirect.scatter.add.s32 @!p2 [tilespmem:s0], [sflag:$0x2], $0x1, s4, s1, $0xb8;
	[tilespmem:$0x6C00] =	vst v63  }
0x23d: {  	s4 =	simm.s32 @!p2 $0x2E80  }
0x23e: {  	[spmem:s3] =	stream.indirect.scatter.add.s32 @!p2 [tilespmem:s0], [sflag:$0x2], $0x1, s4, s1, $0xb8;
	[tilespmem:$0x6C00] =	vst v63  }
0x23f: {  	s4 =	simm.s32 @!p2 $0x3080  }
0x240: {  	[spmem:s3] =	stream.indirect.scatter.add.s32 @!p2 [tilespmem:s0], [sflag:$0x2], $0x1, s4, s1, $0xb8;
	[tilespmem:$0x6C00] =	vst v63  }
0x241: {  	s4 =	simm.s32 @!p2 $0x3280  }
0x242: {  	[spmem:s3] =	stream.indirect.scatter.add.s32 @!p2 [tilespmem:s0], [sflag:$0x2], $0x1, s4, s1, $0xb8;
	[tilespmem:$0x6C00] =	vst v63  }
0x243: {  	s4 =	simm.s32 @!p2 $0x3480  }
0x244: {  	[spmem:s3] =	stream.indirect.scatter.add.s32 @!p2 [tilespmem:s0], [sflag:$0x2], $0x1, s4, s1, $0xb8;
	[tilespmem:$0x6C00] =	vst v63  }
0x245: {  	s23 =	simm.s32 @!p2 $0x2;
	s4 =	simm.s32 @!p2 $0x3680  }
0x246: {  	[spmem:s3] =	stream.indirect.scatter.add.s32 @!p2 [tilespmem:s0], [sflag:$0x2], $0x1, s4, s1, $0xb8;
	[tilespmem:$0x6C00] =	vst v63  }
0x247: {  	_ =	swait.ge @!p2 [sflag:s23], $0x200  }
0x248: {  	[sflag:s23] =	ssyncset.done @!p2 $0x0  }
0x249: {  	[sflag:s23] =	ssyncadd.s32 @!p2 $0xFFFFFE00  }
0x24a: {  	_ =	swait.ge @!p2 [sflag:s23], $0x200  }
0x24b: {  	[sflag:s23] =	ssyncset.done @!p2 $0x0  }
0x24c: {  	[sflag:s23] =	ssyncadd.s32 @!p2 $0xFFFFFE00  }
0x24d: {  	_ =	swait.ge @!p2 [sflag:s23], $0x200  }
0x24e: {  	[sflag:s23] =	ssyncset.done @!p2 $0x0  }
0x24f: {  	[sflag:s23] =	ssyncadd.s32 @!p2 $0xFFFFFE00  }
0x250: {  	_ =	swait.ge @!p2 [sflag:s23], $0x200  }
0x251: {  	[sflag:s23] =	ssyncset.done @!p2 $0x0  }
0x252: {  	[sflag:s23] =	ssyncadd.s32 @!p2 $0xFFFFFE00  }
0x253: {  	_ =	swait.ge @!p2 [sflag:s23], $0x200  }
0x254: {  	[sflag:s23] =	ssyncset.done @!p2 $0x0  }
0x255: {  	[sflag:s23] =	ssyncadd.s32 @!p2 $0xFFFFFE00  }
0x256: {  	_ =	swait.ge @!p2 [sflag:s23], $0x200  }
0x257: {  	[sflag:s23] =	ssyncset.done @!p2 $0x0  }
0x258: {  	[sflag:s23] =	ssyncadd.s32 @!p2 $0xFFFFFE00  }
0x259: {  	_ =	swait.ge @!p2 [sflag:s23], $0x200  }
0x25a: {  	[sflag:s23] =	ssyncset.done @!p2 $0x0  }
0x25b: {  	[sflag:s23] =	ssyncadd.s32 @!p2 $0xFFFFFE00  }
0x25c: {  	_ =	swait.ge @!p2 [sflag:s23], $0x200  }
0x25d: {  	[sflag:s23] =	ssyncset.done @!p2 $0x0  }
0x25e: {  	s0 =	simm.s32 @!p0 $0x0;
	s1 =	simm.s32 @!p0 $0x3A80;
	[sflag:s23] =	ssyncadd.s32 @!p2 $0xFFFFFE00  }
0x25f: {  	[tilespmem:s1], [sflag:$0x3] =	stream.linear.gather @!p0 [hbm4b:s12+s0], $0x80, $0x38;
	[tilespmem:$0x6C00] =	vst v63  }
0x260: {  	s0 =	simm.s32 @!p0 $0x3  }
0x261: {  	_ =	swait.ge @!p0 [sflag:s0], $0x80  }
0x262: {  	[sflag:s0] =	ssyncset.done @!p0 $0x0  }
0x263: {  	s4 =	simm.s32 @!p0 $0x80;
	s23 =	simm.s32 @!p0 $0x3880;
	[sflag:s0] =	ssyncadd.s32 @!p0 $0xFFFFFF80  }
0x264: {  	[spmem:s3] =	stream.indirect.scatter.add.s32 @!p0 [tilespmem:s23], [sflag:$0x3], $0x1, s1, s4, $0xb8;
	[tilespmem:$0x6C00] =	vst v63  }
0x265: {  	_ =	swait.ge @!p0 [sflag:s0], $0x80  }
0x266: {  	s29 =	stileid.u32;
	[sflag:s0] =	ssyncset.done @!p0 $0x0  }
0x267: {  	[sflag:s0] =	ssyncadd.s32 @!p0 $0xFFFFFF80;
	s0 =	sshll.u32 s29, $0x6  }
0x268: {  	s30 =	sshrl.u32 s5, $0x3;
	[bflag:$0x0] =	sbarrier.arrive $0xFFFF;
	s0 =	sor.u32 $0x1C03, s0  }
0x269: {  	[hbm:s13], [sflag:s0] =	dma.local [spmem:s30], $0x310  }
0x26a: {  	s22 =	sadd.s32 $0x1, s22;
	_ =	swait.ge [sflag:s18], $0x310  }
0x26b: {  	p1 =	sne.s32 s22, s15;
	[sflag:s18] =	ssyncset.done $0x0  }
.Ltmp3:
0x26c: {  	s31 =	sshrl.u32 s6, $0x3;
	[sflag:s18] =	ssyncadd.s32 $0xFFFFFCF0;
	(pc) =	sbr.rel @p1 .LBB2_1-.Ltmp3, $4  }
0x26d: {  	[hbm:s14], [sflag:s0] =	dma.local [spmem:s31], $0x310  }
0x26e: {  	_ =	swait.ge [sflag:s18], $0x310  }
0x26f: {  	[sflag:s18] =	ssyncset.done $0x0  }
0x270: {  	[sflag:s18] =	ssyncadd.s32 $0xFFFFFCF0  }
0x271: {  	_ =	sfence.sel $0x180000  }
0x272: {  	[bflag:$0x0] =	sbarrier.arrive $0xFFFF  }
0x273: {  	_ =	strace $0x90000047  }
0x274: {  	s0 =	stileid.u32;
	[bflag:$0x2] =	sbarrier.arrive $0xFFFF  }
0x275: {  	p0 =	sne.s32 s0, $0x0;
	s0 =	rddreg [dreg:$0x4]  }
0x276: {  	s0 =	sadd.s32 @!p0 $0x100000, s0  }
0x277: {  	[sflag:s0] =	ssyncadd.tile.s32 @!p0 $0x1;
	_ =	shalt  }
.Lfunc_end2:
_tile_overlayer_lowered:
.L_overlay_start_2:
0x278: {  	(tag) =	ssettag $0x2  }
0x279: {  	s0 =	rddreg [dreg:$0x0];
	s2 =	stileid.u32  }
0x27a: {  	s1 =	rddreg [dreg:$0x1];
	p0 =	sne.s32 s2, $0x0  }
0x27b: {  	s3 =	rddreg [dreg:$0x2];
	[bflag:$0x3] =	sbarrier.arrive $0xFFFF;
	s2 =	simm.s32 @!p0 $0x1C03  }
0x27c: {  	[timem:s3], [sflag:s2] =	dma.local @!p0 [hbm:s0], s1  }
0x27d: {  	s0 =	simm.s32 @!p0 $0x3  }
0x27e: {  	_ =	swait.ge @!p0 [sflag:s0], s1  }
0x27f: {  	s1 =	ssub.s32 @!p0 $0x0, s1;
	[sflag:s0] =	ssyncset.done @!p0 $0x0  }
0x280: {  	[sflag:s0] =	ssyncadd.s32 @!p0 s1  }
0x281: {  	[bflag:$0x3] =	sbarrier.arrive $0xFFFF  }
0x282: {  	_ =	shalt  }

// kernel: kernel.7.cloned.1.call-start
scs
__scs_entry_jumppad:
0x0: {  	(pc) =	sbr.rel $0x88, $3  }
0x1: {  	(tag) =	ssettag $0x0;
	lr =	simm.s32 $0x1  }
0x2: {  	[smem:$0x3F9D] =	sst lr;
	_ =	strace $0xD0000000  }
0x3: {  	_ = 	snop  }
0x4: {  	_ = 	snop  }
0x5: {  	_ = 	snop  }
0x6: {  	_ = 	snop  }
0x7: {  	_ = 	snop  }
__scs_overlays_trampoline_lowered:
0x8: {  	[smem:$0x3FAC] =	sst s0  }
0x9: {  	[smem:$0x3FAD] =	sst s1  }
0xa: {  	[smem:$0x3FAE] =	sst s2  }
0xb: {  	[smem:$0x3FAF] =	sst s3  }
0xc: {  	[smem:$0x3FB0] =	sst s4  }
0xd: {  	[smem:$0x3FB1] =	sst s5  }
0xe: {  	[smem:$0x3FB2] =	sst s6  }
0xf: {  	[smem:$0x3FB3] =	sst s7  }
0x10: {  	[smem:$0x3FB4] =	sst s8  }
0x11: {  	[smem:$0x3FB5] =	sst s9;
	s0 =	simm.s32 @!p0 $0x0  }
0x12: {  	s1 =	sld [smem:$0x3F9B];
	s0 =	simm.s32 @p0 $0x1  }
0x13: {  	[smem:$0x3FB6] =	sst s0;
	s0 =	simm.s32 @!p1 $0x0  }
0x14: {  	s2 =	sld [smem:$0x3F9A];
	s0 =	simm.s32 @p1 $0x1  }
0x15: {  	[smem:$0x3FB7] =	sst s0;
	s0 =	simm.s32 @!p2 $0x0  }
0x16: {  	s3 =	sld [smem:$0x3FDB];
	s0 =	simm.s32 @p2 $0x1  }
0x17: {  	s4 =	simm.s32 $0x1BF5;
	[smem:$0x3FB9] =	sst s0  }
0x18: {  	s0 =	sld [smem:$0x3F9C];
	_ =	swait.ge [sflag:s4], $0x0  }
0x19: {  	s7 =	sld [smem:$0x3F9D]  }
0x1a: {  	s8 =	sadd.s32 $0xFFFFE003, lr  }
0x1b: {  	s9 =	sadd.s32 $0xFFFFFEF7, lr;
	s5 =	simm.s32 $0xFFFFFFFF;
	p2 =	slt.u32 s8, $0xFFFFF086  }
0x1c: {  	p1 =	slt.u32 s9, $0xF7A;
	s5 =	simm.s32 @!p2 $0x0  }
0x1d: {  	s5 =	simm.s32 @p1 $0x1;
	p0 =	seq.s32 s7, s2  }
0x1e: {  	s7 =	smul.u32 @!p0 $0xF7A, s2;
	p2 =	seq.s32 @!p0 s5, $0x0  }
0x1f: {  	s9 =	smul.u32 $0xF7A, s1;
	s8 =	simm.s32 @!p0 $0x1BF5;
	p2 =	por !p2, p0  }
0x20: {  	[sflag:s8] =	ssyncset.s32 @!p0 $0xFFFFF086;
	s6 =	sadd.s32 @!p0 s3, s7;
	s7 =	simm.s32 @!p0 $0x108  }
0x21: {  	s3 =	sadd.s32 s3, s9;
	s6 =	sadd.s32 @!p0 $0x88, s6;
	s7 =	simm.s32 @p2 $0x1082  }
0x22: {  	[simem:s7], [sflag:s8] =	dma.local @!p0 [hbm:s6], $0xF7A  }
0x23: {  	s9 =	sor.u32 $0xD0000000, s2;
	s6 =	simm.s32 $0x108;
	_ =	swait.ge @!p0 [sflag:s8], $0x0  }
0x24: {  	s3 =	sadd.s32 $0x88, s3;
	s6 =	simm.s32 @!p1 $0x1082;
	[sflag:s4] =	ssyncset.s32 $0xFFFFF086  }
0x25: {  	[simem:s6], [sflag:s4] =	dma.local [hbm:s3], $0xF7A  }
0x26: {  	[smem:$0x3F9D] =	sst s1;
	(tag) =	ssettag s2;
	_ =	strace s9  }
0x27: {  	s1 =	sld [smem:$0x3FAD]  }
0x28: {  	s2 =	sld [smem:$0x3FAE]  }
0x29: {  	s4 =	sld [smem:$0x3FB0]  }
0x2a: {  	p0 =	seq.s32 s5, $0x0;
	s5 =	sld [smem:$0x3FB1]  }
0x2b: {  	s6 =	sld [smem:$0x3FB2]  }
0x2c: {  	s7 =	sld [smem:$0x3FB3]  }
0x2d: {  	s3 =	simm.s32 $0x108;
	s8 =	sld [smem:$0x3FB4]  }
0x2e: {  	s3 =	simm.s32 @!p0 $0x1082;
	s9 =	sld [smem:$0x3FB5]  }
0x2f: {  	lr =	sadd.s32 s0, s3;
	s0 =	sld [smem:$0x3FAC]  }
0x30: {  	s3 =	sld [smem:$0x3FAF]  }
0x31: {  	[smem:$0x3FB8] =	sst s10  }
0x32: {  	s10 =	sld [smem:$0x3FB6];
	_ =	sdelay $0x3  }
0x33: {  	p0 =	seq.s32 s10, $0x1;
	s10 =	sld [smem:$0x3FB8];
	_ =	sdelay $0x3  }
0x34: {  	[smem:$0x3FB8] =	sst s10  }
0x35: {  	s10 =	sld [smem:$0x3FB7];
	_ =	sdelay $0x3  }
0x36: {  	p1 =	seq.s32 s10, $0x1;
	s10 =	sld [smem:$0x3FB8];
	_ =	sdelay $0x3  }
0x37: {  	[smem:$0x3FB8] =	sst s10  }
0x38: {  	s10 =	sld [smem:$0x3FB9]  }
0x39: {  	_ = 	snop;
	(pc) =	sbr.ind lr, $3  }
0x3a: {  	_ = 	snop  }
0x3b: {  	_ = 	snop  }
0x3c: {  	p2 =	seq.s32 s10, $0x1;
	s10 =	sld [smem:$0x3FB8]  }
0x3d: {  	_ =	shalt  }
0x3e: {  	_ =	shalt  }
0x3f: {  	_ =	shalt  }
0x40: {  	_ =	shalt  }
0x41: {  	_ =	shalt  }
0x42: {  	_ =	shalt  }
0x43: {  	_ =	shalt  }
0x44: {  	_ =	shalt  }
0x45: {  	_ =	shalt  }
0x46: {  	_ =	shalt  }
0x47: {  	_ =	shalt  }
0x48: {  	_ =	shalt  }
0x49: {  	_ =	shalt  }
0x4a: {  	_ =	shalt  }
0x4b: {  	_ =	shalt  }
0x4c: {  	_ =	shalt  }
0x4d: {  	_ =	shalt  }
0x4e: {  	_ =	shalt  }
0x4f: {  	_ =	shalt  }
0x50: {  	_ =	shalt  }
0x51: {  	_ =	shalt  }
0x52: {  	_ =	shalt  }
0x53: {  	_ =	shalt  }
0x54: {  	_ =	shalt  }
0x55: {  	_ =	shalt  }
0x56: {  	_ =	shalt  }
0x57: {  	_ =	shalt  }
0x58: {  	_ =	shalt  }
0x59: {  	_ =	shalt  }
0x5a: {  	_ =	shalt  }
0x5b: {  	_ =	shalt  }
0x5c: {  	_ =	shalt  }
0x5d: {  	_ =	shalt  }
0x5e: {  	_ =	shalt  }
0x5f: {  	_ =	shalt  }
0x60: {  	_ =	shalt  }
0x61: {  	_ =	shalt  }
0x62: {  	_ =	shalt  }
0x63: {  	_ =	shalt  }
0x64: {  	_ =	shalt  }
0x65: {  	_ =	shalt  }
0x66: {  	_ =	shalt  }
0x67: {  	_ =	shalt  }
0x68: {  	_ =	shalt  }
0x69: {  	_ =	shalt  }
0x6a: {  	_ =	shalt  }
0x6b: {  	_ =	shalt  }
0x6c: {  	_ =	shalt  }
0x6d: {  	_ =	shalt  }
0x6e: {  	_ =	shalt  }
0x6f: {  	_ =	shalt  }
0x70: {  	_ =	shalt  }
0x71: {  	_ =	shalt  }
0x72: {  	_ =	shalt  }
0x73: {  	_ =	shalt  }
0x74: {  	_ =	shalt  }
0x75: {  	_ =	shalt  }
0x76: {  	_ =	shalt  }
0x77: {  	_ =	shalt  }
0x78: {  	_ =	shalt  }
0x79: {  	_ =	shalt  }
0x7a: {  	_ =	shalt  }
0x7b: {  	_ =	shalt  }
0x7c: {  	_ =	shalt  }
0x7d: {  	_ =	shalt  }
0x7e: {  	_ =	shalt  }
0x7f: {  	_ =	shalt  }
0x80: {  	_ =	shalt  }
0x81: {  	_ =	shalt  }
0x82: {  	_ =	shalt  }
0x83: {  	_ =	shalt  }
0x84: {  	_ =	shalt  }
0x85: {  	_ =	shalt  }
0x86: {  	_ =	shalt  }
0x87: {  	_ =	shalt  }
.Lfunc_end0:
.L_simem_size_0:
called_computation.1_lowered:
.L_overlay_start_0:
0x88: {  	s2 =	sld [smem:$0x3FD9]  }
0x89: {  	s3 =	sld [smem:$0x3FFE];
	_ =	sdelay $0x1  }
0x8a: {  	s1 =	srdreg.scid  }
0x8b: {  	s0 =	sand.u32 $0x1, s1  }
0x8c: {  	s17 =	sshll.u32 s0, $0xA;
	s2 =	sadd.s32 s3, s2  }
0x8d: {  	s2 =	sadd.s32 s2, s17  }
0x8e: {  	[smem:$0x3FC4] =	sst s2  }
0x8f: {  	_ = 	snop  }
0x90: {  	s2 =	sld [smem:$0x3FC7]  }
0x91: {  	s18 =	sld [smem:$0x3FC6]  }
0x92: {  	s4 =	sld [smem:$0x3FD0];
	(tm) =	ssettm $0x1  }
0x93: {  	s5 =	sld [smem:$0x3FFB];
	_ =	sdelay $0x3  }
0x94: {  	_ =	strace s5  }
0x95: {  	s5 =	sld [smem:$0x3FFC];
	_ =	sdelay $0x3  }
0x96: {  	_ =	strace s5  }
0x97: {  	s5 =	sld [smem:$0x3FFD];
	_ =	sdelay $0x3  }
0x98: {  	_ =	strace s5  }
0x99: {  	_ =	strace $0x8FFFFFFF  }
0x9a: {  	s19 =	sld [smem:$0x3FDB];
	_ =	sdelay $0x1  }
0x9b: {  	s6 =	simm.s32 $_scs_section_size  }
0x9c: {  	s7 =	simm.s32 $_size__tile_overlayer_lowered;
	s8 =	simm.s32 $_tile_overlayer_lowered  }
0x9d: {  	s22 =	simm.s32 $0x1BFF;
	s21 =	sshll.u32 s8, $0x1;
	s5 =	sadd.s32 s6, s19  }
0x9e: {  	s9 =	simm.s32 $0x0;
	s20 =	sshll.u32 s7, $0x1;
	s7 =	sadd.s32 s21, s5  }
0x9f: {  	[timem:s9], [sflag:s22] =	dma.local [hbm:s7], s20  }
0xa0: {  	_ =	swait.ge [sflag:s22], s20  }
0xa1: {  	s6 =	ssub.s32 $0x0, s20;
	[sflag:s22] =	ssyncset.done $0x0  }
0xa2: {  	[sflag:s22] =	ssyncadd.s32 s6;
	_ =	sdelay $0x1  }
0xa3: {  	s23 =	simm.s32 $0x1B8B  }
0xa4: {  	_ =	swait.ge [sflag:s23], $0x1  }
0xa5: {  	[sflag:s23] =	ssyncset.done $0x0  }
0xa6: {  	s25 =	simm.s32 $0x1B8E;
	s24 =	sld [smem:$0x3FFE];
	[sflag:s23] =	ssyncadd.s32 $0xFFFFFFFF  }
0xa7: {  	s26 =	simm.s32 $execute0_lowered;
	[smem:$0x3FD2] =	sst s25  }
0xa8: {  	s7 =	sshll.u32 s26, $0x1;
	_ =	strace $0x80000049;
	[dreg:$0x1] =	wrdreg $0xFFFFFFFF  }
0xa9: {  	s28 =	simm.s32 $_size_execute0_lowered;
	s5 =	sadd.s32 s5, s7;
	[dreg:$0x0] =	wrdreg $0x0  }
0xaa: {  	s7 =	sshll.u32 s28, $0x1;
	[dreg:$0x2] =	wrdreg s5  }
0xab: {  	[dreg:$0x3] =	wrdreg s7  }
0xac: {  	[dreg:$0x4] =	wrdreg $0xC0  }
0xad: {  	_ =	task [dreg:s9], $0x5FFFF  }
0xae: {  	[dreg:$0x1] =	wrdreg $0xFFFFFFFF  }
0xaf: {  	[dreg:$0x0] =	wrdreg $0x60  }
0xb0: {  	[dreg:$0x2] =	wrdreg s2  }
0xb1: {  	[dreg:$0x3] =	wrdreg s18  }
0xb2: {  	[dreg:$0x4] =	wrdreg s24  }
0xb3: {  	[dreg:$0x5] =	wrdreg s4  }
0xb4: {  	[dreg:$0x6] =	wrdreg $0x1CA000  }
0xb5: {  	[dreg:$0x7] =	wrdreg $0x9  }
0xb6: {  	_ =	task.clear_ibuf [dreg:s9], $0x8FFFF;
	_ =	strace $0x90000049  }
0xb7: {  	s29 =	simm.s32 $0x9;
	_ =	strace $0x8000004B  }
0xb8: {  	_ =	swait.ge [sflag:s29], $0x1  }
0xb9: {  	[sflag:s29] =	ssyncadd.s32 $0xFFFFFFFF  }
0xba: {  	_ =	strace $0x9000004B  }
0xbb: {  	_ =	sfence  }
0xbc: {  	s30 =	sld [smem:$0x0];
	_ =	sdelay $0x2  }
0xbd: {  	s31 =	sshll.u32 s1, $0xD;
	s1 =	sshrl.u32 s1, $0x2  }
0xbe: {  	s3 =	sand.u32 $0x4000, s31;
	s1 =	sadd.s32 s1, s30  }
0xbf: {  	s0 =	sor.u32 s3, s0;
	s1 =	sshll.u32 s1, $0x11  }
0xc0: {  	s0 =	sor.u32 s1, s0  }
0xc1: {  	s0 =	sadd.s32 $0x8F2B, s0  }
0xc2: {  	[sflag:s0] =	ssyncadd.remote.s32 $0x1  }
0xc3: {  	_ =	sfence.sel $0xFFFF  }
0xc4: {  	[dreg:$0x0] =	wrdreg $0xFFFFFFFF;
	(pc) =	sbr.abs _section_cstart, $3  }
0xc5: {  	[dreg:$0x1] =	wrdreg $0xFFFFFFFF  }
0xc6: {  	_ =	task.clear_ibuf [dreg:s9], $0x2FFFF;
	_ =	strace $0x9FFFFFFF  }
0xc7: {  	(tm) =	ssettm $0x7FFFFFFF  }
tec
execute0_lowered:
.L_overlay_start_1:
0x0: {  	(tag) =	ssettag $0x1  }
0x1: {  	s0 =	rddreg [dreg:$0x0]  }
0x2: {  	s1 =	rddreg [dreg:$0x1]  }
0x3: {  	s4 =	rddreg [dreg:$0x2];
	s3 =	srdreg.scid  }
0x4: {  	s11 =	stileid.u32;
	s2 =	rddreg [dreg:$0x3];
	s8 =	simm.s32 $0x0  }
0x5: {  	s28 =	simm.s32 $0x80;
	s29 =	simm.s32 $0x4980;
	s30 =	simm.s32 $0x8980  }
0x6: {  	s31 =	simm.s32 $0x4;
	s18 =	simm.s32 $0x6;
	s13 =	simm.s32 $0xA  }
0x7: {  	s14 =	simm.s32 $0x8;
	s15 =	simm.s32 $0x3;
	s16 =	simm.s32 $0x0  }
0x8: {  	s6 =	sand.u32 $0x1, s3;
	s3 =	rddreg [dreg:$0x4];
	s23 =	smul.u32 $0x5000, s11  }
0x9: {  	s5 =	sshll.u32 s11, $0x1;
	[smem:$0x7FF] =	sst s8;
	s25 =	smul.u32 $0x280, s11  }
0xa: {  	s10 =	sadd.s32 $0x1E00, s0;
	s12 =	sadd.s32 $0x1E00, s1;
	p0 =	slt.u32 s11, $0xC  }
0xb: {  	s7 =	sor.u32 s6, s5;
	_ =	strace $0x8000004A;
	[dreg:$0xb] =	wrdreg s10  }
0xc: {  	s6 =	ssub.s32 $0x2, s6;
	s10 =	sadd.s32 $0x1F400, s3;
	[dreg:$0xd] =	wrdreg s12  }
0xd: {  	p2 =	seq.s32 @!p0 s11, $0xC;
	s11 =	simm.s32 $0xC980;
	s5 =	smul.u32 $0xC40, s7  }
0xe: {  	s21 =	sshrl.u32 s6, $0x1;
	s0 =	sadd.s32 s0, s25;
	s1 =	sadd.s32 s1, s25  }
0xf: {  	p1 =	seq.s32 s7, $0x1F;
	p2 =	por !p2, p0;
	[dreg:$0xe] =	wrdreg s0  }
0x10: {  	s7 =	simm.s32 $0x10980;
	[dreg:$0xf] =	wrdreg s1;
	s20 =	sshrl.u32 s5, $0x3  }
0x11: {  	s1 =	simm.s32 $0x5;
	s8 =	sadd.s32 s20, s4;
	s4 =	sadd.s32 $0xCC00, s4  }
0x12: {  	s17 =	sadd.s32 $0xFFFFFEC0, s5;
	[dreg:$0x6] =	wrdreg s4;
	s22 =	sadd.s32 $0x800, s8  }
0x13: {  	s20 =	simm.s32 $0x7;
	s9 =	sadd.s32 $0x3900, s8;
	[dreg:$0x7] =	wrdreg s22  }
0x14: {  	s4 =	ssub.s32 s6, s21;
	s24 =	sadd.s32 $0x6A00, s8;
	[dreg:$0x8] =	wrdreg s9  }
0x15: {  	s8 =	sadd.s32 $0x9B00, s8;
	s6 =	sshrl.u32 s23, $0x2;
	[dreg:$0x9] =	wrdreg s24  }
0x16: {  	s21 =	simm.s32 $0xD;
	[dreg:$0xa] =	wrdreg s8;
	s8 =	sadd.s32 $0xF000, s3  }
0x17: {  	s6 =	sadd.s32 s6, s3;
	s26 =	smax.u32 s4, $0x1;
	s22 =	simm.s32 $0xC  }
.Ltmp0:
0x18: {  	[dreg:$0xc] =	wrdreg s6;
	s0 =	sadd.s32 $0x10400, s6;
	(pc) =	sbr.rel .LBB2_1-.Ltmp0, $4  }
0x19: {  	s9 =	simm.s32 $0x2;
	[dreg:$0x10] =	wrdreg s26;
	s0 =	sshrl.u32 @p0 s0, $0x3  }
0x1a: {  	s6 =	simm.s32 $0xB;
	[dreg:$0x11] =	wrdreg s0;
	s0 =	sshrl.u32 @!p2 s8, $0x3  }
0x1b: {  	s8 =	simm.s32 $0x18980;
	[dreg:$0x12] =	wrdreg s0;
	s0 =	sshrl.u32 @!p2 s10, $0x3  }
0x1c: {  	s10 =	simm.s32 $0x9;
	[dreg:$0x13] =	wrdreg s0;
	s0 =	simm.s32 $0x14980  }
.LBB2_58:
0x1d: {  	s4 =	simm.s32 @!p1 $0x8  }
0x1e: {  	_ =	swait.ge @!p1 [sflag:s4], $0x1000  }
0x1f: {  	[sflag:s4] =	ssyncset.done @!p1 $0x0  }
0x20: {  	[sflag:s4] =	ssyncadd.s32 @!p1 $0xFFFFF000  }
0x21: {  	_ =	swait.ge @!p1 [sflag:s4], $0x1000  }
0x22: {  	[sflag:s4] =	ssyncset.done @!p1 $0x0  }
0x23: {  	[sflag:s4] =	ssyncadd.s32 @!p1 $0xFFFFF000;
	s4 =	simm.s32 @!p1 $0x9  }
0x24: {  	_ =	swait.ge @!p1 [sflag:s4], $0x1000  }
0x25: {  	[sflag:s4] =	ssyncset.done @!p1 $0x0  }
0x26: {  	[sflag:s4] =	ssyncadd.s32 @!p1 $0xFFFFF000  }
0x27: {  	_ =	swait.ge @!p1 [sflag:s4], $0x1000  }
0x28: {  	[sflag:s4] =	ssyncset.done @!p1 $0x0  }
0x29: {  	[sflag:s4] =	ssyncadd.s32 @!p1 $0xFFFFF000;
	s4 =	simm.s32 @!p1 $0xA  }
0x2a: {  	_ =	swait.ge @!p1 [sflag:s4], $0x1000  }
0x2b: {  	[sflag:s4] =	ssyncset.done @!p1 $0x0  }
0x2c: {  	[sflag:s4] =	ssyncadd.s32 @!p1 $0xFFFFF000  }
0x2d: {  	_ =	swait.ge @!p1 [sflag:s4], $0x1000  }
0x2e: {  	[sflag:s4] =	ssyncset.done @!p1 $0x0  }
0x2f: {  	[sflag:s4] =	ssyncadd.s32 @!p1 $0xFFFFF000;
	s4 =	simm.s32 @!p1 $0xB  }
0x30: {  	_ =	swait.ge @!p1 [sflag:s4], $0x1000  }
0x31: {  	[sflag:s4] =	ssyncset.done @!p1 $0x0  }
0x32: {  	[sflag:s4] =	ssyncadd.s32 @!p1 $0xFFFFF000  }
0x33: {  	_ =	swait.ge @!p1 [sflag:s4], $0x1000  }
0x34: {  	[sflag:s4] =	ssyncset.done @!p1 $0x0  }
0x35: {  	[sflag:s4] =	ssyncadd.s32 @!p1 $0xFFFFF000;
	s4 =	simm.s32 @!p1 $0xC  }
0x36: {  	_ =	swait.ge @!p1 [sflag:s4], $0x1000  }
0x37: {  	[sflag:s4] =	ssyncset.done @!p1 $0x0  }
0x38: {  	[sflag:s4] =	ssyncadd.s32 @!p1 $0xFFFFF000  }
0x39: {  	_ =	swait.ge @!p1 [sflag:s4], $0x1000  }
0x3a: {  	[sflag:s4] =	ssyncset.done @!p1 $0x0  }
0x3b: {  	[sflag:s4] =	ssyncadd.s32 @!p1 $0xFFFFF000;
	s4 =	simm.s32 @!p1 $0xD  }
0x3c: {  	_ =	swait.ge @!p1 [sflag:s4], $0x1000  }
0x3d: {  	[sflag:s4] =	ssyncset.done @!p1 $0x0  }
0x3e: {  	[sflag:s4] =	ssyncadd.s32 @!p1 $0xFFFFF000;
	s4 =	simm.s32 @p1 $0x9  }
0x3f: {  	_ =	swait.ge [sflag:s4], $0x1000  }
0x40: {  	s16 =	rddreg [dreg:$0x14]  }
0x41: {  	s12 =	rddreg [dreg:$0x10];
	s16 =	sadd.s32 $0x1, s16  }
0x42: {  	p3 =	sne.s32 s16, s12  }
.Ltmp1:
0x43: {  	_ = 	snop;
	(pc) =	sbr.rel @!p3 .LBB2_59-.Ltmp1, $3  }
0x44: {  	_ =	sdelay $0x1  }
0x45: {  	[sflag:s4] =	ssyncset.done $0x0  }
0x46: {  	[sflag:s4] =	ssyncadd.s32 $0xFFFFF000  }
.LBB2_1:
0x47: {  	[dreg:$0x14] =	wrdreg s16;
	s16 =	simm.s32 $0x0  }
0x48: {  	s4 =	rddreg [dreg:$0x6];
	s12 =	simm.s32 $0x1C980;
	s23 =	simm.s32 $0xE  }
0x49: {  	[tilespmem:s12], [sflag:$0xE] =	stream.linear.gather [hbm4b:s4+s16], $0x80, $0x38;
	[tilespmem:$0x1EA80] =	vst v63  }
0x4a: {  	_ =	swait.ge [sflag:s23], $0x80  }
0x4b: {  	[sflag:s23] =	ssyncset.done $0x0;
	s24 =	rddreg [dreg:$0x7]  }
0x4c: {  	s25 =	rddreg [dreg:$0x8];
	[sflag:s23] =	ssyncadd.s32 $0xFFFFFF80  }
0x4d: {  	v0 =	vld [tilespmem:$0x1C980];
	[tilespmem:s16], [sflag:$0x1] =	stream.linear.gather [hbm4b:s24+s16], $0xC40, $0x38  }
0x4e: {  	s26 =	simm.s32 $0xC40;
	s4 =	stileid.u32;
	s12 =	rddreg [dreg:$0x9]  }
0x4f: {  	[tilespmem:s26], [sflag:$0x1] =	stream.linear.gather [hbm4b:s25+s16], $0xC40, $0x38;
	[tilespmem:$0x1EA80] =	vst v63  }
0x50: {  	s19 =	simm.s32 $0x1880;
	s4 =	sshll.u32 @p0 s4, $0x6;
	s23 =	rddreg [dreg:$0xa]  }
0x51: {  	[tilespmem:s19], [sflag:$0x1] =	stream.linear.gather [hbm4b:s12+s16], $0xC40, $0x38;
	[tilespmem:$0x1EA80] =	vst v63  }
0x52: {  	s4 =	sor.u32 @p0 $0x1C0E, s4;
	s12 =	rddreg [dreg:$0xc]  }
0x53: {  	s24 =	simm.s32 $0x24C0;
	s19 =	rddreg [dreg:$0xe];
	s12 =	sshrl.u32 @p0 s12, $0x3  }
0x54: {  	[tilespmem:s24], [sflag:$0x1] =	stream.linear.gather [hbm4b:s23+s16], $0xC40, $0x38;
	[tilespmem:$0x1EA80] =	vst v63  }
0x55: {  	[spmem:s12], [sflag:s4] =	dma.local @p0 [hbm:s19], $0x280  }
0x56: {  	s12 =	simm.s32 @p0 $0xE  }
0x57: {  	_ =	swait.ge @p0 [sflag:s12], $0x280  }
0x58: {  	[sflag:s12] =	ssyncset.done @p0 $0x0;
	s19 =	rddreg [dreg:$0xf]  }
0x59: {  	s23 =	rddreg [dreg:$0x11];
	[sflag:s12] =	ssyncadd.s32 @p0 $0xFFFFFD80  }
0x5a: {  	[spmem:s23], [sflag:s4] =	dma.local @p0 [hbm:s19], $0x280  }
0x5b: {  	_ =	swait.ge @p0 [sflag:s12], $0x280  }
0x5c: {  	[sflag:s12] =	ssyncset.done @p0 $0x0;
	s19 =	rddreg [dreg:$0x12]  }
0x5d: {  	s4 =	simm.s32 @!p2 $0x1F0E;
	[sflag:s12] =	ssyncadd.s32 @p0 $0xFFFFFD80;
	s12 =	rddreg [dreg:$0xb]  }
0x5e: {  	[spmem:s19], [sflag:s4] =	dma.local @!p2 [hbm:s12], $0x210  }
0x5f: {  	s12 =	simm.s32 @!p2 $0xE  }
0x60: {  	_ =	swait.ge @!p2 [sflag:s12], $0x210  }
0x61: {  	[sflag:s12] =	ssyncset.done @!p2 $0x0;
	s19 =	rddreg [dreg:$0xd]  }
0x62: {  	s23 =	rddreg [dreg:$0x13];
	[sflag:s12] =	ssyncadd.s32 @!p2 $0xFFFFFDF0  }
0x63: {  	[spmem:s23], [sflag:s4] =	dma.local @!p2 [hbm:s19], $0x210  }
0x64: {  	_ =	swait.ge @!p2 [sflag:s12], $0x210  }
0x65: {  	[sflag:s12] =	ssyncset.done @!p2 $0x0  }
0x66: {  	s25 =	simm.s32 $0x1;
	[sflag:s12] =	ssyncadd.s32 @!p2 $0xFFFFFDF0  }
0x67: {  	_ =	swait.ge [sflag:s25], $0xC40  }
0x68: {  	[sflag:s25] =	ssyncset.done $0x0  }
0x69: {  	[sflag:s25] =	ssyncadd.s32 $0xFFFFF3C0  }
0x6a: {  	_ =	swait.ge [sflag:s25], $0xC40  }
0x6b: {  	[sflag:s25] =	ssyncset.done $0x0  }
0x6c: {  	[sflag:s25] =	ssyncadd.s32 $0xFFFFF3C0  }
0x6d: {  	_ =	swait.ge [sflag:s25], $0xC40  }
0x6e: {  	[sflag:s25] =	ssyncset.done $0x0  }
0x6f: {  	[sflag:s25] =	ssyncadd.s32 $0xFFFFF3C0  }
0x70: {  	_ =	swait.ge [sflag:s25], $0xC40  }
0x71: {  	[sflag:s25] =	ssyncset.done $0x0  }
0x72: {  	s23 =	simm.s32 $0x24F0;
	[sflag:s25] =	ssyncadd.s32 $0xFFFFF3C0  }
0x73: {  	v1 =	vld [tilespmem:s23+$0xFFFFE750]  }
0x74: {  	v2 =	vld [tilespmem:s23+$0xFFFFFFD0];
	_ =	sdelay $0x3  }
0x75: {  	v1 =	vadd.s32 v0, v1  }
0x76: {  	v1 =	vadd.s32 v2, v1  }
0x77: {  	vm0 =	vgt.s32 v1, $0x0  }
0x78: {  	v1 =	vnsel vm0, $0x0, v1  }
0x79: {  	s24 =	simm.s32 $0x3140;
	v1 =	vmin.u32 v1, $0x200  }
0x7a: {  	[tilespmem:s24+$0xFFFFFFC0] =	vst v1  }
0x7b: {  	s26 =	sand.u32 $0xFC0, s16;
	v1 =	vld [tilespmem:s23+$0xFFFFDB10]  }
0x7c: {  	v2 =	vld [tilespmem:s26+$0x1880];
	_ =	sdelay $0x3  }
0x7d: {  	v1 =	vadd.s32 v0, v1  }
0x7e: {  	v1 =	vadd.s32 v2, v1  }
0x7f: {  	vm9 =	vgt.s32 v1, $0x0  }
0x80: {  	v1 =	vnsel vm9, $0x0, v1  }
0x81: {  	v1 =	vmin.u32 v1, $0x200  }
0x82: {  	v1 =	vadd.s32 $0x208, v1  }
0x83: {  	[tilespmem:s24+$0x0] =	vst v1  }
0x84: {  	v1 =	vld [tilespmem:s23+$0xFFFFE760]  }
0x85: {  	v2 =	vld [tilespmem:s23+$0xFFFFFFE0];
	_ =	sdelay $0x3  }
0x86: {  	v1 =	vadd.s32 v0, v1  }
0x87: {  	v1 =	vadd.s32 v2, v1  }
0x88: {  	vm10 =	vgt.s32 v1, $0x0  }
0x89: {  	v1 =	vnsel vm10, $0x0, v1  }
0x8a: {  	v1 =	vmin.u32 v1, $0x200  }
0x8b: {  	[tilespmem:s24+$0xFFFFFFD0] =	vst v1  }
0x8c: {  	v1 =	vld [tilespmem:s23+$0xFFFFDB20]  }
0x8d: {  	v2 =	vld [tilespmem:s23+$0xFFFFF3A0];
	_ =	sdelay $0x3  }
0x8e: {  	v1 =	vadd.s32 v0, v1  }
0x8f: {  	v1 =	vadd.s32 v2, v1  }
0x90: {  	vm11 =	vgt.s32 v1, $0x0  }
0x91: {  	v1 =	vnsel vm11, $0x0, v1  }
0x92: {  	v1 =	vmin.u32 v1, $0x200  }
0x93: {  	v1 =	vadd.s32 $0x208, v1  }
0x94: {  	[tilespmem:s24+$0x10] =	vst v1  }
0x95: {  	v1 =	vld [tilespmem:s23+$0xFFFFE770]  }
0x96: {  	v2 =	vld [tilespmem:s23+$0xFFFFFFF0];
	_ =	sdelay $0x3  }
0x97: {  	v1 =	vadd.s32 v0, v1  }
0x98: {  	v1 =	vadd.s32 v2, v1  }
0x99: {  	vm12 =	vgt.s32 v1, $0x0  }
0x9a: {  	v1 =	vnsel vm12, $0x0, v1  }
0x9b: {  	v1 =	vmin.u32 v1, $0x200  }
0x9c: {  	[tilespmem:s24+$0xFFFFFFE0] =	vst v1  }
0x9d: {  	v1 =	vld [tilespmem:s23+$0xFFFFDB30]  }
0x9e: {  	v2 =	vld [tilespmem:s23+$0xFFFFF3B0];
	_ =	sdelay $0x3  }
0x9f: {  	v1 =	vadd.s32 v0, v1  }
0xa0: {  	v1 =	vadd.s32 v2, v1  }
0xa1: {  	vm13 =	vgt.s32 v1, $0x0  }
0xa2: {  	v1 =	vnsel vm13, $0x0, v1  }
0xa3: {  	v1 =	vmin.u32 v1, $0x200  }
0xa4: {  	v1 =	vadd.s32 $0x208, v1  }
0xa5: {  	[tilespmem:s24+$0x20] =	vst v1  }
0xa6: {  	v1 =	vld [tilespmem:s23+$0xFFFFE780]  }
0xa7: {  	v2 =	vld [tilespmem:s23+$0x0];
	_ =	sdelay $0x3  }
0xa8: {  	v1 =	vadd.s32 v0, v1  }
0xa9: {  	v1 =	vadd.s32 v2, v1  }
0xaa: {  	vm14 =	vgt.s32 v1, $0x0  }
0xab: {  	v1 =	vnsel vm14, $0x0, v1  }
0xac: {  	v1 =	vmin.u32 v1, $0x200  }
0xad: {  	[tilespmem:s24+$0xFFFFFFF0] =	vst v1  }
0xae: {  	v1 =	vld [tilespmem:s23+$0xFFFFDB40]  }
0xaf: {  	v2 =	vld [tilespmem:s23+$0xFFFFF3C0];
	_ =	sdelay $0x3  }
0xb0: {  	v1 =	vadd.s32 v0, v1  }
0xb1: {  	v1 =	vadd.s32 v2, v1  }
0xb2: {  	vm15 =	vgt.s32 v1, $0x0  }
0xb3: {  	v1 =	vnsel vm15, $0x0, v1  }
0xb4: {  	v1 =	vmin.u32 v1, $0x200  }
0xb5: {  	s25 =	simm.s32 $0x40;
	v1 =	vadd.s32 $0x208, v1  }
.LBB2_2:
0xb6: {  	p3 =	sne.s32 s25, $0xC00;
	[tilespmem:s24+$0x30] =	vst v1;
	s23 =	sadd.s32 $0x40, s23;
	s24 =	sadd.s32 $0x80, s24  }
0xb7: {  	s4 =	smov.u32 s25;
	s25 =	sadd.s32 $0x40, s25;
	v1 =	vld [tilespmem:s23+$0xFFFFE750]  }
0xb8: {  	v2 =	vld [tilespmem:s23+$0xFFFFFFD0];
	_ =	sdelay $0x3  }
0xb9: {  	v1 =	vadd.s32 v0, v1  }
0xba: {  	v1 =	vadd.s32 v2, v1  }
0xbb: {  	vm0 =	vgt.s32 v1, $0x0  }
0xbc: {  	v1 =	vnsel vm0, $0x0, v1  }
0xbd: {  	v1 =	vmin.u32 v1, $0x200  }
0xbe: {  	[tilespmem:s24+$0xFFFFFFC0] =	vst v1  }
0xbf: {  	s4 =	sand.u32 $0xFC0, s4;
	v1 =	vld [tilespmem:s23+$0xFFFFDB10]  }
0xc0: {  	v2 =	vld [tilespmem:s4+$0x1880];
	_ =	sdelay $0x3  }
0xc1: {  	v1 =	vadd.s32 v0, v1  }
0xc2: {  	v1 =	vadd.s32 v2, v1  }
0xc3: {  	vm0 =	vgt.s32 v1, $0x0  }
0xc4: {  	v1 =	vnsel vm0, $0x0, v1  }
0xc5: {  	v1 =	vmin.u32 v1, $0x200  }
0xc6: {  	v1 =	vadd.s32 $0x208, v1  }
0xc7: {  	[tilespmem:s24+$0x0] =	vst v1  }
0xc8: {  	v1 =	vld [tilespmem:s23+$0xFFFFE760]  }
0xc9: {  	v2 =	vld [tilespmem:s23+$0xFFFFFFE0];
	_ =	sdelay $0x3  }
0xca: {  	v1 =	vadd.s32 v0, v1  }
0xcb: {  	v1 =	vadd.s32 v2, v1  }
0xcc: {  	vm0 =	vgt.s32 v1, $0x0  }
0xcd: {  	v1 =	vnsel vm0, $0x0, v1  }
0xce: {  	v1 =	vmin.u32 v1, $0x200  }
0xcf: {  	[tilespmem:s24+$0xFFFFFFD0] =	vst v1  }
0xd0: {  	v1 =	vld [tilespmem:s23+$0xFFFFDB20]  }
0xd1: {  	v2 =	vld [tilespmem:s23+$0xFFFFF3A0];
	_ =	sdelay $0x3  }
0xd2: {  	v1 =	vadd.s32 v0, v1  }
0xd3: {  	v1 =	vadd.s32 v2, v1  }
0xd4: {  	vm0 =	vgt.s32 v1, $0x0  }
0xd5: {  	v1 =	vnsel vm0, $0x0, v1  }
0xd6: {  	v1 =	vmin.u32 v1, $0x200  }
0xd7: {  	v1 =	vadd.s32 $0x208, v1  }
0xd8: {  	[tilespmem:s24+$0x10] =	vst v1  }
0xd9: {  	v1 =	vld [tilespmem:s23+$0xFFFFE770]  }
0xda: {  	v2 =	vld [tilespmem:s23+$0xFFFFFFF0];
	_ =	sdelay $0x3  }
0xdb: {  	v1 =	vadd.s32 v0, v1  }
0xdc: {  	v1 =	vadd.s32 v2, v1  }
0xdd: {  	vm0 =	vgt.s32 v1, $0x0  }
0xde: {  	v1 =	vnsel vm0, $0x0, v1  }
0xdf: {  	v1 =	vmin.u32 v1, $0x200  }
0xe0: {  	[tilespmem:s24+$0xFFFFFFE0] =	vst v1  }
0xe1: {  	v1 =	vld [tilespmem:s23+$0xFFFFDB30]  }
0xe2: {  	v2 =	vld [tilespmem:s23+$0xFFFFF3B0];
	_ =	sdelay $0x3  }
0xe3: {  	v1 =	vadd.s32 v0, v1  }
0xe4: {  	v1 =	vadd.s32 v2, v1  }
0xe5: {  	vm0 =	vgt.s32 v1, $0x0  }
0xe6: {  	v1 =	vnsel vm0, $0x0, v1  }
0xe7: {  	v1 =	vmin.u32 v1, $0x200  }
0xe8: {  	v1 =	vadd.s32 $0x208, v1  }
0xe9: {  	[tilespmem:s24+$0x20] =	vst v1  }
0xea: {  	v1 =	vld [tilespmem:s23+$0xFFFFE780]  }
0xeb: {  	v2 =	vld [tilespmem:s23+$0x0];
	_ =	sdelay $0x3  }
0xec: {  	v1 =	vadd.s32 v0, v1  }
0xed: {  	v1 =	vadd.s32 v2, v1  }
0xee: {  	vm0 =	vgt.s32 v1, $0x0  }
0xef: {  	v1 =	vnsel vm0, $0x0, v1  }
0xf0: {  	v1 =	vmin.u32 v1, $0x200  }
0xf1: {  	[tilespmem:s24+$0xFFFFFFF0] =	vst v1  }
0xf2: {  	v1 =	vld [tilespmem:s23+$0xFFFFDB40]  }
0xf3: {  	v2 =	vld [tilespmem:s23+$0xFFFFF3C0];
	_ =	sdelay $0x3  }
0xf4: {  	v1 =	vadd.s32 v0, v1  }
.Ltmp2:
0xf5: {  	v1 =	vadd.s32 v2, v1;
	(pc) =	sbr.rel @p3 .LBB2_2-.Ltmp2, $4  }
0xf6: {  	vm0 =	vgt.s32 v1, $0x0  }
0xf7: {  	v1 =	vnsel vm0, $0x0, v1  }
0xf8: {  	v1 =	vmin.u32 v1, $0x200  }
0xf9: {  	v1 =	vadd.s32 $0x208, v1  }
0xfa: {  	[tilespmem:s24+$0x30] =	vst v1  }
0xfb: {  	s23 =	simm.s32 $0x0;
	[bflag:$0x0] =	sbarrier.arrive $0xFFFF  }
.LBB2_4:
0xfc: {  	p3 =	sne.s32 s23, $0x0  }
.Ltmp3:
0xfd: {  	_ = 	snop;
	(pc) =	sbr.rel @!p3 .LBB2_5-.Ltmp3, $2  }
0xfe: {  	_ =	sdelay $0x2  }
0xff: {  	s25 =	smul.u32 $0x6, s23  }
0x100: {  	_ =	swait.ge [sflag:s14], $0x1000  }
0x101: {  	[sflag:s14] =	ssyncset.done $0x0  }
0x102: {  	s4 =	smul.u32 $0xC00, s23;
	[sflag:s14] =	ssyncadd.s32 $0xFFFFF000  }
0x103: {  	_ =	swait.ge [sflag:s14], $0x1000  }
0x104: {  	s4 =	sshra.s32 s4, $0x2;
	[sflag:s14] =	ssyncset.done $0x0  }
0x105: {  	s24 =	sadd.s32 $0x3100, s4;
	[sflag:s14] =	ssyncadd.s32 $0xFFFFF000  }
0x106: {  	[tilespmem:s29], [sflag:$0x2] =	stream.indirect.gather [spmem:s3], $0x80, s24, s28, $0xb8;
	[tilespmem:$0x1EA80] =	vst v63  }
0x107: {  	_ =	swait.ge [sflag:s15], $0x4000  }
0x108: {  	[sflag:s15] =	ssyncset.done $0x0  }
0x109: {  	s4 =	simm.s32 $0x0;
	[sflag:s15] =	ssyncadd.s32 $0xFFFFC000  }
0x10a: {  	v6 =	vld [tilespmem:s4+$0xA980]  }
0x10b: {  	v11 =	vld [tilespmem:s4+$0xA990]  }
0x10c: {  	v5 =	vld [tilespmem:s4+$0xA9A0]  }
0x10d: {  	v4 =	vld [tilespmem:s4+$0xA9B0]  }
0x10e: {  	v3 =	vld [tilespmem:s4+$0xA9C0]  }
0x10f: {  	v2 =	vld [tilespmem:s4+$0xA9D0]  }
0x110: {  	v1 =	vld [tilespmem:s4+$0xA9E0]  }
0x111: {  	v0 =	vld [tilespmem:s4+$0xA9F0]  }
0x112: {  	v12 =	vld [tilespmem:s4+$0x8980]  }
0x113: {  	v13 =	vld [tilespmem:s4+$0x8990]  }
0x114: {  	v10 =	vld [tilespmem:s4+$0x89A0]  }
0x115: {  	v9 =	vld [tilespmem:s4+$0x89B0]  }
0x116: {  	v8 =	vld [tilespmem:s4+$0x89C0]  }
0x117: {  	v7 =	vld [tilespmem:s4+$0x89D0];
	v12 =	vadd.f32 v6, v12  }
0x118: {  	s12 =	simm.s32 $0x200;
	v11 =	vadd.f32 v11, v13;
	v6 =	vld [tilespmem:s4+$0x89E0]  }
.LBB2_7:
0x119: {  	s19 =	sshra.s32 s12, $0x2;
	p4 =	sne.s32 s12, $0x3E00;
	[tilespmem:s4+$0x8980] =	vst v12;
	v5 =	vadd.f32 v5, v10;
	v10 =	vld [tilespmem:s4+$0x89F0]  }
0x11a: {  	v12 =	vld [tilespmem:s19+$0xA980];
	[tilespmem:s4+$0x8990] =	vst v11;
	v4 =	vadd.f32 v4, v9  }
0x11b: {  	v11 =	vld [tilespmem:s19+$0xA990];
	[tilespmem:s4+$0x89A0] =	vst v5;
	v3 =	vadd.f32 v3, v8  }
0x11c: {  	v5 =	vld [tilespmem:s19+$0xA9A0];
	[tilespmem:s4+$0x89B0] =	vst v4;
	v2 =	vadd.f32 v2, v7  }
0x11d: {  	v4 =	vld [tilespmem:s19+$0xA9B0];
	[tilespmem:s4+$0x89C0] =	vst v3;
	v1 =	vadd.f32 v1, v6  }
0x11e: {  	v3 =	vld [tilespmem:s19+$0xA9C0];
	[tilespmem:s4+$0x89D0] =	vst v2;
	v0 =	vadd.f32 v0, v10  }
0x11f: {  	v2 =	vld [tilespmem:s19+$0xA9D0];
	[tilespmem:s4+$0x89E0] =	vst v1  }
0x120: {  	v1 =	vld [tilespmem:s19+$0xA9E0];
	[tilespmem:s4+$0x89F0] =	vst v0;
	s4 =	smov.u32 s19  }
0x121: {  	v0 =	vld [tilespmem:s4+$0xA9F0]  }
0x122: {  	v6 =	vld [tilespmem:s4+$0x8980]  }
0x123: {  	v13 =	vld [tilespmem:s4+$0x8990]  }
.Ltmp4:
0x124: {  	v10 =	vld [tilespmem:s4+$0x89A0];
	(pc) =	sbr.rel @p4 .LBB2_7-.Ltmp4, $4  }
0x125: {  	v9 =	vld [tilespmem:s4+$0x89B0]  }
0x126: {  	v8 =	vld [tilespmem:s4+$0x89C0]  }
0x127: {  	v12 =	vadd.f32 v12, v6;
	v7 =	vld [tilespmem:s4+$0x89D0]  }
0x128: {  	s12 =	sadd.s32 $0x200, s12;
	v11 =	vadd.f32 v11, v13;
	v6 =	vld [tilespmem:s4+$0x89E0]  }
0x129: {  	[tilespmem:s4+$0x8980] =	vst v12;
	v5 =	vadd.f32 v5, v10;
	v10 =	vld [tilespmem:s4+$0x89F0]  }
0x12a: {  	s12 =	smul.u32 $0x180, s23;
	[tilespmem:s4+$0x8990] =	vst v11;
	v4 =	vadd.f32 v4, v9  }
0x12b: {  	[tilespmem:s4+$0x89A0] =	vst v5;
	v3 =	vadd.f32 v3, v8  }
0x12c: {  	s12 =	sadd.s32 s17, s12;
	[tilespmem:s4+$0x89B0] =	vst v4;
	v2 =	vadd.f32 v2, v7  }
0x12d: {  	s19 =	sor.u32 $0x20, s12;
	[tilespmem:s4+$0x89C0] =	vst v3;
	v1 =	vadd.f32 v1, v6  }
0x12e: {  	p4 =	sgt.u32 s19, $0x186A0;
	[tilespmem:s4+$0x89D0] =	vst v2;
	v0 =	vadd.f32 v0, v10  }
0x12f: {  	s26 =	sshll.u32 @!p4 s12, $0x4;
	[tilespmem:s4+$0x89E0] =	vst v1  }
0x130: {  	s16 =	simm.s32 @!p4 $0x8980;
	[tilespmem:s4+$0x89F0] =	vst v0;
	s4 =	sadd.s32 @!p4 s2, s26;
	s26 =	simm.s32 @!p4 $0x0  }
0x131: {  	[hbm4b:s4+s26] =	stream.linear.scatter @!p4 [tilespmem:s16], [sflag:$0x9], $0x1000, $0x38;
	[tilespmem:$0x1EA80] =	vst v63  }
0x132: {  	s4 =	simm.s32 $0x0  }
0x133: {  	v7 =	vld [tilespmem:s4+$0xB980]  }
0x134: {  	v11 =	vld [tilespmem:s4+$0xB990]  }
0x135: {  	v5 =	vld [tilespmem:s4+$0xB9A0]  }
0x136: {  	v4 =	vld [tilespmem:s4+$0xB9B0]  }
0x137: {  	v3 =	vld [tilespmem:s4+$0xB9C0]  }
0x138: {  	v2 =	vld [tilespmem:s4+$0xB9D0]  }
0x139: {  	v1 =	vld [tilespmem:s4+$0xB9E0]  }
0x13a: {  	v0 =	vld [tilespmem:s4+$0xB9F0]  }
0x13b: {  	v12 =	vld [tilespmem:s4+$0x9980]  }
0x13c: {  	v13 =	vld [tilespmem:s4+$0x9990]  }
0x13d: {  	v10 =	vld [tilespmem:s4+$0x99A0]  }
0x13e: {  	v9 =	vld [tilespmem:s4+$0x99B0]  }
0x13f: {  	v8 =	vld [tilespmem:s4+$0x99C0]  }
0x140: {  	v6 =	vld [tilespmem:s4+$0x99D0];
	v12 =	vadd.f32 v7, v12  }
0x141: {  	s26 =	simm.s32 $0x200;
	v11 =	vadd.f32 v11, v13;
	v7 =	vld [tilespmem:s4+$0x99E0]  }
.LBB2_9:
0x142: {  	s16 =	sshra.s32 s26, $0x2;
	p4 =	sne.s32 s26, $0x3E00;
	[tilespmem:s4+$0x9980] =	vst v12;
	v5 =	vadd.f32 v5, v10;
	v10 =	vld [tilespmem:s4+$0x99F0]  }
0x143: {  	v12 =	vld [tilespmem:s16+$0xB980];
	[tilespmem:s4+$0x9990] =	vst v11;
	v4 =	vadd.f32 v4, v9  }
0x144: {  	v11 =	vld [tilespmem:s16+$0xB990];
	[tilespmem:s4+$0x99A0] =	vst v5;
	v3 =	vadd.f32 v3, v8  }
0x145: {  	v5 =	vld [tilespmem:s16+$0xB9A0];
	[tilespmem:s4+$0x99B0] =	vst v4;
	v2 =	vadd.f32 v2, v6  }
0x146: {  	v4 =	vld [tilespmem:s16+$0xB9B0];
	[tilespmem:s4+$0x99C0] =	vst v3;
	v1 =	vadd.f32 v1, v7  }
0x147: {  	v3 =	vld [tilespmem:s16+$0xB9C0];
	[tilespmem:s4+$0x99D0] =	vst v2;
	v0 =	vadd.f32 v0, v10  }
0x148: {  	v2 =	vld [tilespmem:s16+$0xB9D0];
	[tilespmem:s4+$0x99E0] =	vst v1  }
0x149: {  	v1 =	vld [tilespmem:s16+$0xB9E0];
	[tilespmem:s4+$0x99F0] =	vst v0;
	s4 =	smov.u32 s16  }
0x14a: {  	v0 =	vld [tilespmem:s4+$0xB9F0]  }
0x14b: {  	v6 =	vld [tilespmem:s4+$0x9980]  }
0x14c: {  	v7 =	vld [tilespmem:s4+$0x9990]  }
.Ltmp5:
0x14d: {  	v10 =	vld [tilespmem:s4+$0x99A0];
	(pc) =	sbr.rel @p4 .LBB2_9-.Ltmp5, $4  }
0x14e: {  	v9 =	vld [tilespmem:s4+$0x99B0]  }
0x14f: {  	v8 =	vld [tilespmem:s4+$0x99C0]  }
0x150: {  	v12 =	vadd.f32 v12, v6;
	v6 =	vld [tilespmem:s4+$0x99D0]  }
0x151: {  	s26 =	sadd.s32 $0x200, s26;
	v11 =	vadd.f32 v11, v7;
	v7 =	vld [tilespmem:s4+$0x99E0]  }
0x152: {  	[tilespmem:s4+$0x9980] =	vst v12;
	v5 =	vadd.f32 v5, v10;
	v63 =	vld [tilespmem:s4+$0x99F0]  }
0x153: {  	[tilespmem:s4+$0x9990] =	vst v11;
	v4 =	vadd.f32 v4, v9  }
0x154: {  	[tilespmem:s4+$0x99A0] =	vst v5;
	v3 =	vadd.f32 v3, v8  }
0x155: {  	[tilespmem:s4+$0x99B0] =	vst v4;
	v2 =	vadd.f32 v2, v6  }
0x156: {  	[tilespmem:s4+$0x99C0] =	vst v3;
	v1 =	vadd.f32 v1, v7  }
0x157: {  	p4 =	sgt.u32 s12, $0x18660;
	[tilespmem:s4+$0x99D0] =	vst v2;
	v0 =	vadd.f32 v0, v63  }
0x158: {  	s12 =	sshll.u32 @!p4 s19, $0x4;
	[tilespmem:s4+$0x99E0] =	vst v1  }
0x159: {  	s16 =	simm.s32 @!p4 $0x9980;
	[tilespmem:s4+$0x99F0] =	vst v0;
	s4 =	sadd.s32 @!p4 s2, s12;
	s12 =	simm.s32 @!p4 $0x0  }
0x15a: {  	[hbm4b:s4+s12] =	stream.linear.scatter @!p4 [tilespmem:s16], [sflag:$0x9], $0x1000, $0x38;
	[tilespmem:$0x1EA80] =	vst v63  }
0x15b: {  	s4 =	sor.u32 $0x1, s25  }
0x15c: {  	p4 =	sgt.u32 s4, $0x30  }
.Ltmp6:
0x15d: {  	_ = 	snop;
	(pc) =	sbr.rel @p4 .LBB2_13-.Ltmp6, $1  }
0x15e: {  	_ =	sdelay $0x3  }
0x15f: {  	_ =	swait.ge [sflag:s10], $0x1000  }
.Ltmp7:
0x160: {  	[sflag:s10] =	ssyncset.done $0x0;
	(pc) =	sbr.rel .LBB2_12-.Ltmp7, $4  }
0x161: {  	[sflag:s10] =	ssyncadd.s32 $0xFFFFF000  }
0x162: {  	_ =	swait.ge [sflag:s10], $0x1000  }
0x163: {  	[sflag:s10] =	ssyncset.done $0x0  }
0x164: {  	s4 =	sshll.u32 s4, $0x9;
	[sflag:s10] =	ssyncadd.s32 $0xFFFFF000  }
.LBB2_5:
0x165: {  	s24 =	simm.s32 $0x3100;
	s4 =	simm.s32 $0x200  }
0x166: {  	[tilespmem:s29], [sflag:$0x2] =	stream.indirect.gather [spmem:s3], $0x80, s24, s28, $0xb8;
	[tilespmem:$0x1EA80] =	vst v63  }
.LBB2_12:
0x167: {  	s4 =	sshrl.u32 s4, $0x2  }
0x168: {  	s4 =	sadd.s32 $0x3100, s4  }
0x169: {  	[tilespmem:s30], [sflag:$0x3] =	stream.indirect.gather [spmem:s3], $0x80, s4, s28, $0xb8;
	[tilespmem:$0x1EA80] =	vst v63  }
.LBB2_13:
0x16a: {  	s12 =	sadd.s32 $0xFFFFFFFC, s25  }
0x16b: {  	p4 =	sgt.u32 s12, $0x30  }
.Ltmp8:
0x16c: {  	_ = 	snop;
	(pc) =	sbr.rel @p4 .LBB2_19-.Ltmp8, $1  }
0x16d: {  	_ =	sdelay $0x3  }
0x16e: {  	_ =	swait.ge [sflag:s31], $0x4000  }
0x16f: {  	[sflag:s31] =	ssyncset.done $0x0  }
0x170: {  	s4 =	simm.s32 $0x0;
	[sflag:s31] =	ssyncadd.s32 $0xFFFFC000  }
0x171: {  	v6 =	vld [tilespmem:s4+$0xE980]  }
0x172: {  	v11 =	vld [tilespmem:s4+$0xE990]  }
0x173: {  	v5 =	vld [tilespmem:s4+$0xE9A0]  }
0x174: {  	v4 =	vld [tilespmem:s4+$0xE9B0]  }
0x175: {  	v3 =	vld [tilespmem:s4+$0xE9C0]  }
0x176: {  	v2 =	vld [tilespmem:s4+$0xE9D0]  }
0x177: {  	v1 =	vld [tilespmem:s4+$0xE9E0]  }
0x178: {  	v0 =	vld [tilespmem:s4+$0xE9F0]  }
0x179: {  	v12 =	vld [tilespmem:s4+$0xC980]  }
0x17a: {  	v13 =	vld [tilespmem:s4+$0xC990]  }
0x17b: {  	v10 =	vld [tilespmem:s4+$0xC9A0]  }
0x17c: {  	v9 =	vld [tilespmem:s4+$0xC9B0]  }
0x17d: {  	v8 =	vld [tilespmem:s4+$0xC9C0]  }
0x17e: {  	v7 =	vld [tilespmem:s4+$0xC9D0];
	v12 =	vadd.f32 v6, v12  }
0x17f: {  	s19 =	simm.s32 $0x200;
	v11 =	vadd.f32 v11, v13;
	v6 =	vld [tilespmem:s4+$0xC9E0]  }
.LBB2_15:
0x180: {  	s16 =	sshra.s32 s19, $0x2;
	p4 =	sne.s32 s19, $0x3E00;
	[tilespmem:s4+$0xC980] =	vst v12;
	v5 =	vadd.f32 v5, v10;
	v10 =	vld [tilespmem:s4+$0xC9F0]  }
0x181: {  	v12 =	vld [tilespmem:s16+$0xE980];
	[tilespmem:s4+$0xC990] =	vst v11;
	v4 =	vadd.f32 v4, v9  }
0x182: {  	v11 =	vld [tilespmem:s16+$0xE990];
	[tilespmem:s4+$0xC9A0] =	vst v5;
	v3 =	vadd.f32 v3, v8  }
0x183: {  	v5 =	vld [tilespmem:s16+$0xE9A0];
	[tilespmem:s4+$0xC9B0] =	vst v4;
	v2 =	vadd.f32 v2, v7  }
0x184: {  	v4 =	vld [tilespmem:s16+$0xE9B0];
	[tilespmem:s4+$0xC9C0] =	vst v3;
	v1 =	vadd.f32 v1, v6  }
0x185: {  	v3 =	vld [tilespmem:s16+$0xE9C0];
	[tilespmem:s4+$0xC9D0] =	vst v2;
	v0 =	vadd.f32 v0, v10  }
0x186: {  	v2 =	vld [tilespmem:s16+$0xE9D0];
	[tilespmem:s4+$0xC9E0] =	vst v1  }
0x187: {  	v1 =	vld [tilespmem:s16+$0xE9E0];
	[tilespmem:s4+$0xC9F0] =	vst v0;
	s4 =	smov.u32 s16  }
0x188: {  	v0 =	vld [tilespmem:s4+$0xE9F0]  }
0x189: {  	v6 =	vld [tilespmem:s4+$0xC980]  }
0x18a: {  	v13 =	vld [tilespmem:s4+$0xC990]  }
.Ltmp9:
0x18b: {  	v10 =	vld [tilespmem:s4+$0xC9A0];
	(pc) =	sbr.rel @p4 .LBB2_15-.Ltmp9, $4  }
0x18c: {  	v9 =	vld [tilespmem:s4+$0xC9B0]  }
0x18d: {  	v8 =	vld [tilespmem:s4+$0xC9C0]  }
0x18e: {  	v12 =	vadd.f32 v12, v6;
	v7 =	vld [tilespmem:s4+$0xC9D0]  }
0x18f: {  	s19 =	sadd.s32 $0x200, s19;
	v11 =	vadd.f32 v11, v13;
	v6 =	vld [tilespmem:s4+$0xC9E0]  }
0x190: {  	[tilespmem:s4+$0xC980] =	vst v12;
	v5 =	vadd.f32 v5, v10;
	v10 =	vld [tilespmem:s4+$0xC9F0]  }
0x191: {  	[tilespmem:s4+$0xC990] =	vst v11;
	v4 =	vadd.f32 v4, v9  }
0x192: {  	s12 =	sshll.u32 s12, $0x6;
	[tilespmem:s4+$0xC9A0] =	vst v5;
	v3 =	vadd.f32 v3, v8  }
0x193: {  	s12 =	sadd.s32 s5, s12;
	[tilespmem:s4+$0xC9B0] =	vst v4;
	v2 =	vadd.f32 v2, v7  }
0x194: {  	s19 =	sor.u32 $0x20, s12;
	[tilespmem:s4+$0xC9C0] =	vst v3;
	v1 =	vadd.f32 v1, v6  }
0x195: {  	p4 =	sgt.u32 s19, $0x186A0;
	[tilespmem:s4+$0xC9D0] =	vst v2;
	v0 =	vadd.f32 v0, v10  }
0x196: {  	s16 =	sshll.u32 @!p4 s12, $0x4;
	[tilespmem:s4+$0xC9E0] =	vst v1  }
0x197: {  	s26 =	simm.s32 @!p4 $0xC980;
	[tilespmem:s4+$0xC9F0] =	vst v0;
	s4 =	sadd.s32 @!p4 s2, s16;
	s16 =	simm.s32 @!p4 $0x0  }
0x198: {  	[hbm4b:s4+s16] =	stream.linear.scatter @!p4 [tilespmem:s26], [sflag:$0xA], $0x1000, $0x38;
	[tilespmem:$0x1EA80] =	vst v63  }
0x199: {  	s4 =	simm.s32 $0x0  }
0x19a: {  	v7 =	vld [tilespmem:s4+$0xF980]  }
0x19b: {  	v11 =	vld [tilespmem:s4+$0xF990]  }
0x19c: {  	v5 =	vld [tilespmem:s4+$0xF9A0]  }
0x19d: {  	v4 =	vld [tilespmem:s4+$0xF9B0]  }
0x19e: {  	v3 =	vld [tilespmem:s4+$0xF9C0]  }
0x19f: {  	v2 =	vld [tilespmem:s4+$0xF9D0]  }
0x1a0: {  	v1 =	vld [tilespmem:s4+$0xF9E0]  }
0x1a1: {  	v0 =	vld [tilespmem:s4+$0xF9F0]  }
0x1a2: {  	v12 =	vld [tilespmem:s4+$0xD980]  }
0x1a3: {  	v13 =	vld [tilespmem:s4+$0xD990]  }
0x1a4: {  	v10 =	vld [tilespmem:s4+$0xD9A0]  }
0x1a5: {  	v9 =	vld [tilespmem:s4+$0xD9B0]  }
0x1a6: {  	v8 =	vld [tilespmem:s4+$0xD9C0]  }
0x1a7: {  	v6 =	vld [tilespmem:s4+$0xD9D0];
	v12 =	vadd.f32 v7, v12  }
0x1a8: {  	s26 =	simm.s32 $0x200;
	v11 =	vadd.f32 v11, v13;
	v7 =	vld [tilespmem:s4+$0xD9E0]  }
.LBB2_17:
0x1a9: {  	s16 =	sshra.s32 s26, $0x2;
	p4 =	sne.s32 s26, $0x3E00;
	[tilespmem:s4+$0xD980] =	vst v12;
	v5 =	vadd.f32 v5, v10;
	v10 =	vld [tilespmem:s4+$0xD9F0]  }
0x1aa: {  	v12 =	vld [tilespmem:s16+$0xF980];
	[tilespmem:s4+$0xD990] =	vst v11;
	v4 =	vadd.f32 v4, v9  }
0x1ab: {  	v11 =	vld [tilespmem:s16+$0xF990];
	[tilespmem:s4+$0xD9A0] =	vst v5;
	v3 =	vadd.f32 v3, v8  }
0x1ac: {  	v5 =	vld [tilespmem:s16+$0xF9A0];
	[tilespmem:s4+$0xD9B0] =	vst v4;
	v2 =	vadd.f32 v2, v6  }
0x1ad: {  	v4 =	vld [tilespmem:s16+$0xF9B0];
	[tilespmem:s4+$0xD9C0] =	vst v3;
	v1 =	vadd.f32 v1, v7  }
0x1ae: {  	v3 =	vld [tilespmem:s16+$0xF9C0];
	[tilespmem:s4+$0xD9D0] =	vst v2;
	v0 =	vadd.f32 v0, v10  }
0x1af: {  	v2 =	vld [tilespmem:s16+$0xF9D0];
	[tilespmem:s4+$0xD9E0] =	vst v1  }
0x1b0: {  	v1 =	vld [tilespmem:s16+$0xF9E0];
	[tilespmem:s4+$0xD9F0] =	vst v0;
	s4 =	smov.u32 s16  }
0x1b1: {  	v0 =	vld [tilespmem:s4+$0xF9F0]  }
0x1b2: {  	v6 =	vld [tilespmem:s4+$0xD980]  }
0x1b3: {  	v7 =	vld [tilespmem:s4+$0xD990]  }
.Ltmp10:
0x1b4: {  	v10 =	vld [tilespmem:s4+$0xD9A0];
	(pc) =	sbr.rel @p4 .LBB2_17-.Ltmp10, $4  }
0x1b5: {  	v9 =	vld [tilespmem:s4+$0xD9B0]  }
0x1b6: {  	v8 =	vld [tilespmem:s4+$0xD9C0]  }
0x1b7: {  	v12 =	vadd.f32 v12, v6;
	v6 =	vld [tilespmem:s4+$0xD9D0]  }
0x1b8: {  	s26 =	sadd.s32 $0x200, s26;
	v11 =	vadd.f32 v11, v7;
	v7 =	vld [tilespmem:s4+$0xD9E0]  }
0x1b9: {  	[tilespmem:s4+$0xD980] =	vst v12;
	v5 =	vadd.f32 v5, v10;
	v63 =	vld [tilespmem:s4+$0xD9F0]  }
0x1ba: {  	[tilespmem:s4+$0xD990] =	vst v11;
	v4 =	vadd.f32 v4, v9  }
0x1bb: {  	[tilespmem:s4+$0xD9A0] =	vst v5;
	v3 =	vadd.f32 v3, v8  }
0x1bc: {  	[tilespmem:s4+$0xD9B0] =	vst v4;
	v2 =	vadd.f32 v2, v6  }
0x1bd: {  	[tilespmem:s4+$0xD9C0] =	vst v3;
	v1 =	vadd.f32 v1, v7  }
0x1be: {  	p4 =	sgt.u32 s12, $0x18660;
	[tilespmem:s4+$0xD9D0] =	vst v2;
	v0 =	vadd.f32 v0, v63  }
0x1bf: {  	s12 =	sshll.u32 @!p4 s19, $0x4;
	[tilespmem:s4+$0xD9E0] =	vst v1  }
0x1c0: {  	s16 =	simm.s32 @!p4 $0xD980;
	[tilespmem:s4+$0xD9F0] =	vst v0;
	s4 =	sadd.s32 @!p4 s2, s12;
	s12 =	simm.s32 @!p4 $0x0  }
0x1c1: {  	[hbm4b:s4+s12] =	stream.linear.scatter @!p4 [tilespmem:s16], [sflag:$0xA], $0x1000, $0x38;
	[tilespmem:$0x1EA80] =	vst v63  }
.LBB2_19:
0x1c2: {  	p4 =	seq.s32 s23, $0x8  }
.Ltmp11:
0x1c3: {  	_ = 	snop;
	(pc) =	sbr.rel @p4 .LBB2_20-.Ltmp11, $1  }
0x1c4: {  	_ =	sdelay $0x3  }
.Ltmp12:
0x1c5: {  	(pc) =	sbr.rel @p3 .LBB2_23-.Ltmp12, $2  }
0x1c6: {  	_ =	sdelay $0x2  }
0x1c7: {  	s4 =	sadd.s32 $0x100, s24  }
.Ltmp13:
0x1c8: {  	(pc) =	sbr.rel .LBB2_32-.Ltmp13, $2  }
0x1c9: {  	_ =	sdelay $0x2  }
0x1ca: {  	[tilespmem:s11], [sflag:$0x4] =	stream.indirect.gather [spmem:s3], $0x80, s4, s28, $0xb8;
	[tilespmem:$0x1EA80] =	vst v63  }
.LBB2_20:
.Ltmp14:
0x1cb: {  	(pc) =	sbr.rel .LBB2_24-.Ltmp14, $2  }
0x1cc: {  	_ =	sdelay $0x2  }
0x1cd: {  	s12 =	simm.s32 $0x2D  }
.LBB2_23:
0x1ce: {  	_ =	swait.ge [sflag:s13], $0x1000;
	s12 =	sadd.s32 $0xFFFFFFFD, s25  }
0x1cf: {  	[sflag:s13] =	ssyncset.done $0x0;
	p5 =	sgt.u32 s12, $0x30  }
.Ltmp15:
0x1d0: {  	[sflag:s13] =	ssyncadd.s32 $0xFFFFF000;
	(pc) =	sbr.rel @p5 .LBB2_29-.Ltmp15, $4  }
0x1d1: {  	_ =	swait.ge [sflag:s13], $0x1000  }
0x1d2: {  	[sflag:s13] =	ssyncset.done $0x0  }
0x1d3: {  	[sflag:s13] =	ssyncadd.s32 $0xFFFFF000  }
0x1d4: {  	[tilespmem:s11], [sflag:$0x4] =	stream.indirect.gather [spmem:s3], $0x80, s4, s28, $0xb8;
	[tilespmem:$0x1EA80] =	vst v63  }
.LBB2_24:
0x1d5: {  	_ =	swait.ge [sflag:s1], $0x4000  }
0x1d6: {  	[sflag:s1] =	ssyncset.done $0x0  }
0x1d7: {  	s4 =	simm.s32 $0x0;
	[sflag:s1] =	ssyncadd.s32 $0xFFFFC000  }
0x1d8: {  	v6 =	vld [tilespmem:s4+$0x12980]  }
0x1d9: {  	v11 =	vld [tilespmem:s4+$0x12990]  }
0x1da: {  	v5 =	vld [tilespmem:s4+$0x129A0]  }
0x1db: {  	v4 =	vld [tilespmem:s4+$0x129B0]  }
0x1dc: {  	v3 =	vld [tilespmem:s4+$0x129C0]  }
0x1dd: {  	v2 =	vld [tilespmem:s4+$0x129D0]  }
0x1de: {  	v1 =	vld [tilespmem:s4+$0x129E0]  }
0x1df: {  	v0 =	vld [tilespmem:s4+$0x129F0]  }
0x1e0: {  	v12 =	vld [tilespmem:s4+$0x10980]  }
0x1e1: {  	v13 =	vld [tilespmem:s4+$0x10990]  }
0x1e2: {  	v10 =	vld [tilespmem:s4+$0x109A0]  }
0x1e3: {  	v9 =	vld [tilespmem:s4+$0x109B0]  }
0x1e4: {  	v8 =	vld [tilespmem:s4+$0x109C0]  }
0x1e5: {  	v7 =	vld [tilespmem:s4+$0x109D0];
	v12 =	vadd.f32 v6, v12  }
0x1e6: {  	s19 =	simm.s32 $0x200;
	v11 =	vadd.f32 v11, v13;
	v6 =	vld [tilespmem:s4+$0x109E0]  }
.LBB2_25:
0x1e7: {  	s16 =	sshra.s32 s19, $0x2;
	p5 =	sne.s32 s19, $0x3E00;
	[tilespmem:s4+$0x10980] =	vst v12;
	v5 =	vadd.f32 v5, v10;
	v10 =	vld [tilespmem:s4+$0x109F0]  }
0x1e8: {  	v12 =	vld [tilespmem:s16+$0x12980];
	[tilespmem:s4+$0x10990] =	vst v11;
	v4 =	vadd.f32 v4, v9  }
0x1e9: {  	v11 =	vld [tilespmem:s16+$0x12990];
	[tilespmem:s4+$0x109A0] =	vst v5;
	v3 =	vadd.f32 v3, v8  }
0x1ea: {  	v5 =	vld [tilespmem:s16+$0x129A0];
	[tilespmem:s4+$0x109B0] =	vst v4;
	v2 =	vadd.f32 v2, v7  }
0x1eb: {  	v4 =	vld [tilespmem:s16+$0x129B0];
	[tilespmem:s4+$0x109C0] =	vst v3;
	v1 =	vadd.f32 v1, v6  }
0x1ec: {  	v3 =	vld [tilespmem:s16+$0x129C0];
	[tilespmem:s4+$0x109D0] =	vst v2;
	v0 =	vadd.f32 v0, v10  }
0x1ed: {  	v2 =	vld [tilespmem:s16+$0x129D0];
	[tilespmem:s4+$0x109E0] =	vst v1  }
0x1ee: {  	v1 =	vld [tilespmem:s16+$0x129E0];
	[tilespmem:s4+$0x109F0] =	vst v0;
	s4 =	smov.u32 s16  }
0x1ef: {  	v0 =	vld [tilespmem:s4+$0x129F0]  }
0x1f0: {  	v6 =	vld [tilespmem:s4+$0x10980]  }
0x1f1: {  	v13 =	vld [tilespmem:s4+$0x10990]  }
.Ltmp16:
0x1f2: {  	v10 =	vld [tilespmem:s4+$0x109A0];
	(pc) =	sbr.rel @p5 .LBB2_25-.Ltmp16, $4  }
0x1f3: {  	v9 =	vld [tilespmem:s4+$0x109B0]  }
0x1f4: {  	v8 =	vld [tilespmem:s4+$0x109C0]  }
0x1f5: {  	v12 =	vadd.f32 v12, v6;
	v7 =	vld [tilespmem:s4+$0x109D0]  }
0x1f6: {  	s19 =	sadd.s32 $0x200, s19;
	v11 =	vadd.f32 v11, v13;
	v6 =	vld [tilespmem:s4+$0x109E0]  }
0x1f7: {  	[tilespmem:s4+$0x10980] =	vst v12;
	v5 =	vadd.f32 v5, v10;
	v10 =	vld [tilespmem:s4+$0x109F0]  }
0x1f8: {  	[tilespmem:s4+$0x10990] =	vst v11;
	v4 =	vadd.f32 v4, v9  }
0x1f9: {  	s12 =	sshll.u32 s12, $0x6;
	[tilespmem:s4+$0x109A0] =	vst v5;
	v3 =	vadd.f32 v3, v8  }
0x1fa: {  	s12 =	sadd.s32 s5, s12;
	[tilespmem:s4+$0x109B0] =	vst v4;
	v2 =	vadd.f32 v2, v7  }
0x1fb: {  	s19 =	sor.u32 $0x20, s12;
	[tilespmem:s4+$0x109C0] =	vst v3;
	v1 =	vadd.f32 v1, v6  }
0x1fc: {  	p5 =	sgt.u32 s19, $0x186A0;
	[tilespmem:s4+$0x109D0] =	vst v2;
	v0 =	vadd.f32 v0, v10  }
0x1fd: {  	s16 =	sshll.u32 @!p5 s12, $0x4;
	[tilespmem:s4+$0x109E0] =	vst v1  }
0x1fe: {  	s26 =	simm.s32 @!p5 $0x10980;
	[tilespmem:s4+$0x109F0] =	vst v0;
	s4 =	sadd.s32 @!p5 s2, s16;
	s16 =	simm.s32 @!p5 $0x0  }
0x1ff: {  	[hbm4b:s4+s16] =	stream.linear.scatter @!p5 [tilespmem:s26], [sflag:$0xB], $0x1000, $0x38;
	[tilespmem:$0x1EA80] =	vst v63  }
0x200: {  	s4 =	simm.s32 $0x0  }
0x201: {  	v7 =	vld [tilespmem:s4+$0x13980]  }
0x202: {  	v11 =	vld [tilespmem:s4+$0x13990]  }
0x203: {  	v5 =	vld [tilespmem:s4+$0x139A0]  }
0x204: {  	v4 =	vld [tilespmem:s4+$0x139B0]  }
0x205: {  	v3 =	vld [tilespmem:s4+$0x139C0]  }
0x206: {  	v2 =	vld [tilespmem:s4+$0x139D0]  }
0x207: {  	v1 =	vld [tilespmem:s4+$0x139E0]  }
0x208: {  	v0 =	vld [tilespmem:s4+$0x139F0]  }
0x209: {  	v12 =	vld [tilespmem:s4+$0x11980]  }
0x20a: {  	v13 =	vld [tilespmem:s4+$0x11990]  }
0x20b: {  	v10 =	vld [tilespmem:s4+$0x119A0]  }
0x20c: {  	v9 =	vld [tilespmem:s4+$0x119B0]  }
0x20d: {  	v8 =	vld [tilespmem:s4+$0x119C0]  }
0x20e: {  	v6 =	vld [tilespmem:s4+$0x119D0];
	v12 =	vadd.f32 v7, v12  }
0x20f: {  	s26 =	simm.s32 $0x200;
	v11 =	vadd.f32 v11, v13;
	v7 =	vld [tilespmem:s4+$0x119E0]  }
.LBB2_27:
0x210: {  	s16 =	sshra.s32 s26, $0x2;
	p5 =	sne.s32 s26, $0x3E00;
	[tilespmem:s4+$0x11980] =	vst v12;
	v5 =	vadd.f32 v5, v10;
	v10 =	vld [tilespmem:s4+$0x119F0]  }
0x211: {  	v12 =	vld [tilespmem:s16+$0x13980];
	[tilespmem:s4+$0x11990] =	vst v11;
	v4 =	vadd.f32 v4, v9  }
0x212: {  	v11 =	vld [tilespmem:s16+$0x13990];
	[tilespmem:s4+$0x119A0] =	vst v5;
	v3 =	vadd.f32 v3, v8  }
0x213: {  	v5 =	vld [tilespmem:s16+$0x139A0];
	[tilespmem:s4+$0x119B0] =	vst v4;
	v2 =	vadd.f32 v2, v6  }
0x214: {  	v4 =	vld [tilespmem:s16+$0x139B0];
	[tilespmem:s4+$0x119C0] =	vst v3;
	v1 =	vadd.f32 v1, v7  }
0x215: {  	v3 =	vld [tilespmem:s16+$0x139C0];
	[tilespmem:s4+$0x119D0] =	vst v2;
	v0 =	vadd.f32 v0, v10  }
0x216: {  	v2 =	vld [tilespmem:s16+$0x139D0];
	[tilespmem:s4+$0x119E0] =	vst v1  }
0x217: {  	v1 =	vld [tilespmem:s16+$0x139E0];
	[tilespmem:s4+$0x119F0] =	vst v0;
	s4 =	smov.u32 s16  }
0x218: {  	v0 =	vld [tilespmem:s4+$0x139F0]  }
0x219: {  	v6 =	vld [tilespmem:s4+$0x11980]  }
0x21a: {  	v7 =	vld [tilespmem:s4+$0x11990]  }
.Ltmp17:
0x21b: {  	v10 =	vld [tilespmem:s4+$0x119A0];
	(pc) =	sbr.rel @p5 .LBB2_27-.Ltmp17, $4  }
0x21c: {  	v9 =	vld [tilespmem:s4+$0x119B0]  }
0x21d: {  	v8 =	vld [tilespmem:s4+$0x119C0]  }
0x21e: {  	v12 =	vadd.f32 v12, v6;
	v6 =	vld [tilespmem:s4+$0x119D0]  }
0x21f: {  	s26 =	sadd.s32 $0x200, s26;
	v11 =	vadd.f32 v11, v7;
	v7 =	vld [tilespmem:s4+$0x119E0]  }
0x220: {  	[tilespmem:s4+$0x11980] =	vst v12;
	v5 =	vadd.f32 v5, v10;
	v63 =	vld [tilespmem:s4+$0x119F0]  }
0x221: {  	[tilespmem:s4+$0x11990] =	vst v11;
	v4 =	vadd.f32 v4, v9  }
0x222: {  	[tilespmem:s4+$0x119A0] =	vst v5;
	v3 =	vadd.f32 v3, v8  }
0x223: {  	[tilespmem:s4+$0x119B0] =	vst v4;
	v2 =	vadd.f32 v2, v6  }
0x224: {  	[tilespmem:s4+$0x119C0] =	vst v3;
	v1 =	vadd.f32 v1, v7  }
0x225: {  	p5 =	sgt.u32 s12, $0x18660;
	[tilespmem:s4+$0x119D0] =	vst v2;
	v0 =	vadd.f32 v0, v63  }
0x226: {  	s12 =	sshll.u32 @!p5 s19, $0x4;
	[tilespmem:s4+$0x119E0] =	vst v1  }
0x227: {  	s16 =	simm.s32 @!p5 $0x11980;
	[tilespmem:s4+$0x119F0] =	vst v0;
	s4 =	sadd.s32 @!p5 s2, s12;
	s12 =	simm.s32 @!p5 $0x0  }
0x228: {  	[hbm4b:s4+s12] =	stream.linear.scatter @!p5 [tilespmem:s16], [sflag:$0xB], $0x1000, $0x38;
	[tilespmem:$0x1EA80] =	vst v63  }
.LBB2_29:
.Ltmp18:
0x229: {  	(pc) =	sbr.rel @p4 .LBB2_30-.Ltmp18, $1  }
0x22a: {  	_ =	sdelay $0x3  }
.Ltmp19:
0x22b: {  	(pc) =	sbr.rel @p3 .LBB2_33-.Ltmp19, $1  }
0x22c: {  	_ =	sdelay $0x3  }
.LBB2_32:
.Ltmp20:
0x22d: {  	(pc) =	sbr.rel .LBB2_42-.Ltmp20, $3  }
0x22e: {  	_ =	sdelay $0x1  }
0x22f: {  	s4 =	sadd.s32 $0x180, s24  }
0x230: {  	[tilespmem:s7], [sflag:$0x5] =	stream.indirect.gather [spmem:s3], $0x80, s4, s28, $0xb8;
	[tilespmem:$0x1EA80] =	vst v63  }
.LBB2_30:
.Ltmp21:
0x231: {  	(pc) =	sbr.rel .LBB2_34-.Ltmp21, $2  }
0x232: {  	_ =	sdelay $0x2  }
0x233: {  	s12 =	simm.s32 $0x2E  }
.LBB2_33:
0x234: {  	_ =	swait.ge [sflag:s6], $0x1000;
	s12 =	sadd.s32 $0xFFFFFFFE, s25  }
0x235: {  	[sflag:s6] =	ssyncset.done $0x0;
	p5 =	sgt.u32 s12, $0x30  }
.Ltmp22:
0x236: {  	[sflag:s6] =	ssyncadd.s32 $0xFFFFF000;
	(pc) =	sbr.rel @p5 .LBB2_39-.Ltmp22, $4  }
0x237: {  	_ =	swait.ge [sflag:s6], $0x1000  }
0x238: {  	[sflag:s6] =	ssyncset.done $0x0  }
0x239: {  	s4 =	sadd.s32 $0x180, s24;
	[sflag:s6] =	ssyncadd.s32 $0xFFFFF000  }
0x23a: {  	[tilespmem:s7], [sflag:$0x5] =	stream.indirect.gather [spmem:s3], $0x80, s4, s28, $0xb8;
	[tilespmem:$0x1EA80] =	vst v63  }
.LBB2_34:
0x23b: {  	_ =	swait.ge [sflag:s18], $0x4000  }
0x23c: {  	[sflag:s18] =	ssyncset.done $0x0  }
0x23d: {  	s4 =	simm.s32 $0x0;
	[sflag:s18] =	ssyncadd.s32 $0xFFFFC000  }
0x23e: {  	v6 =	vld [tilespmem:s4+$0x16980]  }
0x23f: {  	v11 =	vld [tilespmem:s4+$0x16990]  }
0x240: {  	v5 =	vld [tilespmem:s4+$0x169A0]  }
0x241: {  	v4 =	vld [tilespmem:s4+$0x169B0]  }
0x242: {  	v3 =	vld [tilespmem:s4+$0x169C0]  }
0x243: {  	v2 =	vld [tilespmem:s4+$0x169D0]  }
0x244: {  	v1 =	vld [tilespmem:s4+$0x169E0]  }
0x245: {  	v0 =	vld [tilespmem:s4+$0x169F0]  }
0x246: {  	v12 =	vld [tilespmem:s4+$0x14980]  }
0x247: {  	v13 =	vld [tilespmem:s4+$0x14990]  }
0x248: {  	v10 =	vld [tilespmem:s4+$0x149A0]  }
0x249: {  	v9 =	vld [tilespmem:s4+$0x149B0]  }
0x24a: {  	v8 =	vld [tilespmem:s4+$0x149C0]  }
0x24b: {  	v7 =	vld [tilespmem:s4+$0x149D0];
	v12 =	vadd.f32 v6, v12  }
0x24c: {  	s19 =	simm.s32 $0x200;
	v11 =	vadd.f32 v11, v13;
	v6 =	vld [tilespmem:s4+$0x149E0]  }
.LBB2_35:
0x24d: {  	s16 =	sshra.s32 s19, $0x2;
	p5 =	sne.s32 s19, $0x3E00;
	[tilespmem:s4+$0x14980] =	vst v12;
	v5 =	vadd.f32 v5, v10;
	v10 =	vld [tilespmem:s4+$0x149F0]  }
0x24e: {  	v12 =	vld [tilespmem:s16+$0x16980];
	[tilespmem:s4+$0x14990] =	vst v11;
	v4 =	vadd.f32 v4, v9  }
0x24f: {  	v11 =	vld [tilespmem:s16+$0x16990];
	[tilespmem:s4+$0x149A0] =	vst v5;
	v3 =	vadd.f32 v3, v8  }
0x250: {  	v5 =	vld [tilespmem:s16+$0x169A0];
	[tilespmem:s4+$0x149B0] =	vst v4;
	v2 =	vadd.f32 v2, v7  }
0x251: {  	v4 =	vld [tilespmem:s16+$0x169B0];
	[tilespmem:s4+$0x149C0] =	vst v3;
	v1 =	vadd.f32 v1, v6  }
0x252: {  	v3 =	vld [tilespmem:s16+$0x169C0];
	[tilespmem:s4+$0x149D0] =	vst v2;
	v0 =	vadd.f32 v0, v10  }
0x253: {  	v2 =	vld [tilespmem:s16+$0x169D0];
	[tilespmem:s4+$0x149E0] =	vst v1  }
0x254: {  	v1 =	vld [tilespmem:s16+$0x169E0];
	[tilespmem:s4+$0x149F0] =	vst v0;
	s4 =	smov.u32 s16  }
0x255: {  	v0 =	vld [tilespmem:s4+$0x169F0]  }
0x256: {  	v6 =	vld [tilespmem:s4+$0x14980]  }
0x257: {  	v13 =	vld [tilespmem:s4+$0x14990]  }
.Ltmp23:
0x258: {  	v10 =	vld [tilespmem:s4+$0x149A0];
	(pc) =	sbr.rel @p5 .LBB2_35-.Ltmp23, $4  }
0x259: {  	v9 =	vld [tilespmem:s4+$0x149B0]  }
0x25a: {  	v8 =	vld [tilespmem:s4+$0x149C0]  }
0x25b: {  	v12 =	vadd.f32 v12, v6;
	v7 =	vld [tilespmem:s4+$0x149D0]  }
0x25c: {  	s19 =	sadd.s32 $0x200, s19;
	v11 =	vadd.f32 v11, v13;
	v6 =	vld [tilespmem:s4+$0x149E0]  }
0x25d: {  	[tilespmem:s4+$0x14980] =	vst v12;
	v5 =	vadd.f32 v5, v10;
	v10 =	vld [tilespmem:s4+$0x149F0]  }
0x25e: {  	[tilespmem:s4+$0x14990] =	vst v11;
	v4 =	vadd.f32 v4, v9  }
0x25f: {  	s12 =	sshll.u32 s12, $0x6;
	[tilespmem:s4+$0x149A0] =	vst v5;
	v3 =	vadd.f32 v3, v8  }
0x260: {  	s12 =	sadd.s32 s5, s12;
	[tilespmem:s4+$0x149B0] =	vst v4;
	v2 =	vadd.f32 v2, v7  }
0x261: {  	s19 =	sor.u32 $0x20, s12;
	[tilespmem:s4+$0x149C0] =	vst v3;
	v1 =	vadd.f32 v1, v6  }
0x262: {  	p5 =	sgt.u32 s19, $0x186A0;
	[tilespmem:s4+$0x149D0] =	vst v2;
	v0 =	vadd.f32 v0, v10  }
0x263: {  	s16 =	sshll.u32 @!p5 s12, $0x4;
	[tilespmem:s4+$0x149E0] =	vst v1  }
0x264: {  	s26 =	simm.s32 @!p5 $0x14980;
	[tilespmem:s4+$0x149F0] =	vst v0;
	s4 =	sadd.s32 @!p5 s2, s16;
	s16 =	simm.s32 @!p5 $0x0  }
0x265: {  	[hbm4b:s4+s16] =	stream.linear.scatter @!p5 [tilespmem:s26], [sflag:$0xC], $0x1000, $0x38;
	[tilespmem:$0x1EA80] =	vst v63  }
0x266: {  	s4 =	simm.s32 $0x0  }
0x267: {  	v7 =	vld [tilespmem:s4+$0x17980]  }
0x268: {  	v11 =	vld [tilespmem:s4+$0x17990]  }
0x269: {  	v5 =	vld [tilespmem:s4+$0x179A0]  }
0x26a: {  	v4 =	vld [tilespmem:s4+$0x179B0]  }
0x26b: {  	v3 =	vld [tilespmem:s4+$0x179C0]  }
0x26c: {  	v2 =	vld [tilespmem:s4+$0x179D0]  }
0x26d: {  	v1 =	vld [tilespmem:s4+$0x179E0]  }
0x26e: {  	v0 =	vld [tilespmem:s4+$0x179F0]  }
0x26f: {  	v12 =	vld [tilespmem:s4+$0x15980]  }
0x270: {  	v13 =	vld [tilespmem:s4+$0x15990]  }
0x271: {  	v10 =	vld [tilespmem:s4+$0x159A0]  }
0x272: {  	v9 =	vld [tilespmem:s4+$0x159B0]  }
0x273: {  	v8 =	vld [tilespmem:s4+$0x159C0]  }
0x274: {  	v6 =	vld [tilespmem:s4+$0x159D0];
	v12 =	vadd.f32 v7, v12  }
0x275: {  	s26 =	simm.s32 $0x200;
	v11 =	vadd.f32 v11, v13;
	v7 =	vld [tilespmem:s4+$0x159E0]  }
.LBB2_37:
0x276: {  	s16 =	sshra.s32 s26, $0x2;
	p5 =	sne.s32 s26, $0x3E00;
	[tilespmem:s4+$0x15980] =	vst v12;
	v5 =	vadd.f32 v5, v10;
	v10 =	vld [tilespmem:s4+$0x159F0]  }
0x277: {  	v12 =	vld [tilespmem:s16+$0x17980];
	[tilespmem:s4+$0x15990] =	vst v11;
	v4 =	vadd.f32 v4, v9  }
0x278: {  	v11 =	vld [tilespmem:s16+$0x17990];
	[tilespmem:s4+$0x159A0] =	vst v5;
	v3 =	vadd.f32 v3, v8  }
0x279: {  	v5 =	vld [tilespmem:s16+$0x179A0];
	[tilespmem:s4+$0x159B0] =	vst v4;
	v2 =	vadd.f32 v2, v6  }
0x27a: {  	v4 =	vld [tilespmem:s16+$0x179B0];
	[tilespmem:s4+$0x159C0] =	vst v3;
	v1 =	vadd.f32 v1, v7  }
0x27b: {  	v3 =	vld [tilespmem:s16+$0x179C0];
	[tilespmem:s4+$0x159D0] =	vst v2;
	v0 =	vadd.f32 v0, v10  }
0x27c: {  	v2 =	vld [tilespmem:s16+$0x179D0];
	[tilespmem:s4+$0x159E0] =	vst v1  }
0x27d: {  	v1 =	vld [tilespmem:s16+$0x179E0];
	[tilespmem:s4+$0x159F0] =	vst v0;
	s4 =	smov.u32 s16  }
0x27e: {  	v0 =	vld [tilespmem:s4+$0x179F0]  }
0x27f: {  	v6 =	vld [tilespmem:s4+$0x15980]  }
0x280: {  	v7 =	vld [tilespmem:s4+$0x15990]  }
.Ltmp24:
0x281: {  	v10 =	vld [tilespmem:s4+$0x159A0];
	(pc) =	sbr.rel @p5 .LBB2_37-.Ltmp24, $4  }
0x282: {  	v9 =	vld [tilespmem:s4+$0x159B0]  }
0x283: {  	v8 =	vld [tilespmem:s4+$0x159C0]  }
0x284: {  	v12 =	vadd.f32 v12, v6;
	v6 =	vld [tilespmem:s4+$0x159D0]  }
0x285: {  	s26 =	sadd.s32 $0x200, s26;
	v11 =	vadd.f32 v11, v7;
	v7 =	vld [tilespmem:s4+$0x159E0]  }
0x286: {  	[tilespmem:s4+$0x15980] =	vst v12;
	v5 =	vadd.f32 v5, v10;
	v63 =	vld [tilespmem:s4+$0x159F0]  }
0x287: {  	[tilespmem:s4+$0x15990] =	vst v11;
	v4 =	vadd.f32 v4, v9  }
0x288: {  	[tilespmem:s4+$0x159A0] =	vst v5;
	v3 =	vadd.f32 v3, v8  }
0x289: {  	[tilespmem:s4+$0x159B0] =	vst v4;
	v2 =	vadd.f32 v2, v6  }
0x28a: {  	[tilespmem:s4+$0x159C0] =	vst v3;
	v1 =	vadd.f32 v1, v7  }
0x28b: {  	p5 =	sgt.u32 s12, $0x18660;
	[tilespmem:s4+$0x159D0] =	vst v2;
	v0 =	vadd.f32 v0, v63  }
0x28c: {  	s12 =	sshll.u32 @!p5 s19, $0x4;
	[tilespmem:s4+$0x159E0] =	vst v1  }
0x28d: {  	s16 =	simm.s32 @!p5 $0x15980;
	[tilespmem:s4+$0x159F0] =	vst v0;
	s4 =	sadd.s32 @!p5 s2, s12;
	s12 =	simm.s32 @!p5 $0x0  }
0x28e: {  	[hbm4b:s4+s12] =	stream.linear.scatter @!p5 [tilespmem:s16], [sflag:$0xC], $0x1000, $0x38;
	[tilespmem:$0x1EA80] =	vst v63  }
.LBB2_39:
.Ltmp25:
0x28f: {  	(pc) =	sbr.rel @p4 .LBB2_40-.Ltmp25, $1  }
0x290: {  	_ =	sdelay $0x3  }
.Ltmp26:
0x291: {  	(pc) =	sbr.rel @p3 .LBB2_43-.Ltmp26, $1  }
0x292: {  	_ =	sdelay $0x3  }
.LBB2_42:
0x293: {  	s4 =	sadd.s32 $0x200, s24  }
0x294: {  	[tilespmem:s0], [sflag:$0x6] =	stream.indirect.gather [spmem:s3], $0x80, s4, s28, $0xb8;
	[tilespmem:$0x1EA80] =	vst v63  }
.LBB2_52:
0x295: {  	s4 =	sadd.s32 $0x280, s24  }
0x296: {  	[tilespmem:s8], [sflag:$0x7] =	stream.indirect.gather [spmem:s3], $0x80, s4, s28, $0xb8;
	[tilespmem:$0x1EA80] =	vst v63  }
.LBB2_53:
0x297: {  	_ =	swait.ge [sflag:s9], $0x4000  }
0x298: {  	[sflag:s9] =	ssyncset.done $0x0  }
0x299: {  	s4 =	simm.s32 $0x0;
	[sflag:s9] =	ssyncadd.s32 $0xFFFFC000  }
0x29a: {  	v6 =	vld [tilespmem:s4+$0x6980]  }
0x29b: {  	v11 =	vld [tilespmem:s4+$0x6990]  }
0x29c: {  	v5 =	vld [tilespmem:s4+$0x69A0]  }
0x29d: {  	v4 =	vld [tilespmem:s4+$0x69B0]  }
0x29e: {  	v3 =	vld [tilespmem:s4+$0x69C0]  }
0x29f: {  	v2 =	vld [tilespmem:s4+$0x69D0]  }
0x2a0: {  	v1 =	vld [tilespmem:s4+$0x69E0]  }
0x2a1: {  	v0 =	vld [tilespmem:s4+$0x69F0]  }
0x2a2: {  	v12 =	vld [tilespmem:s4+$0x4980]  }
0x2a3: {  	v13 =	vld [tilespmem:s4+$0x4990]  }
0x2a4: {  	v10 =	vld [tilespmem:s4+$0x49A0]  }
0x2a5: {  	v9 =	vld [tilespmem:s4+$0x49B0]  }
0x2a6: {  	v8 =	vld [tilespmem:s4+$0x49C0]  }
0x2a7: {  	v7 =	vld [tilespmem:s4+$0x49D0];
	v12 =	vadd.f32 v6, v12  }
0x2a8: {  	s12 =	simm.s32 $0x200;
	v11 =	vadd.f32 v11, v13;
	v6 =	vld [tilespmem:s4+$0x49E0]  }
.LBB2_54:
0x2a9: {  	s16 =	sshra.s32 s12, $0x2;
	p3 =	sne.s32 s12, $0x3E00;
	[tilespmem:s4+$0x4980] =	vst v12;
	v5 =	vadd.f32 v5, v10;
	v10 =	vld [tilespmem:s4+$0x49F0]  }
0x2aa: {  	v12 =	vld [tilespmem:s16+$0x6980];
	[tilespmem:s4+$0x4990] =	vst v11;
	v4 =	vadd.f32 v4, v9  }
0x2ab: {  	v11 =	vld [tilespmem:s16+$0x6990];
	[tilespmem:s4+$0x49A0] =	vst v5;
	v3 =	vadd.f32 v3, v8  }
0x2ac: {  	v5 =	vld [tilespmem:s16+$0x69A0];
	[tilespmem:s4+$0x49B0] =	vst v4;
	v2 =	vadd.f32 v2, v7  }
0x2ad: {  	v4 =	vld [tilespmem:s16+$0x69B0];
	[tilespmem:s4+$0x49C0] =	vst v3;
	v1 =	vadd.f32 v1, v6  }
0x2ae: {  	v3 =	vld [tilespmem:s16+$0x69C0];
	[tilespmem:s4+$0x49D0] =	vst v2;
	v0 =	vadd.f32 v0, v10  }
0x2af: {  	v2 =	vld [tilespmem:s16+$0x69D0];
	[tilespmem:s4+$0x49E0] =	vst v1  }
0x2b0: {  	v1 =	vld [tilespmem:s16+$0x69E0];
	[tilespmem:s4+$0x49F0] =	vst v0;
	s4 =	smov.u32 s16  }
0x2b1: {  	v0 =	vld [tilespmem:s4+$0x69F0]  }
0x2b2: {  	v6 =	vld [tilespmem:s4+$0x4980]  }
0x2b3: {  	v13 =	vld [tilespmem:s4+$0x4990]  }
.Ltmp27:
0x2b4: {  	v10 =	vld [tilespmem:s4+$0x49A0];
	(pc) =	sbr.rel @p3 .LBB2_54-.Ltmp27, $4  }
0x2b5: {  	v9 =	vld [tilespmem:s4+$0x49B0]  }
0x2b6: {  	v8 =	vld [tilespmem:s4+$0x49C0]  }
0x2b7: {  	v12 =	vadd.f32 v12, v6;
	v7 =	vld [tilespmem:s4+$0x49D0]  }
0x2b8: {  	s12 =	sadd.s32 $0x200, s12;
	v11 =	vadd.f32 v11, v13;
	v6 =	vld [tilespmem:s4+$0x49E0]  }
0x2b9: {  	[tilespmem:s4+$0x4980] =	vst v12;
	v5 =	vadd.f32 v5, v10;
	v10 =	vld [tilespmem:s4+$0x49F0]  }
0x2ba: {  	s12 =	smul.u32 $0x180, s23;
	[tilespmem:s4+$0x4990] =	vst v11;
	v4 =	vadd.f32 v4, v9  }
0x2bb: {  	[tilespmem:s4+$0x49A0] =	vst v5;
	v3 =	vadd.f32 v3, v8  }
0x2bc: {  	s12 =	sadd.s32 s5, s12;
	[tilespmem:s4+$0x49B0] =	vst v4;
	v2 =	vadd.f32 v2, v7  }
0x2bd: {  	s19 =	sor.u32 $0x20, s12;
	[tilespmem:s4+$0x49C0] =	vst v3;
	v1 =	vadd.f32 v1, v6  }
0x2be: {  	p3 =	sgt.u32 s19, $0x186A0;
	[tilespmem:s4+$0x49D0] =	vst v2;
	v0 =	vadd.f32 v0, v10  }
0x2bf: {  	s16 =	sshll.u32 @!p3 s12, $0x4;
	[tilespmem:s4+$0x49E0] =	vst v1  }
0x2c0: {  	s24 =	simm.s32 @!p3 $0x4980;
	[tilespmem:s4+$0x49F0] =	vst v0;
	s4 =	sadd.s32 @!p3 s2, s16;
	s16 =	simm.s32 @!p3 $0x0  }
0x2c1: {  	[hbm4b:s4+s16] =	stream.linear.scatter @!p3 [tilespmem:s24], [sflag:$0x8], $0x1000, $0x38;
	[tilespmem:$0x1EA80] =	vst v63  }
0x2c2: {  	s4 =	simm.s32 $0x0  }
0x2c3: {  	v7 =	vld [tilespmem:s4+$0x7980]  }
0x2c4: {  	v11 =	vld [tilespmem:s4+$0x7990]  }
0x2c5: {  	v5 =	vld [tilespmem:s4+$0x79A0]  }
0x2c6: {  	v4 =	vld [tilespmem:s4+$0x79B0]  }
0x2c7: {  	v3 =	vld [tilespmem:s4+$0x79C0]  }
0x2c8: {  	v2 =	vld [tilespmem:s4+$0x79D0]  }
0x2c9: {  	v1 =	vld [tilespmem:s4+$0x79E0]  }
0x2ca: {  	v0 =	vld [tilespmem:s4+$0x79F0]  }
0x2cb: {  	v12 =	vld [tilespmem:s4+$0x5980]  }
0x2cc: {  	v13 =	vld [tilespmem:s4+$0x5990]  }
0x2cd: {  	v10 =	vld [tilespmem:s4+$0x59A0]  }
0x2ce: {  	v9 =	vld [tilespmem:s4+$0x59B0]  }
0x2cf: {  	v8 =	vld [tilespmem:s4+$0x59C0]  }
0x2d0: {  	v6 =	vld [tilespmem:s4+$0x59D0];
	v12 =	vadd.f32 v7, v12  }
0x2d1: {  	s24 =	simm.s32 $0x200;
	v11 =	vadd.f32 v11, v13;
	v7 =	vld [tilespmem:s4+$0x59E0]  }
.LBB2_56:
0x2d2: {  	s16 =	sshra.s32 s24, $0x2;
	p3 =	sne.s32 s24, $0x3E00;
	[tilespmem:s4+$0x5980] =	vst v12;
	v5 =	vadd.f32 v5, v10;
	v10 =	vld [tilespmem:s4+$0x59F0]  }
0x2d3: {  	v12 =	vld [tilespmem:s16+$0x7980];
	[tilespmem:s4+$0x5990] =	vst v11;
	v4 =	vadd.f32 v4, v9  }
0x2d4: {  	v11 =	vld [tilespmem:s16+$0x7990];
	[tilespmem:s4+$0x59A0] =	vst v5;
	v3 =	vadd.f32 v3, v8  }
0x2d5: {  	v5 =	vld [tilespmem:s16+$0x79A0];
	[tilespmem:s4+$0x59B0] =	vst v4;
	v2 =	vadd.f32 v2, v6  }
0x2d6: {  	v4 =	vld [tilespmem:s16+$0x79B0];
	[tilespmem:s4+$0x59C0] =	vst v3;
	v1 =	vadd.f32 v1, v7  }
0x2d7: {  	v3 =	vld [tilespmem:s16+$0x79C0];
	[tilespmem:s4+$0x59D0] =	vst v2;
	v0 =	vadd.f32 v0, v10  }
0x2d8: {  	v2 =	vld [tilespmem:s16+$0x79D0];
	[tilespmem:s4+$0x59E0] =	vst v1  }
0x2d9: {  	v1 =	vld [tilespmem:s16+$0x79E0];
	[tilespmem:s4+$0x59F0] =	vst v0;
	s4 =	smov.u32 s16  }
0x2da: {  	v0 =	vld [tilespmem:s4+$0x79F0]  }
0x2db: {  	v6 =	vld [tilespmem:s4+$0x5980]  }
0x2dc: {  	v7 =	vld [tilespmem:s4+$0x5990]  }
.Ltmp28:
0x2dd: {  	v10 =	vld [tilespmem:s4+$0x59A0];
	(pc) =	sbr.rel @p3 .LBB2_56-.Ltmp28, $4  }
0x2de: {  	v9 =	vld [tilespmem:s4+$0x59B0]  }
0x2df: {  	v8 =	vld [tilespmem:s4+$0x59C0]  }
0x2e0: {  	v12 =	vadd.f32 v12, v6;
	v6 =	vld [tilespmem:s4+$0x59D0]  }
0x2e1: {  	s24 =	sadd.s32 $0x200, s24;
	v11 =	vadd.f32 v11, v7;
	v7 =	vld [tilespmem:s4+$0x59E0]  }
0x2e2: {  	[tilespmem:s4+$0x5980] =	vst v12;
	v5 =	vadd.f32 v5, v10;
	v63 =	vld [tilespmem:s4+$0x59F0]  }
0x2e3: {  	[tilespmem:s4+$0x5990] =	vst v11;
	v4 =	vadd.f32 v4, v9  }
0x2e4: {  	[tilespmem:s4+$0x59A0] =	vst v5;
	v3 =	vadd.f32 v3, v8  }
0x2e5: {  	[tilespmem:s4+$0x59B0] =	vst v4;
	v2 =	vadd.f32 v2, v6  }
0x2e6: {  	[tilespmem:s4+$0x59C0] =	vst v3;
	v1 =	vadd.f32 v1, v7  }
0x2e7: {  	p3 =	sgt.u32 s12, $0x18660;
	[tilespmem:s4+$0x59D0] =	vst v2;
	v0 =	vadd.f32 v0, v63  }
0x2e8: {  	s23 =	sadd.s32 $0x1, s23;
	s12 =	sshll.u32 @!p3 s19, $0x4;
	[tilespmem:s4+$0x59E0] =	vst v1  }
0x2e9: {  	s16 =	simm.s32 @!p3 $0x5980;
	[tilespmem:s4+$0x59F0] =	vst v0;
	s4 =	sadd.s32 @!p3 s2, s12;
	s12 =	simm.s32 @!p3 $0x0  }
0x2ea: {  	[hbm4b:s4+s12] =	stream.linear.scatter @!p3 [tilespmem:s16], [sflag:$0x8], $0x1000, $0x38;
	[tilespmem:$0x1EA80] =	vst v63  }
0x2eb: {  	p3 =	sne.s32 s23, $0x9  }
.Ltmp29:
0x2ec: {  	_ = 	snop;
	(pc) =	sbr.rel @p3 .LBB2_4-.Ltmp29, $4  }
.Ltmp30:
0x2ed: {  	_ = 	snop;
	(pc) =	sbr.rel @!p3 .LBB2_58-.Ltmp30, $4  }
0x2ee: {  	_ = 	snop  }
0x2ef: {  	_ = 	snop  }
0x2f0: {  	_ = 	snop  }
0x2f1: {  	_ = 	snop  }
.LBB2_40:
.Ltmp31:
0x2f2: {  	(pc) =	sbr.rel .LBB2_44-.Ltmp31, $2  }
0x2f3: {  	_ =	sdelay $0x2  }
0x2f4: {  	s12 =	simm.s32 $0x2F  }
.LBB2_43:
0x2f5: {  	_ =	swait.ge [sflag:s22], $0x1000;
	s12 =	sadd.s32 $0xFFFFFFFF, s25  }
0x2f6: {  	[sflag:s22] =	ssyncset.done $0x0;
	p3 =	sgt.u32 s12, $0x30  }
.Ltmp32:
0x2f7: {  	[sflag:s22] =	ssyncadd.s32 $0xFFFFF000;
	(pc) =	sbr.rel @p3 .LBB2_49-.Ltmp32, $4  }
0x2f8: {  	_ =	swait.ge [sflag:s22], $0x1000  }
0x2f9: {  	[sflag:s22] =	ssyncset.done $0x0  }
0x2fa: {  	s4 =	sadd.s32 $0x200, s24;
	[sflag:s22] =	ssyncadd.s32 $0xFFFFF000  }
0x2fb: {  	[tilespmem:s0], [sflag:$0x6] =	stream.indirect.gather [spmem:s3], $0x80, s4, s28, $0xb8;
	[tilespmem:$0x1EA80] =	vst v63  }
.LBB2_44:
0x2fc: {  	_ =	swait.ge [sflag:s20], $0x4000  }
0x2fd: {  	[sflag:s20] =	ssyncset.done $0x0  }
0x2fe: {  	s4 =	simm.s32 $0x0;
	[sflag:s20] =	ssyncadd.s32 $0xFFFFC000  }
0x2ff: {  	v6 =	vld [tilespmem:s4+$0x1A980]  }
0x300: {  	v11 =	vld [tilespmem:s4+$0x1A990]  }
0x301: {  	v5 =	vld [tilespmem:s4+$0x1A9A0]  }
0x302: {  	v4 =	vld [tilespmem:s4+$0x1A9B0]  }
0x303: {  	v3 =	vld [tilespmem:s4+$0x1A9C0]  }
0x304: {  	v2 =	vld [tilespmem:s4+$0x1A9D0]  }
0x305: {  	v1 =	vld [tilespmem:s4+$0x1A9E0]  }
0x306: {  	v0 =	vld [tilespmem:s4+$0x1A9F0]  }
0x307: {  	v12 =	vld [tilespmem:s4+$0x18980]  }
0x308: {  	v13 =	vld [tilespmem:s4+$0x18990]  }
0x309: {  	v10 =	vld [tilespmem:s4+$0x189A0]  }
0x30a: {  	v9 =	vld [tilespmem:s4+$0x189B0]  }
0x30b: {  	v8 =	vld [tilespmem:s4+$0x189C0]  }
0x30c: {  	v7 =	vld [tilespmem:s4+$0x189D0];
	v12 =	vadd.f32 v6, v12  }
0x30d: {  	s19 =	simm.s32 $0x200;
	v11 =	vadd.f32 v11, v13;
	v6 =	vld [tilespmem:s4+$0x189E0]  }
.LBB2_45:
0x30e: {  	s16 =	sshra.s32 s19, $0x2;
	p3 =	sne.s32 s19, $0x3E00;
	[tilespmem:s4+$0x18980] =	vst v12;
	v5 =	vadd.f32 v5, v10;
	v10 =	vld [tilespmem:s4+$0x189F0]  }
0x30f: {  	v12 =	vld [tilespmem:s16+$0x1A980];
	[tilespmem:s4+$0x18990] =	vst v11;
	v4 =	vadd.f32 v4, v9  }
0x310: {  	v11 =	vld [tilespmem:s16+$0x1A990];
	[tilespmem:s4+$0x189A0] =	vst v5;
	v3 =	vadd.f32 v3, v8  }
0x311: {  	v5 =	vld [tilespmem:s16+$0x1A9A0];
	[tilespmem:s4+$0x189B0] =	vst v4;
	v2 =	vadd.f32 v2, v7  }
0x312: {  	v4 =	vld [tilespmem:s16+$0x1A9B0];
	[tilespmem:s4+$0x189C0] =	vst v3;
	v1 =	vadd.f32 v1, v6  }
0x313: {  	v3 =	vld [tilespmem:s16+$0x1A9C0];
	[tilespmem:s4+$0x189D0] =	vst v2;
	v0 =	vadd.f32 v0, v10  }
0x314: {  	v2 =	vld [tilespmem:s16+$0x1A9D0];
	[tilespmem:s4+$0x189E0] =	vst v1  }
0x315: {  	v1 =	vld [tilespmem:s16+$0x1A9E0];
	[tilespmem:s4+$0x189F0] =	vst v0;
	s4 =	smov.u32 s16  }
0x316: {  	v0 =	vld [tilespmem:s4+$0x1A9F0]  }
0x317: {  	v6 =	vld [tilespmem:s4+$0x18980]  }
0x318: {  	v13 =	vld [tilespmem:s4+$0x18990]  }
.Ltmp33:
0x319: {  	v10 =	vld [tilespmem:s4+$0x189A0];
	(pc) =	sbr.rel @p3 .LBB2_45-.Ltmp33, $4  }
0x31a: {  	v9 =	vld [tilespmem:s4+$0x189B0]  }
0x31b: {  	v8 =	vld [tilespmem:s4+$0x189C0]  }
0x31c: {  	v12 =	vadd.f32 v12, v6;
	v7 =	vld [tilespmem:s4+$0x189D0]  }
0x31d: {  	s19 =	sadd.s32 $0x200, s19;
	v11 =	vadd.f32 v11, v13;
	v6 =	vld [tilespmem:s4+$0x189E0]  }
0x31e: {  	[tilespmem:s4+$0x18980] =	vst v12;
	v5 =	vadd.f32 v5, v10;
	v10 =	vld [tilespmem:s4+$0x189F0]  }
0x31f: {  	[tilespmem:s4+$0x18990] =	vst v11;
	v4 =	vadd.f32 v4, v9  }
0x320: {  	s12 =	sshll.u32 s12, $0x6;
	[tilespmem:s4+$0x189A0] =	vst v5;
	v3 =	vadd.f32 v3, v8  }
0x321: {  	s12 =	sadd.s32 s5, s12;
	[tilespmem:s4+$0x189B0] =	vst v4;
	v2 =	vadd.f32 v2, v7  }
0x322: {  	s19 =	sor.u32 $0x20, s12;
	[tilespmem:s4+$0x189C0] =	vst v3;
	v1 =	vadd.f32 v1, v6  }
0x323: {  	p3 =	sgt.u32 s19, $0x186A0;
	[tilespmem:s4+$0x189D0] =	vst v2;
	v0 =	vadd.f32 v0, v10  }
0x324: {  	s16 =	sshll.u32 @!p3 s12, $0x4;
	[tilespmem:s4+$0x189E0] =	vst v1  }
0x325: {  	s25 =	simm.s32 @!p3 $0x18980;
	[tilespmem:s4+$0x189F0] =	vst v0;
	s4 =	sadd.s32 @!p3 s2, s16;
	s16 =	simm.s32 @!p3 $0x0  }
0x326: {  	[hbm4b:s4+s16] =	stream.linear.scatter @!p3 [tilespmem:s25], [sflag:$0xD], $0x1000, $0x38;
	[tilespmem:$0x1EA80] =	vst v63  }
0x327: {  	s4 =	simm.s32 $0x0  }
0x328: {  	v7 =	vld [tilespmem:s4+$0x1B980]  }
0x329: {  	v11 =	vld [tilespmem:s4+$0x1B990]  }
0x32a: {  	v5 =	vld [tilespmem:s4+$0x1B9A0]  }
0x32b: {  	v4 =	vld [tilespmem:s4+$0x1B9B0]  }
0x32c: {  	v3 =	vld [tilespmem:s4+$0x1B9C0]  }
0x32d: {  	v2 =	vld [tilespmem:s4+$0x1B9D0]  }
0x32e: {  	v1 =	vld [tilespmem:s4+$0x1B9E0]  }
0x32f: {  	v0 =	vld [tilespmem:s4+$0x1B9F0]  }
0x330: {  	v12 =	vld [tilespmem:s4+$0x19980]  }
0x331: {  	v13 =	vld [tilespmem:s4+$0x19990]  }
0x332: {  	v10 =	vld [tilespmem:s4+$0x199A0]  }
0x333: {  	v9 =	vld [tilespmem:s4+$0x199B0]  }
0x334: {  	v8 =	vld [tilespmem:s4+$0x199C0]  }
0x335: {  	v6 =	vld [tilespmem:s4+$0x199D0];
	v12 =	vadd.f32 v7, v12  }
0x336: {  	s25 =	simm.s32 $0x200;
	v11 =	vadd.f32 v11, v13;
	v7 =	vld [tilespmem:s4+$0x199E0]  }
.LBB2_47:
0x337: {  	s16 =	sshra.s32 s25, $0x2;
	p3 =	sne.s32 s25, $0x3E00;
	[tilespmem:s4+$0x19980] =	vst v12;
	v5 =	vadd.f32 v5, v10;
	v10 =	vld [tilespmem:s4+$0x199F0]  }
0x338: {  	v12 =	vld [tilespmem:s16+$0x1B980];
	[tilespmem:s4+$0x19990] =	vst v11;
	v4 =	vadd.f32 v4, v9  }
0x339: {  	v11 =	vld [tilespmem:s16+$0x1B990];
	[tilespmem:s4+$0x199A0] =	vst v5;
	v3 =	vadd.f32 v3, v8  }
0x33a: {  	v5 =	vld [tilespmem:s16+$0x1B9A0];
	[tilespmem:s4+$0x199B0] =	vst v4;
	v2 =	vadd.f32 v2, v6  }
0x33b: {  	v4 =	vld [tilespmem:s16+$0x1B9B0];
	[tilespmem:s4+$0x199C0] =	vst v3;
	v1 =	vadd.f32 v1, v7  }
0x33c: {  	v3 =	vld [tilespmem:s16+$0x1B9C0];
	[tilespmem:s4+$0x199D0] =	vst v2;
	v0 =	vadd.f32 v0, v10  }
0x33d: {  	v2 =	vld [tilespmem:s16+$0x1B9D0];
	[tilespmem:s4+$0x199E0] =	vst v1  }
0x33e: {  	v1 =	vld [tilespmem:s16+$0x1B9E0];
	[tilespmem:s4+$0x199F0] =	vst v0;
	s4 =	smov.u32 s16  }
0x33f: {  	v0 =	vld [tilespmem:s4+$0x1B9F0]  }
0x340: {  	v6 =	vld [tilespmem:s4+$0x19980]  }
0x341: {  	v7 =	vld [tilespmem:s4+$0x19990]  }
.Ltmp34:
0x342: {  	v10 =	vld [tilespmem:s4+$0x199A0];
	(pc) =	sbr.rel @p3 .LBB2_47-.Ltmp34, $4  }
0x343: {  	v9 =	vld [tilespmem:s4+$0x199B0]  }
0x344: {  	v8 =	vld [tilespmem:s4+$0x199C0]  }
0x345: {  	v12 =	vadd.f32 v12, v6;
	v6 =	vld [tilespmem:s4+$0x199D0]  }
0x346: {  	s25 =	sadd.s32 $0x200, s25;
	v11 =	vadd.f32 v11, v7;
	v7 =	vld [tilespmem:s4+$0x199E0]  }
0x347: {  	[tilespmem:s4+$0x19980] =	vst v12;
	v5 =	vadd.f32 v5, v10;
	v63 =	vld [tilespmem:s4+$0x199F0]  }
0x348: {  	[tilespmem:s4+$0x19990] =	vst v11;
	v4 =	vadd.f32 v4, v9  }
0x349: {  	[tilespmem:s4+$0x199A0] =	vst v5;
	v3 =	vadd.f32 v3, v8  }
0x34a: {  	[tilespmem:s4+$0x199B0] =	vst v4;
	v2 =	vadd.f32 v2, v6  }
0x34b: {  	[tilespmem:s4+$0x199C0] =	vst v3;
	v1 =	vadd.f32 v1, v7  }
0x34c: {  	p3 =	sgt.u32 s12, $0x18660;
	[tilespmem:s4+$0x199D0] =	vst v2;
	v0 =	vadd.f32 v0, v63  }
0x34d: {  	s12 =	sshll.u32 @!p3 s19, $0x4;
	[tilespmem:s4+$0x199E0] =	vst v1  }
0x34e: {  	s16 =	simm.s32 @!p3 $0x19980;
	[tilespmem:s4+$0x199F0] =	vst v0;
	s4 =	sadd.s32 @!p3 s2, s12;
	s12 =	simm.s32 @!p3 $0x0  }
0x34f: {  	[hbm4b:s4+s12] =	stream.linear.scatter @!p3 [tilespmem:s16], [sflag:$0xD], $0x1000, $0x38;
	[tilespmem:$0x1EA80] =	vst v63  }
.LBB2_49:
0x350: {  	p3 =	seq.s32 s23, $0x0  }
.Ltmp35:
0x351: {  	_ = 	snop;
	(pc) =	sbr.rel @p3 .LBB2_52-.Ltmp35, $1  }
0x352: {  	_ =	sdelay $0x3  }
.Ltmp36:
0x353: {  	(pc) =	sbr.rel @p4 .LBB2_53-.Ltmp36, $1  }
0x354: {  	_ =	sdelay $0x3  }
0x355: {  	_ =	swait.ge [sflag:s21], $0x1000  }
.Ltmp37:
0x356: {  	[sflag:s21] =	ssyncset.done $0x0;
	(pc) =	sbr.rel .LBB2_52-.Ltmp37, $4  }
0x357: {  	[sflag:s21] =	ssyncadd.s32 $0xFFFFF000  }
0x358: {  	_ =	swait.ge [sflag:s21], $0x1000  }
0x359: {  	[sflag:s21] =	ssyncset.done $0x0  }
0x35a: {  	[sflag:s21] =	ssyncadd.s32 $0xFFFFF000  }
.LBB2_59:
0x35b: {  	_ =	sfence.sel $0x180000  }
0x35c: {  	[bflag:$0x0] =	sbarrier.arrive $0xFFFF  }
0x35d: {  	_ =	strace $0x9000004A  }
0x35e: {  	s0 =	stileid.u32;
	[bflag:$0x2] =	sbarrier.arrive $0xFFFF  }
0x35f: {  	p0 =	sne.s32 s0, $0x0;
	s0 =	rddreg [dreg:$0x5]  }
0x360: {  	s0 =	sadd.s32 @!p0 $0x100000, s0  }
0x361: {  	[sflag:s0] =	ssyncadd.tile.s32 @!p0 $0x1;
	_ =	shalt  }
.Lfunc_end2:
_tile_overlayer_lowered:
.L_overlay_start_2:
0x362: {  	(tag) =	ssettag $0x2  }
0x363: {  	s0 =	rddreg [dreg:$0x0];
	s2 =	stileid.u32  }
0x364: {  	s1 =	rddreg [dreg:$0x1];
	p0 =	sne.s32 s2, $0x0  }
0x365: {  	s3 =	rddreg [dreg:$0x2];
	[bflag:$0x3] =	sbarrier.arrive $0xFFFF;
	s2 =	simm.s32 @!p0 $0x1C0E  }
0x366: {  	[timem:s3], [sflag:s2] =	dma.local @!p0 [hbm:s0], s1  }
0x367: {  	s0 =	simm.s32 @!p0 $0xE  }
0x368: {  	_ =	swait.ge @!p0 [sflag:s0], s1  }
0x369: {  	s1 =	ssub.s32 @!p0 $0x0, s1;
	[sflag:s0] =	ssyncset.done @!p0 $0x0  }
0x36a: {  	[sflag:s0] =	ssyncadd.s32 @!p0 s1  }
0x36b: {  	[bflag:$0x3] =	sbarrier.arrive $0xFFFF  }
0x36c: {  	_ =	shalt  }

</sc_bundles>
